<compile_context>
chip_gen: v7x
topology: tpu7x:2x2x1
jax: 0.10.2.dev20260603
libtpu: 0.0.44.dev20260713+nightly
codegen_flags: <defaults>
</compile_context>

<pallas_src>
import functools

import jax
import jax.numpy as jnp
from jax import lax
from jax.experimental import pallas as pl
from jax.experimental.pallas import tpu as pltpu
from jax.experimental.pallas import tpu_sc as plsc

VOCAB = 1000000
EMB = 32
OUT = 64
B = 16384
L = 50

NC = 2
NS = 16
NW = NC * NS
RPW = B // NW
CH = 32
NCHUNK = RPW // CH

_MESH = plsc.VectorSubcoreMesh(
    core_axis_name="c", subcore_axis_name="s", num_cores=NC, num_subcores=NS
)


@functools.partial(
    pl.kernel,
    out_type=jax.ShapeDtypeStruct((B, EMB), jnp.float32),
    mesh=_MESH,
    scratch_types=[
        pltpu.VMEM((CH, L), jnp.int32),
        pltpu.VMEM((CH, L), jnp.int32),
        pltpu.VMEM((CH, L, EMB), jnp.float32),
        pltpu.VMEM((CH, L, EMB), jnp.float32),
        pltpu.VMEM((CH, EMB), jnp.float32),
        pltpu.SemaphoreType.DMA,
        pltpu.SemaphoreType.DMA,
    ],
    compiler_params=pltpu.CompilerParams(use_tc_tiling_on_sc=False),
)
def _sc_sum(idx_hbm, table_hbm, out_hbm,
            idx_v0, idx_v1, rows_v0, rows_v1, sum_v, sem0, sem1):
    wid = lax.axis_index("s") * NC + lax.axis_index("c")
    base = wid * RPW
    idx_v = (idx_v0, idx_v1)
    rows_v = (rows_v0, rows_v1)
    sem = (sem0, sem1)

    def fire(p, g):
        r0 = base + g * CH
        pltpu.sync_copy(idx_hbm.at[pl.ds(r0, CH)], idx_v[p])
        for j in range(CH):
            pltpu.async_copy(
                table_hbm.at[idx_v[p].at[j]], rows_v[p].at[j], sem[p])

    def drain(p):
        for j in range(CH):
            pltpu.make_async_copy(
                table_hbm.at[idx_v[p].at[j]], rows_v[p].at[j], sem[p]).wait()

    def compute(p, g):
        r0 = base + g * CH

        def row_body(j, c2):
            a0 = rows_v[p][j, 0, pl.ds(0, 16)]
            a1 = rows_v[p][j, 0, pl.ds(16, 16)]
            for t in range(1, L):
                a0 = a0 + rows_v[p][j, t, pl.ds(0, 16)]
                a1 = a1 + rows_v[p][j, t, pl.ds(16, 16)]
            sum_v[j, pl.ds(0, 16)] = a0
            sum_v[j, pl.ds(16, 16)] = a1
            return c2

        lax.fori_loop(0, CH, row_body, 0, unroll=False)
        pltpu.sync_copy(sum_v, out_hbm.at[pl.ds(r0, CH)])

    fire(0, 0)
    fire(1, 1)

    def pair_body(k, carry):
        for p in range(2):
            g = 2 * k + p
            drain(p)
            compute(p, g)
            @pl.when(g + 2 <= NCHUNK - 1)
            def _():
                fire(p, g + 2)
        return carry

    lax.fori_loop(0, NCHUNK // 2, pair_body, 0, unroll=False)


_BLK = 2048


def _tc_body(enc_ref, sums_ref, t0_ref, w_ref, b_ref, g_ref, be_ref, o_ref):
    enc = enc_ref[...]
    nz = jnp.sum((enc != 0).astype(jnp.float32), axis=1, keepdims=True)
    n0 = jnp.float32(L) - nz
    pooled = (sums_ref[...] - n0 * t0_ref[...]) / nz
    projt = lax.dot_general(
        w_ref[...], pooled, (((0,), (1,)), ((), ())),
        preferred_element_type=jnp.float32)
    projt = projt + b_ref[...]
    mean = jnp.mean(projt, axis=0, keepdims=True)
    var = jnp.mean((projt - mean) ** 2, axis=0, keepdims=True)
    o_ref[...] = (projt - mean) * lax.rsqrt(var + 1e-3) * g_ref[...] + be_ref[...]


_tc_finish = pl.pallas_call(
    _tc_body,
    grid=(B // _BLK,),
    in_specs=[
        pl.BlockSpec((_BLK, L), lambda i: (i, 0)),
        pl.BlockSpec((_BLK, EMB), lambda i: (i, 0)),
        pl.BlockSpec((1, EMB), lambda i: (0, 0)),
        pl.BlockSpec((EMB, OUT), lambda i: (0, 0)),
        pl.BlockSpec((OUT, 1), lambda i: (0, 0)),
        pl.BlockSpec((OUT, 1), lambda i: (0, 0)),
        pl.BlockSpec((OUT, 1), lambda i: (0, 0)),
    ],
    out_specs=pl.BlockSpec((OUT, _BLK), lambda i: (0, i)),
    out_shape=jax.ShapeDtypeStruct((OUT, B), jnp.float32),
)


def kernel(encoded_text, table, W, b, gamma, beta):
    idx = encoded_text.astype(jnp.int32)
    sums = _sc_sum(idx, table)
    t0 = table[0:1]
    out_t = _tc_finish(
        idx,
        sums,
        t0,
        W,
        b.reshape(OUT, 1),
        gamma.reshape(OUT, 1),
        beta.reshape(OUT, 1),
    )
    return out_t.T

# --- scband reference (transcript-rebuilt; emitter-appended) ---
"""Pipeline reference for scband-simple-text-encoder-12369505812491 (READ-ONLY COPY).

The authoritative reference and input builder live on the scoring server;
editing this copy changes nothing except your own understanding.
"""

import jax, jax.numpy as jnp
import numpy as np

VOCAB = 1000000
EMB = 32
OUT = 64
B = 16384
L = 50


def setup_inputs(seed: int = 0) -> dict:
    key = jax.random.key(seed)
    k1, k2, k3, k4, k5 = jax.random.split(key, 5)
    encoded_text = jax.random.randint(k1, (B, L), 0, VOCAB)
    table = jax.random.normal(k2, (VOCAB, EMB), dtype=jnp.float32) * 0.02
    W = jax.random.normal(k3, (EMB, OUT), dtype=jnp.float32) * 0.05
    b = jnp.zeros((OUT,), dtype=jnp.float32)
    gamma = jnp.ones((OUT,), dtype=jnp.float32)
    beta = jnp.zeros((OUT,), dtype=jnp.float32)
    return {
        "encoded_text": encoded_text,
        "table": table,
        "W": W,
        "b": b,
        "gamma": gamma,
        "beta": beta,
    }


def reference(encoded_text, table, W, b, gamma, beta):
    # Embedding lookup (mask_zero=True semantics: token id 0 is masked)
    x = jnp.take(table, encoded_text, axis=0)  # [B, L, EMB]
    mask = (encoded_text != 0).astype(jnp.float32)  # [B, L]
    # GlobalAveragePooling1D with mask: masked mean over sequence dim
    x = x * mask[..., None]
    denom = jnp.sum(mask, axis=1, keepdims=True)  # [B, 1]
    pooled = jnp.sum(x, axis=1) / denom  # [B, EMB]
    # Dense projection
    proj = pooled @ W + b  # [B, OUT]
    # LayerNormalization (Keras default epsilon=1e-3)
    mean = jnp.mean(proj, axis=-1, keepdims=True)
    var = jnp.var(proj, axis=-1, keepdims=True)
    out = (proj - mean) / jnp.sqrt(var + 1e-3) * gamma + beta
    return out

if __name__ == "__main__":
    import jax
    _d = setup_inputs()
    print(jax.jit(kernel)(*tuple(_d.values())))

</pallas_src>

<mosaic_0001>
#map = affine_map<(d0, d1) -> (0, 0)>
module attributes {stable_mosaic.version = 14 : i64} {
  func.func @_sc_sum(%arg0: i32, %arg1: i32, %arg2: memref<16384x50xi32, #tpu.memory_space<hbm>>, %arg3: memref<1000000x32xf32, #tpu.memory_space<hbm>>, %arg4: memref<16384x32xf32, #tpu.memory_space<hbm>>, %arg5: memref<32x50xi32, #tpu.memory_space<vmem>>, %arg6: memref<32x50xi32, #tpu.memory_space<vmem>>, %arg7: memref<32x50x32xf32, #tpu.memory_space<vmem>>, %arg8: memref<32x50x32xf32, #tpu.memory_space<vmem>>, %arg9: memref<32x32xf32, #tpu.memory_space<vmem>>, %arg10: memref<!tpu.dma_semaphore, #tpu.memory_space<semaphore_mem>>, %arg11: memref<!tpu.dma_semaphore, #tpu.memory_space<semaphore_mem>>) attributes {dimension_semantics = [#tpu.dimension_semantics<core_parallel>, #tpu.dimension_semantics<subcore_parallel>], iteration_bounds = array<i64: 2, 16>, scalar_prefetch = 0 : i64, scratch_operands = 7 : i64, tpu.core_type = #tpu.core_type<sc_vector_subcore>, window_params = [{transform_indices = #map}, {transform_indices = #map}, {transform_indices = #map}]} {
    %mul3A = arith.constant 2 : i32
    %mul3A_0 = arith.muli %arg1, %mul3A : i32
    %add3A = arith.addi %mul3A_0, %arg0 : i32
    %mul3A_1 = arith.constant 512 : i32
    %mul3A_2 = arith.muli %add3A, %mul3A_1 : i32
    %add3A_3 = arith.constant 0 : i32
    %add3A_4 = arith.addi %mul3A_2, %add3A_3 : i32
    "tpu.region"() ({
      %run_scoped3A = tpu.sem_alloc : memref<!tpu.dma_semaphore, #tpu.memory_space<semaphore_mem>>
      %dma_start3A_779 = arith.constant 0 : i32
      %dma_start3A_780 = tpu.memref_slice %arg2[%add3A_4, %dma_start3A_779] : memref<16384x50xi32, #tpu.memory_space<hbm>> -> memref<32x50xi32, #tpu.memory_space<hbm>>
      %dma_start3A_781 = arith.constant 0 : i32
      %dma_start3A_782 = tpu.memref_slice %arg2[%add3A_4, %dma_start3A_781] : memref<16384x50xi32, #tpu.memory_space<hbm>> -> memref<32x50xi32, #tpu.memory_space<hbm>>
      tpu.enqueue_dma source(%dma_start3A_782 : memref<32x50xi32, #tpu.memory_space<hbm>>) target(%arg5 : memref<32x50xi32, #tpu.memory_space<vmem>>) target_semaphore(%run_scoped3A : memref<!tpu.dma_semaphore, #tpu.memory_space<semaphore_mem>>)
      %dma_wait3A = arith.constant 0 : i32
      %dma_wait3A_783 = tpu.memref_slice %arg2[%add3A_4, %dma_wait3A] : memref<16384x50xi32, #tpu.memory_space<hbm>> -> memref<32x50xi32, #tpu.memory_space<hbm>>
      %dma_wait3A_784 = arith.constant 0 : i32
      %dma_wait3A_785 = tpu.memref_slice %arg2[%add3A_4, %dma_wait3A_784] : memref<16384x50xi32, #tpu.memory_space<hbm>> -> memref<32x50xi32, #tpu.memory_space<hbm>>
      tpu.wait_dma2 semaphore(%run_scoped3A : memref<!tpu.dma_semaphore, #tpu.memory_space<semaphore_mem>>) src(%dma_wait3A_785 : memref<32x50xi32, #tpu.memory_space<hbm>>) dst(%arg5 : memref<32x50xi32, #tpu.memory_space<vmem>>)
      tpu.yield
    }) : () -> ()
    %dma_start3A = arith.constant 0 : i32
    %dma_start3A_5 = arith.constant 0 : i32
    %dma_start3A_6 = arith.constant 0 : i32
    %dma_start3A_7 = arith.constant 0 : i32
    %dma_start3A_8 = tpu.memref_slice %arg7[%dma_start3A_5, %dma_start3A_6, %dma_start3A_7] : memref<32x50x32xf32, #tpu.memory_space<vmem>> -> memref<1x50x32xf32, #tpu.memory_space<vmem>>
    %dma_start3A_9 = tpu.memref_squeeze %dma_start3A_8 : memref<1x50x32xf32, #tpu.memory_space<vmem>> -> memref<50x32xf32, #tpu.memory_space<vmem>>
    %dma_start3A_10 = arith.constant 0 : i32
    %dma_start3A_11 = tpu.memref_slice %arg5[%dma_start3A, %dma_start3A_10] : memref<32x50xi32, #tpu.memory_space<vmem>> -> memref<1x50xi32, #tpu.memory_space<vmem>>
    %dma_start3A_12 = tpu.memref_squeeze %dma_start3A_11 : memref<1x50xi32, #tpu.memory_space<vmem>> -> memref<50xi32, #tpu.memory_space<vmem>>
    %dma_start3A_13 = arith.constant 0 : i32
    %dma_start3A_14 = arith.constant 0 : i32
    %dma_start3A_15 = tpu.memref_slice %arg3[%dma_start3A_13, %dma_start3A_14] : memref<1000000x32xf32, #tpu.memory_space<hbm>> -> memref<1000000x32xf32, #tpu.memory_space<hbm>>
    tpu.enqueue_indirect_dma source(%dma_start3A_15 : memref<1000000x32xf32, #tpu.memory_space<hbm>>) target(%dma_start3A_9 : memref<50x32xf32, #tpu.memory_space<vmem>>) offsets(%dma_start3A_12 : memref<50xi32, #tpu.memory_space<vmem>>) semaphore(%arg10 : memref<!tpu.dma_semaphore, #tpu.memory_space<semaphore_mem>>)
    %dma_start3A_16 = arith.constant 1 : i32
    %dma_start3A_17 = arith.constant 1 : i32
    %dma_start3A_18 = arith.constant 0 : i32
    %dma_start3A_19 = arith.constant 0 : i32
    %dma_start3A_20 = tpu.memref_slice %arg7[%dma_start3A_17, %dma_start3A_18, %dma_start3A_19] : memref<32x50x32xf32, #tpu.memory_space<vmem>> -> memref<1x50x32xf32, #tpu.memory_space<vmem>>
    %dma_start3A_21 = tpu.memref_squeeze %dma_start3A_20 : memref<1x50x32xf32, #tpu.memory_space<vmem>> -> memref<50x32xf32, #tpu.memory_space<vmem>>
    %dma_start3A_22 = arith.constant 0 : i32
    %dma_start3A_23 = tpu.memref_slice %arg5[%dma_start3A_16, %dma_start3A_22] : memref<32x50xi32, #tpu.memory_space<vmem>> -> memref<1x50xi32, #tpu.memory_space<vmem>>
    %dma_start3A_24 = tpu.memref_squeeze %dma_start3A_23 : memref<1x50xi32, #tpu.memory_space<vmem>> -> memref<50xi32, #tpu.memory_space<vmem>>
    %dma_start3A_25 = arith.constant 0 : i32
    %dma_start3A_26 = arith.constant 0 : i32
    %dma_start3A_27 = tpu.memref_slice %arg3[%dma_start3A_25, %dma_start3A_26] : memref<1000000x32xf32, #tpu.memory_space<hbm>> -> memref<1000000x32xf32, #tpu.memory_space<hbm>>
    tpu.enqueue_indirect_dma source(%dma_start3A_27 : memref<1000000x32xf32, #tpu.memory_space<hbm>>) target(%dma_start3A_21 : memref<50x32xf32, #tpu.memory_space<vmem>>) offsets(%dma_start3A_24 : memref<50xi32, #tpu.memory_space<vmem>>) semaphore(%arg10 : memref<!tpu.dma_semaphore, #tpu.memory_space<semaphore_mem>>)
    %dma_start3A_28 = arith.constant 2 : i32
    %dma_start3A_29 = arith.constant 2 : i32
    %dma_start3A_30 = arith.constant 0 : i32
    %dma_start3A_31 = arith.constant 0 : i32
    %dma_start3A_32 = tpu.memref_slice %arg7[%dma_start3A_29, %dma_start3A_30, %dma_start3A_31] : memref<32x50x32xf32, #tpu.memory_space<vmem>> -> memref<1x50x32xf32, #tpu.memory_space<vmem>>
    %dma_start3A_33 = tpu.memref_squeeze %dma_start3A_32 : memref<1x50x32xf32, #tpu.memory_space<vmem>> -> memref<50x32xf32, #tpu.memory_space<vmem>>
    %dma_start3A_34 = arith.constant 0 : i32
    %dma_start3A_35 = tpu.memref_slice %arg5[%dma_start3A_28, %dma_start3A_34] : memref<32x50xi32, #tpu.memory_space<vmem>> -> memref<1x50xi32, #tpu.memory_space<vmem>>
    %dma_start3A_36 = tpu.memref_squeeze %dma_start3A_35 : memref<1x50xi32, #tpu.memory_space<vmem>> -> memref<50xi32, #tpu.memory_space<vmem>>
    %dma_start3A_37 = arith.constant 0 : i32
    %dma_start3A_38 = arith.constant 0 : i32
    %dma_start3A_39 = tpu.memref_slice %arg3[%dma_start3A_37, %dma_start3A_38] : memref<1000000x32xf32, #tpu.memory_space<hbm>> -> memref<1000000x32xf32, #tpu.memory_space<hbm>>
    tpu.enqueue_indirect_dma source(%dma_start3A_39 : memref<1000000x32xf32, #tpu.memory_space<hbm>>) target(%dma_start3A_33 : memref<50x32xf32, #tpu.memory_space<vmem>>) offsets(%dma_start3A_36 : memref<50xi32, #tpu.memory_space<vmem>>) semaphore(%arg10 : memref<!tpu.dma_semaphore, #tpu.memory_space<semaphore_mem>>)
    %dma_start3A_40 = arith.constant 3 : i32
    %dma_start3A_41 = arith.constant 3 : i32
    %dma_start3A_42 = arith.constant 0 : i32
    %dma_start3A_43 = arith.constant 0 : i32
    %dma_start3A_44 = tpu.memref_slice %arg7[%dma_start3A_41, %dma_start3A_42, %dma_start3A_43] : memref<32x50x32xf32, #tpu.memory_space<vmem>> -> memref<1x50x32xf32, #tpu.memory_space<vmem>>
    %dma_start3A_45 = tpu.memref_squeeze %dma_start3A_44 : memref<1x50x32xf32, #tpu.memory_space<vmem>> -> memref<50x32xf32, #tpu.memory_space<vmem>>
    %dma_start3A_46 = arith.constant 0 : i32
    %dma_start3A_47 = tpu.memref_slice %arg5[%dma_start3A_40, %dma_start3A_46] : memref<32x50xi32, #tpu.memory_space<vmem>> -> memref<1x50xi32, #tpu.memory_space<vmem>>
    %dma_start3A_48 = tpu.memref_squeeze %dma_start3A_47 : memref<1x50xi32, #tpu.memory_space<vmem>> -> memref<50xi32, #tpu.memory_space<vmem>>
    %dma_start3A_49 = arith.constant 0 : i32
    %dma_start3A_50 = arith.constant 0 : i32
    %dma_start3A_51 = tpu.memref_slice %arg3[%dma_start3A_49, %dma_start3A_50] : memref<1000000x32xf32, #tpu.memory_space<hbm>> -> memref<1000000x32xf32, #tpu.memory_space<hbm>>
    tpu.enqueue_indirect_dma source(%dma_start3A_51 : memref<1000000x32xf32, #tpu.memory_space<hbm>>) target(%dma_start3A_45 : memref<50x32xf32, #tpu.memory_space<vmem>>) offsets(%dma_start3A_48 : memref<50xi32, #tpu.memory_space<vmem>>) semaphore(%arg10 : memref<!tpu.dma_semaphore, #tpu.memory_space<semaphore_mem>>)
    %dma_start3A_52 = arith.constant 4 : i32
    %dma_start3A_53 = arith.constant 4 : i32
    %dma_start3A_54 = arith.constant 0 : i32
    %dma_start3A_55 = arith.constant 0 : i32
    %dma_start3A_56 = tpu.memref_slice %arg7[%dma_start3A_53, %dma_start3A_54, %dma_start3A_55] : memref<32x50x32xf32, #tpu.memory_space<vmem>> -> memref<1x50x32xf32, #tpu.memory_space<vmem>>
    %dma_start3A_57 = tpu.memref_squeeze %dma_start3A_56 : memref<1x50x32xf32, #tpu.memory_space<vmem>> -> memref<50x32xf32, #tpu.memory_space<vmem>>
    %dma_start3A_58 = arith.constant 0 : i32
    %dma_start3A_59 = tpu.memref_slice %arg5[%dma_start3A_52, %dma_start3A_58] : memref<32x50xi32, #tpu.memory_space<vmem>> -> memref<1x50xi32, #tpu.memory_space<vmem>>
    %dma_start3A_60 = tpu.memref_squeeze %dma_start3A_59 : memref<1x50xi32, #tpu.memory_space<vmem>> -> memref<50xi32, #tpu.memory_space<vmem>>
    %dma_start3A_61 = arith.constant 0 : i32
    %dma_start3A_62 = arith.constant 0 : i32
    %dma_start3A_63 = tpu.memref_slice %arg3[%dma_start3A_61, %dma_start3A_62] : memref<1000000x32xf32, #tpu.memory_space<hbm>> -> memref<1000000x32xf32, #tpu.memory_space<hbm>>
    tpu.enqueue_indirect_dma source(%dma_start3A_63 : memref<1000000x32xf32, #tpu.memory_space<hbm>>) target(%dma_start3A_57 : memref<50x32xf32, #tpu.memory_space<vmem>>) offsets(%dma_start3A_60 : memref<50xi32, #tpu.memory_space<vmem>>) semaphore(%arg10 : memref<!tpu.dma_semaphore, #tpu.memory_space<semaphore_mem>>)
    %dma_start3A_64 = arith.constant 5 : i32
    %dma_start3A_65 = arith.constant 5 : i32
    %dma_start3A_66 = arith.constant 0 : i32
    %dma_start3A_67 = arith.constant 0 : i32
    %dma_start3A_68 = tpu.memref_slice %arg7[%dma_start3A_65, %dma_start3A_66, %dma_start3A_67] : memref<32x50x32xf32, #tpu.memory_space<vmem>> -> memref<1x50x32xf32, #tpu.memory_space<vmem>>
    %dma_start3A_69 = tpu.memref_squeeze %dma_start3A_68 : memref<1x50x32xf32, #tpu.memory_space<vmem>> -> memref<50x32xf32, #tpu.memory_space<vmem>>
    %dma_start3A_70 = arith.constant 0 : i32
    %dma_start3A_71 = tpu.memref_slice %arg5[%dma_start3A_64, %dma_start3A_70] : memref<32x50xi32, #tpu.memory_space<vmem>> -> memref<1x50xi32, #tpu.memory_space<vmem>>
    %dma_start3A_72 = tpu.memref_squeeze %dma_start3A_71 : memref<1x50xi32, #tpu.memory_space<vmem>> -> memref<50xi32, #tpu.memory_space<vmem>>
    %dma_start3A_73 = arith.constant 0 : i32
    %dma_start3A_74 = arith.constant 0 : i32
    %dma_start3A_75 = tpu.memref_slice %arg3[%dma_start3A_73, %dma_start3A_74] : memref<1000000x32xf32, #tpu.memory_space<hbm>> -> memref<1000000x32xf32, #tpu.memory_space<hbm>>
    tpu.enqueue_indirect_dma source(%dma_start3A_75 : memref<1000000x32xf32, #tpu.memory_space<hbm>>) target(%dma_start3A_69 : memref<50x32xf32, #tpu.memory_space<vmem>>) offsets(%dma_start3A_72 : memref<50xi32, #tpu.memory_space<vmem>>) semaphore(%arg10 : memref<!tpu.dma_semaphore, #tpu.memory_space<semaphore_mem>>)
    %dma_start3A_76 = arith.constant 6 : i32
    %dma_start3A_77 = arith.constant 6 : i32
    %dma_start3A_78 = arith.constant 0 : i32
    %dma_start3A_79 = arith.constant 0 : i32
    %dma_start3A_80 = tpu.memref_slice %arg7[%dma_start3A_77, %dma_start3A_78, %dma_start3A_79] : memref<32x50x32xf32, #tpu.memory_space<vmem>> -> memref<1x50x32xf32, #tpu.memory_space<vmem>>
    %dma_start3A_81 = tpu.memref_squeeze %dma_start3A_80 : memref<1x50x32xf32, #tpu.memory_space<vmem>> -> memref<50x32xf32, #tpu.memory_space<vmem>>
    %dma_start3A_82 = arith.constant 0 : i32
    %dma_start3A_83 = tpu.memref_slice %arg5[%dma_start3A_76, %dma_start3A_82] : memref<32x50xi32, #tpu.memory_space<vmem>> -> memref<1x50xi32, #tpu.memory_space<vmem>>
    %dma_start3A_84 = tpu.memref_squeeze %dma_start3A_83 : memref<1x50xi32, #tpu.memory_space<vmem>> -> memref<50xi32, #tpu.memory_space<vmem>>
    %dma_start3A_85 = arith.constant 0 : i32
    %dma_start3A_86 = arith.constant 0 : i32
    %dma_start3A_87 = tpu.memref_slice %arg3[%dma_start3A_85, %dma_start3A_86] : memref<1000000x32xf32, #tpu.memory_space<hbm>> -> memref<1000000x32xf32, #tpu.memory_space<hbm>>
    tpu.enqueue_indirect_dma source(%dma_start3A_87 : memref<1000000x32xf32, #tpu.memory_space<hbm>>) target(%dma_start3A_81 : memref<50x32xf32, #tpu.memory_space<vmem>>) offsets(%dma_start3A_84 : memref<50xi32, #tpu.memory_space<vmem>>) semaphore(%arg10 : memref<!tpu.dma_semaphore, #tpu.memory_space<semaphore_mem>>)
    %dma_start3A_88 = arith.constant 7 : i32
    %dma_start3A_89 = arith.constant 7 : i32
    %dma_start3A_90 = arith.constant 0 : i32
    %dma_start3A_91 = arith.constant 0 : i32
    %dma_start3A_92 = tpu.memref_slice %arg7[%dma_start3A_89, %dma_start3A_90, %dma_start3A_91] : memref<32x50x32xf32, #tpu.memory_space<vmem>> -> memref<1x50x32xf32, #tpu.memory_space<vmem>>
    %dma_start3A_93 = tpu.memref_squeeze %dma_start3A_92 : memref<1x50x32xf32, #tpu.memory_space<vmem>> -> memref<50x32xf32, #tpu.memory_space<vmem>>
    %dma_start3A_94 = arith.constant 0 : i32
    %dma_start3A_95 = tpu.memref_slice %arg5[%dma_start3A_88, %dma_start3A_94] : memref<32x50xi32, #tpu.memory_space<vmem>> -> memref<1x50xi32, #tpu.memory_space<vmem>>
    %dma_start3A_96 = tpu.memref_squeeze %dma_start3A_95 : memref<1x50xi32, #tpu.memory_space<vmem>> -> memref<50xi32, #tpu.memory_space<vmem>>
    %dma_start3A_97 = arith.constant 0 : i32
    %dma_start3A_98 = arith.constant 0 : i32
    %dma_start3A_99 = tpu.memref_slice %arg3[%dma_start3A_97, %dma_start3A_98] : memref<1000000x32xf32, #tpu.memory_space<hbm>> -> memref<1000000x32xf32, #tpu.memory_space<hbm>>
    tpu.enqueue_indirect_dma source(%dma_start3A_99 : memref<1000000x32xf32, #tpu.memory_space<hbm>>) target(%dma_start3A_93 : memref<50x32xf32, #tpu.memory_space<vmem>>) offsets(%dma_start3A_96 : memref<50xi32, #tpu.memory_space<vmem>>) semaphore(%arg10 : memref<!tpu.dma_semaphore, #tpu.memory_space<semaphore_mem>>)
    %dma_start3A_100 = arith.constant 8 : i32
    %dma_start3A_101 = arith.constant 8 : i32
    %dma_start3A_102 = arith.constant 0 : i32
    %dma_start3A_103 = arith.constant 0 : i32
    %dma_start3A_104 = tpu.memref_slice %arg7[%dma_start3A_101, %dma_start3A_102, %dma_start3A_103] : memref<32x50x32xf32, #tpu.memory_space<vmem>> -> memref<1x50x32xf32, #tpu.memory_space<vmem>>
    %dma_start3A_105 = tpu.memref_squeeze %dma_start3A_104 : memref<1x50x32xf32, #tpu.memory_space<vmem>> -> memref<50x32xf32, #tpu.memory_space<vmem>>
    %dma_start3A_106 = arith.constant 0 : i32
    %dma_start3A_107 = tpu.memref_slice %arg5[%dma_start3A_100, %dma_start3A_106] : memref<32x50xi32, #tpu.memory_space<vmem>> -> memref<1x50xi32, #tpu.memory_space<vmem>>
    %dma_start3A_108 = tpu.memref_squeeze %dma_start3A_107 : memref<1x50xi32, #tpu.memory_space<vmem>> -> memref<50xi32, #tpu.memory_space<vmem>>
    %dma_start3A_109 = arith.constant 0 : i32
    %dma_start3A_110 = arith.constant 0 : i32
    %dma_start3A_111 = tpu.memref_slice %arg3[%dma_start3A_109, %dma_start3A_110] : memref<1000000x32xf32, #tpu.memory_space<hbm>> -> memref<1000000x32xf32, #tpu.memory_space<hbm>>
    tpu.enqueue_indirect_dma source(%dma_start3A_111 : memref<1000000x32xf32, #tpu.memory_space<hbm>>) target(%dma_start3A_105 : memref<50x32xf32, #tpu.memory_space<vmem>>) offsets(%dma_start3A_108 : memref<50xi32, #tpu.memory_space<vmem>>) semaphore(%arg10 : memref<!tpu.dma_semaphore, #tpu.memory_space<semaphore_mem>>)
    %dma_start3A_112 = arith.constant 9 : i32
    %dma_start3A_113 = arith.constant 9 : i32
    %dma_start3A_114 = arith.constant 0 : i32
    %dma_start3A_115 = arith.constant 0 : i32
    %dma_start3A_116 = tpu.memref_slice %arg7[%dma_start3A_113, %dma_start3A_114, %dma_start3A_115] : memref<32x50x32xf32, #tpu.memory_space<vmem>> -> memref<1x50x32xf32, #tpu.memory_space<vmem>>
    %dma_start3A_117 = tpu.memref_squeeze %dma_start3A_116 : memref<1x50x32xf32, #tpu.memory_space<vmem>> -> memref<50x32xf32, #tpu.memory_space<vmem>>
    %dma_start3A_118 = arith.constant 0 : i32
    %dma_start3A_119 = tpu.memref_slice %arg5[%dma_start3A_112, %dma_start3A_118] : memref<32x50xi32, #tpu.memory_space<vmem>> -> memref<1x50xi32, #tpu.memory_space<vmem>>
    %dma_start3A_120 = tpu.memref_squeeze %dma_start3A_119 : memref<1x50xi32, #tpu.memory_space<vmem>> -> memref<50xi32, #tpu.memory_space<vmem>>
    %dma_start3A_121 = arith.constant 0 : i32
    %dma_start3A_122 = arith.constant 0 : i32
    %dma_start3A_123 = tpu.memref_slice %arg3[%dma_start3A_121, %dma_start3A_122] : memref<1000000x32xf32, #tpu.memory_space<hbm>> -> memref<1000000x32xf32, #tpu.memory_space<hbm>>
    tpu.enqueue_indirect_dma source(%dma_start3A_123 : memref<1000000x32xf32, #tpu.memory_space<hbm>>) target(%dma_start3A_117 : memref<50x32xf32, #tpu.memory_space<vmem>>) offsets(%dma_start3A_120 : memref<50xi32, #tpu.memory_space<vmem>>) semaphore(%arg10 : memref<!tpu.dma_semaphore, #tpu.memory_space<semaphore_mem>>)
    %dma_start3A_124 = arith.constant 10 : i32
    %dma_start3A_125 = arith.constant 10 : i32
    %dma_start3A_126 = arith.constant 0 : i32
    %dma_start3A_127 = arith.constant 0 : i32
    %dma_start3A_128 = tpu.memref_slice %arg7[%dma_start3A_125, %dma_start3A_126, %dma_start3A_127] : memref<32x50x32xf32, #tpu.memory_space<vmem>> -> memref<1x50x32xf32, #tpu.memory_space<vmem>>
    %dma_start3A_129 = tpu.memref_squeeze %dma_start3A_128 : memref<1x50x32xf32, #tpu.memory_space<vmem>> -> memref<50x32xf32, #tpu.memory_space<vmem>>
    %dma_start3A_130 = arith.constant 0 : i32
    %dma_start3A_131 = tpu.memref_slice %arg5[%dma_start3A_124, %dma_start3A_130] : memref<32x50xi32, #tpu.memory_space<vmem>> -> memref<1x50xi32, #tpu.memory_space<vmem>>
    %dma_start3A_132 = tpu.memref_squeeze %dma_start3A_131 : memref<1x50xi32, #tpu.memory_space<vmem>> -> memref<50xi32, #tpu.memory_space<vmem>>
    %dma_start3A_133 = arith.constant 0 : i32
    %dma_start3A_134 = arith.constant 0 : i32
    %dma_start3A_135 = tpu.memref_slice %arg3[%dma_start3A_133, %dma_start3A_134] : memref<1000000x32xf32, #tpu.memory_space<hbm>> -> memref<1000000x32xf32, #tpu.memory_space<hbm>>
    tpu.enqueue_indirect_dma source(%dma_start3A_135 : memref<1000000x32xf32, #tpu.memory_space<hbm>>) target(%dma_start3A_129 : memref<50x32xf32, #tpu.memory_space<vmem>>) offsets(%dma_start3A_132 : memref<50xi32, #tpu.memory_space<vmem>>) semaphore(%arg10 : memref<!tpu.dma_semaphore, #tpu.memory_space<semaphore_mem>>)
    %dma_start3A_136 = arith.constant 11 : i32
    %dma_start3A_137 = arith.constant 11 : i32
    %dma_start3A_138 = arith.constant 0 : i32
    %dma_start3A_139 = arith.constant 0 : i32
    %dma_start3A_140 = tpu.memref_slice %arg7[%dma_start3A_137, %dma_start3A_138, %dma_start3A_139] : memref<32x50x32xf32, #tpu.memory_space<vmem>> -> memref<1x50x32xf32, #tpu.memory_space<vmem>>
    %dma_start3A_141 = tpu.memref_squeeze %dma_start3A_140 : memref<1x50x32xf32, #tpu.memory_space<vmem>> -> memref<50x32xf32, #tpu.memory_space<vmem>>
    %dma_start3A_142 = arith.constant 0 : i32
    %dma_start3A_143 = tpu.memref_slice %arg5[%dma_start3A_136, %dma_start3A_142] : memref<32x50xi32, #tpu.memory_space<vmem>> -> memref<1x50xi32, #tpu.memory_space<vmem>>
    %dma_start3A_144 = tpu.memref_squeeze %dma_start3A_143 : memref<1x50xi32, #tpu.memory_space<vmem>> -> memref<50xi32, #tpu.memory_space<vmem>>
    %dma_start3A_145 = arith.constant 0 : i32
    %dma_start3A_146 = arith.constant 0 : i32
    %dma_start3A_147 = tpu.memref_slice %arg3[%dma_start3A_145, %dma_start3A_146] : memref<1000000x32xf32, #tpu.memory_space<hbm>> -> memref<1000000x32xf32, #tpu.memory_space<hbm>>
    tpu.enqueue_indirect_dma source(%dma_start3A_147 : memref<1000000x32xf32, #tpu.memory_space<hbm>>) target(%dma_start3A_141 : memref<50x32xf32, #tpu.memory_space<vmem>>) offsets(%dma_start3A_144 : memref<50xi32, #tpu.memory_space<vmem>>) semaphore(%arg10 : memref<!tpu.dma_semaphore, #tpu.memory_space<semaphore_mem>>)
    %dma_start3A_148 = arith.constant 12 : i32
    %dma_start3A_149 = arith.constant 12 : i32
    %dma_start3A_150 = arith.constant 0 : i32
    %dma_start3A_151 = arith.constant 0 : i32
    %dma_start3A_152 = tpu.memref_slice %arg7[%dma_start3A_149, %dma_start3A_150, %dma_start3A_151] : memref<32x50x32xf32, #tpu.memory_space<vmem>> -> memref<1x50x32xf32, #tpu.memory_space<vmem>>
    %dma_start3A_153 = tpu.memref_squeeze %dma_start3A_152 : memref<1x50x32xf32, #tpu.memory_space<vmem>> -> memref<50x32xf32, #tpu.memory_space<vmem>>
    %dma_start3A_154 = arith.constant 0 : i32
    %dma_start3A_155 = tpu.memref_slice %arg5[%dma_start3A_148, %dma_start3A_154] : memref<32x50xi32, #tpu.memory_space<vmem>> -> memref<1x50xi32, #tpu.memory_space<vmem>>
    %dma_start3A_156 = tpu.memref_squeeze %dma_start3A_155 : memref<1x50xi32, #tpu.memory_space<vmem>> -> memref<50xi32, #tpu.memory_space<vmem>>
    %dma_start3A_157 = arith.constant 0 : i32
    %dma_start3A_158 = arith.constant 0 : i32
    %dma_start3A_159 = tpu.memref_slice %arg3[%dma_start3A_157, %dma_start3A_158] : memref<1000000x32xf32, #tpu.memory_space<hbm>> -> memref<1000000x32xf32, #tpu.memory_space<hbm>>
    tpu.enqueue_indirect_dma source(%dma_start3A_159 : memref<1000000x32xf32, #tpu.memory_space<hbm>>) target(%dma_start3A_153 : memref<50x32xf32, #tpu.memory_space<vmem>>) offsets(%dma_start3A_156 : memref<50xi32, #tpu.memory_space<vmem>>) semaphore(%arg10 : memref<!tpu.dma_semaphore, #tpu.memory_space<semaphore_mem>>)
    %dma_start3A_160 = arith.constant 13 : i32
    %dma_start3A_161 = arith.constant 13 : i32
    %dma_start3A_162 = arith.constant 0 : i32
    %dma_start3A_163 = arith.constant 0 : i32
    %dma_start3A_164 = tpu.memref_slice %arg7[%dma_start3A_161, %dma_start3A_162, %dma_start3A_163] : memref<32x50x32xf32, #tpu.memory_space<vmem>> -> memref<1x50x32xf32, #tpu.memory_space<vmem>>
    %dma_start3A_165 = tpu.memref_squeeze %dma_start3A_164 : memref<1x50x32xf32, #tpu.memory_space<vmem>> -> memref<50x32xf32, #tpu.memory_space<vmem>>
    %dma_start3A_166 = arith.constant 0 : i32
    %dma_start3A_167 = tpu.memref_slice %arg5[%dma_start3A_160, %dma_start3A_166] : memref<32x50xi32, #tpu.memory_space<vmem>> -> memref<1x50xi32, #tpu.memory_space<vmem>>
    %dma_start3A_168 = tpu.memref_squeeze %dma_start3A_167 : memref<1x50xi32, #tpu.memory_space<vmem>> -> memref<50xi32, #tpu.memory_space<vmem>>
    %dma_start3A_169 = arith.constant 0 : i32
    %dma_start3A_170 = arith.constant 0 : i32
    %dma_start3A_171 = tpu.memref_slice %arg3[%dma_start3A_169, %dma_start3A_170] : memref<1000000x32xf32, #tpu.memory_space<hbm>> -> memref<1000000x32xf32, #tpu.memory_space<hbm>>
    tpu.enqueue_indirect_dma source(%dma_start3A_171 : memref<1000000x32xf32, #tpu.memory_space<hbm>>) target(%dma_start3A_165 : memref<50x32xf32, #tpu.memory_space<vmem>>) offsets(%dma_start3A_168 : memref<50xi32, #tpu.memory_space<vmem>>) semaphore(%arg10 : memref<!tpu.dma_semaphore, #tpu.memory_space<semaphore_mem>>)
    %dma_start3A_172 = arith.constant 14 : i32
    %dma_start3A_173 = arith.constant 14 : i32
    %dma_start3A_174 = arith.constant 0 : i32
    %dma_start3A_175 = arith.constant 0 : i32
    %dma_start3A_176 = tpu.memref_slice %arg7[%dma_start3A_173, %dma_start3A_174, %dma_start3A_175] : memref<32x50x32xf32, #tpu.memory_space<vmem>> -> memref<1x50x32xf32, #tpu.memory_space<vmem>>
    %dma_start3A_177 = tpu.memref_squeeze %dma_start3A_176 : memref<1x50x32xf32, #tpu.memory_space<vmem>> -> memref<50x32xf32, #tpu.memory_space<vmem>>
    %dma_start3A_178 = arith.constant 0 : i32
    %dma_start3A_179 = tpu.memref_slice %arg5[%dma_start3A_172, %dma_start3A_178] : memref<32x50xi32, #tpu.memory_space<vmem>> -> memref<1x50xi32, #tpu.memory_space<vmem>>
    %dma_start3A_180 = tpu.memref_squeeze %dma_start3A_179 : memref<1x50xi32, #tpu.memory_space<vmem>> -> memref<50xi32, #tpu.memory_space<vmem>>
    %dma_start3A_181 = arith.constant 0 : i32
    %dma_start3A_182 = arith.constant 0 : i32
    %dma_start3A_183 = tpu.memref_slice %arg3[%dma_start3A_181, %dma_start3A_182] : memref<1000000x32xf32, #tpu.memory_space<hbm>> -> memref<1000000x32xf32, #tpu.memory_space<hbm>>
    tpu.enqueue_indirect_dma source(%dma_start3A_183 : memref<1000000x32xf32, #tpu.memory_space<hbm>>) target(%dma_start3A_177 : memref<50x32xf32, #tpu.memory_space<vmem>>) offsets(%dma_start3A_180 : memref<50xi32, #tpu.memory_space<vmem>>) semaphore(%arg10 : memref<!tpu.dma_semaphore, #tpu.memory_space<semaphore_mem>>)
    %dma_start3A_184 = arith.constant 15 : i32
    %dma_start3A_185 = arith.constant 15 : i32
    %dma_start3A_186 = arith.constant 0 : i32
    %dma_start3A_187 = arith.constant 0 : i32
    %dma_start3A_188 = tpu.memref_slice %arg7[%dma_start3A_185, %dma_start3A_186, %dma_start3A_187] : memref<32x50x32xf32, #tpu.memory_space<vmem>> -> memref<1x50x32xf32, #tpu.memory_space<vmem>>
    %dma_start3A_189 = tpu.memref_squeeze %dma_start3A_188 : memref<1x50x32xf32, #tpu.memory_space<vmem>> -> memref<50x32xf32, #tpu.memory_space<vmem>>
    %dma_start3A_190 = arith.constant 0 : i32
    %dma_start3A_191 = tpu.memref_slice %arg5[%dma_start3A_184, %dma_start3A_190] : memref<32x50xi32, #tpu.memory_space<vmem>> -> memref<1x50xi32, #tpu.memory_space<vmem>>
    %dma_start3A_192 = tpu.memref_squeeze %dma_start3A_191 : memref<1x50xi32, #tpu.memory_space<vmem>> -> memref<50xi32, #tpu.memory_space<vmem>>
    %dma_start3A_193 = arith.constant 0 : i32
    %dma_start3A_194 = arith.constant 0 : i32
    %dma_start3A_195 = tpu.memref_slice %arg3[%dma_start3A_193, %dma_start3A_194] : memref<1000000x32xf32, #tpu.memory_space<hbm>> -> memref<1000000x32xf32, #tpu.memory_space<hbm>>
    tpu.enqueue_indirect_dma source(%dma_start3A_195 : memref<1000000x32xf32, #tpu.memory_space<hbm>>) target(%dma_start3A_189 : memref<50x32xf32, #tpu.memory_space<vmem>>) offsets(%dma_start3A_192 : memref<50xi32, #tpu.memory_space<vmem>>) semaphore(%arg10 : memref<!tpu.dma_semaphore, #tpu.memory_space<semaphore_mem>>)
    %dma_start3A_196 = arith.constant 16 : i32
    %dma_start3A_197 = arith.constant 16 : i32
    %dma_start3A_198 = arith.constant 0 : i32
    %dma_start3A_199 = arith.constant 0 : i32
    %dma_start3A_200 = tpu.memref_slice %arg7[%dma_start3A_197, %dma_start3A_198, %dma_start3A_199] : memref<32x50x32xf32, #tpu.memory_space<vmem>> -> memref<1x50x32xf32, #tpu.memory_space<vmem>>
    %dma_start3A_201 = tpu.memref_squeeze %dma_start3A_200 : memref<1x50x32xf32, #tpu.memory_space<vmem>> -> memref<50x32xf32, #tpu.memory_space<vmem>>
    %dma_start3A_202 = arith.constant 0 : i32
    %dma_start3A_203 = tpu.memref_slice %arg5[%dma_start3A_196, %dma_start3A_202] : memref<32x50xi32, #tpu.memory_space<vmem>> -> memref<1x50xi32, #tpu.memory_space<vmem>>
    %dma_start3A_204 = tpu.memref_squeeze %dma_start3A_203 : memref<1x50xi32, #tpu.memory_space<vmem>> -> memref<50xi32, #tpu.memory_space<vmem>>
    %dma_start3A_205 = arith.constant 0 : i32
    %dma_start3A_206 = arith.constant 0 : i32
    %dma_start3A_207 = tpu.memref_slice %arg3[%dma_start3A_205, %dma_start3A_206] : memref<1000000x32xf32, #tpu.memory_space<hbm>> -> memref<1000000x32xf32, #tpu.memory_space<hbm>>
    tpu.enqueue_indirect_dma source(%dma_start3A_207 : memref<1000000x32xf32, #tpu.memory_space<hbm>>) target(%dma_start3A_201 : memref<50x32xf32, #tpu.memory_space<vmem>>) offsets(%dma_start3A_204 : memref<50xi32, #tpu.memory_space<vmem>>) semaphore(%arg10 : memref<!tpu.dma_semaphore, #tpu.memory_space<semaphore_mem>>)
    %dma_start3A_208 = arith.constant 17 : i32
    %dma_start3A_209 = arith.constant 17 : i32
    %dma_start3A_210 = arith.constant 0 : i32
    %dma_start3A_211 = arith.constant 0 : i32
    %dma_start3A_212 = tpu.memref_slice %arg7[%dma_start3A_209, %dma_start3A_210, %dma_start3A_211] : memref<32x50x32xf32, #tpu.memory_space<vmem>> -> memref<1x50x32xf32, #tpu.memory_space<vmem>>
    %dma_start3A_213 = tpu.memref_squeeze %dma_start3A_212 : memref<1x50x32xf32, #tpu.memory_space<vmem>> -> memref<50x32xf32, #tpu.memory_space<vmem>>
    %dma_start3A_214 = arith.constant 0 : i32
    %dma_start3A_215 = tpu.memref_slice %arg5[%dma_start3A_208, %dma_start3A_214] : memref<32x50xi32, #tpu.memory_space<vmem>> -> memref<1x50xi32, #tpu.memory_space<vmem>>
    %dma_start3A_216 = tpu.memref_squeeze %dma_start3A_215 : memref<1x50xi32, #tpu.memory_space<vmem>> -> memref<50xi32, #tpu.memory_space<vmem>>
    %dma_start3A_217 = arith.constant 0 : i32
    %dma_start3A_218 = arith.constant 0 : i32
    %dma_start3A_219 = tpu.memref_slice %arg3[%dma_start3A_217, %dma_start3A_218] : memref<1000000x32xf32, #tpu.memory_space<hbm>> -> memref<1000000x32xf32, #tpu.memory_space<hbm>>
    tpu.enqueue_indirect_dma source(%dma_start3A_219 : memref<1000000x32xf32, #tpu.memory_space<hbm>>) target(%dma_start3A_213 : memref<50x32xf32, #tpu.memory_space<vmem>>) offsets(%dma_start3A_216 : memref<50xi32, #tpu.memory_space<vmem>>) semaphore(%arg10 : memref<!tpu.dma_semaphore, #tpu.memory_space<semaphore_mem>>)
    %dma_start3A_220 = arith.constant 18 : i32
    %dma_start3A_221 = arith.constant 18 : i32
    %dma_start3A_222 = arith.constant 0 : i32
    %dma_start3A_223 = arith.constant 0 : i32
    %dma_start3A_224 = tpu.memref_slice %arg7[%dma_start3A_221, %dma_start3A_222, %dma_start3A_223] : memref<32x50x32xf32, #tpu.memory_space<vmem>> -> memref<1x50x32xf32, #tpu.memory_space<vmem>>
    %dma_start3A_225 = tpu.memref_squeeze %dma_start3A_224 : memref<1x50x32xf32, #tpu.memory_space<vmem>> -> memref<50x32xf32, #tpu.memory_space<vmem>>
    %dma_start3A_226 = arith.constant 0 : i32
    %dma_start3A_227 = tpu.memref_slice %arg5[%dma_start3A_220, %dma_start3A_226] : memref<32x50xi32, #tpu.memory_space<vmem>> -> memref<1x50xi32, #tpu.memory_space<vmem>>
    %dma_start3A_228 = tpu.memref_squeeze %dma_start3A_227 : memref<1x50xi32, #tpu.memory_space<vmem>> -> memref<50xi32, #tpu.memory_space<vmem>>
    %dma_start3A_229 = arith.constant 0 : i32
    %dma_start3A_230 = arith.constant 0 : i32
    %dma_start3A_231 = tpu.memref_slice %arg3[%dma_start3A_229, %dma_start3A_230] : memref<1000000x32xf32, #tpu.memory_space<hbm>> -> memref<1000000x32xf32, #tpu.memory_space<hbm>>
    tpu.enqueue_indirect_dma source(%dma_start3A_231 : memref<1000000x32xf32, #tpu.memory_space<hbm>>) target(%dma_start3A_225 : memref<50x32xf32, #tpu.memory_space<vmem>>) offsets(%dma_start3A_228 : memref<50xi32, #tpu.memory_space<vmem>>) semaphore(%arg10 : memref<!tpu.dma_semaphore, #tpu.memory_space<semaphore_mem>>)
    %dma_start3A_232 = arith.constant 19 : i32
    %dma_start3A_233 = arith.constant 19 : i32
    %dma_start3A_234 = arith.constant 0 : i32
    %dma_start3A_235 = arith.constant 0 : i32
    %dma_start3A_236 = tpu.memref_slice %arg7[%dma_start3A_233, %dma_start3A_234, %dma_start3A_235] : memref<32x50x32xf32, #tpu.memory_space<vmem>> -> memref<1x50x32xf32, #tpu.memory_space<vmem>>
    %dma_start3A_237 = tpu.memref_squeeze %dma_start3A_236 : memref<1x50x32xf32, #tpu.memory_space<vmem>> -> memref<50x32xf32, #tpu.memory_space<vmem>>
    %dma_start3A_238 = arith.constant 0 : i32
    %dma_start3A_239 = tpu.memref_slice %arg5[%dma_start3A_232, %dma_start3A_238] : memref<32x50xi32, #tpu.memory_space<vmem>> -> memref<1x50xi32, #tpu.memory_space<vmem>>
    %dma_start3A_240 = tpu.memref_squeeze %dma_start3A_239 : memref<1x50xi32, #tpu.memory_space<vmem>> -> memref<50xi32, #tpu.memory_space<vmem>>
    %dma_start3A_241 = arith.constant 0 : i32
    %dma_start3A_242 = arith.constant 0 : i32
    %dma_start3A_243 = tpu.memref_slice %arg3[%dma_start3A_241, %dma_start3A_242] : memref<1000000x32xf32, #tpu.memory_space<hbm>> -> memref<1000000x32xf32, #tpu.memory_space<hbm>>
    tpu.enqueue_indirect_dma source(%dma_start3A_243 : memref<1000000x32xf32, #tpu.memory_space<hbm>>) target(%dma_start3A_237 : memref<50x32xf32, #tpu.memory_space<vmem>>) offsets(%dma_start3A_240 : memref<50xi32, #tpu.memory_space<vmem>>) semaphore(%arg10 : memref<!tpu.dma_semaphore, #tpu.memory_space<semaphore_mem>>)
    %dma_start3A_244 = arith.constant 20 : i32
    %dma_start3A_245 = arith.constant 20 : i32
    %dma_start3A_246 = arith.constant 0 : i32
    %dma_start3A_247 = arith.constant 0 : i32
    %dma_start3A_248 = tpu.memref_slice %arg7[%dma_start3A_245, %dma_start3A_246, %dma_start3A_247] : memref<32x50x32xf32, #tpu.memory_space<vmem>> -> memref<1x50x32xf32, #tpu.memory_space<vmem>>
    %dma_start3A_249 = tpu.memref_squeeze %dma_start3A_248 : memref<1x50x32xf32, #tpu.memory_space<vmem>> -> memref<50x32xf32, #tpu.memory_space<vmem>>
    %dma_start3A_250 = arith.constant 0 : i32
    %dma_start3A_251 = tpu.memref_slice %arg5[%dma_start3A_244, %dma_start3A_250] : memref<32x50xi32, #tpu.memory_space<vmem>> -> memref<1x50xi32, #tpu.memory_space<vmem>>
    %dma_start3A_252 = tpu.memref_squeeze %dma_start3A_251 : memref<1x50xi32, #tpu.memory_space<vmem>> -> memref<50xi32, #tpu.memory_space<vmem>>
    %dma_start3A_253 = arith.constant 0 : i32
    %dma_start3A_254 = arith.constant 0 : i32
    %dma_start3A_255 = tpu.memref_slice %arg3[%dma_start3A_253, %dma_start3A_254] : memref<1000000x32xf32, #tpu.memory_space<hbm>> -> memref<1000000x32xf32, #tpu.memory_space<hbm>>
    tpu.enqueue_indirect_dma source(%dma_start3A_255 : memref<1000000x32xf32, #tpu.memory_space<hbm>>) target(%dma_start3A_249 : memref<50x32xf32, #tpu.memory_space<vmem>>) offsets(%dma_start3A_252 : memref<50xi32, #tpu.memory_space<vmem>>) semaphore(%arg10 : memref<!tpu.dma_semaphore, #tpu.memory_space<semaphore_mem>>)
    %dma_start3A_256 = arith.constant 21 : i32
    %dma_start3A_257 = arith.constant 21 : i32
    %dma_start3A_258 = arith.constant 0 : i32
    %dma_start3A_259 = arith.constant 0 : i32
    %dma_start3A_260 = tpu.memref_slice %arg7[%dma_start3A_257, %dma_start3A_258, %dma_start3A_259] : memref<32x50x32xf32, #tpu.memory_space<vmem>> -> memref<1x50x32xf32, #tpu.memory_space<vmem>>
    %dma_start3A_261 = tpu.memref_squeeze %dma_start3A_260 : memref<1x50x32xf32, #tpu.memory_space<vmem>> -> memref<50x32xf32, #tpu.memory_space<vmem>>
    %dma_start3A_262 = arith.constant 0 : i32
    %dma_start3A_263 = tpu.memref_slice %arg5[%dma_start3A_256, %dma_start3A_262] : memref<32x50xi32, #tpu.memory_space<vmem>> -> memref<1x50xi32, #tpu.memory_space<vmem>>
    %dma_start3A_264 = tpu.memref_squeeze %dma_start3A_263 : memref<1x50xi32, #tpu.memory_space<vmem>> -> memref<50xi32, #tpu.memory_space<vmem>>
    %dma_start3A_265 = arith.constant 0 : i32
    %dma_start3A_266 = arith.constant 0 : i32
    %dma_start3A_267 = tpu.memref_slice %arg3[%dma_start3A_265, %dma_start3A_266] : memref<1000000x32xf32, #tpu.memory_space<hbm>> -> memref<1000000x32xf32, #tpu.memory_space<hbm>>
    tpu.enqueue_indirect_dma source(%dma_start3A_267 : memref<1000000x32xf32, #tpu.memory_space<hbm>>) target(%dma_start3A_261 : memref<50x32xf32, #tpu.memory_space<vmem>>) offsets(%dma_start3A_264 : memref<50xi32, #tpu.memory_space<vmem>>) semaphore(%arg10 : memref<!tpu.dma_semaphore, #tpu.memory_space<semaphore_mem>>)
    %dma_start3A_268 = arith.constant 22 : i32
    %dma_start3A_269 = arith.constant 22 : i32
    %dma_start3A_270 = arith.constant 0 : i32
    %dma_start3A_271 = arith.constant 0 : i32
    %dma_start3A_272 = tpu.memref_slice %arg7[%dma_start3A_269, %dma_start3A_270, %dma_start3A_271] : memref<32x50x32xf32, #tpu.memory_space<vmem>> -> memref<1x50x32xf32, #tpu.memory_space<vmem>>
    %dma_start3A_273 = tpu.memref_squeeze %dma_start3A_272 : memref<1x50x32xf32, #tpu.memory_space<vmem>> -> memref<50x32xf32, #tpu.memory_space<vmem>>
    %dma_start3A_274 = arith.constant 0 : i32
    %dma_start3A_275 = tpu.memref_slice %arg5[%dma_start3A_268, %dma_start3A_274] : memref<32x50xi32, #tpu.memory_space<vmem>> -> memref<1x50xi32, #tpu.memory_space<vmem>>
    %dma_start3A_276 = tpu.memref_squeeze %dma_start3A_275 : memref<1x50xi32, #tpu.memory_space<vmem>> -> memref<50xi32, #tpu.memory_space<vmem>>
    %dma_start3A_277 = arith.constant 0 : i32
    %dma_start3A_278 = arith.constant 0 : i32
    %dma_start3A_279 = tpu.memref_slice %arg3[%dma_start3A_277, %dma_start3A_278] : memref<1000000x32xf32, #tpu.memory_space<hbm>> -> memref<1000000x32xf32, #tpu.memory_space<hbm>>
    tpu.enqueue_indirect_dma source(%dma_start3A_279 : memref<1000000x32xf32, #tpu.memory_space<hbm>>) target(%dma_start3A_273 : memref<50x32xf32, #tpu.memory_space<vmem>>) offsets(%dma_start3A_276 : memref<50xi32, #tpu.memory_space<vmem>>) semaphore(%arg10 : memref<!tpu.dma_semaphore, #tpu.memory_space<semaphore_mem>>)
    %dma_start3A_280 = arith.constant 23 : i32
    %dma_start3A_281 = arith.constant 23 : i32
    %dma_start3A_282 = arith.constant 0 : i32
    %dma_start3A_283 = arith.constant 0 : i32
    %dma_start3A_284 = tpu.memref_slice %arg7[%dma_start3A_281, %dma_start3A_282, %dma_start3A_283] : memref<32x50x32xf32, #tpu.memory_space<vmem>> -> memref<1x50x32xf32, #tpu.memory_space<vmem>>
    %dma_start3A_285 = tpu.memref_squeeze %dma_start3A_284 : memref<1x50x32xf32, #tpu.memory_space<vmem>> -> memref<50x32xf32, #tpu.memory_space<vmem>>
    %dma_start3A_286 = arith.constant 0 : i32
    %dma_start3A_287 = tpu.memref_slice %arg5[%dma_start3A_280, %dma_start3A_286] : memref<32x50xi32, #tpu.memory_space<vmem>> -> memref<1x50xi32, #tpu.memory_space<vmem>>
    %dma_start3A_288 = tpu.memref_squeeze %dma_start3A_287 : memref<1x50xi32, #tpu.memory_space<vmem>> -> memref<50xi32, #tpu.memory_space<vmem>>
    %dma_start3A_289 = arith.constant 0 : i32
    %dma_start3A_290 = arith.constant 0 : i32
    %dma_start3A_291 = tpu.memref_slice %arg3[%dma_start3A_289, %dma_start3A_290] : memref<1000000x32xf32, #tpu.memory_space<hbm>> -> memref<1000000x32xf32, #tpu.memory_space<hbm>>
    tpu.enqueue_indirect_dma source(%dma_start3A_291 : memref<1000000x32xf32, #tpu.memory_space<hbm>>) target(%dma_start3A_285 : memref<50x32xf32, #tpu.memory_space<vmem>>) offsets(%dma_start3A_288 : memref<50xi32, #tpu.memory_space<vmem>>) semaphore(%arg10 : memref<!tpu.dma_semaphore, #tpu.memory_space<semaphore_mem>>)
    %dma_start3A_292 = arith.constant 24 : i32
    %dma_start3A_293 = arith.constant 24 : i32
    %dma_start3A_294 = arith.constant 0 : i32
    %dma_start3A_295 = arith.constant 0 : i32
    %dma_start3A_296 = tpu.memref_slice %arg7[%dma_start3A_293, %dma_start3A_294, %dma_start3A_295] : memref<32x50x32xf32, #tpu.memory_space<vmem>> -> memref<1x50x32xf32, #tpu.memory_space<vmem>>
    %dma_start3A_297 = tpu.memref_squeeze %dma_start3A_296 : memref<1x50x32xf32, #tpu.memory_space<vmem>> -> memref<50x32xf32, #tpu.memory_space<vmem>>
    %dma_start3A_298 = arith.constant 0 : i32
    %dma_start3A_299 = tpu.memref_slice %arg5[%dma_start3A_292, %dma_start3A_298] : memref<32x50xi32, #tpu.memory_space<vmem>> -> memref<1x50xi32, #tpu.memory_space<vmem>>
    %dma_start3A_300 = tpu.memref_squeeze %dma_start3A_299 : memref<1x50xi32, #tpu.memory_space<vmem>> -> memref<50xi32, #tpu.memory_space<vmem>>
    %dma_start3A_301 = arith.constant 0 : i32
    %dma_start3A_302 = arith.constant 0 : i32
    %dma_start3A_303 = tpu.memref_slice %arg3[%dma_start3A_301, %dma_start3A_302] : memref<1000000x32xf32, #tpu.memory_space<hbm>> -> memref<1000000x32xf32, #tpu.memory_space<hbm>>
    tpu.enqueue_indirect_dma source(%dma_start3A_303 : memref<1000000x32xf32, #tpu.memory_space<hbm>>) target(%dma_start3A_297 : memref<50x32xf32, #tpu.memory_space<vmem>>) offsets(%dma_start3A_300 : memref<50xi32, #tpu.memory_space<vmem>>) semaphore(%arg10 : memref<!tpu.dma_semaphore, #tpu.memory_space<semaphore_mem>>)
    %dma_start3A_304 = arith.constant 25 : i32
    %dma_start3A_305 = arith.constant 25 : i32
    %dma_start3A_306 = arith.constant 0 : i32
    %dma_start3A_307 = arith.constant 0 : i32
    %dma_start3A_308 = tpu.memref_slice %arg7[%dma_start3A_305, %dma_start3A_306, %dma_start3A_307] : memref<32x50x32xf32, #tpu.memory_space<vmem>> -> memref<1x50x32xf32, #tpu.memory_space<vmem>>
    %dma_start3A_309 = tpu.memref_squeeze %dma_start3A_308 : memref<1x50x32xf32, #tpu.memory_space<vmem>> -> memref<50x32xf32, #tpu.memory_space<vmem>>
    %dma_start3A_310 = arith.constant 0 : i32
    %dma_start3A_311 = tpu.memref_slice %arg5[%dma_start3A_304, %dma_start3A_310] : memref<32x50xi32, #tpu.memory_space<vmem>> -> memref<1x50xi32, #tpu.memory_space<vmem>>
    %dma_start3A_312 = tpu.memref_squeeze %dma_start3A_311 : memref<1x50xi32, #tpu.memory_space<vmem>> -> memref<50xi32, #tpu.memory_space<vmem>>
    %dma_start3A_313 = arith.constant 0 : i32
    %dma_start3A_314 = arith.constant 0 : i32
    %dma_start3A_315 = tpu.memref_slice %arg3[%dma_start3A_313, %dma_start3A_314] : memref<1000000x32xf32, #tpu.memory_space<hbm>> -> memref<1000000x32xf32, #tpu.memory_space<hbm>>
    tpu.enqueue_indirect_dma source(%dma_start3A_315 : memref<1000000x32xf32, #tpu.memory_space<hbm>>) target(%dma_start3A_309 : memref<50x32xf32, #tpu.memory_space<vmem>>) offsets(%dma_start3A_312 : memref<50xi32, #tpu.memory_space<vmem>>) semaphore(%arg10 : memref<!tpu.dma_semaphore, #tpu.memory_space<semaphore_mem>>)
    %dma_start3A_316 = arith.constant 26 : i32
    %dma_start3A_317 = arith.constant 26 : i32
    %dma_start3A_318 = arith.constant 0 : i32
    %dma_start3A_319 = arith.constant 0 : i32
    %dma_start3A_320 = tpu.memref_slice %arg7[%dma_start3A_317, %dma_start3A_318, %dma_start3A_319] : memref<32x50x32xf32, #tpu.memory_space<vmem>> -> memref<1x50x32xf32, #tpu.memory_space<vmem>>
    %dma_start3A_321 = tpu.memref_squeeze %dma_start3A_320 : memref<1x50x32xf32, #tpu.memory_space<vmem>> -> memref<50x32xf32, #tpu.memory_space<vmem>>
    %dma_start3A_322 = arith.constant 0 : i32
    %dma_start3A_323 = tpu.memref_slice %arg5[%dma_start3A_316, %dma_start3A_322] : memref<32x50xi32, #tpu.memory_space<vmem>> -> memref<1x50xi32, #tpu.memory_space<vmem>>
    %dma_start3A_324 = tpu.memref_squeeze %dma_start3A_323 : memref<1x50xi32, #tpu.memory_space<vmem>> -> memref<50xi32, #tpu.memory_space<vmem>>
    %dma_start3A_325 = arith.constant 0 : i32
    %dma_start3A_326 = arith.constant 0 : i32
    %dma_start3A_327 = tpu.memref_slice %arg3[%dma_start3A_325, %dma_start3A_326] : memref<1000000x32xf32, #tpu.memory_space<hbm>> -> memref<1000000x32xf32, #tpu.memory_space<hbm>>
    tpu.enqueue_indirect_dma source(%dma_start3A_327 : memref<1000000x32xf32, #tpu.memory_space<hbm>>) target(%dma_start3A_321 : memref<50x32xf32, #tpu.memory_space<vmem>>) offsets(%dma_start3A_324 : memref<50xi32, #tpu.memory_space<vmem>>) semaphore(%arg10 : memref<!tpu.dma_semaphore, #tpu.memory_space<semaphore_mem>>)
    %dma_start3A_328 = arith.constant 27 : i32
    %dma_start3A_329 = arith.constant 27 : i32
    %dma_start3A_330 = arith.constant 0 : i32
    %dma_start3A_331 = arith.constant 0 : i32
    %dma_start3A_332 = tpu.memref_slice %arg7[%dma_start3A_329, %dma_start3A_330, %dma_start3A_331] : memref<32x50x32xf32, #tpu.memory_space<vmem>> -> memref<1x50x32xf32, #tpu.memory_space<vmem>>
    %dma_start3A_333 = tpu.memref_squeeze %dma_start3A_332 : memref<1x50x32xf32, #tpu.memory_space<vmem>> -> memref<50x32xf32, #tpu.memory_space<vmem>>
    %dma_start3A_334 = arith.constant 0 : i32
    %dma_start3A_335 = tpu.memref_slice %arg5[%dma_start3A_328, %dma_start3A_334] : memref<32x50xi32, #tpu.memory_space<vmem>> -> memref<1x50xi32, #tpu.memory_space<vmem>>
    %dma_start3A_336 = tpu.memref_squeeze %dma_start3A_335 : memref<1x50xi32, #tpu.memory_space<vmem>> -> memref<50xi32, #tpu.memory_space<vmem>>
    %dma_start3A_337 = arith.constant 0 : i32
    %dma_start3A_338 = arith.constant 0 : i32
    %dma_start3A_339 = tpu.memref_slice %arg3[%dma_start3A_337, %dma_start3A_338] : memref<1000000x32xf32, #tpu.memory_space<hbm>> -> memref<1000000x32xf32, #tpu.memory_space<hbm>>
    tpu.enqueue_indirect_dma source(%dma_start3A_339 : memref<1000000x32xf32, #tpu.memory_space<hbm>>) target(%dma_start3A_333 : memref<50x32xf32, #tpu.memory_space<vmem>>) offsets(%dma_start3A_336 : memref<50xi32, #tpu.memory_space<vmem>>) semaphore(%arg10 : memref<!tpu.dma_semaphore, #tpu.memory_space<semaphore_mem>>)
    %dma_start3A_340 = arith.constant 28 : i32
    %dma_start3A_341 = arith.constant 28 : i32
    %dma_start3A_342 = arith.constant 0 : i32
    %dma_start3A_343 = arith.constant 0 : i32
    %dma_start3A_344 = tpu.memref_slice %arg7[%dma_start3A_341, %dma_start3A_342, %dma_start3A_343] : memref<32x50x32xf32, #tpu.memory_space<vmem>> -> memref<1x50x32xf32, #tpu.memory_space<vmem>>
    %dma_start3A_345 = tpu.memref_squeeze %dma_start3A_344 : memref<1x50x32xf32, #tpu.memory_space<vmem>> -> memref<50x32xf32, #tpu.memory_space<vmem>>
    %dma_start3A_346 = arith.constant 0 : i32
    %dma_start3A_347 = tpu.memref_slice %arg5[%dma_start3A_340, %dma_start3A_346] : memref<32x50xi32, #tpu.memory_space<vmem>> -> memref<1x50xi32, #tpu.memory_space<vmem>>
    %dma_start3A_348 = tpu.memref_squeeze %dma_start3A_347 : memref<1x50xi32, #tpu.memory_space<vmem>> -> memref<50xi32, #tpu.memory_space<vmem>>
    %dma_start3A_349 = arith.constant 0 : i32
    %dma_start3A_350 = arith.constant 0 : i32
    %dma_start3A_351 = tpu.memref_slice %arg3[%dma_start3A_349, %dma_start3A_350] : memref<1000000x32xf32, #tpu.memory_space<hbm>> -> memref<1000000x32xf32, #tpu.memory_space<hbm>>
    tpu.enqueue_indirect_dma source(%dma_start3A_351 : memref<1000000x32xf32, #tpu.memory_space<hbm>>) target(%dma_start3A_345 : memref<50x32xf32, #tpu.memory_space<vmem>>) offsets(%dma_start3A_348 : memref<50xi32, #tpu.memory_space<vmem>>) semaphore(%arg10 : memref<!tpu.dma_semaphore, #tpu.memory_space<semaphore_mem>>)
    %dma_start3A_352 = arith.constant 29 : i32
    %dma_start3A_353 = arith.constant 29 : i32
    %dma_start3A_354 = arith.constant 0 : i32
    %dma_start3A_355 = arith.constant 0 : i32
    %dma_start3A_356 = tpu.memref_slice %arg7[%dma_start3A_353, %dma_start3A_354, %dma_start3A_355] : memref<32x50x32xf32, #tpu.memory_space<vmem>> -> memref<1x50x32xf32, #tpu.memory_space<vmem>>
    %dma_start3A_357 = tpu.memref_squeeze %dma_start3A_356 : memref<1x50x32xf32, #tpu.memory_space<vmem>> -> memref<50x32xf32, #tpu.memory_space<vmem>>
    %dma_start3A_358 = arith.constant 0 : i32
    %dma_start3A_359 = tpu.memref_slice %arg5[%dma_start3A_352, %dma_start3A_358] : memref<32x50xi32, #tpu.memory_space<vmem>> -> memref<1x50xi32, #tpu.memory_space<vmem>>
    %dma_start3A_360 = tpu.memref_squeeze %dma_start3A_359 : memref<1x50xi32, #tpu.memory_space<vmem>> -> memref<50xi32, #tpu.memory_space<vmem>>
    %dma_start3A_361 = arith.constant 0 : i32
    %dma_start3A_362 = arith.constant 0 : i32
    %dma_start3A_363 = tpu.memref_slice %arg3[%dma_start3A_361, %dma_start3A_362] : memref<1000000x32xf32, #tpu.memory_space<hbm>> -> memref<1000000x32xf32, #tpu.memory_space<hbm>>
    tpu.enqueue_indirect_dma source(%dma_start3A_363 : memref<1000000x32xf32, #tpu.memory_space<hbm>>) target(%dma_start3A_357 : memref<50x32xf32, #tpu.memory_space<vmem>>) offsets(%dma_start3A_360 : memref<50xi32, #tpu.memory_space<vmem>>) semaphore(%arg10 : memref<!tpu.dma_semaphore, #tpu.memory_space<semaphore_mem>>)
    %dma_start3A_364 = arith.constant 30 : i32
    %dma_start3A_365 = arith.constant 30 : i32
    %dma_start3A_366 = arith.constant 0 : i32
    %dma_start3A_367 = arith.constant 0 : i32
    %dma_start3A_368 = tpu.memref_slice %arg7[%dma_start3A_365, %dma_start3A_366, %dma_start3A_367] : memref<32x50x32xf32, #tpu.memory_space<vmem>> -> memref<1x50x32xf32, #tpu.memory_space<vmem>>
    %dma_start3A_369 = tpu.memref_squeeze %dma_start3A_368 : memref<1x50x32xf32, #tpu.memory_space<vmem>> -> memref<50x32xf32, #tpu.memory_space<vmem>>
    %dma_start3A_370 = arith.constant 0 : i32
    %dma_start3A_371 = tpu.memref_slice %arg5[%dma_start3A_364, %dma_start3A_370] : memref<32x50xi32, #tpu.memory_space<vmem>> -> memref<1x50xi32, #tpu.memory_space<vmem>>
    %dma_start3A_372 = tpu.memref_squeeze %dma_start3A_371 : memref<1x50xi32, #tpu.memory_space<vmem>> -> memref<50xi32, #tpu.memory_space<vmem>>
    %dma_start3A_373 = arith.constant 0 : i32
    %dma_start3A_374 = arith.constant 0 : i32
    %dma_start3A_375 = tpu.memref_slice %arg3[%dma_start3A_373, %dma_start3A_374] : memref<1000000x32xf32, #tpu.memory_space<hbm>> -> memref<1000000x32xf32, #tpu.memory_space<hbm>>
    tpu.enqueue_indirect_dma source(%dma_start3A_375 : memref<1000000x32xf32, #tpu.memory_space<hbm>>) target(%dma_start3A_369 : memref<50x32xf32, #tpu.memory_space<vmem>>) offsets(%dma_start3A_372 : memref<50xi32, #tpu.memory_space<vmem>>) semaphore(%arg10 : memref<!tpu.dma_semaphore, #tpu.memory_space<semaphore_mem>>)
    %dma_start3A_376 = arith.constant 31 : i32
    %dma_start3A_377 = arith.constant 31 : i32
    %dma_start3A_378 = arith.constant 0 : i32
    %dma_start3A_379 = arith.constant 0 : i32
    %dma_start3A_380 = tpu.memref_slice %arg7[%dma_start3A_377, %dma_start3A_378, %dma_start3A_379] : memref<32x50x32xf32, #tpu.memory_space<vmem>> -> memref<1x50x32xf32, #tpu.memory_space<vmem>>
    %dma_start3A_381 = tpu.memref_squeeze %dma_start3A_380 : memref<1x50x32xf32, #tpu.memory_space<vmem>> -> memref<50x32xf32, #tpu.memory_space<vmem>>
    %dma_start3A_382 = arith.constant 0 : i32
    %dma_start3A_383 = tpu.memref_slice %arg5[%dma_start3A_376, %dma_start3A_382] : memref<32x50xi32, #tpu.memory_space<vmem>> -> memref<1x50xi32, #tpu.memory_space<vmem>>
    %dma_start3A_384 = tpu.memref_squeeze %dma_start3A_383 : memref<1x50xi32, #tpu.memory_space<vmem>> -> memref<50xi32, #tpu.memory_space<vmem>>
    %dma_start3A_385 = arith.constant 0 : i32
    %dma_start3A_386 = arith.constant 0 : i32
    %dma_start3A_387 = tpu.memref_slice %arg3[%dma_start3A_385, %dma_start3A_386] : memref<1000000x32xf32, #tpu.memory_space<hbm>> -> memref<1000000x32xf32, #tpu.memory_space<hbm>>
    tpu.enqueue_indirect_dma source(%dma_start3A_387 : memref<1000000x32xf32, #tpu.memory_space<hbm>>) target(%dma_start3A_381 : memref<50x32xf32, #tpu.memory_space<vmem>>) offsets(%dma_start3A_384 : memref<50xi32, #tpu.memory_space<vmem>>) semaphore(%arg10 : memref<!tpu.dma_semaphore, #tpu.memory_space<semaphore_mem>>)
    %add3A_388 = arith.constant 32 : i32
    %add3A_389 = arith.addi %mul3A_2, %add3A_388 : i32
    "tpu.region"() ({
      %run_scoped3A = tpu.sem_alloc : memref<!tpu.dma_semaphore, #tpu.memory_space<semaphore_mem>>
      %dma_start3A_779 = arith.constant 0 : i32
      %dma_start3A_780 = tpu.memref_slice %arg2[%add3A_389, %dma_start3A_779] : memref<16384x50xi32, #tpu.memory_space<hbm>> -> memref<32x50xi32, #tpu.memory_space<hbm>>
      %dma_start3A_781 = arith.constant 0 : i32
      %dma_start3A_782 = tpu.memref_slice %arg2[%add3A_389, %dma_start3A_781] : memref<16384x50xi32, #tpu.memory_space<hbm>> -> memref<32x50xi32, #tpu.memory_space<hbm>>
      tpu.enqueue_dma source(%dma_start3A_782 : memref<32x50xi32, #tpu.memory_space<hbm>>) target(%arg6 : memref<32x50xi32, #tpu.memory_space<vmem>>) target_semaphore(%run_scoped3A : memref<!tpu.dma_semaphore, #tpu.memory_space<semaphore_mem>>)
      %dma_wait3A = arith.constant 0 : i32
      %dma_wait3A_783 = tpu.memref_slice %arg2[%add3A_389, %dma_wait3A] : memref<16384x50xi32, #tpu.memory_space<hbm>> -> memref<32x50xi32, #tpu.memory_space<hbm>>
      %dma_wait3A_784 = arith.constant 0 : i32
      %dma_wait3A_785 = tpu.memref_slice %arg2[%add3A_389, %dma_wait3A_784] : memref<16384x50xi32, #tpu.memory_space<hbm>> -> memref<32x50xi32, #tpu.memory_space<hbm>>
      tpu.wait_dma2 semaphore(%run_scoped3A : memref<!tpu.dma_semaphore, #tpu.memory_space<semaphore_mem>>) src(%dma_wait3A_785 : memref<32x50xi32, #tpu.memory_space<hbm>>) dst(%arg6 : memref<32x50xi32, #tpu.memory_space<vmem>>)
      tpu.yield
    }) : () -> ()
    %dma_start3A_390 = arith.constant 0 : i32
    %dma_start3A_391 = arith.constant 0 : i32
    %dma_start3A_392 = arith.constant 0 : i32
    %dma_start3A_393 = arith.constant 0 : i32
    %dma_start3A_394 = tpu.memref_slice %arg8[%dma_start3A_391, %dma_start3A_392, %dma_start3A_393] : memref<32x50x32xf32, #tpu.memory_space<vmem>> -> memref<1x50x32xf32, #tpu.memory_space<vmem>>
    %dma_start3A_395 = tpu.memref_squeeze %dma_start3A_394 : memref<1x50x32xf32, #tpu.memory_space<vmem>> -> memref<50x32xf32, #tpu.memory_space<vmem>>
    %dma_start3A_396 = arith.constant 0 : i32
    %dma_start3A_397 = tpu.memref_slice %arg6[%dma_start3A_390, %dma_start3A_396] : memref<32x50xi32, #tpu.memory_space<vmem>> -> memref<1x50xi32, #tpu.memory_space<vmem>>
    %dma_start3A_398 = tpu.memref_squeeze %dma_start3A_397 : memref<1x50xi32, #tpu.memory_space<vmem>> -> memref<50xi32, #tpu.memory_space<vmem>>
    %dma_start3A_399 = arith.constant 0 : i32
    %dma_start3A_400 = arith.constant 0 : i32
    %dma_start3A_401 = tpu.memref_slice %arg3[%dma_start3A_399, %dma_start3A_400] : memref<1000000x32xf32, #tpu.memory_space<hbm>> -> memref<1000000x32xf32, #tpu.memory_space<hbm>>
    tpu.enqueue_indirect_dma source(%dma_start3A_401 : memref<1000000x32xf32, #tpu.memory_space<hbm>>) target(%dma_start3A_395 : memref<50x32xf32, #tpu.memory_space<vmem>>) offsets(%dma_start3A_398 : memref<50xi32, #tpu.memory_space<vmem>>) semaphore(%arg11 : memref<!tpu.dma_semaphore, #tpu.memory_space<semaphore_mem>>)
    %dma_start3A_402 = arith.constant 1 : i32
    %dma_start3A_403 = arith.constant 1 : i32
    %dma_start3A_404 = arith.constant 0 : i32
    %dma_start3A_405 = arith.constant 0 : i32
    %dma_start3A_406 = tpu.memref_slice %arg8[%dma_start3A_403, %dma_start3A_404, %dma_start3A_405] : memref<32x50x32xf32, #tpu.memory_space<vmem>> -> memref<1x50x32xf32, #tpu.memory_space<vmem>>
    %dma_start3A_407 = tpu.memref_squeeze %dma_start3A_406 : memref<1x50x32xf32, #tpu.memory_space<vmem>> -> memref<50x32xf32, #tpu.memory_space<vmem>>
    %dma_start3A_408 = arith.constant 0 : i32
    %dma_start3A_409 = tpu.memref_slice %arg6[%dma_start3A_402, %dma_start3A_408] : memref<32x50xi32, #tpu.memory_space<vmem>> -> memref<1x50xi32, #tpu.memory_space<vmem>>
    %dma_start3A_410 = tpu.memref_squeeze %dma_start3A_409 : memref<1x50xi32, #tpu.memory_space<vmem>> -> memref<50xi32, #tpu.memory_space<vmem>>
    %dma_start3A_411 = arith.constant 0 : i32
    %dma_start3A_412 = arith.constant 0 : i32
    %dma_start3A_413 = tpu.memref_slice %arg3[%dma_start3A_411, %dma_start3A_412] : memref<1000000x32xf32, #tpu.memory_space<hbm>> -> memref<1000000x32xf32, #tpu.memory_space<hbm>>
    tpu.enqueue_indirect_dma source(%dma_start3A_413 : memref<1000000x32xf32, #tpu.memory_space<hbm>>) target(%dma_start3A_407 : memref<50x32xf32, #tpu.memory_space<vmem>>) offsets(%dma_start3A_410 : memref<50xi32, #tpu.memory_space<vmem>>) semaphore(%arg11 : memref<!tpu.dma_semaphore, #tpu.memory_space<semaphore_mem>>)
    %dma_start3A_414 = arith.constant 2 : i32
    %dma_start3A_415 = arith.constant 2 : i32
    %dma_start3A_416 = arith.constant 0 : i32
    %dma_start3A_417 = arith.constant 0 : i32
    %dma_start3A_418 = tpu.memref_slice %arg8[%dma_start3A_415, %dma_start3A_416, %dma_start3A_417] : memref<32x50x32xf32, #tpu.memory_space<vmem>> -> memref<1x50x32xf32, #tpu.memory_space<vmem>>
    %dma_start3A_419 = tpu.memref_squeeze %dma_start3A_418 : memref<1x50x32xf32, #tpu.memory_space<vmem>> -> memref<50x32xf32, #tpu.memory_space<vmem>>
    %dma_start3A_420 = arith.constant 0 : i32
    %dma_start3A_421 = tpu.memref_slice %arg6[%dma_start3A_414, %dma_start3A_420] : memref<32x50xi32, #tpu.memory_space<vmem>> -> memref<1x50xi32, #tpu.memory_space<vmem>>
    %dma_start3A_422 = tpu.memref_squeeze %dma_start3A_421 : memref<1x50xi32, #tpu.memory_space<vmem>> -> memref<50xi32, #tpu.memory_space<vmem>>
    %dma_start3A_423 = arith.constant 0 : i32
    %dma_start3A_424 = arith.constant 0 : i32
    %dma_start3A_425 = tpu.memref_slice %arg3[%dma_start3A_423, %dma_start3A_424] : memref<1000000x32xf32, #tpu.memory_space<hbm>> -> memref<1000000x32xf32, #tpu.memory_space<hbm>>
    tpu.enqueue_indirect_dma source(%dma_start3A_425 : memref<1000000x32xf32, #tpu.memory_space<hbm>>) target(%dma_start3A_419 : memref<50x32xf32, #tpu.memory_space<vmem>>) offsets(%dma_start3A_422 : memref<50xi32, #tpu.memory_space<vmem>>) semaphore(%arg11 : memref<!tpu.dma_semaphore, #tpu.memory_space<semaphore_mem>>)
    %dma_start3A_426 = arith.constant 3 : i32
    %dma_start3A_427 = arith.constant 3 : i32
    %dma_start3A_428 = arith.constant 0 : i32
    %dma_start3A_429 = arith.constant 0 : i32
    %dma_start3A_430 = tpu.memref_slice %arg8[%dma_start3A_427, %dma_start3A_428, %dma_start3A_429] : memref<32x50x32xf32, #tpu.memory_space<vmem>> -> memref<1x50x32xf32, #tpu.memory_space<vmem>>
    %dma_start3A_431 = tpu.memref_squeeze %dma_start3A_430 : memref<1x50x32xf32, #tpu.memory_space<vmem>> -> memref<50x32xf32, #tpu.memory_space<vmem>>
    %dma_start3A_432 = arith.constant 0 : i32
    %dma_start3A_433 = tpu.memref_slice %arg6[%dma_start3A_426, %dma_start3A_432] : memref<32x50xi32, #tpu.memory_space<vmem>> -> memref<1x50xi32, #tpu.memory_space<vmem>>
    %dma_start3A_434 = tpu.memref_squeeze %dma_start3A_433 : memref<1x50xi32, #tpu.memory_space<vmem>> -> memref<50xi32, #tpu.memory_space<vmem>>
    %dma_start3A_435 = arith.constant 0 : i32
    %dma_start3A_436 = arith.constant 0 : i32
    %dma_start3A_437 = tpu.memref_slice %arg3[%dma_start3A_435, %dma_start3A_436] : memref<1000000x32xf32, #tpu.memory_space<hbm>> -> memref<1000000x32xf32, #tpu.memory_space<hbm>>
    tpu.enqueue_indirect_dma source(%dma_start3A_437 : memref<1000000x32xf32, #tpu.memory_space<hbm>>) target(%dma_start3A_431 : memref<50x32xf32, #tpu.memory_space<vmem>>) offsets(%dma_start3A_434 : memref<50xi32, #tpu.memory_space<vmem>>) semaphore(%arg11 : memref<!tpu.dma_semaphore, #tpu.memory_space<semaphore_mem>>)
    %dma_start3A_438 = arith.constant 4 : i32
    %dma_start3A_439 = arith.constant 4 : i32
    %dma_start3A_440 = arith.constant 0 : i32
    %dma_start3A_441 = arith.constant 0 : i32
    %dma_start3A_442 = tpu.memref_slice %arg8[%dma_start3A_439, %dma_start3A_440, %dma_start3A_441] : memref<32x50x32xf32, #tpu.memory_space<vmem>> -> memref<1x50x32xf32, #tpu.memory_space<vmem>>
    %dma_start3A_443 = tpu.memref_squeeze %dma_start3A_442 : memref<1x50x32xf32, #tpu.memory_space<vmem>> -> memref<50x32xf32, #tpu.memory_space<vmem>>
    %dma_start3A_444 = arith.constant 0 : i32
    %dma_start3A_445 = tpu.memref_slice %arg6[%dma_start3A_438, %dma_start3A_444] : memref<32x50xi32, #tpu.memory_space<vmem>> -> memref<1x50xi32, #tpu.memory_space<vmem>>
    %dma_start3A_446 = tpu.memref_squeeze %dma_start3A_445 : memref<1x50xi32, #tpu.memory_space<vmem>> -> memref<50xi32, #tpu.memory_space<vmem>>
    %dma_start3A_447 = arith.constant 0 : i32
    %dma_start3A_448 = arith.constant 0 : i32
    %dma_start3A_449 = tpu.memref_slice %arg3[%dma_start3A_447, %dma_start3A_448] : memref<1000000x32xf32, #tpu.memory_space<hbm>> -> memref<1000000x32xf32, #tpu.memory_space<hbm>>
    tpu.enqueue_indirect_dma source(%dma_start3A_449 : memref<1000000x32xf32, #tpu.memory_space<hbm>>) target(%dma_start3A_443 : memref<50x32xf32, #tpu.memory_space<vmem>>) offsets(%dma_start3A_446 : memref<50xi32, #tpu.memory_space<vmem>>) semaphore(%arg11 : memref<!tpu.dma_semaphore, #tpu.memory_space<semaphore_mem>>)
    %dma_start3A_450 = arith.constant 5 : i32
    %dma_start3A_451 = arith.constant 5 : i32
    %dma_start3A_452 = arith.constant 0 : i32
    %dma_start3A_453 = arith.constant 0 : i32
    %dma_start3A_454 = tpu.memref_slice %arg8[%dma_start3A_451, %dma_start3A_452, %dma_start3A_453] : memref<32x50x32xf32, #tpu.memory_space<vmem>> -> memref<1x50x32xf32, #tpu.memory_space<vmem>>
    %dma_start3A_455 = tpu.memref_squeeze %dma_start3A_454 : memref<1x50x32xf32, #tpu.memory_space<vmem>> -> memref<50x32xf32, #tpu.memory_space<vmem>>
    %dma_start3A_456 = arith.constant 0 : i32
    %dma_start3A_457 = tpu.memref_slice %arg6[%dma_start3A_450, %dma_start3A_456] : memref<32x50xi32, #tpu.memory_space<vmem>> -> memref<1x50xi32, #tpu.memory_space<vmem>>
    %dma_start3A_458 = tpu.memref_squeeze %dma_start3A_457 : memref<1x50xi32, #tpu.memory_space<vmem>> -> memref<50xi32, #tpu.memory_space<vmem>>
    %dma_start3A_459 = arith.constant 0 : i32
    %dma_start3A_460 = arith.constant 0 : i32
    %dma_start3A_461 = tpu.memref_slice %arg3[%dma_start3A_459, %dma_start3A_460] : memref<1000000x32xf32, #tpu.memory_space<hbm>> -> memref<1000000x32xf32, #tpu.memory_space<hbm>>
    tpu.enqueue_indirect_dma source(%dma_start3A_461 : memref<1000000x32xf32, #tpu.memory_space<hbm>>) target(%dma_start3A_455 : memref<50x32xf32, #tpu.memory_space<vmem>>) offsets(%dma_start3A_458 : memref<50xi32, #tpu.memory_space<vmem>>) semaphore(%arg11 : memref<!tpu.dma_semaphore, #tpu.memory_space<semaphore_mem>>)
    %dma_start3A_462 = arith.constant 6 : i32
    %dma_start3A_463 = arith.constant 6 : i32
    %dma_start3A_464 = arith.constant 0 : i32
    %dma_start3A_465 = arith.constant 0 : i32
    %dma_start3A_466 = tpu.memref_slice %arg8[%dma_start3A_463, %dma_start3A_464, %dma_start3A_465] : memref<32x50x32xf32, #tpu.memory_space<vmem>> -> memref<1x50x32xf32, #tpu.memory_space<vmem>>
    %dma_start3A_467 = tpu.memref_squeeze %dma_start3A_466 : memref<1x50x32xf32, #tpu.memory_space<vmem>> -> memref<50x32xf32, #tpu.memory_space<vmem>>
    %dma_start3A_468 = arith.constant 0 : i32
    %dma_start3A_469 = tpu.memref_slice %arg6[%dma_start3A_462, %dma_start3A_468] : memref<32x50xi32, #tpu.memory_space<vmem>> -> memref<1x50xi32, #tpu.memory_space<vmem>>
    %dma_start3A_470 = tpu.memref_squeeze %dma_start3A_469 : memref<1x50xi32, #tpu.memory_space<vmem>> -> memref<50xi32, #tpu.memory_space<vmem>>
    %dma_start3A_471 = arith.constant 0 : i32
    %dma_start3A_472 = arith.constant 0 : i32
    %dma_start3A_473 = tpu.memref_slice %arg3[%dma_start3A_471, %dma_start3A_472] : memref<1000000x32xf32, #tpu.memory_space<hbm>> -> memref<1000000x32xf32, #tpu.memory_space<hbm>>
    tpu.enqueue_indirect_dma source(%dma_start3A_473 : memref<1000000x32xf32, #tpu.memory_space<hbm>>) target(%dma_start3A_467 : memref<50x32xf32, #tpu.memory_space<vmem>>) offsets(%dma_start3A_470 : memref<50xi32, #tpu.memory_space<vmem>>) semaphore(%arg11 : memref<!tpu.dma_semaphore, #tpu.memory_space<semaphore_mem>>)
    %dma_start3A_474 = arith.constant 7 : i32
    %dma_start3A_475 = arith.constant 7 : i32
    %dma_start3A_476 = arith.constant 0 : i32
    %dma_start3A_477 = arith.constant 0 : i32
    %dma_start3A_478 = tpu.memref_slice %arg8[%dma_start3A_475, %dma_start3A_476, %dma_start3A_477] : memref<32x50x32xf32, #tpu.memory_space<vmem>> -> memref<1x50x32xf32, #tpu.memory_space<vmem>>
    %dma_start3A_479 = tpu.memref_squeeze %dma_start3A_478 : memref<1x50x32xf32, #tpu.memory_space<vmem>> -> memref<50x32xf32, #tpu.memory_space<vmem>>
    %dma_start3A_480 = arith.constant 0 : i32
    %dma_start3A_481 = tpu.memref_slice %arg6[%dma_start3A_474, %dma_start3A_480] : memref<32x50xi32, #tpu.memory_space<vmem>> -> memref<1x50xi32, #tpu.memory_space<vmem>>
    %dma_start3A_482 = tpu.memref_squeeze %dma_start3A_481 : memref<1x50xi32, #tpu.memory_space<vmem>> -> memref<50xi32, #tpu.memory_space<vmem>>
    %dma_start3A_483 = arith.constant 0 : i32
    %dma_start3A_484 = arith.constant 0 : i32
    %dma_start3A_485 = tpu.memref_slice %arg3[%dma_start3A_483, %dma_start3A_484] : memref<1000000x32xf32, #tpu.memory_space<hbm>> -> memref<1000000x32xf32, #tpu.memory_space<hbm>>
    tpu.enqueue_indirect_dma source(%dma_start3A_485 : memref<1000000x32xf32, #tpu.memory_space<hbm>>) target(%dma_start3A_479 : memref<50x32xf32, #tpu.memory_space<vmem>>) offsets(%dma_start3A_482 : memref<50xi32, #tpu.memory_space<vmem>>) semaphore(%arg11 : memref<!tpu.dma_semaphore, #tpu.memory_space<semaphore_mem>>)
    %dma_start3A_486 = arith.constant 8 : i32
    %dma_start3A_487 = arith.constant 8 : i32
    %dma_start3A_488 = arith.constant 0 : i32
    %dma_start3A_489 = arith.constant 0 : i32
    %dma_start3A_490 = tpu.memref_slice %arg8[%dma_start3A_487, %dma_start3A_488, %dma_start3A_489] : memref<32x50x32xf32, #tpu.memory_space<vmem>> -> memref<1x50x32xf32, #tpu.memory_space<vmem>>
    %dma_start3A_491 = tpu.memref_squeeze %dma_start3A_490 : memref<1x50x32xf32, #tpu.memory_space<vmem>> -> memref<50x32xf32, #tpu.memory_space<vmem>>
    %dma_start3A_492 = arith.constant 0 : i32
    %dma_start3A_493 = tpu.memref_slice %arg6[%dma_start3A_486, %dma_start3A_492] : memref<32x50xi32, #tpu.memory_space<vmem>> -> memref<1x50xi32, #tpu.memory_space<vmem>>
    %dma_start3A_494 = tpu.memref_squeeze %dma_start3A_493 : memref<1x50xi32, #tpu.memory_space<vmem>> -> memref<50xi32, #tpu.memory_space<vmem>>
    %dma_start3A_495 = arith.constant 0 : i32
    %dma_start3A_496 = arith.constant 0 : i32
    %dma_start3A_497 = tpu.memref_slice %arg3[%dma_start3A_495, %dma_start3A_496] : memref<1000000x32xf32, #tpu.memory_space<hbm>> -> memref<1000000x32xf32, #tpu.memory_space<hbm>>
    tpu.enqueue_indirect_dma source(%dma_start3A_497 : memref<1000000x32xf32, #tpu.memory_space<hbm>>) target(%dma_start3A_491 : memref<50x32xf32, #tpu.memory_space<vmem>>) offsets(%dma_start3A_494 : memref<50xi32, #tpu.memory_space<vmem>>) semaphore(%arg11 : memref<!tpu.dma_semaphore, #tpu.memory_space<semaphore_mem>>)
    %dma_start3A_498 = arith.constant 9 : i32
    %dma_start3A_499 = arith.constant 9 : i32
    %dma_start3A_500 = arith.constant 0 : i32
    %dma_start3A_501 = arith.constant 0 : i32
    %dma_start3A_502 = tpu.memref_slice %arg8[%dma_start3A_499, %dma_start3A_500, %dma_start3A_501] : memref<32x50x32xf32, #tpu.memory_space<vmem>> -> memref<1x50x32xf32, #tpu.memory_space<vmem>>
    %dma_start3A_503 = tpu.memref_squeeze %dma_start3A_502 : memref<1x50x32xf32, #tpu.memory_space<vmem>> -> memref<50x32xf32, #tpu.memory_space<vmem>>
    %dma_start3A_504 = arith.constant 0 : i32
    %dma_start3A_505 = tpu.memref_slice %arg6[%dma_start3A_498, %dma_start3A_504] : memref<32x50xi32, #tpu.memory_space<vmem>> -> memref<1x50xi32, #tpu.memory_space<vmem>>
    %dma_start3A_506 = tpu.memref_squeeze %dma_start3A_505 : memref<1x50xi32, #tpu.memory_space<vmem>> -> memref<50xi32, #tpu.memory_space<vmem>>
    %dma_start3A_507 = arith.constant 0 : i32
    %dma_start3A_508 = arith.constant 0 : i32
    %dma_start3A_509 = tpu.memref_slice %arg3[%dma_start3A_507, %dma_start3A_508] : memref<1000000x32xf32, #tpu.memory_space<hbm>> -> memref<1000000x32xf32, #tpu.memory_space<hbm>>
    tpu.enqueue_indirect_dma source(%dma_start3A_509 : memref<1000000x32xf32, #tpu.memory_space<hbm>>) target(%dma_start3A_503 : memref<50x32xf32, #tpu.memory_space<vmem>>) offsets(%dma_start3A_506 : memref<50xi32, #tpu.memory_space<vmem>>) semaphore(%arg11 : memref<!tpu.dma_semaphore, #tpu.memory_space<semaphore_mem>>)
    %dma_start3A_510 = arith.constant 10 : i32
    %dma_start3A_511 = arith.constant 10 : i32
    %dma_start3A_512 = arith.constant 0 : i32
    %dma_start3A_513 = arith.constant 0 : i32
    %dma_start3A_514 = tpu.memref_slice %arg8[%dma_start3A_511, %dma_start3A_512, %dma_start3A_513] : memref<32x50x32xf32, #tpu.memory_space<vmem>> -> memref<1x50x32xf32, #tpu.memory_space<vmem>>
    %dma_start3A_515 = tpu.memref_squeeze %dma_start3A_514 : memref<1x50x32xf32, #tpu.memory_space<vmem>> -> memref<50x32xf32, #tpu.memory_space<vmem>>
    %dma_start3A_516 = arith.constant 0 : i32
    %dma_start3A_517 = tpu.memref_slice %arg6[%dma_start3A_510, %dma_start3A_516] : memref<32x50xi32, #tpu.memory_space<vmem>> -> memref<1x50xi32, #tpu.memory_space<vmem>>
    %dma_start3A_518 = tpu.memref_squeeze %dma_start3A_517 : memref<1x50xi32, #tpu.memory_space<vmem>> -> memref<50xi32, #tpu.memory_space<vmem>>
    %dma_start3A_519 = arith.constant 0 : i32
    %dma_start3A_520 = arith.constant 0 : i32
    %dma_start3A_521 = tpu.memref_slice %arg3[%dma_start3A_519, %dma_start3A_520] : memref<1000000x32xf32, #tpu.memory_space<hbm>> -> memref<1000000x32xf32, #tpu.memory_space<hbm>>
    tpu.enqueue_indirect_dma source(%dma_start3A_521 : memref<1000000x32xf32, #tpu.memory_space<hbm>>) target(%dma_start3A_515 : memref<50x32xf32, #tpu.memory_space<vmem>>) offsets(%dma_start3A_518 : memref<50xi32, #tpu.memory_space<vmem>>) semaphore(%arg11 : memref<!tpu.dma_semaphore, #tpu.memory_space<semaphore_mem>>)
    %dma_start3A_522 = arith.constant 11 : i32
    %dma_start3A_523 = arith.constant 11 : i32
    %dma_start3A_524 = arith.constant 0 : i32
    %dma_start3A_525 = arith.constant 0 : i32
    %dma_start3A_526 = tpu.memref_slice %arg8[%dma_start3A_523, %dma_start3A_524, %dma_start3A_525] : memref<32x50x32xf32, #tpu.memory_space<vmem>> -> memref<1x50x32xf32, #tpu.memory_space<vmem>>
    %dma_start3A_527 = tpu.memref_squeeze %dma_start3A_526 : memref<1x50x32xf32, #tpu.memory_space<vmem>> -> memref<50x32xf32, #tpu.memory_space<vmem>>
    %dma_start3A_528 = arith.constant 0 : i32
    %dma_start3A_529 = tpu.memref_slice %arg6[%dma_start3A_522, %dma_start3A_528] : memref<32x50xi32, #tpu.memory_space<vmem>> -> memref<1x50xi32, #tpu.memory_space<vmem>>
    %dma_start3A_530 = tpu.memref_squeeze %dma_start3A_529 : memref<1x50xi32, #tpu.memory_space<vmem>> -> memref<50xi32, #tpu.memory_space<vmem>>
    %dma_start3A_531 = arith.constant 0 : i32
    %dma_start3A_532 = arith.constant 0 : i32
    %dma_start3A_533 = tpu.memref_slice %arg3[%dma_start3A_531, %dma_start3A_532] : memref<1000000x32xf32, #tpu.memory_space<hbm>> -> memref<1000000x32xf32, #tpu.memory_space<hbm>>
    tpu.enqueue_indirect_dma source(%dma_start3A_533 : memref<1000000x32xf32, #tpu.memory_space<hbm>>) target(%dma_start3A_527 : memref<50x32xf32, #tpu.memory_space<vmem>>) offsets(%dma_start3A_530 : memref<50xi32, #tpu.memory_space<vmem>>) semaphore(%arg11 : memref<!tpu.dma_semaphore, #tpu.memory_space<semaphore_mem>>)
    %dma_start3A_534 = arith.constant 12 : i32
    %dma_start3A_535 = arith.constant 12 : i32
    %dma_start3A_536 = arith.constant 0 : i32
    %dma_start3A_537 = arith.constant 0 : i32
    %dma_start3A_538 = tpu.memref_slice %arg8[%dma_start3A_535, %dma_start3A_536, %dma_start3A_537] : memref<32x50x32xf32, #tpu.memory_space<vmem>> -> memref<1x50x32xf32, #tpu.memory_space<vmem>>
    %dma_start3A_539 = tpu.memref_squeeze %dma_start3A_538 : memref<1x50x32xf32, #tpu.memory_space<vmem>> -> memref<50x32xf32, #tpu.memory_space<vmem>>
    %dma_start3A_540 = arith.constant 0 : i32
    %dma_start3A_541 = tpu.memref_slice %arg6[%dma_start3A_534, %dma_start3A_540] : memref<32x50xi32, #tpu.memory_space<vmem>> -> memref<1x50xi32, #tpu.memory_space<vmem>>
    %dma_start3A_542 = tpu.memref_squeeze %dma_start3A_541 : memref<1x50xi32, #tpu.memory_space<vmem>> -> memref<50xi32, #tpu.memory_space<vmem>>
    %dma_start3A_543 = arith.constant 0 : i32
    %dma_start3A_544 = arith.constant 0 : i32
    %dma_start3A_545 = tpu.memref_slice %arg3[%dma_start3A_543, %dma_start3A_544] : memref<1000000x32xf32, #tpu.memory_space<hbm>> -> memref<1000000x32xf32, #tpu.memory_space<hbm>>
    tpu.enqueue_indirect_dma source(%dma_start3A_545 : memref<1000000x32xf32, #tpu.memory_space<hbm>>) target(%dma_start3A_539 : memref<50x32xf32, #tpu.memory_space<vmem>>) offsets(%dma_start3A_542 : memref<50xi32, #tpu.memory_space<vmem>>) semaphore(%arg11 : memref<!tpu.dma_semaphore, #tpu.memory_space<semaphore_mem>>)
    %dma_start3A_546 = arith.constant 13 : i32
    %dma_start3A_547 = arith.constant 13 : i32
    %dma_start3A_548 = arith.constant 0 : i32
    %dma_start3A_549 = arith.constant 0 : i32
    %dma_start3A_550 = tpu.memref_slice %arg8[%dma_start3A_547, %dma_start3A_548, %dma_start3A_549] : memref<32x50x32xf32, #tpu.memory_space<vmem>> -> memref<1x50x32xf32, #tpu.memory_space<vmem>>
    %dma_start3A_551 = tpu.memref_squeeze %dma_start3A_550 : memref<1x50x32xf32, #tpu.memory_space<vmem>> -> memref<50x32xf32, #tpu.memory_space<vmem>>
    %dma_start3A_552 = arith.constant 0 : i32
    %dma_start3A_553 = tpu.memref_slice %arg6[%dma_start3A_546, %dma_start3A_552] : memref<32x50xi32, #tpu.memory_space<vmem>> -> memref<1x50xi32, #tpu.memory_space<vmem>>
    %dma_start3A_554 = tpu.memref_squeeze %dma_start3A_553 : memref<1x50xi32, #tpu.memory_space<vmem>> -> memref<50xi32, #tpu.memory_space<vmem>>
    %dma_start3A_555 = arith.constant 0 : i32
    %dma_start3A_556 = arith.constant 0 : i32
    %dma_start3A_557 = tpu.memref_slice %arg3[%dma_start3A_555, %dma_start3A_556] : memref<1000000x32xf32, #tpu.memory_space<hbm>> -> memref<1000000x32xf32, #tpu.memory_space<hbm>>
    tpu.enqueue_indirect_dma source(%dma_start3A_557 : memref<1000000x32xf32, #tpu.memory_space<hbm>>) target(%dma_start3A_551 : memref<50x32xf32, #tpu.memory_space<vmem>>) offsets(%dma_start3A_554 : memref<50xi32, #tpu.memory_space<vmem>>) semaphore(%arg11 : memref<!tpu.dma_semaphore, #tpu.memory_space<semaphore_mem>>)
    %dma_start3A_558 = arith.constant 14 : i32
    %dma_start3A_559 = arith.constant 14 : i32
    %dma_start3A_560 = arith.constant 0 : i32
    %dma_start3A_561 = arith.constant 0 : i32
    %dma_start3A_562 = tpu.memref_slice %arg8[%dma_start3A_559, %dma_start3A_560, %dma_start3A_561] : memref<32x50x32xf32, #tpu.memory_space<vmem>> -> memref<1x50x32xf32, #tpu.memory_space<vmem>>
    %dma_start3A_563 = tpu.memref_squeeze %dma_start3A_562 : memref<1x50x32xf32, #tpu.memory_space<vmem>> -> memref<50x32xf32, #tpu.memory_space<vmem>>
    %dma_start3A_564 = arith.constant 0 : i32
    %dma_start3A_565 = tpu.memref_slice %arg6[%dma_start3A_558, %dma_start3A_564] : memref<32x50xi32, #tpu.memory_space<vmem>> -> memref<1x50xi32, #tpu.memory_space<vmem>>
    %dma_start3A_566 = tpu.memref_squeeze %dma_start3A_565 : memref<1x50xi32, #tpu.memory_space<vmem>> -> memref<50xi32, #tpu.memory_space<vmem>>
    %dma_start3A_567 = arith.constant 0 : i32
    %dma_start3A_568 = arith.constant 0 : i32
    %dma_start3A_569 = tpu.memref_slice %arg3[%dma_start3A_567, %dma_start3A_568] : memref<1000000x32xf32, #tpu.memory_space<hbm>> -> memref<1000000x32xf32, #tpu.memory_space<hbm>>
    tpu.enqueue_indirect_dma source(%dma_start3A_569 : memref<1000000x32xf32, #tpu.memory_space<hbm>>) target(%dma_start3A_563 : memref<50x32xf32, #tpu.memory_space<vmem>>) offsets(%dma_start3A_566 : memref<50xi32, #tpu.memory_space<vmem>>) semaphore(%arg11 : memref<!tpu.dma_semaphore, #tpu.memory_space<semaphore_mem>>)
    %dma_start3A_570 = arith.constant 15 : i32
    %dma_start3A_571 = arith.constant 15 : i32
    %dma_start3A_572 = arith.constant 0 : i32
    %dma_start3A_573 = arith.constant 0 : i32
    %dma_start3A_574 = tpu.memref_slice %arg8[%dma_start3A_571, %dma_start3A_572, %dma_start3A_573] : memref<32x50x32xf32, #tpu.memory_space<vmem>> -> memref<1x50x32xf32, #tpu.memory_space<vmem>>
    %dma_start3A_575 = tpu.memref_squeeze %dma_start3A_574 : memref<1x50x32xf32, #tpu.memory_space<vmem>> -> memref<50x32xf32, #tpu.memory_space<vmem>>
    %dma_start3A_576 = arith.constant 0 : i32
    %dma_start3A_577 = tpu.memref_slice %arg6[%dma_start3A_570, %dma_start3A_576] : memref<32x50xi32, #tpu.memory_space<vmem>> -> memref<1x50xi32, #tpu.memory_space<vmem>>
    %dma_start3A_578 = tpu.memref_squeeze %dma_start3A_577 : memref<1x50xi32, #tpu.memory_space<vmem>> -> memref<50xi32, #tpu.memory_space<vmem>>
    %dma_start3A_579 = arith.constant 0 : i32
    %dma_start3A_580 = arith.constant 0 : i32
    %dma_start3A_581 = tpu.memref_slice %arg3[%dma_start3A_579, %dma_start3A_580] : memref<1000000x32xf32, #tpu.memory_space<hbm>> -> memref<1000000x32xf32, #tpu.memory_space<hbm>>
    tpu.enqueue_indirect_dma source(%dma_start3A_581 : memref<1000000x32xf32, #tpu.memory_space<hbm>>) target(%dma_start3A_575 : memref<50x32xf32, #tpu.memory_space<vmem>>) offsets(%dma_start3A_578 : memref<50xi32, #tpu.memory_space<vmem>>) semaphore(%arg11 : memref<!tpu.dma_semaphore, #tpu.memory_space<semaphore_mem>>)
    %dma_start3A_582 = arith.constant 16 : i32
    %dma_start3A_583 = arith.constant 16 : i32
    %dma_start3A_584 = arith.constant 0 : i32
    %dma_start3A_585 = arith.constant 0 : i32
    %dma_start3A_586 = tpu.memref_slice %arg8[%dma_start3A_583, %dma_start3A_584, %dma_start3A_585] : memref<32x50x32xf32, #tpu.memory_space<vmem>> -> memref<1x50x32xf32, #tpu.memory_space<vmem>>
    %dma_start3A_587 = tpu.memref_squeeze %dma_start3A_586 : memref<1x50x32xf32, #tpu.memory_space<vmem>> -> memref<50x32xf32, #tpu.memory_space<vmem>>
    %dma_start3A_588 = arith.constant 0 : i32
    %dma_start3A_589 = tpu.memref_slice %arg6[%dma_start3A_582, %dma_start3A_588] : memref<32x50xi32, #tpu.memory_space<vmem>> -> memref<1x50xi32, #tpu.memory_space<vmem>>
    %dma_start3A_590 = tpu.memref_squeeze %dma_start3A_589 : memref<1x50xi32, #tpu.memory_space<vmem>> -> memref<50xi32, #tpu.memory_space<vmem>>
    %dma_start3A_591 = arith.constant 0 : i32
    %dma_start3A_592 = arith.constant 0 : i32
    %dma_start3A_593 = tpu.memref_slice %arg3[%dma_start3A_591, %dma_start3A_592] : memref<1000000x32xf32, #tpu.memory_space<hbm>> -> memref<1000000x32xf32, #tpu.memory_space<hbm>>
    tpu.enqueue_indirect_dma source(%dma_start3A_593 : memref<1000000x32xf32, #tpu.memory_space<hbm>>) target(%dma_start3A_587 : memref<50x32xf32, #tpu.memory_space<vmem>>) offsets(%dma_start3A_590 : memref<50xi32, #tpu.memory_space<vmem>>) semaphore(%arg11 : memref<!tpu.dma_semaphore, #tpu.memory_space<semaphore_mem>>)
    %dma_start3A_594 = arith.constant 17 : i32
    %dma_start3A_595 = arith.constant 17 : i32
    %dma_start3A_596 = arith.constant 0 : i32
    %dma_start3A_597 = arith.constant 0 : i32
    %dma_start3A_598 = tpu.memref_slice %arg8[%dma_start3A_595, %dma_start3A_596, %dma_start3A_597] : memref<32x50x32xf32, #tpu.memory_space<vmem>> -> memref<1x50x32xf32, #tpu.memory_space<vmem>>
    %dma_start3A_599 = tpu.memref_squeeze %dma_start3A_598 : memref<1x50x32xf32, #tpu.memory_space<vmem>> -> memref<50x32xf32, #tpu.memory_space<vmem>>
    %dma_start3A_600 = arith.constant 0 : i32
    %dma_start3A_601 = tpu.memref_slice %arg6[%dma_start3A_594, %dma_start3A_600] : memref<32x50xi32, #tpu.memory_space<vmem>> -> memref<1x50xi32, #tpu.memory_space<vmem>>
    %dma_start3A_602 = tpu.memref_squeeze %dma_start3A_601 : memref<1x50xi32, #tpu.memory_space<vmem>> -> memref<50xi32, #tpu.memory_space<vmem>>
    %dma_start3A_603 = arith.constant 0 : i32
    %dma_start3A_604 = arith.constant 0 : i32
    %dma_start3A_605 = tpu.memref_slice %arg3[%dma_start3A_603, %dma_start3A_604] : memref<1000000x32xf32, #tpu.memory_space<hbm>> -> memref<1000000x32xf32, #tpu.memory_space<hbm>>
    tpu.enqueue_indirect_dma source(%dma_start3A_605 : memref<1000000x32xf32, #tpu.memory_space<hbm>>) target(%dma_start3A_599 : memref<50x32xf32, #tpu.memory_space<vmem>>) offsets(%dma_start3A_602 : memref<50xi32, #tpu.memory_space<vmem>>) semaphore(%arg11 : memref<!tpu.dma_semaphore, #tpu.memory_space<semaphore_mem>>)
    %dma_start3A_606 = arith.constant 18 : i32
    %dma_start3A_607 = arith.constant 18 : i32
    %dma_start3A_608 = arith.constant 0 : i32
    %dma_start3A_609 = arith.constant 0 : i32
    %dma_start3A_610 = tpu.memref_slice %arg8[%dma_start3A_607, %dma_start3A_608, %dma_start3A_609] : memref<32x50x32xf32, #tpu.memory_space<vmem>> -> memref<1x50x32xf32, #tpu.memory_space<vmem>>
    %dma_start3A_611 = tpu.memref_squeeze %dma_start3A_610 : memref<1x50x32xf32, #tpu.memory_space<vmem>> -> memref<50x32xf32, #tpu.memory_space<vmem>>
    %dma_start3A_612 = arith.constant 0 : i32
    %dma_start3A_613 = tpu.memref_slice %arg6[%dma_start3A_606, %dma_start3A_612] : memref<32x50xi32, #tpu.memory_space<vmem>> -> memref<1x50xi32, #tpu.memory_space<vmem>>
    %dma_start3A_614 = tpu.memref_squeeze %dma_start3A_613 : memref<1x50xi32, #tpu.memory_space<vmem>> -> memref<50xi32, #tpu.memory_space<vmem>>
    %dma_start3A_615 = arith.constant 0 : i32
    %dma_start3A_616 = arith.constant 0 : i32
    %dma_start3A_617 = tpu.memref_slice %arg3[%dma_start3A_615, %dma_start3A_616] : memref<1000000x32xf32, #tpu.memory_space<hbm>> -> memref<1000000x32xf32, #tpu.memory_space<hbm>>
    tpu.enqueue_indirect_dma source(%dma_start3A_617 : memref<1000000x32xf32, #tpu.memory_space<hbm>>) target(%dma_start3A_611 : memref<50x32xf32, #tpu.memory_space<vmem>>) offsets(%dma_start3A_614 : memref<50xi32, #tpu.memory_space<vmem>>) semaphore(%arg11 : memref<!tpu.dma_semaphore, #tpu.memory_space<semaphore_mem>>)
    %dma_start3A_618 = arith.constant 19 : i32
    %dma_start3A_619 = arith.constant 19 : i32
    %dma_start3A_620 = arith.constant 0 : i32
    %dma_start3A_621 = arith.constant 0 : i32
    %dma_start3A_622 = tpu.memref_slice %arg8[%dma_start3A_619, %dma_start3A_620, %dma_start3A_621] : memref<32x50x32xf32, #tpu.memory_space<vmem>> -> memref<1x50x32xf32, #tpu.memory_space<vmem>>
    %dma_start3A_623 = tpu.memref_squeeze %dma_start3A_622 : memref<1x50x32xf32, #tpu.memory_space<vmem>> -> memref<50x32xf32, #tpu.memory_space<vmem>>
    %dma_start3A_624 = arith.constant 0 : i32
    %dma_start3A_625 = tpu.memref_slice %arg6[%dma_start3A_618, %dma_start3A_624] : memref<32x50xi32, #tpu.memory_space<vmem>> -> memref<1x50xi32, #tpu.memory_space<vmem>>
    %dma_start3A_626 = tpu.memref_squeeze %dma_start3A_625 : memref<1x50xi32, #tpu.memory_space<vmem>> -> memref<50xi32, #tpu.memory_space<vmem>>
    %dma_start3A_627 = arith.constant 0 : i32
    %dma_start3A_628 = arith.constant 0 : i32
    %dma_start3A_629 = tpu.memref_slice %arg3[%dma_start3A_627, %dma_start3A_628] : memref<1000000x32xf32, #tpu.memory_space<hbm>> -> memref<1000000x32xf32, #tpu.memory_space<hbm>>
    tpu.enqueue_indirect_dma source(%dma_start3A_629 : memref<1000000x32xf32, #tpu.memory_space<hbm>>) target(%dma_start3A_623 : memref<50x32xf32, #tpu.memory_space<vmem>>) offsets(%dma_start3A_626 : memref<50xi32, #tpu.memory_space<vmem>>) semaphore(%arg11 : memref<!tpu.dma_semaphore, #tpu.memory_space<semaphore_mem>>)
    %dma_start3A_630 = arith.constant 20 : i32
    %dma_start3A_631 = arith.constant 20 : i32
    %dma_start3A_632 = arith.constant 0 : i32
    %dma_start3A_633 = arith.constant 0 : i32
    %dma_start3A_634 = tpu.memref_slice %arg8[%dma_start3A_631, %dma_start3A_632, %dma_start3A_633] : memref<32x50x32xf32, #tpu.memory_space<vmem>> -> memref<1x50x32xf32, #tpu.memory_space<vmem>>
    %dma_start3A_635 = tpu.memref_squeeze %dma_start3A_634 : memref<1x50x32xf32, #tpu.memory_space<vmem>> -> memref<50x32xf32, #tpu.memory_space<vmem>>
    %dma_start3A_636 = arith.constant 0 : i32
    %dma_start3A_637 = tpu.memref_slice %arg6[%dma_start3A_630, %dma_start3A_636] : memref<32x50xi32, #tpu.memory_space<vmem>> -> memref<1x50xi32, #tpu.memory_space<vmem>>
    %dma_start3A_638 = tpu.memref_squeeze %dma_start3A_637 : memref<1x50xi32, #tpu.memory_space<vmem>> -> memref<50xi32, #tpu.memory_space<vmem>>
    %dma_start3A_639 = arith.constant 0 : i32
    %dma_start3A_640 = arith.constant 0 : i32
    %dma_start3A_641 = tpu.memref_slice %arg3[%dma_start3A_639, %dma_start3A_640] : memref<1000000x32xf32, #tpu.memory_space<hbm>> -> memref<1000000x32xf32, #tpu.memory_space<hbm>>
    tpu.enqueue_indirect_dma source(%dma_start3A_641 : memref<1000000x32xf32, #tpu.memory_space<hbm>>) target(%dma_start3A_635 : memref<50x32xf32, #tpu.memory_space<vmem>>) offsets(%dma_start3A_638 : memref<50xi32, #tpu.memory_space<vmem>>) semaphore(%arg11 : memref<!tpu.dma_semaphore, #tpu.memory_space<semaphore_mem>>)
    %dma_start3A_642 = arith.constant 21 : i32
    %dma_start3A_643 = arith.constant 21 : i32
    %dma_start3A_644 = arith.constant 0 : i32
    %dma_start3A_645 = arith.constant 0 : i32
    %dma_start3A_646 = tpu.memref_slice %arg8[%dma_start3A_643, %dma_start3A_644, %dma_start3A_645] : memref<32x50x32xf32, #tpu.memory_space<vmem>> -> memref<1x50x32xf32, #tpu.memory_space<vmem>>
    %dma_start3A_647 = tpu.memref_squeeze %dma_start3A_646 : memref<1x50x32xf32, #tpu.memory_space<vmem>> -> memref<50x32xf32, #tpu.memory_space<vmem>>
    %dma_start3A_648 = arith.constant 0 : i32
    %dma_start3A_649 = tpu.memref_slice %arg6[%dma_start3A_642, %dma_start3A_648] : memref<32x50xi32, #tpu.memory_space<vmem>> -> memref<1x50xi32, #tpu.memory_space<vmem>>
    %dma_start3A_650 = tpu.memref_squeeze %dma_start3A_649 : memref<1x50xi32, #tpu.memory_space<vmem>> -> memref<50xi32, #tpu.memory_space<vmem>>
    %dma_start3A_651 = arith.constant 0 : i32
    %dma_start3A_652 = arith.constant 0 : i32
    %dma_start3A_653 = tpu.memref_slice %arg3[%dma_start3A_651, %dma_start3A_652] : memref<1000000x32xf32, #tpu.memory_space<hbm>> -> memref<1000000x32xf32, #tpu.memory_space<hbm>>
    tpu.enqueue_indirect_dma source(%dma_start3A_653 : memref<1000000x32xf32, #tpu.memory_space<hbm>>) target(%dma_start3A_647 : memref<50x32xf32, #tpu.memory_space<vmem>>) offsets(%dma_start3A_650 : memref<50xi32, #tpu.memory_space<vmem>>) semaphore(%arg11 : memref<!tpu.dma_semaphore, #tpu.memory_space<semaphore_mem>>)
    %dma_start3A_654 = arith.constant 22 : i32
    %dma_start3A_655 = arith.constant 22 : i32
    %dma_start3A_656 = arith.constant 0 : i32
    %dma_start3A_657 = arith.constant 0 : i32
    %dma_start3A_658 = tpu.memref_slice %arg8[%dma_start3A_655, %dma_start3A_656, %dma_start3A_657] : memref<32x50x32xf32, #tpu.memory_space<vmem>> -> memref<1x50x32xf32, #tpu.memory_space<vmem>>
    %dma_start3A_659 = tpu.memref_squeeze %dma_start3A_658 : memref<1x50x32xf32, #tpu.memory_space<vmem>> -> memref<50x32xf32, #tpu.memory_space<vmem>>
    %dma_start3A_660 = arith.constant 0 : i32
    %dma_start3A_661 = tpu.memref_slice %arg6[%dma_start3A_654, %dma_start3A_660] : memref<32x50xi32, #tpu.memory_space<vmem>> -> memref<1x50xi32, #tpu.memory_space<vmem>>
    %dma_start3A_662 = tpu.memref_squeeze %dma_start3A_661 : memref<1x50xi32, #tpu.memory_space<vmem>> -> memref<50xi32, #tpu.memory_space<vmem>>
    %dma_start3A_663 = arith.constant 0 : i32
    %dma_start3A_664 = arith.constant 0 : i32
    %dma_start3A_665 = tpu.memref_slice %arg3[%dma_start3A_663, %dma_start3A_664] : memref<1000000x32xf32, #tpu.memory_space<hbm>> -> memref<1000000x32xf32, #tpu.memory_space<hbm>>
    tpu.enqueue_indirect_dma source(%dma_start3A_665 : memref<1000000x32xf32, #tpu.memory_space<hbm>>) target(%dma_start3A_659 : memref<50x32xf32, #tpu.memory_space<vmem>>) offsets(%dma_start3A_662 : memref<50xi32, #tpu.memory_space<vmem>>) semaphore(%arg11 : memref<!tpu.dma_semaphore, #tpu.memory_space<semaphore_mem>>)
    %dma_start3A_666 = arith.constant 23 : i32
    %dma_start3A_667 = arith.constant 23 : i32
    %dma_start3A_668 = arith.constant 0 : i32
    %dma_start3A_669 = arith.constant 0 : i32
    %dma_start3A_670 = tpu.memref_slice %arg8[%dma_start3A_667, %dma_start3A_668, %dma_start3A_669] : memref<32x50x32xf32, #tpu.memory_space<vmem>> -> memref<1x50x32xf32, #tpu.memory_space<vmem>>
    %dma_start3A_671 = tpu.memref_squeeze %dma_start3A_670 : memref<1x50x32xf32, #tpu.memory_space<vmem>> -> memref<50x32xf32, #tpu.memory_space<vmem>>
    %dma_start3A_672 = arith.constant 0 : i32
    %dma_start3A_673 = tpu.memref_slice %arg6[%dma_start3A_666, %dma_start3A_672] : memref<32x50xi32, #tpu.memory_space<vmem>> -> memref<1x50xi32, #tpu.memory_space<vmem>>
    %dma_start3A_674 = tpu.memref_squeeze %dma_start3A_673 : memref<1x50xi32, #tpu.memory_space<vmem>> -> memref<50xi32, #tpu.memory_space<vmem>>
    %dma_start3A_675 = arith.constant 0 : i32
    %dma_start3A_676 = arith.constant 0 : i32
    %dma_start3A_677 = tpu.memref_slice %arg3[%dma_start3A_675, %dma_start3A_676] : memref<1000000x32xf32, #tpu.memory_space<hbm>> -> memref<1000000x32xf32, #tpu.memory_space<hbm>>
    tpu.enqueue_indirect_dma source(%dma_start3A_677 : memref<1000000x32xf32, #tpu.memory_space<hbm>>) target(%dma_start3A_671 : memref<50x32xf32, #tpu.memory_space<vmem>>) offsets(%dma_start3A_674 : memref<50xi32, #tpu.memory_space<vmem>>) semaphore(%arg11 : memref<!tpu.dma_semaphore, #tpu.memory_space<semaphore_mem>>)
    %dma_start3A_678 = arith.constant 24 : i32
    %dma_start3A_679 = arith.constant 24 : i32
    %dma_start3A_680 = arith.constant 0 : i32
    %dma_start3A_681 = arith.constant 0 : i32
    %dma_start3A_682 = tpu.memref_slice %arg8[%dma_start3A_679, %dma_start3A_680, %dma_start3A_681] : memref<32x50x32xf32, #tpu.memory_space<vmem>> -> memref<1x50x32xf32, #tpu.memory_space<vmem>>
    %dma_start3A_683 = tpu.memref_squeeze %dma_start3A_682 : memref<1x50x32xf32, #tpu.memory_space<vmem>> -> memref<50x32xf32, #tpu.memory_space<vmem>>
    %dma_start3A_684 = arith.constant 0 : i32
    %dma_start3A_685 = tpu.memref_slice %arg6[%dma_start3A_678, %dma_start3A_684] : memref<32x50xi32, #tpu.memory_space<vmem>> -> memref<1x50xi32, #tpu.memory_space<vmem>>
    %dma_start3A_686 = tpu.memref_squeeze %dma_start3A_685 : memref<1x50xi32, #tpu.memory_space<vmem>> -> memref<50xi32, #tpu.memory_space<vmem>>
    %dma_start3A_687 = arith.constant 0 : i32
    %dma_start3A_688 = arith.constant 0 : i32
    %dma_start3A_689 = tpu.memref_slice %arg3[%dma_start3A_687, %dma_start3A_688] : memref<1000000x32xf32, #tpu.memory_space<hbm>> -> memref<1000000x32xf32, #tpu.memory_space<hbm>>
    tpu.enqueue_indirect_dma source(%dma_start3A_689 : memref<1000000x32xf32, #tpu.memory_space<hbm>>) target(%dma_start3A_683 : memref<50x32xf32, #tpu.memory_space<vmem>>) offsets(%dma_start3A_686 : memref<50xi32, #tpu.memory_space<vmem>>) semaphore(%arg11 : memref<!tpu.dma_semaphore, #tpu.memory_space<semaphore_mem>>)
    %dma_start3A_690 = arith.constant 25 : i32
    %dma_start3A_691 = arith.constant 25 : i32
    %dma_start3A_692 = arith.constant 0 : i32
    %dma_start3A_693 = arith.constant 0 : i32
    %dma_start3A_694 = tpu.memref_slice %arg8[%dma_start3A_691, %dma_start3A_692, %dma_start3A_693] : memref<32x50x32xf32, #tpu.memory_space<vmem>> -> memref<1x50x32xf32, #tpu.memory_space<vmem>>
    %dma_start3A_695 = tpu.memref_squeeze %dma_start3A_694 : memref<1x50x32xf32, #tpu.memory_space<vmem>> -> memref<50x32xf32, #tpu.memory_space<vmem>>
    %dma_start3A_696 = arith.constant 0 : i32
    %dma_start3A_697 = tpu.memref_slice %arg6[%dma_start3A_690, %dma_start3A_696] : memref<32x50xi32, #tpu.memory_space<vmem>> -> memref<1x50xi32, #tpu.memory_space<vmem>>
    %dma_start3A_698 = tpu.memref_squeeze %dma_start3A_697 : memref<1x50xi32, #tpu.memory_space<vmem>> -> memref<50xi32, #tpu.memory_space<vmem>>
    %dma_start3A_699 = arith.constant 0 : i32
    %dma_start3A_700 = arith.constant 0 : i32
    %dma_start3A_701 = tpu.memref_slice %arg3[%dma_start3A_699, %dma_start3A_700] : memref<1000000x32xf32, #tpu.memory_space<hbm>> -> memref<1000000x32xf32, #tpu.memory_space<hbm>>
    tpu.enqueue_indirect_dma source(%dma_start3A_701 : memref<1000000x32xf32, #tpu.memory_space<hbm>>) target(%dma_start3A_695 : memref<50x32xf32, #tpu.memory_space<vmem>>) offsets(%dma_start3A_698 : memref<50xi32, #tpu.memory_space<vmem>>) semaphore(%arg11 : memref<!tpu.dma_semaphore, #tpu.memory_space<semaphore_mem>>)
    %dma_start3A_702 = arith.constant 26 : i32
    %dma_start3A_703 = arith.constant 26 : i32
    %dma_start3A_704 = arith.constant 0 : i32
    %dma_start3A_705 = arith.constant 0 : i32
    %dma_start3A_706 = tpu.memref_slice %arg8[%dma_start3A_703, %dma_start3A_704, %dma_start3A_705] : memref<32x50x32xf32, #tpu.memory_space<vmem>> -> memref<1x50x32xf32, #tpu.memory_space<vmem>>
    %dma_start3A_707 = tpu.memref_squeeze %dma_start3A_706 : memref<1x50x32xf32, #tpu.memory_space<vmem>> -> memref<50x32xf32, #tpu.memory_space<vmem>>
    %dma_start3A_708 = arith.constant 0 : i32
    %dma_start3A_709 = tpu.memref_slice %arg6[%dma_start3A_702, %dma_start3A_708] : memref<32x50xi32, #tpu.memory_space<vmem>> -> memref<1x50xi32, #tpu.memory_space<vmem>>
    %dma_start3A_710 = tpu.memref_squeeze %dma_start3A_709 : memref<1x50xi32, #tpu.memory_space<vmem>> -> memref<50xi32, #tpu.memory_space<vmem>>
    %dma_start3A_711 = arith.constant 0 : i32
    %dma_start3A_712 = arith.constant 0 : i32
    %dma_start3A_713 = tpu.memref_slice %arg3[%dma_start3A_711, %dma_start3A_712] : memref<1000000x32xf32, #tpu.memory_space<hbm>> -> memref<1000000x32xf32, #tpu.memory_space<hbm>>
    tpu.enqueue_indirect_dma source(%dma_start3A_713 : memref<1000000x32xf32, #tpu.memory_space<hbm>>) target(%dma_start3A_707 : memref<50x32xf32, #tpu.memory_space<vmem>>) offsets(%dma_start3A_710 : memref<50xi32, #tpu.memory_space<vmem>>) semaphore(%arg11 : memref<!tpu.dma_semaphore, #tpu.memory_space<semaphore_mem>>)
    %dma_start3A_714 = arith.constant 27 : i32
    %dma_start3A_715 = arith.constant 27 : i32
    %dma_start3A_716 = arith.constant 0 : i32
    %dma_start3A_717 = arith.constant 0 : i32
    %dma_start3A_718 = tpu.memref_slice %arg8[%dma_start3A_715, %dma_start3A_716, %dma_start3A_717] : memref<32x50x32xf32, #tpu.memory_space<vmem>> -> memref<1x50x32xf32, #tpu.memory_space<vmem>>
    %dma_start3A_719 = tpu.memref_squeeze %dma_start3A_718 : memref<1x50x32xf32, #tpu.memory_space<vmem>> -> memref<50x32xf32, #tpu.memory_space<vmem>>
    %dma_start3A_720 = arith.constant 0 : i32
    %dma_start3A_721 = tpu.memref_slice %arg6[%dma_start3A_714, %dma_start3A_720] : memref<32x50xi32, #tpu.memory_space<vmem>> -> memref<1x50xi32, #tpu.memory_space<vmem>>
    %dma_start3A_722 = tpu.memref_squeeze %dma_start3A_721 : memref<1x50xi32, #tpu.memory_space<vmem>> -> memref<50xi32, #tpu.memory_space<vmem>>
    %dma_start3A_723 = arith.constant 0 : i32
    %dma_start3A_724 = arith.constant 0 : i32
    %dma_start3A_725 = tpu.memref_slice %arg3[%dma_start3A_723, %dma_start3A_724] : memref<1000000x32xf32, #tpu.memory_space<hbm>> -> memref<1000000x32xf32, #tpu.memory_space<hbm>>
    tpu.enqueue_indirect_dma source(%dma_start3A_725 : memref<1000000x32xf32, #tpu.memory_space<hbm>>) target(%dma_start3A_719 : memref<50x32xf32, #tpu.memory_space<vmem>>) offsets(%dma_start3A_722 : memref<50xi32, #tpu.memory_space<vmem>>) semaphore(%arg11 : memref<!tpu.dma_semaphore, #tpu.memory_space<semaphore_mem>>)
    %dma_start3A_726 = arith.constant 28 : i32
    %dma_start3A_727 = arith.constant 28 : i32
    %dma_start3A_728 = arith.constant 0 : i32
    %dma_start3A_729 = arith.constant 0 : i32
    %dma_start3A_730 = tpu.memref_slice %arg8[%dma_start3A_727, %dma_start3A_728, %dma_start3A_729] : memref<32x50x32xf32, #tpu.memory_space<vmem>> -> memref<1x50x32xf32, #tpu.memory_space<vmem>>
    %dma_start3A_731 = tpu.memref_squeeze %dma_start3A_730 : memref<1x50x32xf32, #tpu.memory_space<vmem>> -> memref<50x32xf32, #tpu.memory_space<vmem>>
    %dma_start3A_732 = arith.constant 0 : i32
    %dma_start3A_733 = tpu.memref_slice %arg6[%dma_start3A_726, %dma_start3A_732] : memref<32x50xi32, #tpu.memory_space<vmem>> -> memref<1x50xi32, #tpu.memory_space<vmem>>
    %dma_start3A_734 = tpu.memref_squeeze %dma_start3A_733 : memref<1x50xi32, #tpu.memory_space<vmem>> -> memref<50xi32, #tpu.memory_space<vmem>>
    %dma_start3A_735 = arith.constant 0 : i32
    %dma_start3A_736 = arith.constant 0 : i32
    %dma_start3A_737 = tpu.memref_slice %arg3[%dma_start3A_735, %dma_start3A_736] : memref<1000000x32xf32, #tpu.memory_space<hbm>> -> memref<1000000x32xf32, #tpu.memory_space<hbm>>
    tpu.enqueue_indirect_dma source(%dma_start3A_737 : memref<1000000x32xf32, #tpu.memory_space<hbm>>) target(%dma_start3A_731 : memref<50x32xf32, #tpu.memory_space<vmem>>) offsets(%dma_start3A_734 : memref<50xi32, #tpu.memory_space<vmem>>) semaphore(%arg11 : memref<!tpu.dma_semaphore, #tpu.memory_space<semaphore_mem>>)
    %dma_start3A_738 = arith.constant 29 : i32
    %dma_start3A_739 = arith.constant 29 : i32
    %dma_start3A_740 = arith.constant 0 : i32
    %dma_start3A_741 = arith.constant 0 : i32
    %dma_start3A_742 = tpu.memref_slice %arg8[%dma_start3A_739, %dma_start3A_740, %dma_start3A_741] : memref<32x50x32xf32, #tpu.memory_space<vmem>> -> memref<1x50x32xf32, #tpu.memory_space<vmem>>
    %dma_start3A_743 = tpu.memref_squeeze %dma_start3A_742 : memref<1x50x32xf32, #tpu.memory_space<vmem>> -> memref<50x32xf32, #tpu.memory_space<vmem>>
    %dma_start3A_744 = arith.constant 0 : i32
    %dma_start3A_745 = tpu.memref_slice %arg6[%dma_start3A_738, %dma_start3A_744] : memref<32x50xi32, #tpu.memory_space<vmem>> -> memref<1x50xi32, #tpu.memory_space<vmem>>
    %dma_start3A_746 = tpu.memref_squeeze %dma_start3A_745 : memref<1x50xi32, #tpu.memory_space<vmem>> -> memref<50xi32, #tpu.memory_space<vmem>>
    %dma_start3A_747 = arith.constant 0 : i32
    %dma_start3A_748 = arith.constant 0 : i32
    %dma_start3A_749 = tpu.memref_slice %arg3[%dma_start3A_747, %dma_start3A_748] : memref<1000000x32xf32, #tpu.memory_space<hbm>> -> memref<1000000x32xf32, #tpu.memory_space<hbm>>
    tpu.enqueue_indirect_dma source(%dma_start3A_749 : memref<1000000x32xf32, #tpu.memory_space<hbm>>) target(%dma_start3A_743 : memref<50x32xf32, #tpu.memory_space<vmem>>) offsets(%dma_start3A_746 : memref<50xi32, #tpu.memory_space<vmem>>) semaphore(%arg11 : memref<!tpu.dma_semaphore, #tpu.memory_space<semaphore_mem>>)
    %dma_start3A_750 = arith.constant 30 : i32
    %dma_start3A_751 = arith.constant 30 : i32
    %dma_start3A_752 = arith.constant 0 : i32
    %dma_start3A_753 = arith.constant 0 : i32
    %dma_start3A_754 = tpu.memref_slice %arg8[%dma_start3A_751, %dma_start3A_752, %dma_start3A_753] : memref<32x50x32xf32, #tpu.memory_space<vmem>> -> memref<1x50x32xf32, #tpu.memory_space<vmem>>
    %dma_start3A_755 = tpu.memref_squeeze %dma_start3A_754 : memref<1x50x32xf32, #tpu.memory_space<vmem>> -> memref<50x32xf32, #tpu.memory_space<vmem>>
    %dma_start3A_756 = arith.constant 0 : i32
    %dma_start3A_757 = tpu.memref_slice %arg6[%dma_start3A_750, %dma_start3A_756] : memref<32x50xi32, #tpu.memory_space<vmem>> -> memref<1x50xi32, #tpu.memory_space<vmem>>
    %dma_start3A_758 = tpu.memref_squeeze %dma_start3A_757 : memref<1x50xi32, #tpu.memory_space<vmem>> -> memref<50xi32, #tpu.memory_space<vmem>>
    %dma_start3A_759 = arith.constant 0 : i32
    %dma_start3A_760 = arith.constant 0 : i32
    %dma_start3A_761 = tpu.memref_slice %arg3[%dma_start3A_759, %dma_start3A_760] : memref<1000000x32xf32, #tpu.memory_space<hbm>> -> memref<1000000x32xf32, #tpu.memory_space<hbm>>
    tpu.enqueue_indirect_dma source(%dma_start3A_761 : memref<1000000x32xf32, #tpu.memory_space<hbm>>) target(%dma_start3A_755 : memref<50x32xf32, #tpu.memory_space<vmem>>) offsets(%dma_start3A_758 : memref<50xi32, #tpu.memory_space<vmem>>) semaphore(%arg11 : memref<!tpu.dma_semaphore, #tpu.memory_space<semaphore_mem>>)
    %dma_start3A_762 = arith.constant 31 : i32
    %dma_start3A_763 = arith.constant 31 : i32
    %dma_start3A_764 = arith.constant 0 : i32
    %dma_start3A_765 = arith.constant 0 : i32
    %dma_start3A_766 = tpu.memref_slice %arg8[%dma_start3A_763, %dma_start3A_764, %dma_start3A_765] : memref<32x50x32xf32, #tpu.memory_space<vmem>> -> memref<1x50x32xf32, #tpu.memory_space<vmem>>
    %dma_start3A_767 = tpu.memref_squeeze %dma_start3A_766 : memref<1x50x32xf32, #tpu.memory_space<vmem>> -> memref<50x32xf32, #tpu.memory_space<vmem>>
    %dma_start3A_768 = arith.constant 0 : i32
    %dma_start3A_769 = tpu.memref_slice %arg6[%dma_start3A_762, %dma_start3A_768] : memref<32x50xi32, #tpu.memory_space<vmem>> -> memref<1x50xi32, #tpu.memory_space<vmem>>
    %dma_start3A_770 = tpu.memref_squeeze %dma_start3A_769 : memref<1x50xi32, #tpu.memory_space<vmem>> -> memref<50xi32, #tpu.memory_space<vmem>>
    %dma_start3A_771 = arith.constant 0 : i32
    %dma_start3A_772 = arith.constant 0 : i32
    %dma_start3A_773 = tpu.memref_slice %arg3[%dma_start3A_771, %dma_start3A_772] : memref<1000000x32xf32, #tpu.memory_space<hbm>> -> memref<1000000x32xf32, #tpu.memory_space<hbm>>
    tpu.enqueue_indirect_dma source(%dma_start3A_773 : memref<1000000x32xf32, #tpu.memory_space<hbm>>) target(%dma_start3A_767 : memref<50x32xf32, #tpu.memory_space<vmem>>) offsets(%dma_start3A_770 : memref<50xi32, #tpu.memory_space<vmem>>) semaphore(%arg11 : memref<!tpu.dma_semaphore, #tpu.memory_space<semaphore_mem>>)
    %scan3A = arith.constant 0 : i32
    %scan3A_774 = arith.constant 0 : i32
    %scan3A_775 = arith.constant 8 : i32
    %scan3A_776 = arith.addi %scan3A_774, %scan3A_775 : i32
    %scan3A_777 = arith.constant 1 : i32
    scf.for %scan3A_779 = %scan3A_774 to %scan3A_776 step %scan3A_777  : i32 {
      %mul3A_780 = arith.constant 2 : i32
      %mul3A_781 = arith.muli %mul3A_780, %scan3A_779 : i32
      %add3A_782 = arith.constant 0 : i32
      %add3A_783 = arith.addi %mul3A_781, %add3A_782 : i32
      %dma_wait3A = arith.constant 0 : i32
      %dma_wait3A_784 = arith.constant 0 : i32
      %dma_wait3A_785 = arith.constant 0 : i32
      %dma_wait3A_786 = arith.constant 0 : i32
      %dma_wait3A_787 = tpu.memref_slice %arg7[%dma_wait3A_784, %dma_wait3A_785, %dma_wait3A_786] : memref<32x50x32xf32, #tpu.memory_space<vmem>> -> memref<1x50x32xf32, #tpu.memory_space<vmem>>
      %dma_wait3A_788 = tpu.memref_squeeze %dma_wait3A_787 : memref<1x50x32xf32, #tpu.memory_space<vmem>> -> memref<50x32xf32, #tpu.memory_space<vmem>>
      %dma_wait3A_789 = arith.constant 0 : i32
      %dma_wait3A_790 = tpu.memref_slice %arg5[%dma_wait3A, %dma_wait3A_789] : memref<32x50xi32, #tpu.memory_space<vmem>> -> memref<1x50xi32, #tpu.memory_space<vmem>>
      %dma_wait3A_791 = tpu.memref_squeeze %dma_wait3A_790 : memref<1x50xi32, #tpu.memory_space<vmem>> -> memref<50xi32, #tpu.memory_space<vmem>>
      %dma_wait3A_792 = arith.constant 0 : i32
      %dma_wait3A_793 = arith.constant 0 : i32
      %dma_wait3A_794 = tpu.memref_slice %arg3[%dma_wait3A_792, %dma_wait3A_793] : memref<1000000x32xf32, #tpu.memory_space<hbm>> -> memref<1000000x32xf32, #tpu.memory_space<hbm>>
      tpu.wait_indirect_dma semaphore(%arg10 : memref<!tpu.dma_semaphore, #tpu.memory_space<semaphore_mem>>) src(%dma_wait3A_794 : memref<1000000x32xf32, #tpu.memory_space<hbm>>) dst(%dma_wait3A_788 : memref<50x32xf32, #tpu.memory_space<vmem>>)
      %dma_wait3A_795 = arith.constant 1 : i32
      %dma_wait3A_796 = arith.constant 1 : i32
      %dma_wait3A_797 = arith.constant 0 : i32
      %dma_wait3A_798 = arith.constant 0 : i32
      %dma_wait3A_799 = tpu.memref_slice %arg7[%dma_wait3A_796, %dma_wait3A_797, %dma_wait3A_798] : memref<32x50x32xf32, #tpu.memory_space<vmem>> -> memref<1x50x32xf32, #tpu.memory_space<vmem>>
      %dma_wait3A_800 = tpu.memref_squeeze %dma_wait3A_799 : memref<1x50x32xf32, #tpu.memory_space<vmem>> -> memref<50x32xf32, #tpu.memory_space<vmem>>
      %dma_wait3A_801 = arith.constant 0 : i32
      %dma_wait3A_802 = tpu.memref_slice %arg5[%dma_wait3A_795, %dma_wait3A_801] : memref<32x50xi32, #tpu.memory_space<vmem>> -> memref<1x50xi32, #tpu.memory_space<vmem>>
      %dma_wait3A_803 = tpu.memref_squeeze %dma_wait3A_802 : memref<1x50xi32, #tpu.memory_space<vmem>> -> memref<50xi32, #tpu.memory_space<vmem>>
      %dma_wait3A_804 = arith.constant 0 : i32
      %dma_wait3A_805 = arith.constant 0 : i32
      %dma_wait3A_806 = tpu.memref_slice %arg3[%dma_wait3A_804, %dma_wait3A_805] : memref<1000000x32xf32, #tpu.memory_space<hbm>> -> memref<1000000x32xf32, #tpu.memory_space<hbm>>
      tpu.wait_indirect_dma semaphore(%arg10 : memref<!tpu.dma_semaphore, #tpu.memory_space<semaphore_mem>>) src(%dma_wait3A_806 : memref<1000000x32xf32, #tpu.memory_space<hbm>>) dst(%dma_wait3A_800 : memref<50x32xf32, #tpu.memory_space<vmem>>)
      %dma_wait3A_807 = arith.constant 2 : i32
      %dma_wait3A_808 = arith.constant 2 : i32
      %dma_wait3A_809 = arith.constant 0 : i32
      %dma_wait3A_810 = arith.constant 0 : i32
      %dma_wait3A_811 = tpu.memref_slice %arg7[%dma_wait3A_808, %dma_wait3A_809, %dma_wait3A_810] : memref<32x50x32xf32, #tpu.memory_space<vmem>> -> memref<1x50x32xf32, #tpu.memory_space<vmem>>
      %dma_wait3A_812 = tpu.memref_squeeze %dma_wait3A_811 : memref<1x50x32xf32, #tpu.memory_space<vmem>> -> memref<50x32xf32, #tpu.memory_space<vmem>>
      %dma_wait3A_813 = arith.constant 0 : i32
      %dma_wait3A_814 = tpu.memref_slice %arg5[%dma_wait3A_807, %dma_wait3A_813] : memref<32x50xi32, #tpu.memory_space<vmem>> -> memref<1x50xi32, #tpu.memory_space<vmem>>
      %dma_wait3A_815 = tpu.memref_squeeze %dma_wait3A_814 : memref<1x50xi32, #tpu.memory_space<vmem>> -> memref<50xi32, #tpu.memory_space<vmem>>
      %dma_wait3A_816 = arith.constant 0 : i32
      %dma_wait3A_817 = arith.constant 0 : i32
      %dma_wait3A_818 = tpu.memref_slice %arg3[%dma_wait3A_816, %dma_wait3A_817] : memref<1000000x32xf32, #tpu.memory_space<hbm>> -> memref<1000000x32xf32, #tpu.memory_space<hbm>>
      tpu.wait_indirect_dma semaphore(%arg10 : memref<!tpu.dma_semaphore, #tpu.memory_space<semaphore_mem>>) src(%dma_wait3A_818 : memref<1000000x32xf32, #tpu.memory_space<hbm>>) dst(%dma_wait3A_812 : memref<50x32xf32, #tpu.memory_space<vmem>>)
      %dma_wait3A_819 = arith.constant 3 : i32
      %dma_wait3A_820 = arith.constant 3 : i32
      %dma_wait3A_821 = arith.constant 0 : i32
      %dma_wait3A_822 = arith.constant 0 : i32
      %dma_wait3A_823 = tpu.memref_slice %arg7[%dma_wait3A_820, %dma_wait3A_821, %dma_wait3A_822] : memref<32x50x32xf32, #tpu.memory_space<vmem>> -> memref<1x50x32xf32, #tpu.memory_space<vmem>>
      %dma_wait3A_824 = tpu.memref_squeeze %dma_wait3A_823 : memref<1x50x32xf32, #tpu.memory_space<vmem>> -> memref<50x32xf32, #tpu.memory_space<vmem>>
      %dma_wait3A_825 = arith.constant 0 : i32
      %dma_wait3A_826 = tpu.memref_slice %arg5[%dma_wait3A_819, %dma_wait3A_825] : memref<32x50xi32, #tpu.memory_space<vmem>> -> memref<1x50xi32, #tpu.memory_space<vmem>>
      %dma_wait3A_827 = tpu.memref_squeeze %dma_wait3A_826 : memref<1x50xi32, #tpu.memory_space<vmem>> -> memref<50xi32, #tpu.memory_space<vmem>>
      %dma_wait3A_828 = arith.constant 0 : i32
      %dma_wait3A_829 = arith.constant 0 : i32
      %dma_wait3A_830 = tpu.memref_slice %arg3[%dma_wait3A_828, %dma_wait3A_829] : memref<1000000x32xf32, #tpu.memory_space<hbm>> -> memref<1000000x32xf32, #tpu.memory_space<hbm>>
      tpu.wait_indirect_dma semaphore(%arg10 : memref<!tpu.dma_semaphore, #tpu.memory_space<semaphore_mem>>) src(%dma_wait3A_830 : memref<1000000x32xf32, #tpu.memory_space<hbm>>) dst(%dma_wait3A_824 : memref<50x32xf32, #tpu.memory_space<vmem>>)
      %dma_wait3A_831 = arith.constant 4 : i32
      %dma_wait3A_832 = arith.constant 4 : i32
      %dma_wait3A_833 = arith.constant 0 : i32
      %dma_wait3A_834 = arith.constant 0 : i32
      %dma_wait3A_835 = tpu.memref_slice %arg7[%dma_wait3A_832, %dma_wait3A_833, %dma_wait3A_834] : memref<32x50x32xf32, #tpu.memory_space<vmem>> -> memref<1x50x32xf32, #tpu.memory_space<vmem>>
      %dma_wait3A_836 = tpu.memref_squeeze %dma_wait3A_835 : memref<1x50x32xf32, #tpu.memory_space<vmem>> -> memref<50x32xf32, #tpu.memory_space<vmem>>
      %dma_wait3A_837 = arith.constant 0 : i32
      %dma_wait3A_838 = tpu.memref_slice %arg5[%dma_wait3A_831, %dma_wait3A_837] : memref<32x50xi32, #tpu.memory_space<vmem>> -> memref<1x50xi32, #tpu.memory_space<vmem>>
      %dma_wait3A_839 = tpu.memref_squeeze %dma_wait3A_838 : memref<1x50xi32, #tpu.memory_space<vmem>> -> memref<50xi32, #tpu.memory_space<vmem>>
      %dma_wait3A_840 = arith.constant 0 : i32
      %dma_wait3A_841 = arith.constant 0 : i32
      %dma_wait3A_842 = tpu.memref_slice %arg3[%dma_wait3A_840, %dma_wait3A_841] : memref<1000000x32xf32, #tpu.memory_space<hbm>> -> memref<1000000x32xf32, #tpu.memory_space<hbm>>
      tpu.wait_indirect_dma semaphore(%arg10 : memref<!tpu.dma_semaphore, #tpu.memory_space<semaphore_mem>>) src(%dma_wait3A_842 : memref<1000000x32xf32, #tpu.memory_space<hbm>>) dst(%dma_wait3A_836 : memref<50x32xf32, #tpu.memory_space<vmem>>)
      %dma_wait3A_843 = arith.constant 5 : i32
      %dma_wait3A_844 = arith.constant 5 : i32
      %dma_wait3A_845 = arith.constant 0 : i32
      %dma_wait3A_846 = arith.constant 0 : i32
      %dma_wait3A_847 = tpu.memref_slice %arg7[%dma_wait3A_844, %dma_wait3A_845, %dma_wait3A_846] : memref<32x50x32xf32, #tpu.memory_space<vmem>> -> memref<1x50x32xf32, #tpu.memory_space<vmem>>
      %dma_wait3A_848 = tpu.memref_squeeze %dma_wait3A_847 : memref<1x50x32xf32, #tpu.memory_space<vmem>> -> memref<50x32xf32, #tpu.memory_space<vmem>>
      %dma_wait3A_849 = arith.constant 0 : i32
      %dma_wait3A_850 = tpu.memref_slice %arg5[%dma_wait3A_843, %dma_wait3A_849] : memref<32x50xi32, #tpu.memory_space<vmem>> -> memref<1x50xi32, #tpu.memory_space<vmem>>
      %dma_wait3A_851 = tpu.memref_squeeze %dma_wait3A_850 : memref<1x50xi32, #tpu.memory_space<vmem>> -> memref<50xi32, #tpu.memory_space<vmem>>
      %dma_wait3A_852 = arith.constant 0 : i32
      %dma_wait3A_853 = arith.constant 0 : i32
      %dma_wait3A_854 = tpu.memref_slice %arg3[%dma_wait3A_852, %dma_wait3A_853] : memref<1000000x32xf32, #tpu.memory_space<hbm>> -> memref<1000000x32xf32, #tpu.memory_space<hbm>>
      tpu.wait_indirect_dma semaphore(%arg10 : memref<!tpu.dma_semaphore, #tpu.memory_space<semaphore_mem>>) src(%dma_wait3A_854 : memref<1000000x32xf32, #tpu.memory_space<hbm>>) dst(%dma_wait3A_848 : memref<50x32xf32, #tpu.memory_space<vmem>>)
      %dma_wait3A_855 = arith.constant 6 : i32
      %dma_wait3A_856 = arith.constant 6 : i32
      %dma_wait3A_857 = arith.constant 0 : i32
      %dma_wait3A_858 = arith.constant 0 : i32
      %dma_wait3A_859 = tpu.memref_slice %arg7[%dma_wait3A_856, %dma_wait3A_857, %dma_wait3A_858] : memref<32x50x32xf32, #tpu.memory_space<vmem>> -> memref<1x50x32xf32, #tpu.memory_space<vmem>>
      %dma_wait3A_860 = tpu.memref_squeeze %dma_wait3A_859 : memref<1x50x32xf32, #tpu.memory_space<vmem>> -> memref<50x32xf32, #tpu.memory_space<vmem>>
      %dma_wait3A_861 = arith.constant 0 : i32
      %dma_wait3A_862 = tpu.memref_slice %arg5[%dma_wait3A_855, %dma_wait3A_861] : memref<32x50xi32, #tpu.memory_space<vmem>> -> memref<1x50xi32, #tpu.memory_space<vmem>>
      %dma_wait3A_863 = tpu.memref_squeeze %dma_wait3A_862 : memref<1x50xi32, #tpu.memory_space<vmem>> -> memref<50xi32, #tpu.memory_space<vmem>>
      %dma_wait3A_864 = arith.constant 0 : i32
      %dma_wait3A_865 = arith.constant 0 : i32
      %dma_wait3A_866 = tpu.memref_slice %arg3[%dma_wait3A_864, %dma_wait3A_865] : memref<1000000x32xf32, #tpu.memory_space<hbm>> -> memref<1000000x32xf32, #tpu.memory_space<hbm>>
      tpu.wait_indirect_dma semaphore(%arg10 : memref<!tpu.dma_semaphore, #tpu.memory_space<semaphore_mem>>) src(%dma_wait3A_866 : memref<1000000x32xf32, #tpu.memory_space<hbm>>) dst(%dma_wait3A_860 : memref<50x32xf32, #tpu.memory_space<vmem>>)
      %dma_wait3A_867 = arith.constant 7 : i32
      %dma_wait3A_868 = arith.constant 7 : i32
      %dma_wait3A_869 = arith.constant 0 : i32
      %dma_wait3A_870 = arith.constant 0 : i32
      %dma_wait3A_871 = tpu.memref_slice %arg7[%dma_wait3A_868, %dma_wait3A_869, %dma_wait3A_870] : memref<32x50x32xf32, #tpu.memory_space<vmem>> -> memref<1x50x32xf32, #tpu.memory_space<vmem>>
      %dma_wait3A_872 = tpu.memref_squeeze %dma_wait3A_871 : memref<1x50x32xf32, #tpu.memory_space<vmem>> -> memref<50x32xf32, #tpu.memory_space<vmem>>
      %dma_wait3A_873 = arith.constant 0 : i32
      %dma_wait3A_874 = tpu.memref_slice %arg5[%dma_wait3A_867, %dma_wait3A_873] : memref<32x50xi32, #tpu.memory_space<vmem>> -> memref<1x50xi32, #tpu.memory_space<vmem>>
      %dma_wait3A_875 = tpu.memref_squeeze %dma_wait3A_874 : memref<1x50xi32, #tpu.memory_space<vmem>> -> memref<50xi32, #tpu.memory_space<vmem>>
      %dma_wait3A_876 = arith.constant 0 : i32
      %dma_wait3A_877 = arith.constant 0 : i32
      %dma_wait3A_878 = tpu.memref_slice %arg3[%dma_wait3A_876, %dma_wait3A_877] : memref<1000000x32xf32, #tpu.memory_space<hbm>> -> memref<1000000x32xf32, #tpu.memory_space<hbm>>
      tpu.wait_indirect_dma semaphore(%arg10 : memref<!tpu.dma_semaphore, #tpu.memory_space<semaphore_mem>>) src(%dma_wait3A_878 : memref<1000000x32xf32, #tpu.memory_space<hbm>>) dst(%dma_wait3A_872 : memref<50x32xf32, #tpu.memory_space<vmem>>)
      %dma_wait3A_879 = arith.constant 8 : i32
      %dma_wait3A_880 = arith.constant 8 : i32
      %dma_wait3A_881 = arith.constant 0 : i32
      %dma_wait3A_882 = arith.constant 0 : i32
      %dma_wait3A_883 = tpu.memref_slice %arg7[%dma_wait3A_880, %dma_wait3A_881, %dma_wait3A_882] : memref<32x50x32xf32, #tpu.memory_space<vmem>> -> memref<1x50x32xf32, #tpu.memory_space<vmem>>
      %dma_wait3A_884 = tpu.memref_squeeze %dma_wait3A_883 : memref<1x50x32xf32, #tpu.memory_space<vmem>> -> memref<50x32xf32, #tpu.memory_space<vmem>>
      %dma_wait3A_885 = arith.constant 0 : i32
      %dma_wait3A_886 = tpu.memref_slice %arg5[%dma_wait3A_879, %dma_wait3A_885] : memref<32x50xi32, #tpu.memory_space<vmem>> -> memref<1x50xi32, #tpu.memory_space<vmem>>
      %dma_wait3A_887 = tpu.memref_squeeze %dma_wait3A_886 : memref<1x50xi32, #tpu.memory_space<vmem>> -> memref<50xi32, #tpu.memory_space<vmem>>
      %dma_wait3A_888 = arith.constant 0 : i32
      %dma_wait3A_889 = arith.constant 0 : i32
      %dma_wait3A_890 = tpu.memref_slice %arg3[%dma_wait3A_888, %dma_wait3A_889] : memref<1000000x32xf32, #tpu.memory_space<hbm>> -> memref<1000000x32xf32, #tpu.memory_space<hbm>>
      tpu.wait_indirect_dma semaphore(%arg10 : memref<!tpu.dma_semaphore, #tpu.memory_space<semaphore_mem>>) src(%dma_wait3A_890 : memref<1000000x32xf32, #tpu.memory_space<hbm>>) dst(%dma_wait3A_884 : memref<50x32xf32, #tpu.memory_space<vmem>>)
      %dma_wait3A_891 = arith.constant 9 : i32
      %dma_wait3A_892 = arith.constant 9 : i32
      %dma_wait3A_893 = arith.constant 0 : i32
      %dma_wait3A_894 = arith.constant 0 : i32
      %dma_wait3A_895 = tpu.memref_slice %arg7[%dma_wait3A_892, %dma_wait3A_893, %dma_wait3A_894] : memref<32x50x32xf32, #tpu.memory_space<vmem>> -> memref<1x50x32xf32, #tpu.memory_space<vmem>>
      %dma_wait3A_896 = tpu.memref_squeeze %dma_wait3A_895 : memref<1x50x32xf32, #tpu.memory_space<vmem>> -> memref<50x32xf32, #tpu.memory_space<vmem>>
      %dma_wait3A_897 = arith.constant 0 : i32
      %dma_wait3A_898 = tpu.memref_slice %arg5[%dma_wait3A_891, %dma_wait3A_897] : memref<32x50xi32, #tpu.memory_space<vmem>> -> memref<1x50xi32, #tpu.memory_space<vmem>>
      %dma_wait3A_899 = tpu.memref_squeeze %dma_wait3A_898 : memref<1x50xi32, #tpu.memory_space<vmem>> -> memref<50xi32, #tpu.memory_space<vmem>>
      %dma_wait3A_900 = arith.constant 0 : i32
      %dma_wait3A_901 = arith.constant 0 : i32
      %dma_wait3A_902 = tpu.memref_slice %arg3[%dma_wait3A_900, %dma_wait3A_901] : memref<1000000x32xf32, #tpu.memory_space<hbm>> -> memref<1000000x32xf32, #tpu.memory_space<hbm>>
      tpu.wait_indirect_dma semaphore(%arg10 : memref<!tpu.dma_semaphore, #tpu.memory_space<semaphore_mem>>) src(%dma_wait3A_902 : memref<1000000x32xf32, #tpu.memory_space<hbm>>) dst(%dma_wait3A_896 : memref<50x32xf32, #tpu.memory_space<vmem>>)
      %dma_wait3A_903 = arith.constant 10 : i32
      %dma_wait3A_904 = arith.constant 10 : i32
      %dma_wait3A_905 = arith.constant 0 : i32
      %dma_wait3A_906 = arith.constant 0 : i32
      %dma_wait3A_907 = tpu.memref_slice %arg7[%dma_wait3A_904, %dma_wait3A_905, %dma_wait3A_906] : memref<32x50x32xf32, #tpu.memory_space<vmem>> -> memref<1x50x32xf32, #tpu.memory_space<vmem>>
      %dma_wait3A_908 = tpu.memref_squeeze %dma_wait3A_907 : memref<1x50x32xf32, #tpu.memory_space<vmem>> -> memref<50x32xf32, #tpu.memory_space<vmem>>
      %dma_wait3A_909 = arith.constant 0 : i32
      %dma_wait3A_910 = tpu.memref_slice %arg5[%dma_wait3A_903, %dma_wait3A_909] : memref<32x50xi32, #tpu.memory_space<vmem>> -> memref<1x50xi32, #tpu.memory_space<vmem>>
      %dma_wait3A_911 = tpu.memref_squeeze %dma_wait3A_910 : memref<1x50xi32, #tpu.memory_space<vmem>> -> memref<50xi32, #tpu.memory_space<vmem>>
      %dma_wait3A_912 = arith.constant 0 : i32
      %dma_wait3A_913 = arith.constant 0 : i32
      %dma_wait3A_914 = tpu.memref_slice %arg3[%dma_wait3A_912, %dma_wait3A_913] : memref<1000000x32xf32, #tpu.memory_space<hbm>> -> memref<1000000x32xf32, #tpu.memory_space<hbm>>
      tpu.wait_indirect_dma semaphore(%arg10 : memref<!tpu.dma_semaphore, #tpu.memory_space<semaphore_mem>>) src(%dma_wait3A_914 : memref<1000000x32xf32, #tpu.memory_space<hbm>>) dst(%dma_wait3A_908 : memref<50x32xf32, #tpu.memory_space<vmem>>)
      %dma_wait3A_915 = arith.constant 11 : i32
      %dma_wait3A_916 = arith.constant 11 : i32
      %dma_wait3A_917 = arith.constant 0 : i32
      %dma_wait3A_918 = arith.constant 0 : i32
      %dma_wait3A_919 = tpu.memref_slice %arg7[%dma_wait3A_916, %dma_wait3A_917, %dma_wait3A_918] : memref<32x50x32xf32, #tpu.memory_space<vmem>> -> memref<1x50x32xf32, #tpu.memory_space<vmem>>
      %dma_wait3A_920 = tpu.memref_squeeze %dma_wait3A_919 : memref<1x50x32xf32, #tpu.memory_space<vmem>> -> memref<50x32xf32, #tpu.memory_space<vmem>>
      %dma_wait3A_921 = arith.constant 0 : i32
      %dma_wait3A_922 = tpu.memref_slice %arg5[%dma_wait3A_915, %dma_wait3A_921] : memref<32x50xi32, #tpu.memory_space<vmem>> -> memref<1x50xi32, #tpu.memory_space<vmem>>
      %dma_wait3A_923 = tpu.memref_squeeze %dma_wait3A_922 : memref<1x50xi32, #tpu.memory_space<vmem>> -> memref<50xi32, #tpu.memory_space<vmem>>
      %dma_wait3A_924 = arith.constant 0 : i32
      %dma_wait3A_925 = arith.constant 0 : i32
      %dma_wait3A_926 = tpu.memref_slice %arg3[%dma_wait3A_924, %dma_wait3A_925] : memref<1000000x32xf32, #tpu.memory_space<hbm>> -> memref<1000000x32xf32, #tpu.memory_space<hbm>>
      tpu.wait_indirect_dma semaphore(%arg10 : memref<!tpu.dma_semaphore, #tpu.memory_space<semaphore_mem>>) src(%dma_wait3A_926 : memref<1000000x32xf32, #tpu.memory_space<hbm>>) dst(%dma_wait3A_920 : memref<50x32xf32, #tpu.memory_space<vmem>>)
      %dma_wait3A_927 = arith.constant 12 : i32
      %dma_wait3A_928 = arith.constant 12 : i32
      %dma_wait3A_929 = arith.constant 0 : i32
      %dma_wait3A_930 = arith.constant 0 : i32
      %dma_wait3A_931 = tpu.memref_slice %arg7[%dma_wait3A_928, %dma_wait3A_929, %dma_wait3A_930] : memref<32x50x32xf32, #tpu.memory_space<vmem>> -> memref<1x50x32xf32, #tpu.memory_space<vmem>>
      %dma_wait3A_932 = tpu.memref_squeeze %dma_wait3A_931 : memref<1x50x32xf32, #tpu.memory_space<vmem>> -> memref<50x32xf32, #tpu.memory_space<vmem>>
      %dma_wait3A_933 = arith.constant 0 : i32
      %dma_wait3A_934 = tpu.memref_slice %arg5[%dma_wait3A_927, %dma_wait3A_933] : memref<32x50xi32, #tpu.memory_space<vmem>> -> memref<1x50xi32, #tpu.memory_space<vmem>>
      %dma_wait3A_935 = tpu.memref_squeeze %dma_wait3A_934 : memref<1x50xi32, #tpu.memory_space<vmem>> -> memref<50xi32, #tpu.memory_space<vmem>>
      %dma_wait3A_936 = arith.constant 0 : i32
      %dma_wait3A_937 = arith.constant 0 : i32
      %dma_wait3A_938 = tpu.memref_slice %arg3[%dma_wait3A_936, %dma_wait3A_937] : memref<1000000x32xf32, #tpu.memory_space<hbm>> -> memref<1000000x32xf32, #tpu.memory_space<hbm>>
      tpu.wait_indirect_dma semaphore(%arg10 : memref<!tpu.dma_semaphore, #tpu.memory_space<semaphore_mem>>) src(%dma_wait3A_938 : memref<1000000x32xf32, #tpu.memory_space<hbm>>) dst(%dma_wait3A_932 : memref<50x32xf32, #tpu.memory_space<vmem>>)
      %dma_wait3A_939 = arith.constant 13 : i32
      %dma_wait3A_940 = arith.constant 13 : i32
      %dma_wait3A_941 = arith.constant 0 : i32
      %dma_wait3A_942 = arith.constant 0 : i32
      %dma_wait3A_943 = tpu.memref_slice %arg7[%dma_wait3A_940, %dma_wait3A_941, %dma_wait3A_942] : memref<32x50x32xf32, #tpu.memory_space<vmem>> -> memref<1x50x32xf32, #tpu.memory_space<vmem>>
      %dma_wait3A_944 = tpu.memref_squeeze %dma_wait3A_943 : memref<1x50x32xf32, #tpu.memory_space<vmem>> -> memref<50x32xf32, #tpu.memory_space<vmem>>
      %dma_wait3A_945 = arith.constant 0 : i32
      %dma_wait3A_946 = tpu.memref_slice %arg5[%dma_wait3A_939, %dma_wait3A_945] : memref<32x50xi32, #tpu.memory_space<vmem>> -> memref<1x50xi32, #tpu.memory_space<vmem>>
      %dma_wait3A_947 = tpu.memref_squeeze %dma_wait3A_946 : memref<1x50xi32, #tpu.memory_space<vmem>> -> memref<50xi32, #tpu.memory_space<vmem>>
      %dma_wait3A_948 = arith.constant 0 : i32
      %dma_wait3A_949 = arith.constant 0 : i32
      %dma_wait3A_950 = tpu.memref_slice %arg3[%dma_wait3A_948, %dma_wait3A_949] : memref<1000000x32xf32, #tpu.memory_space<hbm>> -> memref<1000000x32xf32, #tpu.memory_space<hbm>>
      tpu.wait_indirect_dma semaphore(%arg10 : memref<!tpu.dma_semaphore, #tpu.memory_space<semaphore_mem>>) src(%dma_wait3A_950 : memref<1000000x32xf32, #tpu.memory_space<hbm>>) dst(%dma_wait3A_944 : memref<50x32xf32, #tpu.memory_space<vmem>>)
      %dma_wait3A_951 = arith.constant 14 : i32
      %dma_wait3A_952 = arith.constant 14 : i32
      %dma_wait3A_953 = arith.constant 0 : i32
      %dma_wait3A_954 = arith.constant 0 : i32
      %dma_wait3A_955 = tpu.memref_slice %arg7[%dma_wait3A_952, %dma_wait3A_953, %dma_wait3A_954] : memref<32x50x32xf32, #tpu.memory_space<vmem>> -> memref<1x50x32xf32, #tpu.memory_space<vmem>>
      %dma_wait3A_956 = tpu.memref_squeeze %dma_wait3A_955 : memref<1x50x32xf32, #tpu.memory_space<vmem>> -> memref<50x32xf32, #tpu.memory_space<vmem>>
      %dma_wait3A_957 = arith.constant 0 : i32
      %dma_wait3A_958 = tpu.memref_slice %arg5[%dma_wait3A_951, %dma_wait3A_957] : memref<32x50xi32, #tpu.memory_space<vmem>> -> memref<1x50xi32, #tpu.memory_space<vmem>>
      %dma_wait3A_959 = tpu.memref_squeeze %dma_wait3A_958 : memref<1x50xi32, #tpu.memory_space<vmem>> -> memref<50xi32, #tpu.memory_space<vmem>>
      %dma_wait3A_960 = arith.constant 0 : i32
      %dma_wait3A_961 = arith.constant 0 : i32
      %dma_wait3A_962 = tpu.memref_slice %arg3[%dma_wait3A_960, %dma_wait3A_961] : memref<1000000x32xf32, #tpu.memory_space<hbm>> -> memref<1000000x32xf32, #tpu.memory_space<hbm>>
      tpu.wait_indirect_dma semaphore(%arg10 : memref<!tpu.dma_semaphore, #tpu.memory_space<semaphore_mem>>) src(%dma_wait3A_962 : memref<1000000x32xf32, #tpu.memory_space<hbm>>) dst(%dma_wait3A_956 : memref<50x32xf32, #tpu.memory_space<vmem>>)
      %dma_wait3A_963 = arith.constant 15 : i32
      %dma_wait3A_964 = arith.constant 15 : i32
      %dma_wait3A_965 = arith.constant 0 : i32
      %dma_wait3A_966 = arith.constant 0 : i32
      %dma_wait3A_967 = tpu.memref_slice %arg7[%dma_wait3A_964, %dma_wait3A_965, %dma_wait3A_966] : memref<32x50x32xf32, #tpu.memory_space<vmem>> -> memref<1x50x32xf32, #tpu.memory_space<vmem>>
      %dma_wait3A_968 = tpu.memref_squeeze %dma_wait3A_967 : memref<1x50x32xf32, #tpu.memory_space<vmem>> -> memref<50x32xf32, #tpu.memory_space<vmem>>
      %dma_wait3A_969 = arith.constant 0 : i32
      %dma_wait3A_970 = tpu.memref_slice %arg5[%dma_wait3A_963, %dma_wait3A_969] : memref<32x50xi32, #tpu.memory_space<vmem>> -> memref<1x50xi32, #tpu.memory_space<vmem>>
      %dma_wait3A_971 = tpu.memref_squeeze %dma_wait3A_970 : memref<1x50xi32, #tpu.memory_space<vmem>> -> memref<50xi32, #tpu.memory_space<vmem>>
      %dma_wait3A_972 = arith.constant 0 : i32
      %dma_wait3A_973 = arith.constant 0 : i32
      %dma_wait3A_974 = tpu.memref_slice %arg3[%dma_wait3A_972, %dma_wait3A_973] : memref<1000000x32xf32, #tpu.memory_space<hbm>> -> memref<1000000x32xf32, #tpu.memory_space<hbm>>
      tpu.wait_indirect_dma semaphore(%arg10 : memref<!tpu.dma_semaphore, #tpu.memory_space<semaphore_mem>>) src(%dma_wait3A_974 : memref<1000000x32xf32, #tpu.memory_space<hbm>>) dst(%dma_wait3A_968 : memref<50x32xf32, #tpu.memory_space<vmem>>)
      %dma_wait3A_975 = arith.constant 16 : i32
      %dma_wait3A_976 = arith.constant 16 : i32
      %dma_wait3A_977 = arith.constant 0 : i32
      %dma_wait3A_978 = arith.constant 0 : i32
      %dma_wait3A_979 = tpu.memref_slice %arg7[%dma_wait3A_976, %dma_wait3A_977, %dma_wait3A_978] : memref<32x50x32xf32, #tpu.memory_space<vmem>> -> memref<1x50x32xf32, #tpu.memory_space<vmem>>
      %dma_wait3A_980 = tpu.memref_squeeze %dma_wait3A_979 : memref<1x50x32xf32, #tpu.memory_space<vmem>> -> memref<50x32xf32, #tpu.memory_space<vmem>>
      %dma_wait3A_981 = arith.constant 0 : i32
      %dma_wait3A_982 = tpu.memref_slice %arg5[%dma_wait3A_975, %dma_wait3A_981] : memref<32x50xi32, #tpu.memory_space<vmem>> -> memref<1x50xi32, #tpu.memory_space<vmem>>
      %dma_wait3A_983 = tpu.memref_squeeze %dma_wait3A_982 : memref<1x50xi32, #tpu.memory_space<vmem>> -> memref<50xi32, #tpu.memory_space<vmem>>
      %dma_wait3A_984 = arith.constant 0 : i32
      %dma_wait3A_985 = arith.constant 0 : i32
      %dma_wait3A_986 = tpu.memref_slice %arg3[%dma_wait3A_984, %dma_wait3A_985] : memref<1000000x32xf32, #tpu.memory_space<hbm>> -> memref<1000000x32xf32, #tpu.memory_space<hbm>>
      tpu.wait_indirect_dma semaphore(%arg10 : memref<!tpu.dma_semaphore, #tpu.memory_space<semaphore_mem>>) src(%dma_wait3A_986 : memref<1000000x32xf32, #tpu.memory_space<hbm>>) dst(%dma_wait3A_980 : memref<50x32xf32, #tpu.memory_space<vmem>>)
      %dma_wait3A_987 = arith.constant 17 : i32
      %dma_wait3A_988 = arith.constant 17 : i32
      %dma_wait3A_989 = arith.constant 0 : i32
      %dma_wait3A_990 = arith.constant 0 : i32
      %dma_wait3A_991 = tpu.memref_slice %arg7[%dma_wait3A_988, %dma_wait3A_989, %dma_wait3A_990] : memref<32x50x32xf32, #tpu.memory_space<vmem>> -> memref<1x50x32xf32, #tpu.memory_space<vmem>>
      %dma_wait3A_992 = tpu.memref_squeeze %dma_wait3A_991 : memref<1x50x32xf32, #tpu.memory_space<vmem>> -> memref<50x32xf32, #tpu.memory_space<vmem>>
      %dma_wait3A_993 = arith.constant 0 : i32
      %dma_wait3A_994 = tpu.memref_slice %arg5[%dma_wait3A_987, %dma_wait3A_993] : memref<32x50xi32, #tpu.memory_space<vmem>> -> memref<1x50xi32, #tpu.memory_space<vmem>>
      %dma_wait3A_995 = tpu.memref_squeeze %dma_wait3A_994 : memref<1x50xi32, #tpu.memory_space<vmem>> -> memref<50xi32, #tpu.memory_space<vmem>>
      %dma_wait3A_996 = arith.constant 0 : i32
      %dma_wait3A_997 = arith.constant 0 : i32
      %dma_wait3A_998 = tpu.memref_slice %arg3[%dma_wait3A_996, %dma_wait3A_997] : memref<1000000x32xf32, #tpu.memory_space<hbm>> -> memref<1000000x32xf32, #tpu.memory_space<hbm>>
      tpu.wait_indirect_dma semaphore(%arg10 : memref<!tpu.dma_semaphore, #tpu.memory_space<semaphore_mem>>) src(%dma_wait3A_998 : memref<1000000x32xf32, #tpu.memory_space<hbm>>) dst(%dma_wait3A_992 : memref<50x32xf32, #tpu.memory_space<vmem>>)
      %dma_wait3A_999 = arith.constant 18 : i32
      %dma_wait3A_1000 = arith.constant 18 : i32
      %dma_wait3A_1001 = arith.constant 0 : i32
      %dma_wait3A_1002 = arith.constant 0 : i32
      %dma_wait3A_1003 = tpu.memref_slice %arg7[%dma_wait3A_1000, %dma_wait3A_1001, %dma_wait3A_1002] : memref<32x50x32xf32, #tpu.memory_space<vmem>> -> memref<1x50x32xf32, #tpu.memory_space<vmem>>
      %dma_wait3A_1004 = tpu.memref_squeeze %dma_wait3A_1003 : memref<1x50x32xf32, #tpu.memory_space<vmem>> -> memref<50x32xf32, #tpu.memory_space<vmem>>
      %dma_wait3A_1005 = arith.constant 0 : i32
      %dma_wait3A_1006 = tpu.memref_slice %arg5[%dma_wait3A_999, %dma_wait3A_1005] : memref<32x50xi32, #tpu.memory_space<vmem>> -> memref<1x50xi32, #tpu.memory_space<vmem>>
      %dma_wait3A_1007 = tpu.memref_squeeze %dma_wait3A_1006 : memref<1x50xi32, #tpu.memory_space<vmem>> -> memref<50xi32, #tpu.memory_space<vmem>>
      %dma_wait3A_1008 = arith.constant 0 : i32
      %dma_wait3A_1009 = arith.constant 0 : i32
      %dma_wait3A_1010 = tpu.memref_slice %arg3[%dma_wait3A_1008, %dma_wait3A_1009] : memref<1000000x32xf32, #tpu.memory_space<hbm>> -> memref<1000000x32xf32, #tpu.memory_space<hbm>>
      tpu.wait_indirect_dma semaphore(%arg10 : memref<!tpu.dma_semaphore, #tpu.memory_space<semaphore_mem>>) src(%dma_wait3A_1010 : memref<1000000x32xf32, #tpu.memory_space<hbm>>) dst(%dma_wait3A_1004 : memref<50x32xf32, #tpu.memory_space<vmem>>)
      %dma_wait3A_1011 = arith.constant 19 : i32
      %dma_wait3A_1012 = arith.constant 19 : i32
      %dma_wait3A_1013 = arith.constant 0 : i32
      %dma_wait3A_1014 = arith.constant 0 : i32
      %dma_wait3A_1015 = tpu.memref_slice %arg7[%dma_wait3A_1012, %dma_wait3A_1013, %dma_wait3A_1014] : memref<32x50x32xf32, #tpu.memory_space<vmem>> -> memref<1x50x32xf32, #tpu.memory_space<vmem>>
      %dma_wait3A_1016 = tpu.memref_squeeze %dma_wait3A_1015 : memref<1x50x32xf32, #tpu.memory_space<vmem>> -> memref<50x32xf32, #tpu.memory_space<vmem>>
      %dma_wait3A_1017 = arith.constant 0 : i32
      %dma_wait3A_1018 = tpu.memref_slice %arg5[%dma_wait3A_1011, %dma_wait3A_1017] : memref<32x50xi32, #tpu.memory_space<vmem>> -> memref<1x50xi32, #tpu.memory_space<vmem>>
      %dma_wait3A_1019 = tpu.memref_squeeze %dma_wait3A_1018 : memref<1x50xi32, #tpu.memory_space<vmem>> -> memref<50xi32, #tpu.memory_space<vmem>>
      %dma_wait3A_1020 = arith.constant 0 : i32
      %dma_wait3A_1021 = arith.constant 0 : i32
      %dma_wait3A_1022 = tpu.memref_slice %arg3[%dma_wait3A_1020, %dma_wait3A_1021] : memref<1000000x32xf32, #tpu.memory_space<hbm>> -> memref<1000000x32xf32, #tpu.memory_space<hbm>>
      tpu.wait_indirect_dma semaphore(%arg10 : memref<!tpu.dma_semaphore, #tpu.memory_space<semaphore_mem>>) src(%dma_wait3A_1022 : memref<1000000x32xf32, #tpu.memory_space<hbm>>) dst(%dma_wait3A_1016 : memref<50x32xf32, #tpu.memory_space<vmem>>)
      %dma_wait3A_1023 = arith.constant 20 : i32
      %dma_wait3A_1024 = arith.constant 20 : i32
      %dma_wait3A_1025 = arith.constant 0 : i32
      %dma_wait3A_1026 = arith.constant 0 : i32
      %dma_wait3A_1027 = tpu.memref_slice %arg7[%dma_wait3A_1024, %dma_wait3A_1025, %dma_wait3A_1026] : memref<32x50x32xf32, #tpu.memory_space<vmem>> -> memref<1x50x32xf32, #tpu.memory_space<vmem>>
      %dma_wait3A_1028 = tpu.memref_squeeze %dma_wait3A_1027 : memref<1x50x32xf32, #tpu.memory_space<vmem>> -> memref<50x32xf32, #tpu.memory_space<vmem>>
      %dma_wait3A_1029 = arith.constant 0 : i32
      %dma_wait3A_1030 = tpu.memref_slice %arg5[%dma_wait3A_1023, %dma_wait3A_1029] : memref<32x50xi32, #tpu.memory_space<vmem>> -> memref<1x50xi32, #tpu.memory_space<vmem>>
      %dma_wait3A_1031 = tpu.memref_squeeze %dma_wait3A_1030 : memref<1x50xi32, #tpu.memory_space<vmem>> -> memref<50xi32, #tpu.memory_space<vmem>>
      %dma_wait3A_1032 = arith.constant 0 : i32
      %dma_wait3A_1033 = arith.constant 0 : i32
      %dma_wait3A_1034 = tpu.memref_slice %arg3[%dma_wait3A_1032, %dma_wait3A_1033] : memref<1000000x32xf32, #tpu.memory_space<hbm>> -> memref<1000000x32xf32, #tpu.memory_space<hbm>>
      tpu.wait_indirect_dma semaphore(%arg10 : memref<!tpu.dma_semaphore, #tpu.memory_space<semaphore_mem>>) src(%dma_wait3A_1034 : memref<1000000x32xf32, #tpu.memory_space<hbm>>) dst(%dma_wait3A_1028 : memref<50x32xf32, #tpu.memory_space<vmem>>)
      %dma_wait3A_1035 = arith.constant 21 : i32
      %dma_wait3A_1036 = arith.constant 21 : i32
      %dma_wait3A_1037 = arith.constant 0 : i32
      %dma_wait3A_1038 = arith.constant 0 : i32
      %dma_wait3A_1039 = tpu.memref_slice %arg7[%dma_wait3A_1036, %dma_wait3A_1037, %dma_wait3A_1038] : memref<32x50x32xf32, #tpu.memory_space<vmem>> -> memref<1x50x32xf32, #tpu.memory_space<vmem>>
      %dma_wait3A_1040 = tpu.memref_squeeze %dma_wait3A_1039 : memref<1x50x32xf32, #tpu.memory_space<vmem>> -> memref<50x32xf32, #tpu.memory_space<vmem>>
      %dma_wait3A_1041 = arith.constant 0 : i32
      %dma_wait3A_1042 = tpu.memref_slice %arg5[%dma_wait3A_1035, %dma_wait3A_1041] : memref<32x50xi32, #tpu.memory_space<vmem>> -> memref<1x50xi32, #tpu.memory_space<vmem>>
      %dma_wait3A_1043 = tpu.memref_squeeze %dma_wait3A_1042 : memref<1x50xi32, #tpu.memory_space<vmem>> -> memref<50xi32, #tpu.memory_space<vmem>>
      %dma_wait3A_1044 = arith.constant 0 : i32
      %dma_wait3A_1045 = arith.constant 0 : i32
      %dma_wait3A_1046 = tpu.memref_slice %arg3[%dma_wait3A_1044, %dma_wait3A_1045] : memref<1000000x32xf32, #tpu.memory_space<hbm>> -> memref<1000000x32xf32, #tpu.memory_space<hbm>>
      tpu.wait_indirect_dma semaphore(%arg10 : memref<!tpu.dma_semaphore, #tpu.memory_space<semaphore_mem>>) src(%dma_wait3A_1046 : memref<1000000x32xf32, #tpu.memory_space<hbm>>) dst(%dma_wait3A_1040 : memref<50x32xf32, #tpu.memory_space<vmem>>)
      %dma_wait3A_1047 = arith.constant 22 : i32
      %dma_wait3A_1048 = arith.constant 22 : i32
      %dma_wait3A_1049 = arith.constant 0 : i32
      %dma_wait3A_1050 = arith.constant 0 : i32
      %dma_wait3A_1051 = tpu.memref_slice %arg7[%dma_wait3A_1048, %dma_wait3A_1049, %dma_wait3A_1050] : memref<32x50x32xf32, #tpu.memory_space<vmem>> -> memref<1x50x32xf32, #tpu.memory_space<vmem>>
      %dma_wait3A_1052 = tpu.memref_squeeze %dma_wait3A_1051 : memref<1x50x32xf32, #tpu.memory_space<vmem>> -> memref<50x32xf32, #tpu.memory_space<vmem>>
      %dma_wait3A_1053 = arith.constant 0 : i32
      %dma_wait3A_1054 = tpu.memref_slice %arg5[%dma_wait3A_1047, %dma_wait3A_1053] : memref<32x50xi32, #tpu.memory_space<vmem>> -> memref<1x50xi32, #tpu.memory_space<vmem>>
      %dma_wait3A_1055 = tpu.memref_squeeze %dma_wait3A_1054 : memref<1x50xi32, #tpu.memory_space<vmem>> -> memref<50xi32, #tpu.memory_space<vmem>>
      %dma_wait3A_1056 = arith.constant 0 : i32
      %dma_wait3A_1057 = arith.constant 0 : i32
      %dma_wait3A_1058 = tpu.memref_slice %arg3[%dma_wait3A_1056, %dma_wait3A_1057] : memref<1000000x32xf32, #tpu.memory_space<hbm>> -> memref<1000000x32xf32, #tpu.memory_space<hbm>>
      tpu.wait_indirect_dma semaphore(%arg10 : memref<!tpu.dma_semaphore, #tpu.memory_space<semaphore_mem>>) src(%dma_wait3A_1058 : memref<1000000x32xf32, #tpu.memory_space<hbm>>) dst(%dma_wait3A_1052 : memref<50x32xf32, #tpu.memory_space<vmem>>)
      %dma_wait3A_1059 = arith.constant 23 : i32
      %dma_wait3A_1060 = arith.constant 23 : i32
      %dma_wait3A_1061 = arith.constant 0 : i32
      %dma_wait3A_1062 = arith.constant 0 : i32
      %dma_wait3A_1063 = tpu.memref_slice %arg7[%dma_wait3A_1060, %dma_wait3A_1061, %dma_wait3A_1062] : memref<32x50x32xf32, #tpu.memory_space<vmem>> -> memref<1x50x32xf32, #tpu.memory_space<vmem>>
      %dma_wait3A_1064 = tpu.memref_squeeze %dma_wait3A_1063 : memref<1x50x32xf32, #tpu.memory_space<vmem>> -> memref<50x32xf32, #tpu.memory_space<vmem>>
      %dma_wait3A_1065 = arith.constant 0 : i32
      %dma_wait3A_1066 = tpu.memref_slice %arg5[%dma_wait3A_1059, %dma_wait3A_1065] : memref<32x50xi32, #tpu.memory_space<vmem>> -> memref<1x50xi32, #tpu.memory_space<vmem>>
      %dma_wait3A_1067 = tpu.memref_squeeze %dma_wait3A_1066 : memref<1x50xi32, #tpu.memory_space<vmem>> -> memref<50xi32, #tpu.memory_space<vmem>>
      %dma_wait3A_1068 = arith.constant 0 : i32
      %dma_wait3A_1069 = arith.constant 0 : i32
      %dma_wait3A_1070 = tpu.memref_slice %arg3[%dma_wait3A_1068, %dma_wait3A_1069] : memref<1000000x32xf32, #tpu.memory_space<hbm>> -> memref<1000000x32xf32, #tpu.memory_space<hbm>>
      tpu.wait_indirect_dma semaphore(%arg10 : memref<!tpu.dma_semaphore, #tpu.memory_space<semaphore_mem>>) src(%dma_wait3A_1070 : memref<1000000x32xf32, #tpu.memory_space<hbm>>) dst(%dma_wait3A_1064 : memref<50x32xf32, #tpu.memory_space<vmem>>)
      %dma_wait3A_1071 = arith.constant 24 : i32
      %dma_wait3A_1072 = arith.constant 24 : i32
      %dma_wait3A_1073 = arith.constant 0 : i32
      %dma_wait3A_1074 = arith.constant 0 : i32
      %dma_wait3A_1075 = tpu.memref_slice %arg7[%dma_wait3A_1072, %dma_wait3A_1073, %dma_wait3A_1074] : memref<32x50x32xf32, #tpu.memory_space<vmem>> -> memref<1x50x32xf32, #tpu.memory_space<vmem>>
      %dma_wait3A_1076 = tpu.memref_squeeze %dma_wait3A_1075 : memref<1x50x32xf32, #tpu.memory_space<vmem>> -> memref<50x32xf32, #tpu.memory_space<vmem>>
      %dma_wait3A_1077 = arith.constant 0 : i32
      %dma_wait3A_1078 = tpu.memref_slice %arg5[%dma_wait3A_1071, %dma_wait3A_1077] : memref<32x50xi32, #tpu.memory_space<vmem>> -> memref<1x50xi32, #tpu.memory_space<vmem>>
      %dma_wait3A_1079 = tpu.memref_squeeze %dma_wait3A_1078 : memref<1x50xi32, #tpu.memory_space<vmem>> -> memref<50xi32, #tpu.memory_space<vmem>>
      %dma_wait3A_1080 = arith.constant 0 : i32
      %dma_wait3A_1081 = arith.constant 0 : i32
      %dma_wait3A_1082 = tpu.memref_slice %arg3[%dma_wait3A_1080, %dma_wait3A_1081] : memref<1000000x32xf32, #tpu.memory_space<hbm>> -> memref<1000000x32xf32, #tpu.memory_space<hbm>>
      tpu.wait_indirect_dma semaphore(%arg10 : memref<!tpu.dma_semaphore, #tpu.memory_space<semaphore_mem>>) src(%dma_wait3A_1082 : memref<1000000x32xf32, #tpu.memory_space<hbm>>) dst(%dma_wait3A_1076 : memref<50x32xf32, #tpu.memory_space<vmem>>)
      %dma_wait3A_1083 = arith.constant 25 : i32
      %dma_wait3A_1084 = arith.constant 25 : i32
      %dma_wait3A_1085 = arith.constant 0 : i32
      %dma_wait3A_1086 = arith.constant 0 : i32
      %dma_wait3A_1087 = tpu.memref_slice %arg7[%dma_wait3A_1084, %dma_wait3A_1085, %dma_wait3A_1086] : memref<32x50x32xf32, #tpu.memory_space<vmem>> -> memref<1x50x32xf32, #tpu.memory_space<vmem>>
      %dma_wait3A_1088 = tpu.memref_squeeze %dma_wait3A_1087 : memref<1x50x32xf32, #tpu.memory_space<vmem>> -> memref<50x32xf32, #tpu.memory_space<vmem>>
      %dma_wait3A_1089 = arith.constant 0 : i32
      %dma_wait3A_1090 = tpu.memref_slice %arg5[%dma_wait3A_1083, %dma_wait3A_1089] : memref<32x50xi32, #tpu.memory_space<vmem>> -> memref<1x50xi32, #tpu.memory_space<vmem>>
      %dma_wait3A_1091 = tpu.memref_squeeze %dma_wait3A_1090 : memref<1x50xi32, #tpu.memory_space<vmem>> -> memref<50xi32, #tpu.memory_space<vmem>>
      %dma_wait3A_1092 = arith.constant 0 : i32
      %dma_wait3A_1093 = arith.constant 0 : i32
      %dma_wait3A_1094 = tpu.memref_slice %arg3[%dma_wait3A_1092, %dma_wait3A_1093] : memref<1000000x32xf32, #tpu.memory_space<hbm>> -> memref<1000000x32xf32, #tpu.memory_space<hbm>>
      tpu.wait_indirect_dma semaphore(%arg10 : memref<!tpu.dma_semaphore, #tpu.memory_space<semaphore_mem>>) src(%dma_wait3A_1094 : memref<1000000x32xf32, #tpu.memory_space<hbm>>) dst(%dma_wait3A_1088 : memref<50x32xf32, #tpu.memory_space<vmem>>)
      %dma_wait3A_1095 = arith.constant 26 : i32
      %dma_wait3A_1096 = arith.constant 26 : i32
      %dma_wait3A_1097 = arith.constant 0 : i32
      %dma_wait3A_1098 = arith.constant 0 : i32
      %dma_wait3A_1099 = tpu.memref_slice %arg7[%dma_wait3A_1096, %dma_wait3A_1097, %dma_wait3A_1098] : memref<32x50x32xf32, #tpu.memory_space<vmem>> -> memref<1x50x32xf32, #tpu.memory_space<vmem>>
      %dma_wait3A_1100 = tpu.memref_squeeze %dma_wait3A_1099 : memref<1x50x32xf32, #tpu.memory_space<vmem>> -> memref<50x32xf32, #tpu.memory_space<vmem>>
      %dma_wait3A_1101 = arith.constant 0 : i32
      %dma_wait3A_1102 = tpu.memref_slice %arg5[%dma_wait3A_1095, %dma_wait3A_1101] : memref<32x50xi32, #tpu.memory_space<vmem>> -> memref<1x50xi32, #tpu.memory_space<vmem>>
      %dma_wait3A_1103 = tpu.memref_squeeze %dma_wait3A_1102 : memref<1x50xi32, #tpu.memory_space<vmem>> -> memref<50xi32, #tpu.memory_space<vmem>>
      %dma_wait3A_1104 = arith.constant 0 : i32
      %dma_wait3A_1105 = arith.constant 0 : i32
      %dma_wait3A_1106 = tpu.memref_slice %arg3[%dma_wait3A_1104, %dma_wait3A_1105] : memref<1000000x32xf32, #tpu.memory_space<hbm>> -> memref<1000000x32xf32, #tpu.memory_space<hbm>>
      tpu.wait_indirect_dma semaphore(%arg10 : memref<!tpu.dma_semaphore, #tpu.memory_space<semaphore_mem>>) src(%dma_wait3A_1106 : memref<1000000x32xf32, #tpu.memory_space<hbm>>) dst(%dma_wait3A_1100 : memref<50x32xf32, #tpu.memory_space<vmem>>)
      %dma_wait3A_1107 = arith.constant 27 : i32
      %dma_wait3A_1108 = arith.constant 27 : i32
      %dma_wait3A_1109 = arith.constant 0 : i32
      %dma_wait3A_1110 = arith.constant 0 : i32
      %dma_wait3A_1111 = tpu.memref_slice %arg7[%dma_wait3A_1108, %dma_wait3A_1109, %dma_wait3A_1110] : memref<32x50x32xf32, #tpu.memory_space<vmem>> -> memref<1x50x32xf32, #tpu.memory_space<vmem>>
      %dma_wait3A_1112 = tpu.memref_squeeze %dma_wait3A_1111 : memref<1x50x32xf32, #tpu.memory_space<vmem>> -> memref<50x32xf32, #tpu.memory_space<vmem>>
      %dma_wait3A_1113 = arith.constant 0 : i32
      %dma_wait3A_1114 = tpu.memref_slice %arg5[%dma_wait3A_1107, %dma_wait3A_1113] : memref<32x50xi32, #tpu.memory_space<vmem>> -> memref<1x50xi32, #tpu.memory_space<vmem>>
      %dma_wait3A_1115 = tpu.memref_squeeze %dma_wait3A_1114 : memref<1x50xi32, #tpu.memory_space<vmem>> -> memref<50xi32, #tpu.memory_space<vmem>>
      %dma_wait3A_1116 = arith.constant 0 : i32
      %dma_wait3A_1117 = arith.constant 0 : i32
      %dma_wait3A_1118 = tpu.memref_slice %arg3[%dma_wait3A_1116, %dma_wait3A_1117] : memref<1000000x32xf32, #tpu.memory_space<hbm>> -> memref<1000000x32xf32, #tpu.memory_space<hbm>>
      tpu.wait_indirect_dma semaphore(%arg10 : memref<!tpu.dma_semaphore, #tpu.memory_space<semaphore_mem>>) src(%dma_wait3A_1118 : memref<1000000x32xf32, #tpu.memory_space<hbm>>) dst(%dma_wait3A_1112 : memref<50x32xf32, #tpu.memory_space<vmem>>)
      %dma_wait3A_1119 = arith.constant 28 : i32
      %dma_wait3A_1120 = arith.constant 28 : i32
      %dma_wait3A_1121 = arith.constant 0 : i32
      %dma_wait3A_1122 = arith.constant 0 : i32
      %dma_wait3A_1123 = tpu.memref_slice %arg7[%dma_wait3A_1120, %dma_wait3A_1121, %dma_wait3A_1122] : memref<32x50x32xf32, #tpu.memory_space<vmem>> -> memref<1x50x32xf32, #tpu.memory_space<vmem>>
      %dma_wait3A_1124 = tpu.memref_squeeze %dma_wait3A_1123 : memref<1x50x32xf32, #tpu.memory_space<vmem>> -> memref<50x32xf32, #tpu.memory_space<vmem>>
      %dma_wait3A_1125 = arith.constant 0 : i32
      %dma_wait3A_1126 = tpu.memref_slice %arg5[%dma_wait3A_1119, %dma_wait3A_1125] : memref<32x50xi32, #tpu.memory_space<vmem>> -> memref<1x50xi32, #tpu.memory_space<vmem>>
      %dma_wait3A_1127 = tpu.memref_squeeze %dma_wait3A_1126 : memref<1x50xi32, #tpu.memory_space<vmem>> -> memref<50xi32, #tpu.memory_space<vmem>>
      %dma_wait3A_1128 = arith.constant 0 : i32
      %dma_wait3A_1129 = arith.constant 0 : i32
      %dma_wait3A_1130 = tpu.memref_slice %arg3[%dma_wait3A_1128, %dma_wait3A_1129] : memref<1000000x32xf32, #tpu.memory_space<hbm>> -> memref<1000000x32xf32, #tpu.memory_space<hbm>>
      tpu.wait_indirect_dma semaphore(%arg10 : memref<!tpu.dma_semaphore, #tpu.memory_space<semaphore_mem>>) src(%dma_wait3A_1130 : memref<1000000x32xf32, #tpu.memory_space<hbm>>) dst(%dma_wait3A_1124 : memref<50x32xf32, #tpu.memory_space<vmem>>)
      %dma_wait3A_1131 = arith.constant 29 : i32
      %dma_wait3A_1132 = arith.constant 29 : i32
      %dma_wait3A_1133 = arith.constant 0 : i32
      %dma_wait3A_1134 = arith.constant 0 : i32
      %dma_wait3A_1135 = tpu.memref_slice %arg7[%dma_wait3A_1132, %dma_wait3A_1133, %dma_wait3A_1134] : memref<32x50x32xf32, #tpu.memory_space<vmem>> -> memref<1x50x32xf32, #tpu.memory_space<vmem>>
      %dma_wait3A_1136 = tpu.memref_squeeze %dma_wait3A_1135 : memref<1x50x32xf32, #tpu.memory_space<vmem>> -> memref<50x32xf32, #tpu.memory_space<vmem>>
      %dma_wait3A_1137 = arith.constant 0 : i32
      %dma_wait3A_1138 = tpu.memref_slice %arg5[%dma_wait3A_1131, %dma_wait3A_1137] : memref<32x50xi32, #tpu.memory_space<vmem>> -> memref<1x50xi32, #tpu.memory_space<vmem>>
      %dma_wait3A_1139 = tpu.memref_squeeze %dma_wait3A_1138 : memref<1x50xi32, #tpu.memory_space<vmem>> -> memref<50xi32, #tpu.memory_space<vmem>>
      %dma_wait3A_1140 = arith.constant 0 : i32
      %dma_wait3A_1141 = arith.constant 0 : i32
      %dma_wait3A_1142 = tpu.memref_slice %arg3[%dma_wait3A_1140, %dma_wait3A_1141] : memref<1000000x32xf32, #tpu.memory_space<hbm>> -> memref<1000000x32xf32, #tpu.memory_space<hbm>>
      tpu.wait_indirect_dma semaphore(%arg10 : memref<!tpu.dma_semaphore, #tpu.memory_space<semaphore_mem>>) src(%dma_wait3A_1142 : memref<1000000x32xf32, #tpu.memory_space<hbm>>) dst(%dma_wait3A_1136 : memref<50x32xf32, #tpu.memory_space<vmem>>)
      %dma_wait3A_1143 = arith.constant 30 : i32
      %dma_wait3A_1144 = arith.constant 30 : i32
      %dma_wait3A_1145 = arith.constant 0 : i32
      %dma_wait3A_1146 = arith.constant 0 : i32
      %dma_wait3A_1147 = tpu.memref_slice %arg7[%dma_wait3A_1144, %dma_wait3A_1145, %dma_wait3A_1146] : memref<32x50x32xf32, #tpu.memory_space<vmem>> -> memref<1x50x32xf32, #tpu.memory_space<vmem>>
      %dma_wait3A_1148 = tpu.memref_squeeze %dma_wait3A_1147 : memref<1x50x32xf32, #tpu.memory_space<vmem>> -> memref<50x32xf32, #tpu.memory_space<vmem>>
      %dma_wait3A_1149 = arith.constant 0 : i32
      %dma_wait3A_1150 = tpu.memref_slice %arg5[%dma_wait3A_1143, %dma_wait3A_1149] : memref<32x50xi32, #tpu.memory_space<vmem>> -> memref<1x50xi32, #tpu.memory_space<vmem>>
      %dma_wait3A_1151 = tpu.memref_squeeze %dma_wait3A_1150 : memref<1x50xi32, #tpu.memory_space<vmem>> -> memref<50xi32, #tpu.memory_space<vmem>>
      %dma_wait3A_1152 = arith.constant 0 : i32
      %dma_wait3A_1153 = arith.constant 0 : i32
      %dma_wait3A_1154 = tpu.memref_slice %arg3[%dma_wait3A_1152, %dma_wait3A_1153] : memref<1000000x32xf32, #tpu.memory_space<hbm>> -> memref<1000000x32xf32, #tpu.memory_space<hbm>>
      tpu.wait_indirect_dma semaphore(%arg10 : memref<!tpu.dma_semaphore, #tpu.memory_space<semaphore_mem>>) src(%dma_wait3A_1154 : memref<1000000x32xf32, #tpu.memory_space<hbm>>) dst(%dma_wait3A_1148 : memref<50x32xf32, #tpu.memory_space<vmem>>)
      %dma_wait3A_1155 = arith.constant 31 : i32
      %dma_wait3A_1156 = arith.constant 31 : i32
      %dma_wait3A_1157 = arith.constant 0 : i32
      %dma_wait3A_1158 = arith.constant 0 : i32
      %dma_wait3A_1159 = tpu.memref_slice %arg7[%dma_wait3A_1156, %dma_wait3A_1157, %dma_wait3A_1158] : memref<32x50x32xf32, #tpu.memory_space<vmem>> -> memref<1x50x32xf32, #tpu.memory_space<vmem>>
      %dma_wait3A_1160 = tpu.memref_squeeze %dma_wait3A_1159 : memref<1x50x32xf32, #tpu.memory_space<vmem>> -> memref<50x32xf32, #tpu.memory_space<vmem>>
      %dma_wait3A_1161 = arith.constant 0 : i32
      %dma_wait3A_1162 = tpu.memref_slice %arg5[%dma_wait3A_1155, %dma_wait3A_1161] : memref<32x50xi32, #tpu.memory_space<vmem>> -> memref<1x50xi32, #tpu.memory_space<vmem>>
      %dma_wait3A_1163 = tpu.memref_squeeze %dma_wait3A_1162 : memref<1x50xi32, #tpu.memory_space<vmem>> -> memref<50xi32, #tpu.memory_space<vmem>>
      %dma_wait3A_1164 = arith.constant 0 : i32
      %dma_wait3A_1165 = arith.constant 0 : i32
      %dma_wait3A_1166 = tpu.memref_slice %arg3[%dma_wait3A_1164, %dma_wait3A_1165] : memref<1000000x32xf32, #tpu.memory_space<hbm>> -> memref<1000000x32xf32, #tpu.memory_space<hbm>>
      tpu.wait_indirect_dma semaphore(%arg10 : memref<!tpu.dma_semaphore, #tpu.memory_space<semaphore_mem>>) src(%dma_wait3A_1166 : memref<1000000x32xf32, #tpu.memory_space<hbm>>) dst(%dma_wait3A_1160 : memref<50x32xf32, #tpu.memory_space<vmem>>)
      %mul3A_1167 = arith.constant 32 : i32
      %mul3A_1168 = arith.muli %add3A_783, %mul3A_1167 : i32
      %add3A_1169 = arith.addi %mul3A_2, %mul3A_1168 : i32
      %scan3A_1170 = arith.constant 0 : i32
      %scan3A_1171 = arith.constant 0 : i32
      %scan3A_1172 = arith.constant 32 : i32
      %scan3A_1173 = arith.addi %scan3A_1171, %scan3A_1172 : i32
      %scan3A_1174 = arith.constant 1 : i32
      scf.for %scan3A_1584 = %scan3A_1171 to %scan3A_1173 step %scan3A_1174  : i32 {
        %get3A = arith.constant 0 : i32
        %get3A_1585 = arith.index_cast %scan3A_1584 : i32 to index
        %get3A_1586 = arith.index_cast %get3A : i32 to index
        %get3A_1587 = arith.constant 0 : index
        %get3A_1588 = tpu.vector_load %arg7[%get3A_1585, %get3A_1586, %get3A_1587] {strides = array<i32>} : memref<32x50x32xf32, #tpu.memory_space<vmem>>, vector<1x1x16xf32>,
        %get3A_1589 = vector.shape_cast %get3A_1588 : vector<1x1x16xf32> to vector<16xf32>
        %get3A_1590 = arith.constant 0 : i32
        %get3A_1591 = arith.index_cast %scan3A_1584 : i32 to index
        %get3A_1592 = arith.index_cast %get3A_1590 : i32 to index
        %get3A_1593 = arith.constant 16 : index
        %get3A_1594 = tpu.vector_load %arg7[%get3A_1591, %get3A_1592, %get3A_1593] {strides = array<i32>} : memref<32x50x32xf32, #tpu.memory_space<vmem>>, vector<1x1x16xf32>,
        %get3A_1595 = vector.shape_cast %get3A_1594 : vector<1x1x16xf32> to vector<16xf32>
        %get3A_1596 = arith.constant 1 : i32
        %get3A_1597 = arith.index_cast %scan3A_1584 : i32 to index
        %get3A_1598 = arith.index_cast %get3A_1596 : i32 to index
        %get3A_1599 = arith.constant 0 : index
        %get3A_1600 = tpu.vector_load %arg7[%get3A_1597, %get3A_1598, %get3A_1599] {strides = array<i32>} : memref<32x50x32xf32, #tpu.memory_space<vmem>>, vector<1x1x16xf32>,
        %get3A_1601 = vector.shape_cast %get3A_1600 : vector<1x1x16xf32> to vector<16xf32>
        %add3A_1602 = arith.addf %get3A_1589, %get3A_1601 : vector<16xf32>
        %get3A_1603 = arith.constant 1 : i32
        %get3A_1604 = arith.index_cast %scan3A_1584 : i32 to index
        %get3A_1605 = arith.index_cast %get3A_1603 : i32 to index
        %get3A_1606 = arith.constant 16 : index
        %get3A_1607 = tpu.vector_load %arg7[%get3A_1604, %get3A_1605, %get3A_1606] {strides = array<i32>} : memref<32x50x32xf32, #tpu.memory_space<vmem>>, vector<1x1x16xf32>,
        %get3A_1608 = vector.shape_cast %get3A_1607 : vector<1x1x16xf32> to vector<16xf32>
        %add3A_1609 = arith.addf %get3A_1595, %get3A_1608 : vector<16xf32>
        %get3A_1610 = arith.constant 2 : i32
        %get3A_1611 = arith.index_cast %scan3A_1584 : i32 to index
        %get3A_1612 = arith.index_cast %get3A_1610 : i32 to index
        %get3A_1613 = arith.constant 0 : index
        %get3A_1614 = tpu.vector_load %arg7[%get3A_1611, %get3A_1612, %get3A_1613] {strides = array<i32>} : memref<32x50x32xf32, #tpu.memory_space<vmem>>, vector<1x1x16xf32>,
        %get3A_1615 = vector.shape_cast %get3A_1614 : vector<1x1x16xf32> to vector<16xf32>
        %add3A_1616 = arith.addf %add3A_1602, %get3A_1615 : vector<16xf32>
        %get3A_1617 = arith.constant 2 : i32
        %get3A_1618 = arith.index_cast %scan3A_1584 : i32 to index
        %get3A_1619 = arith.index_cast %get3A_1617 : i32 to index
        %get3A_1620 = arith.constant 16 : index
        %get3A_1621 = tpu.vector_load %arg7[%get3A_1618, %get3A_1619, %get3A_1620] {strides = array<i32>} : memref<32x50x32xf32, #tpu.memory_space<vmem>>, vector<1x1x16xf32>,
        %get3A_1622 = vector.shape_cast %get3A_1621 : vector<1x1x16xf32> to vector<16xf32>
        %add3A_1623 = arith.addf %add3A_1609, %get3A_1622 : vector<16xf32>
        %get3A_1624 = arith.constant 3 : i32
        %get3A_1625 = arith.index_cast %scan3A_1584 : i32 to index
        %get3A_1626 = arith.index_cast %get3A_1624 : i32 to index
        %get3A_1627 = arith.constant 0 : index
        %get3A_1628 = tpu.vector_load %arg7[%get3A_1625, %get3A_1626, %get3A_1627] {strides = array<i32>} : memref<32x50x32xf32, #tpu.memory_space<vmem>>, vector<1x1x16xf32>,
        %get3A_1629 = vector.shape_cast %get3A_1628 : vector<1x1x16xf32> to vector<16xf32>
        %add3A_1630 = arith.addf %add3A_1616, %get3A_1629 : vector<16xf32>
        %get3A_1631 = arith.constant 3 : i32
        %get3A_1632 = arith.index_cast %scan3A_1584 : i32 to index
        %get3A_1633 = arith.index_cast %get3A_1631 : i32 to index
        %get3A_1634 = arith.constant 16 : index
        %get3A_1635 = tpu.vector_load %arg7[%get3A_1632, %get3A_1633, %get3A_1634] {strides = array<i32>} : memref<32x50x32xf32, #tpu.memory_space<vmem>>, vector<1x1x16xf32>,
        %get3A_1636 = vector.shape_cast %get3A_1635 : vector<1x1x16xf32> to vector<16xf32>
        %add3A_1637 = arith.addf %add3A_1623, %get3A_1636 : vector<16xf32>
        %get3A_1638 = arith.constant 4 : i32
        %get3A_1639 = arith.index_cast %scan3A_1584 : i32 to index
        %get3A_1640 = arith.index_cast %get3A_1638 : i32 to index
        %get3A_1641 = arith.constant 0 : index
        %get3A_1642 = tpu.vector_load %arg7[%get3A_1639, %get3A_1640, %get3A_1641] {strides = array<i32>} : memref<32x50x32xf32, #tpu.memory_space<vmem>>, vector<1x1x16xf32>,
        %get3A_1643 = vector.shape_cast %get3A_1642 : vector<1x1x16xf32> to vector<16xf32>
        %add3A_1644 = arith.addf %add3A_1630, %get3A_1643 : vector<16xf32>
        %get3A_1645 = arith.constant 4 : i32
        %get3A_1646 = arith.index_cast %scan3A_1584 : i32 to index
        %get3A_1647 = arith.index_cast %get3A_1645 : i32 to index
        %get3A_1648 = arith.constant 16 : index
        %get3A_1649 = tpu.vector_load %arg7[%get3A_1646, %get3A_1647, %get3A_1648] {strides = array<i32>} : memref<32x50x32xf32, #tpu.memory_space<vmem>>, vector<1x1x16xf32>,
        %get3A_1650 = vector.shape_cast %get3A_1649 : vector<1x1x16xf32> to vector<16xf32>
        %add3A_1651 = arith.addf %add3A_1637, %get3A_1650 : vector<16xf32>
        %get3A_1652 = arith.constant 5 : i32
        %get3A_1653 = arith.index_cast %scan3A_1584 : i32 to index
        %get3A_1654 = arith.index_cast %get3A_1652 : i32 to index
        %get3A_1655 = arith.constant 0 : index
        %get3A_1656 = tpu.vector_load %arg7[%get3A_1653, %get3A_1654, %get3A_1655] {strides = array<i32>} : memref<32x50x32xf32, #tpu.memory_space<vmem>>, vector<1x1x16xf32>,
        %get3A_1657 = vector.shape_cast %get3A_1656 : vector<1x1x16xf32> to vector<16xf32>
        %add3A_1658 = arith.addf %add3A_1644, %get3A_1657 : vector<16xf32>
        %get3A_1659 = arith.constant 5 : i32
        %get3A_1660 = arith.index_cast %scan3A_1584 : i32 to index
        %get3A_1661 = arith.index_cast %get3A_1659 : i32 to index
        %get3A_1662 = arith.constant 16 : index
        %get3A_1663 = tpu.vector_load %arg7[%get3A_1660, %get3A_1661, %get3A_1662] {strides = array<i32>} : memref<32x50x32xf32, #tpu.memory_space<vmem>>, vector<1x1x16xf32>,
        %get3A_1664 = vector.shape_cast %get3A_1663 : vector<1x1x16xf32> to vector<16xf32>
        %add3A_1665 = arith.addf %add3A_1651, %get3A_1664 : vector<16xf32>
        %get3A_1666 = arith.constant 6 : i32
        %get3A_1667 = arith.index_cast %scan3A_1584 : i32 to index
        %get3A_1668 = arith.index_cast %get3A_1666 : i32 to index
        %get3A_1669 = arith.constant 0 : index
        %get3A_1670 = tpu.vector_load %arg7[%get3A_1667, %get3A_1668, %get3A_1669] {strides = array<i32>} : memref<32x50x32xf32, #tpu.memory_space<vmem>>, vector<1x1x16xf32>,
        %get3A_1671 = vector.shape_cast %get3A_1670 : vector<1x1x16xf32> to vector<16xf32>
        %add3A_1672 = arith.addf %add3A_1658, %get3A_1671 : vector<16xf32>
        %get3A_1673 = arith.constant 6 : i32
        %get3A_1674 = arith.index_cast %scan3A_1584 : i32 to index
        %get3A_1675 = arith.index_cast %get3A_1673 : i32 to index
        %get3A_1676 = arith.constant 16 : index
        %get3A_1677 = tpu.vector_load %arg7[%get3A_1674, %get3A_1675, %get3A_1676] {strides = array<i32>} : memref<32x50x32xf32, #tpu.memory_space<vmem>>, vector<1x1x16xf32>,
        %get3A_1678 = vector.shape_cast %get3A_1677 : vector<1x1x16xf32> to vector<16xf32>
        %add3A_1679 = arith.addf %add3A_1665, %get3A_1678 : vector<16xf32>
        %get3A_1680 = arith.constant 7 : i32
        %get3A_1681 = arith.index_cast %scan3A_1584 : i32 to index
        %get3A_1682 = arith.index_cast %get3A_1680 : i32 to index
        %get3A_1683 = arith.constant 0 : index
        %get3A_1684 = tpu.vector_load %arg7[%get3A_1681, %get3A_1682, %get3A_1683] {strides = array<i32>} : memref<32x50x32xf32, #tpu.memory_space<vmem>>, vector<1x1x16xf32>,
        %get3A_1685 = vector.shape_cast %get3A_1684 : vector<1x1x16xf32> to vector<16xf32>
        %add3A_1686 = arith.addf %add3A_1672, %get3A_1685 : vector<16xf32>
        %get3A_1687 = arith.constant 7 : i32
        %get3A_1688 = arith.index_cast %scan3A_1584 : i32 to index
        %get3A_1689 = arith.index_cast %get3A_1687 : i32 to index
        %get3A_1690 = arith.constant 16 : index
        %get3A_1691 = tpu.vector_load %arg7[%get3A_1688, %get3A_1689, %get3A_1690] {strides = array<i32>} : memref<32x50x32xf32, #tpu.memory_space<vmem>>, vector<1x1x16xf32>,
        %get3A_1692 = vector.shape_cast %get3A_1691 : vector<1x1x16xf32> to vector<16xf32>
        %add3A_1693 = arith.addf %add3A_1679, %get3A_1692 : vector<16xf32>
        %get3A_1694 = arith.constant 8 : i32
        %get3A_1695 = arith.index_cast %scan3A_1584 : i32 to index
        %get3A_1696 = arith.index_cast %get3A_1694 : i32 to index
        %get3A_1697 = arith.constant 0 : index
        %get3A_1698 = tpu.vector_load %arg7[%get3A_1695, %get3A_1696, %get3A_1697] {strides = array<i32>} : memref<32x50x32xf32, #tpu.memory_space<vmem>>, vector<1x1x16xf32>,
        %get3A_1699 = vector.shape_cast %get3A_1698 : vector<1x1x16xf32> to vector<16xf32>
        %add3A_1700 = arith.addf %add3A_1686, %get3A_1699 : vector<16xf32>
        %get3A_1701 = arith.constant 8 : i32
        %get3A_1702 = arith.index_cast %scan3A_1584 : i32 to index
        %get3A_1703 = arith.index_cast %get3A_1701 : i32 to index
        %get3A_1704 = arith.constant 16 : index
        %get3A_1705 = tpu.vector_load %arg7[%get3A_1702, %get3A_1703, %get3A_1704] {strides = array<i32>} : memref<32x50x32xf32, #tpu.memory_space<vmem>>, vector<1x1x16xf32>,
        %get3A_1706 = vector.shape_cast %get3A_1705 : vector<1x1x16xf32> to vector<16xf32>
        %add3A_1707 = arith.addf %add3A_1693, %get3A_1706 : vector<16xf32>
        %get3A_1708 = arith.constant 9 : i32
        %get3A_1709 = arith.index_cast %scan3A_1584 : i32 to index
        %get3A_1710 = arith.index_cast %get3A_1708 : i32 to index
        %get3A_1711 = arith.constant 0 : index
        %get3A_1712 = tpu.vector_load %arg7[%get3A_1709, %get3A_1710, %get3A_1711] {strides = array<i32>} : memref<32x50x32xf32, #tpu.memory_space<vmem>>, vector<1x1x16xf32>,
        %get3A_1713 = vector.shape_cast %get3A_1712 : vector<1x1x16xf32> to vector<16xf32>
        %add3A_1714 = arith.addf %add3A_1700, %get3A_1713 : vector<16xf32>
        %get3A_1715 = arith.constant 9 : i32
        %get3A_1716 = arith.index_cast %scan3A_1584 : i32 to index
        %get3A_1717 = arith.index_cast %get3A_1715 : i32 to index
        %get3A_1718 = arith.constant 16 : index
        %get3A_1719 = tpu.vector_load %arg7[%get3A_1716, %get3A_1717, %get3A_1718] {strides = array<i32>} : memref<32x50x32xf32, #tpu.memory_space<vmem>>, vector<1x1x16xf32>,
        %get3A_1720 = vector.shape_cast %get3A_1719 : vector<1x1x16xf32> to vector<16xf32>
        %add3A_1721 = arith.addf %add3A_1707, %get3A_1720 : vector<16xf32>
        %get3A_1722 = arith.constant 10 : i32
        %get3A_1723 = arith.index_cast %scan3A_1584 : i32 to index
        %get3A_1724 = arith.index_cast %get3A_1722 : i32 to index
        %get3A_1725 = arith.constant 0 : index
        %get3A_1726 = tpu.vector_load %arg7[%get3A_1723, %get3A_1724, %get3A_1725] {strides = array<i32>} : memref<32x50x32xf32, #tpu.memory_space<vmem>>, vector<1x1x16xf32>,
        %get3A_1727 = vector.shape_cast %get3A_1726 : vector<1x1x16xf32> to vector<16xf32>
        %add3A_1728 = arith.addf %add3A_1714, %get3A_1727 : vector<16xf32>
        %get3A_1729 = arith.constant 10 : i32
        %get3A_1730 = arith.index_cast %scan3A_1584 : i32 to index
        %get3A_1731 = arith.index_cast %get3A_1729 : i32 to index
        %get3A_1732 = arith.constant 16 : index
        %get3A_1733 = tpu.vector_load %arg7[%get3A_1730, %get3A_1731, %get3A_1732] {strides = array<i32>} : memref<32x50x32xf32, #tpu.memory_space<vmem>>, vector<1x1x16xf32>,
        %get3A_1734 = vector.shape_cast %get3A_1733 : vector<1x1x16xf32> to vector<16xf32>
        %add3A_1735 = arith.addf %add3A_1721, %get3A_1734 : vector<16xf32>
        %get3A_1736 = arith.constant 11 : i32
        %get3A_1737 = arith.index_cast %scan3A_1584 : i32 to index
        %get3A_1738 = arith.index_cast %get3A_1736 : i32 to index
        %get3A_1739 = arith.constant 0 : index
        %get3A_1740 = tpu.vector_load %arg7[%get3A_1737, %get3A_1738, %get3A_1739] {strides = array<i32>} : memref<32x50x32xf32, #tpu.memory_space<vmem>>, vector<1x1x16xf32>,
        %get3A_1741 = vector.shape_cast %get3A_1740 : vector<1x1x16xf32> to vector<16xf32>
        %add3A_1742 = arith.addf %add3A_1728, %get3A_1741 : vector<16xf32>
        %get3A_1743 = arith.constant 11 : i32
        %get3A_1744 = arith.index_cast %scan3A_1584 : i32 to index
        %get3A_1745 = arith.index_cast %get3A_1743 : i32 to index
        %get3A_1746 = arith.constant 16 : index
        %get3A_1747 = tpu.vector_load %arg7[%get3A_1744, %get3A_1745, %get3A_1746] {strides = array<i32>} : memref<32x50x32xf32, #tpu.memory_space<vmem>>, vector<1x1x16xf32>,
        %get3A_1748 = vector.shape_cast %get3A_1747 : vector<1x1x16xf32> to vector<16xf32>
        %add3A_1749 = arith.addf %add3A_1735, %get3A_1748 : vector<16xf32>
        %get3A_1750 = arith.constant 12 : i32
        %get3A_1751 = arith.index_cast %scan3A_1584 : i32 to index
        %get3A_1752 = arith.index_cast %get3A_1750 : i32 to index
        %get3A_1753 = arith.constant 0 : index
        %get3A_1754 = tpu.vector_load %arg7[%get3A_1751, %get3A_1752, %get3A_1753] {strides = array<i32>} : memref<32x50x32xf32, #tpu.memory_space<vmem>>, vector<1x1x16xf32>,
        %get3A_1755 = vector.shape_cast %get3A_1754 : vector<1x1x16xf32> to vector<16xf32>
        %add3A_1756 = arith.addf %add3A_1742, %get3A_1755 : vector<16xf32>
        %get3A_1757 = arith.constant 12 : i32
        %get3A_1758 = arith.index_cast %scan3A_1584 : i32 to index
        %get3A_1759 = arith.index_cast %get3A_1757 : i32 to index
        %get3A_1760 = arith.constant 16 : index
        %get3A_1761 = tpu.vector_load %arg7[%get3A_1758, %get3A_1759, %get3A_1760] {strides = array<i32>} : memref<32x50x32xf32, #tpu.memory_space<vmem>>, vector<1x1x16xf32>,
        %get3A_1762 = vector.shape_cast %get3A_1761 : vector<1x1x16xf32> to vector<16xf32>
        %add3A_1763 = arith.addf %add3A_1749, %get3A_1762 : vector<16xf32>
        %get3A_1764 = arith.constant 13 : i32
        %get3A_1765 = arith.index_cast %scan3A_1584 : i32 to index
        %get3A_1766 = arith.index_cast %get3A_1764 : i32 to index
        %get3A_1767 = arith.constant 0 : index
        %get3A_1768 = tpu.vector_load %arg7[%get3A_1765, %get3A_1766, %get3A_1767] {strides = array<i32>} : memref<32x50x32xf32, #tpu.memory_space<vmem>>, vector<1x1x16xf32>,
        %get3A_1769 = vector.shape_cast %get3A_1768 : vector<1x1x16xf32> to vector<16xf32>
        %add3A_1770 = arith.addf %add3A_1756, %get3A_1769 : vector<16xf32>
        %get3A_1771 = arith.constant 13 : i32
        %get3A_1772 = arith.index_cast %scan3A_1584 : i32 to index
        %get3A_1773 = arith.index_cast %get3A_1771 : i32 to index
        %get3A_1774 = arith.constant 16 : index
        %get3A_1775 = tpu.vector_load %arg7[%get3A_1772, %get3A_1773, %get3A_1774] {strides = array<i32>} : memref<32x50x32xf32, #tpu.memory_space<vmem>>, vector<1x1x16xf32>,
        %get3A_1776 = vector.shape_cast %get3A_1775 : vector<1x1x16xf32> to vector<16xf32>
        %add3A_1777 = arith.addf %add3A_1763, %get3A_1776 : vector<16xf32>
        %get3A_1778 = arith.constant 14 : i32
        %get3A_1779 = arith.index_cast %scan3A_1584 : i32 to index
        %get3A_1780 = arith.index_cast %get3A_1778 : i32 to index
        %get3A_1781 = arith.constant 0 : index
        %get3A_1782 = tpu.vector_load %arg7[%get3A_1779, %get3A_1780, %get3A_1781] {strides = array<i32>} : memref<32x50x32xf32, #tpu.memory_space<vmem>>, vector<1x1x16xf32>,
        %get3A_1783 = vector.shape_cast %get3A_1782 : vector<1x1x16xf32> to vector<16xf32>
        %add3A_1784 = arith.addf %add3A_1770, %get3A_1783 : vector<16xf32>
        %get3A_1785 = arith.constant 14 : i32
        %get3A_1786 = arith.index_cast %scan3A_1584 : i32 to index
        %get3A_1787 = arith.index_cast %get3A_1785 : i32 to index
        %get3A_1788 = arith.constant 16 : index
        %get3A_1789 = tpu.vector_load %arg7[%get3A_1786, %get3A_1787, %get3A_1788] {strides = array<i32>} : memref<32x50x32xf32, #tpu.memory_space<vmem>>, vector<1x1x16xf32>,
        %get3A_1790 = vector.shape_cast %get3A_1789 : vector<1x1x16xf32> to vector<16xf32>
        %add3A_1791 = arith.addf %add3A_1777, %get3A_1790 : vector<16xf32>
        %get3A_1792 = arith.constant 15 : i32
        %get3A_1793 = arith.index_cast %scan3A_1584 : i32 to index
        %get3A_1794 = arith.index_cast %get3A_1792 : i32 to index
        %get3A_1795 = arith.constant 0 : index
        %get3A_1796 = tpu.vector_load %arg7[%get3A_1793, %get3A_1794, %get3A_1795] {strides = array<i32>} : memref<32x50x32xf32, #tpu.memory_space<vmem>>, vector<1x1x16xf32>,
        %get3A_1797 = vector.shape_cast %get3A_1796 : vector<1x1x16xf32> to vector<16xf32>
        %add3A_1798 = arith.addf %add3A_1784, %get3A_1797 : vector<16xf32>
        %get3A_1799 = arith.constant 15 : i32
        %get3A_1800 = arith.index_cast %scan3A_1584 : i32 to index
        %get3A_1801 = arith.index_cast %get3A_1799 : i32 to index
        %get3A_1802 = arith.constant 16 : index
        %get3A_1803 = tpu.vector_load %arg7[%get3A_1800, %get3A_1801, %get3A_1802] {strides = array<i32>} : memref<32x50x32xf32, #tpu.memory_space<vmem>>, vector<1x1x16xf32>,
        %get3A_1804 = vector.shape_cast %get3A_1803 : vector<1x1x16xf32> to vector<16xf32>
        %add3A_1805 = arith.addf %add3A_1791, %get3A_1804 : vector<16xf32>
        %get3A_1806 = arith.constant 16 : i32
        %get3A_1807 = arith.index_cast %scan3A_1584 : i32 to index
        %get3A_1808 = arith.index_cast %get3A_1806 : i32 to index
        %get3A_1809 = arith.constant 0 : index
        %get3A_1810 = tpu.vector_load %arg7[%get3A_1807, %get3A_1808, %get3A_1809] {strides = array<i32>} : memref<32x50x32xf32, #tpu.memory_space<vmem>>, vector<1x1x16xf32>,
        %get3A_1811 = vector.shape_cast %get3A_1810 : vector<1x1x16xf32> to vector<16xf32>
        %add3A_1812 = arith.addf %add3A_1798, %get3A_1811 : vector<16xf32>
        %get3A_1813 = arith.constant 16 : i32
        %get3A_1814 = arith.index_cast %scan3A_1584 : i32 to index
        %get3A_1815 = arith.index_cast %get3A_1813 : i32 to index
        %get3A_1816 = arith.constant 16 : index
        %get3A_1817 = tpu.vector_load %arg7[%get3A_1814, %get3A_1815, %get3A_1816] {strides = array<i32>} : memref<32x50x32xf32, #tpu.memory_space<vmem>>, vector<1x1x16xf32>,
        %get3A_1818 = vector.shape_cast %get3A_1817 : vector<1x1x16xf32> to vector<16xf32>
        %add3A_1819 = arith.addf %add3A_1805, %get3A_1818 : vector<16xf32>
        %get3A_1820 = arith.constant 17 : i32
        %get3A_1821 = arith.index_cast %scan3A_1584 : i32 to index
        %get3A_1822 = arith.index_cast %get3A_1820 : i32 to index
        %get3A_1823 = arith.constant 0 : index
        %get3A_1824 = tpu.vector_load %arg7[%get3A_1821, %get3A_1822, %get3A_1823] {strides = array<i32>} : memref<32x50x32xf32, #tpu.memory_space<vmem>>, vector<1x1x16xf32>,
        %get3A_1825 = vector.shape_cast %get3A_1824 : vector<1x1x16xf32> to vector<16xf32>
        %add3A_1826 = arith.addf %add3A_1812, %get3A_1825 : vector<16xf32>
        %get3A_1827 = arith.constant 17 : i32
        %get3A_1828 = arith.index_cast %scan3A_1584 : i32 to index
        %get3A_1829 = arith.index_cast %get3A_1827 : i32 to index
        %get3A_1830 = arith.constant 16 : index
        %get3A_1831 = tpu.vector_load %arg7[%get3A_1828, %get3A_1829, %get3A_1830] {strides = array<i32>} : memref<32x50x32xf32, #tpu.memory_space<vmem>>, vector<1x1x16xf32>,
        %get3A_1832 = vector.shape_cast %get3A_1831 : vector<1x1x16xf32> to vector<16xf32>
        %add3A_1833 = arith.addf %add3A_1819, %get3A_1832 : vector<16xf32>
        %get3A_1834 = arith.constant 18 : i32
        %get3A_1835 = arith.index_cast %scan3A_1584 : i32 to index
        %get3A_1836 = arith.index_cast %get3A_1834 : i32 to index
        %get3A_1837 = arith.constant 0 : index
        %get3A_1838 = tpu.vector_load %arg7[%get3A_1835, %get3A_1836, %get3A_1837] {strides = array<i32>} : memref<32x50x32xf32, #tpu.memory_space<vmem>>, vector<1x1x16xf32>,
        %get3A_1839 = vector.shape_cast %get3A_1838 : vector<1x1x16xf32> to vector<16xf32>
        %add3A_1840 = arith.addf %add3A_1826, %get3A_1839 : vector<16xf32>
        %get3A_1841 = arith.constant 18 : i32
        %get3A_1842 = arith.index_cast %scan3A_1584 : i32 to index
        %get3A_1843 = arith.index_cast %get3A_1841 : i32 to index
        %get3A_1844 = arith.constant 16 : index
        %get3A_1845 = tpu.vector_load %arg7[%get3A_1842, %get3A_1843, %get3A_1844] {strides = array<i32>} : memref<32x50x32xf32, #tpu.memory_space<vmem>>, vector<1x1x16xf32>,
        %get3A_1846 = vector.shape_cast %get3A_1845 : vector<1x1x16xf32> to vector<16xf32>
        %add3A_1847 = arith.addf %add3A_1833, %get3A_1846 : vector<16xf32>
        %get3A_1848 = arith.constant 19 : i32
        %get3A_1849 = arith.index_cast %scan3A_1584 : i32 to index
        %get3A_1850 = arith.index_cast %get3A_1848 : i32 to index
        %get3A_1851 = arith.constant 0 : index
        %get3A_1852 = tpu.vector_load %arg7[%get3A_1849, %get3A_1850, %get3A_1851] {strides = array<i32>} : memref<32x50x32xf32, #tpu.memory_space<vmem>>, vector<1x1x16xf32>,
        %get3A_1853 = vector.shape_cast %get3A_1852 : vector<1x1x16xf32> to vector<16xf32>
        %add3A_1854 = arith.addf %add3A_1840, %get3A_1853 : vector<16xf32>
        %get3A_1855 = arith.constant 19 : i32
        %get3A_1856 = arith.index_cast %scan3A_1584 : i32 to index
        %get3A_1857 = arith.index_cast %get3A_1855 : i32 to index
        %get3A_1858 = arith.constant 16 : index
        %get3A_1859 = tpu.vector_load %arg7[%get3A_1856, %get3A_1857, %get3A_1858] {strides = array<i32>} : memref<32x50x32xf32, #tpu.memory_space<vmem>>, vector<1x1x16xf32>,
        %get3A_1860 = vector.shape_cast %get3A_1859 : vector<1x1x16xf32> to vector<16xf32>
        %add3A_1861 = arith.addf %add3A_1847, %get3A_1860 : vector<16xf32>
        %get3A_1862 = arith.constant 20 : i32
        %get3A_1863 = arith.index_cast %scan3A_1584 : i32 to index
        %get3A_1864 = arith.index_cast %get3A_1862 : i32 to index
        %get3A_1865 = arith.constant 0 : index
        %get3A_1866 = tpu.vector_load %arg7[%get3A_1863, %get3A_1864, %get3A_1865] {strides = array<i32>} : memref<32x50x32xf32, #tpu.memory_space<vmem>>, vector<1x1x16xf32>,
        %get3A_1867 = vector.shape_cast %get3A_1866 : vector<1x1x16xf32> to vector<16xf32>
        %add3A_1868 = arith.addf %add3A_1854, %get3A_1867 : vector<16xf32>
        %get3A_1869 = arith.constant 20 : i32
        %get3A_1870 = arith.index_cast %scan3A_1584 : i32 to index
        %get3A_1871 = arith.index_cast %get3A_1869 : i32 to index
        %get3A_1872 = arith.constant 16 : index
        %get3A_1873 = tpu.vector_load %arg7[%get3A_1870, %get3A_1871, %get3A_1872] {strides = array<i32>} : memref<32x50x32xf32, #tpu.memory_space<vmem>>, vector<1x1x16xf32>,
        %get3A_1874 = vector.shape_cast %get3A_1873 : vector<1x1x16xf32> to vector<16xf32>
        %add3A_1875 = arith.addf %add3A_1861, %get3A_1874 : vector<16xf32>
        %get3A_1876 = arith.constant 21 : i32
        %get3A_1877 = arith.index_cast %scan3A_1584 : i32 to index
        %get3A_1878 = arith.index_cast %get3A_1876 : i32 to index
        %get3A_1879 = arith.constant 0 : index
        %get3A_1880 = tpu.vector_load %arg7[%get3A_1877, %get3A_1878, %get3A_1879] {strides = array<i32>} : memref<32x50x32xf32, #tpu.memory_space<vmem>>, vector<1x1x16xf32>,
        %get3A_1881 = vector.shape_cast %get3A_1880 : vector<1x1x16xf32> to vector<16xf32>
        %add3A_1882 = arith.addf %add3A_1868, %get3A_1881 : vector<16xf32>
        %get3A_1883 = arith.constant 21 : i32
        %get3A_1884 = arith.index_cast %scan3A_1584 : i32 to index
        %get3A_1885 = arith.index_cast %get3A_1883 : i32 to index
        %get3A_1886 = arith.constant 16 : index
        %get3A_1887 = tpu.vector_load %arg7[%get3A_1884, %get3A_1885, %get3A_1886] {strides = array<i32>} : memref<32x50x32xf32, #tpu.memory_space<vmem>>, vector<1x1x16xf32>,
        %get3A_1888 = vector.shape_cast %get3A_1887 : vector<1x1x16xf32> to vector<16xf32>
        %add3A_1889 = arith.addf %add3A_1875, %get3A_1888 : vector<16xf32>
        %get3A_1890 = arith.constant 22 : i32
        %get3A_1891 = arith.index_cast %scan3A_1584 : i32 to index
        %get3A_1892 = arith.index_cast %get3A_1890 : i32 to index
        %get3A_1893 = arith.constant 0 : index
        %get3A_1894 = tpu.vector_load %arg7[%get3A_1891, %get3A_1892, %get3A_1893] {strides = array<i32>} : memref<32x50x32xf32, #tpu.memory_space<vmem>>, vector<1x1x16xf32>,
        %get3A_1895 = vector.shape_cast %get3A_1894 : vector<1x1x16xf32> to vector<16xf32>
        %add3A_1896 = arith.addf %add3A_1882, %get3A_1895 : vector<16xf32>
        %get3A_1897 = arith.constant 22 : i32
        %get3A_1898 = arith.index_cast %scan3A_1584 : i32 to index
        %get3A_1899 = arith.index_cast %get3A_1897 : i32 to index
        %get3A_1900 = arith.constant 16 : index
        %get3A_1901 = tpu.vector_load %arg7[%get3A_1898, %get3A_1899, %get3A_1900] {strides = array<i32>} : memref<32x50x32xf32, #tpu.memory_space<vmem>>, vector<1x1x16xf32>,
        %get3A_1902 = vector.shape_cast %get3A_1901 : vector<1x1x16xf32> to vector<16xf32>
        %add3A_1903 = arith.addf %add3A_1889, %get3A_1902 : vector<16xf32>
        %get3A_1904 = arith.constant 23 : i32
        %get3A_1905 = arith.index_cast %scan3A_1584 : i32 to index
        %get3A_1906 = arith.index_cast %get3A_1904 : i32 to index
        %get3A_1907 = arith.constant 0 : index
        %get3A_1908 = tpu.vector_load %arg7[%get3A_1905, %get3A_1906, %get3A_1907] {strides = array<i32>} : memref<32x50x32xf32, #tpu.memory_space<vmem>>, vector<1x1x16xf32>,
        %get3A_1909 = vector.shape_cast %get3A_1908 : vector<1x1x16xf32> to vector<16xf32>
        %add3A_1910 = arith.addf %add3A_1896, %get3A_1909 : vector<16xf32>
        %get3A_1911 = arith.constant 23 : i32
        %get3A_1912 = arith.index_cast %scan3A_1584 : i32 to index
        %get3A_1913 = arith.index_cast %get3A_1911 : i32 to index
        %get3A_1914 = arith.constant 16 : index
        %get3A_1915 = tpu.vector_load %arg7[%get3A_1912, %get3A_1913, %get3A_1914] {strides = array<i32>} : memref<32x50x32xf32, #tpu.memory_space<vmem>>, vector<1x1x16xf32>,
        %get3A_1916 = vector.shape_cast %get3A_1915 : vector<1x1x16xf32> to vector<16xf32>
        %add3A_1917 = arith.addf %add3A_1903, %get3A_1916 : vector<16xf32>
        %get3A_1918 = arith.constant 24 : i32
        %get3A_1919 = arith.index_cast %scan3A_1584 : i32 to index
        %get3A_1920 = arith.index_cast %get3A_1918 : i32 to index
        %get3A_1921 = arith.constant 0 : index
        %get3A_1922 = tpu.vector_load %arg7[%get3A_1919, %get3A_1920, %get3A_1921] {strides = array<i32>} : memref<32x50x32xf32, #tpu.memory_space<vmem>>, vector<1x1x16xf32>,
        %get3A_1923 = vector.shape_cast %get3A_1922 : vector<1x1x16xf32> to vector<16xf32>
        %add3A_1924 = arith.addf %add3A_1910, %get3A_1923 : vector<16xf32>
        %get3A_1925 = arith.constant 24 : i32
        %get3A_1926 = arith.index_cast %scan3A_1584 : i32 to index
        %get3A_1927 = arith.index_cast %get3A_1925 : i32 to index
        %get3A_1928 = arith.constant 16 : index
        %get3A_1929 = tpu.vector_load %arg7[%get3A_1926, %get3A_1927, %get3A_1928] {strides = array<i32>} : memref<32x50x32xf32, #tpu.memory_space<vmem>>, vector<1x1x16xf32>,
        %get3A_1930 = vector.shape_cast %get3A_1929 : vector<1x1x16xf32> to vector<16xf32>
        %add3A_1931 = arith.addf %add3A_1917, %get3A_1930 : vector<16xf32>
        %get3A_1932 = arith.constant 25 : i32
        %get3A_1933 = arith.index_cast %scan3A_1584 : i32 to index
        %get3A_1934 = arith.index_cast %get3A_1932 : i32 to index
        %get3A_1935 = arith.constant 0 : index
        %get3A_1936 = tpu.vector_load %arg7[%get3A_1933, %get3A_1934, %get3A_1935] {strides = array<i32>} : memref<32x50x32xf32, #tpu.memory_space<vmem>>, vector<1x1x16xf32>,
        %get3A_1937 = vector.shape_cast %get3A_1936 : vector<1x1x16xf32> to vector<16xf32>
        %add3A_1938 = arith.addf %add3A_1924, %get3A_1937 : vector<16xf32>
        %get3A_1939 = arith.constant 25 : i32
        %get3A_1940 = arith.index_cast %scan3A_1584 : i32 to index
        %get3A_1941 = arith.index_cast %get3A_1939 : i32 to index
        %get3A_1942 = arith.constant 16 : index
        %get3A_1943 = tpu.vector_load %arg7[%get3A_1940, %get3A_1941, %get3A_1942] {strides = array<i32>} : memref<32x50x32xf32, #tpu.memory_space<vmem>>, vector<1x1x16xf32>,
        %get3A_1944 = vector.shape_cast %get3A_1943 : vector<1x1x16xf32> to vector<16xf32>
        %add3A_1945 = arith.addf %add3A_1931, %get3A_1944 : vector<16xf32>
        %get3A_1946 = arith.constant 26 : i32
        %get3A_1947 = arith.index_cast %scan3A_1584 : i32 to index
        %get3A_1948 = arith.index_cast %get3A_1946 : i32 to index
        %get3A_1949 = arith.constant 0 : index
        %get3A_1950 = tpu.vector_load %arg7[%get3A_1947, %get3A_1948, %get3A_1949] {strides = array<i32>} : memref<32x50x32xf32, #tpu.memory_space<vmem>>, vector<1x1x16xf32>,
        %get3A_1951 = vector.shape_cast %get3A_1950 : vector<1x1x16xf32> to vector<16xf32>
        %add3A_1952 = arith.addf %add3A_1938, %get3A_1951 : vector<16xf32>
        %get3A_1953 = arith.constant 26 : i32
        %get3A_1954 = arith.index_cast %scan3A_1584 : i32 to index
        %get3A_1955 = arith.index_cast %get3A_1953 : i32 to index
        %get3A_1956 = arith.constant 16 : index
        %get3A_1957 = tpu.vector_load %arg7[%get3A_1954, %get3A_1955, %get3A_1956] {strides = array<i32>} : memref<32x50x32xf32, #tpu.memory_space<vmem>>, vector<1x1x16xf32>,
        %get3A_1958 = vector.shape_cast %get3A_1957 : vector<1x1x16xf32> to vector<16xf32>
        %add3A_1959 = arith.addf %add3A_1945, %get3A_1958 : vector<16xf32>
        %get3A_1960 = arith.constant 27 : i32
        %get3A_1961 = arith.index_cast %scan3A_1584 : i32 to index
        %get3A_1962 = arith.index_cast %get3A_1960 : i32 to index
        %get3A_1963 = arith.constant 0 : index
        %get3A_1964 = tpu.vector_load %arg7[%get3A_1961, %get3A_1962, %get3A_1963] {strides = array<i32>} : memref<32x50x32xf32, #tpu.memory_space<vmem>>, vector<1x1x16xf32>,
        %get3A_1965 = vector.shape_cast %get3A_1964 : vector<1x1x16xf32> to vector<16xf32>
        %add3A_1966 = arith.addf %add3A_1952, %get3A_1965 : vector<16xf32>
        %get3A_1967 = arith.constant 27 : i32
        %get3A_1968 = arith.index_cast %scan3A_1584 : i32 to index
        %get3A_1969 = arith.index_cast %get3A_1967 : i32 to index
        %get3A_1970 = arith.constant 16 : index
        %get3A_1971 = tpu.vector_load %arg7[%get3A_1968, %get3A_1969, %get3A_1970] {strides = array<i32>} : memref<32x50x32xf32, #tpu.memory_space<vmem>>, vector<1x1x16xf32>,
        %get3A_1972 = vector.shape_cast %get3A_1971 : vector<1x1x16xf32> to vector<16xf32>
        %add3A_1973 = arith.addf %add3A_1959, %get3A_1972 : vector<16xf32>
        %get3A_1974 = arith.constant 28 : i32
        %get3A_1975 = arith.index_cast %scan3A_1584 : i32 to index
        %get3A_1976 = arith.index_cast %get3A_1974 : i32 to index
        %get3A_1977 = arith.constant 0 : index
        %get3A_1978 = tpu.vector_load %arg7[%get3A_1975, %get3A_1976, %get3A_1977] {strides = array<i32>} : memref<32x50x32xf32, #tpu.memory_space<vmem>>, vector<1x1x16xf32>,
        %get3A_1979 = vector.shape_cast %get3A_1978 : vector<1x1x16xf32> to vector<16xf32>
        %add3A_1980 = arith.addf %add3A_1966, %get3A_1979 : vector<16xf32>
        %get3A_1981 = arith.constant 28 : i32
        %get3A_1982 = arith.index_cast %scan3A_1584 : i32 to index
        %get3A_1983 = arith.index_cast %get3A_1981 : i32 to index
        %get3A_1984 = arith.constant 16 : index
        %get3A_1985 = tpu.vector_load %arg7[%get3A_1982, %get3A_1983, %get3A_1984] {strides = array<i32>} : memref<32x50x32xf32, #tpu.memory_space<vmem>>, vector<1x1x16xf32>,
        %get3A_1986 = vector.shape_cast %get3A_1985 : vector<1x1x16xf32> to vector<16xf32>
        %add3A_1987 = arith.addf %add3A_1973, %get3A_1986 : vector<16xf32>
        %get3A_1988 = arith.constant 29 : i32
        %get3A_1989 = arith.index_cast %scan3A_1584 : i32 to index
        %get3A_1990 = arith.index_cast %get3A_1988 : i32 to index
        %get3A_1991 = arith.constant 0 : index
        %get3A_1992 = tpu.vector_load %arg7[%get3A_1989, %get3A_1990, %get3A_1991] {strides = array<i32>} : memref<32x50x32xf32, #tpu.memory_space<vmem>>, vector<1x1x16xf32>,
        %get3A_1993 = vector.shape_cast %get3A_1992 : vector<1x1x16xf32> to vector<16xf32>
        %add3A_1994 = arith.addf %add3A_1980, %get3A_1993 : vector<16xf32>
        %get3A_1995 = arith.constant 29 : i32
        %get3A_1996 = arith.index_cast %scan3A_1584 : i32 to index
        %get3A_1997 = arith.index_cast %get3A_1995 : i32 to index
        %get3A_1998 = arith.constant 16 : index
        %get3A_1999 = tpu.vector_load %arg7[%get3A_1996, %get3A_1997, %get3A_1998] {strides = array<i32>} : memref<32x50x32xf32, #tpu.memory_space<vmem>>, vector<1x1x16xf32>,
        %get3A_2000 = vector.shape_cast %get3A_1999 : vector<1x1x16xf32> to vector<16xf32>
        %add3A_2001 = arith.addf %add3A_1987, %get3A_2000 : vector<16xf32>
        %get3A_2002 = arith.constant 30 : i32
        %get3A_2003 = arith.index_cast %scan3A_1584 : i32 to index
        %get3A_2004 = arith.index_cast %get3A_2002 : i32 to index
        %get3A_2005 = arith.constant 0 : index
        %get3A_2006 = tpu.vector_load %arg7[%get3A_2003, %get3A_2004, %get3A_2005] {strides = array<i32>} : memref<32x50x32xf32, #tpu.memory_space<vmem>>, vector<1x1x16xf32>,
        %get3A_2007 = vector.shape_cast %get3A_2006 : vector<1x1x16xf32> to vector<16xf32>
        %add3A_2008 = arith.addf %add3A_1994, %get3A_2007 : vector<16xf32>
        %get3A_2009 = arith.constant 30 : i32
        %get3A_2010 = arith.index_cast %scan3A_1584 : i32 to index
        %get3A_2011 = arith.index_cast %get3A_2009 : i32 to index
        %get3A_2012 = arith.constant 16 : index
        %get3A_2013 = tpu.vector_load %arg7[%get3A_2010, %get3A_2011, %get3A_2012] {strides = array<i32>} : memref<32x50x32xf32, #tpu.memory_space<vmem>>, vector<1x1x16xf32>,
        %get3A_2014 = vector.shape_cast %get3A_2013 : vector<1x1x16xf32> to vector<16xf32>
        %add3A_2015 = arith.addf %add3A_2001, %get3A_2014 : vector<16xf32>
        %get3A_2016 = arith.constant 31 : i32
        %get3A_2017 = arith.index_cast %scan3A_1584 : i32 to index
        %get3A_2018 = arith.index_cast %get3A_2016 : i32 to index
        %get3A_2019 = arith.constant 0 : index
        %get3A_2020 = tpu.vector_load %arg7[%get3A_2017, %get3A_2018, %get3A_2019] {strides = array<i32>} : memref<32x50x32xf32, #tpu.memory_space<vmem>>, vector<1x1x16xf32>,
        %get3A_2021 = vector.shape_cast %get3A_2020 : vector<1x1x16xf32> to vector<16xf32>
        %add3A_2022 = arith.addf %add3A_2008, %get3A_2021 : vector<16xf32>
        %get3A_2023 = arith.constant 31 : i32
        %get3A_2024 = arith.index_cast %scan3A_1584 : i32 to index
        %get3A_2025 = arith.index_cast %get3A_2023 : i32 to index
        %get3A_2026 = arith.constant 16 : index
        %get3A_2027 = tpu.vector_load %arg7[%get3A_2024, %get3A_2025, %get3A_2026] {strides = array<i32>} : memref<32x50x32xf32, #tpu.memory_space<vmem>>, vector<1x1x16xf32>,
        %get3A_2028 = vector.shape_cast %get3A_2027 : vector<1x1x16xf32> to vector<16xf32>
        %add3A_2029 = arith.addf %add3A_2015, %get3A_2028 : vector<16xf32>
        %get3A_2030 = arith.constant 32 : i32
        %get3A_2031 = arith.index_cast %scan3A_1584 : i32 to index
        %get3A_2032 = arith.index_cast %get3A_2030 : i32 to index
        %get3A_2033 = arith.constant 0 : index
        %get3A_2034 = tpu.vector_load %arg7[%get3A_2031, %get3A_2032, %get3A_2033] {strides = array<i32>} : memref<32x50x32xf32, #tpu.memory_space<vmem>>, vector<1x1x16xf32>,
        %get3A_2035 = vector.shape_cast %get3A_2034 : vector<1x1x16xf32> to vector<16xf32>
        %add3A_2036 = arith.addf %add3A_2022, %get3A_2035 : vector<16xf32>
        %get3A_2037 = arith.constant 32 : i32
        %get3A_2038 = arith.index_cast %scan3A_1584 : i32 to index
        %get3A_2039 = arith.index_cast %get3A_2037 : i32 to index
        %get3A_2040 = arith.constant 16 : index
        %get3A_2041 = tpu.vector_load %arg7[%get3A_2038, %get3A_2039, %get3A_2040] {strides = array<i32>} : memref<32x50x32xf32, #tpu.memory_space<vmem>>, vector<1x1x16xf32>,
        %get3A_2042 = vector.shape_cast %get3A_2041 : vector<1x1x16xf32> to vector<16xf32>
        %add3A_2043 = arith.addf %add3A_2029, %get3A_2042 : vector<16xf32>
        %get3A_2044 = arith.constant 33 : i32
        %get3A_2045 = arith.index_cast %scan3A_1584 : i32 to index
        %get3A_2046 = arith.index_cast %get3A_2044 : i32 to index
        %get3A_2047 = arith.constant 0 : index
        %get3A_2048 = tpu.vector_load %arg7[%get3A_2045, %get3A_2046, %get3A_2047] {strides = array<i32>} : memref<32x50x32xf32, #tpu.memory_space<vmem>>, vector<1x1x16xf32>,
        %get3A_2049 = vector.shape_cast %get3A_2048 : vector<1x1x16xf32> to vector<16xf32>
        %add3A_2050 = arith.addf %add3A_2036, %get3A_2049 : vector<16xf32>
        %get3A_2051 = arith.constant 33 : i32
        %get3A_2052 = arith.index_cast %scan3A_1584 : i32 to index
        %get3A_2053 = arith.index_cast %get3A_2051 : i32 to index
        %get3A_2054 = arith.constant 16 : index
        %get3A_2055 = tpu.vector_load %arg7[%get3A_2052, %get3A_2053, %get3A_2054] {strides = array<i32>} : memref<32x50x32xf32, #tpu.memory_space<vmem>>, vector<1x1x16xf32>,
        %get3A_2056 = vector.shape_cast %get3A_2055 : vector<1x1x16xf32> to vector<16xf32>
        %add3A_2057 = arith.addf %add3A_2043, %get3A_2056 : vector<16xf32>
        %get3A_2058 = arith.constant 34 : i32
        %get3A_2059 = arith.index_cast %scan3A_1584 : i32 to index
        %get3A_2060 = arith.index_cast %get3A_2058 : i32 to index
        %get3A_2061 = arith.constant 0 : index
        %get3A_2062 = tpu.vector_load %arg7[%get3A_2059, %get3A_2060, %get3A_2061] {strides = array<i32>} : memref<32x50x32xf32, #tpu.memory_space<vmem>>, vector<1x1x16xf32>,
        %get3A_2063 = vector.shape_cast %get3A_2062 : vector<1x1x16xf32> to vector<16xf32>
        %add3A_2064 = arith.addf %add3A_2050, %get3A_2063 : vector<16xf32>
        %get3A_2065 = arith.constant 34 : i32
        %get3A_2066 = arith.index_cast %scan3A_1584 : i32 to index
        %get3A_2067 = arith.index_cast %get3A_2065 : i32 to index
        %get3A_2068 = arith.constant 16 : index
        %get3A_2069 = tpu.vector_load %arg7[%get3A_2066, %get3A_2067, %get3A_2068] {strides = array<i32>} : memref<32x50x32xf32, #tpu.memory_space<vmem>>, vector<1x1x16xf32>,
        %get3A_2070 = vector.shape_cast %get3A_2069 : vector<1x1x16xf32> to vector<16xf32>
        %add3A_2071 = arith.addf %add3A_2057, %get3A_2070 : vector<16xf32>
        %get3A_2072 = arith.constant 35 : i32
        %get3A_2073 = arith.index_cast %scan3A_1584 : i32 to index
        %get3A_2074 = arith.index_cast %get3A_2072 : i32 to index
        %get3A_2075 = arith.constant 0 : index
        %get3A_2076 = tpu.vector_load %arg7[%get3A_2073, %get3A_2074, %get3A_2075] {strides = array<i32>} : memref<32x50x32xf32, #tpu.memory_space<vmem>>, vector<1x1x16xf32>,
        %get3A_2077 = vector.shape_cast %get3A_2076 : vector<1x1x16xf32> to vector<16xf32>
        %add3A_2078 = arith.addf %add3A_2064, %get3A_2077 : vector<16xf32>
        %get3A_2079 = arith.constant 35 : i32
        %get3A_2080 = arith.index_cast %scan3A_1584 : i32 to index
        %get3A_2081 = arith.index_cast %get3A_2079 : i32 to index
        %get3A_2082 = arith.constant 16 : index
        %get3A_2083 = tpu.vector_load %arg7[%get3A_2080, %get3A_2081, %get3A_2082] {strides = array<i32>} : memref<32x50x32xf32, #tpu.memory_space<vmem>>, vector<1x1x16xf32>,
        %get3A_2084 = vector.shape_cast %get3A_2083 : vector<1x1x16xf32> to vector<16xf32>
        %add3A_2085 = arith.addf %add3A_2071, %get3A_2084 : vector<16xf32>
        %get3A_2086 = arith.constant 36 : i32
        %get3A_2087 = arith.index_cast %scan3A_1584 : i32 to index
        %get3A_2088 = arith.index_cast %get3A_2086 : i32 to index
        %get3A_2089 = arith.constant 0 : index
        %get3A_2090 = tpu.vector_load %arg7[%get3A_2087, %get3A_2088, %get3A_2089] {strides = array<i32>} : memref<32x50x32xf32, #tpu.memory_space<vmem>>, vector<1x1x16xf32>,
        %get3A_2091 = vector.shape_cast %get3A_2090 : vector<1x1x16xf32> to vector<16xf32>
        %add3A_2092 = arith.addf %add3A_2078, %get3A_2091 : vector<16xf32>
        %get3A_2093 = arith.constant 36 : i32
        %get3A_2094 = arith.index_cast %scan3A_1584 : i32 to index
        %get3A_2095 = arith.index_cast %get3A_2093 : i32 to index
        %get3A_2096 = arith.constant 16 : index
        %get3A_2097 = tpu.vector_load %arg7[%get3A_2094, %get3A_2095, %get3A_2096] {strides = array<i32>} : memref<32x50x32xf32, #tpu.memory_space<vmem>>, vector<1x1x16xf32>,
        %get3A_2098 = vector.shape_cast %get3A_2097 : vector<1x1x16xf32> to vector<16xf32>
        %add3A_2099 = arith.addf %add3A_2085, %get3A_2098 : vector<16xf32>
        %get3A_2100 = arith.constant 37 : i32
        %get3A_2101 = arith.index_cast %scan3A_1584 : i32 to index
        %get3A_2102 = arith.index_cast %get3A_2100 : i32 to index
        %get3A_2103 = arith.constant 0 : index
        %get3A_2104 = tpu.vector_load %arg7[%get3A_2101, %get3A_2102, %get3A_2103] {strides = array<i32>} : memref<32x50x32xf32, #tpu.memory_space<vmem>>, vector<1x1x16xf32>,
        %get3A_2105 = vector.shape_cast %get3A_2104 : vector<1x1x16xf32> to vector<16xf32>
        %add3A_2106 = arith.addf %add3A_2092, %get3A_2105 : vector<16xf32>
        %get3A_2107 = arith.constant 37 : i32
        %get3A_2108 = arith.index_cast %scan3A_1584 : i32 to index
        %get3A_2109 = arith.index_cast %get3A_2107 : i32 to index
        %get3A_2110 = arith.constant 16 : index
        %get3A_2111 = tpu.vector_load %arg7[%get3A_2108, %get3A_2109, %get3A_2110] {strides = array<i32>} : memref<32x50x32xf32, #tpu.memory_space<vmem>>, vector<1x1x16xf32>,
        %get3A_2112 = vector.shape_cast %get3A_2111 : vector<1x1x16xf32> to vector<16xf32>
        %add3A_2113 = arith.addf %add3A_2099, %get3A_2112 : vector<16xf32>
        %get3A_2114 = arith.constant 38 : i32
        %get3A_2115 = arith.index_cast %scan3A_1584 : i32 to index
        %get3A_2116 = arith.index_cast %get3A_2114 : i32 to index
        %get3A_2117 = arith.constant 0 : index
        %get3A_2118 = tpu.vector_load %arg7[%get3A_2115, %get3A_2116, %get3A_2117] {strides = array<i32>} : memref<32x50x32xf32, #tpu.memory_space<vmem>>, vector<1x1x16xf32>,
        %get3A_2119 = vector.shape_cast %get3A_2118 : vector<1x1x16xf32> to vector<16xf32>
        %add3A_2120 = arith.addf %add3A_2106, %get3A_2119 : vector<16xf32>
        %get3A_2121 = arith.constant 38 : i32
        %get3A_2122 = arith.index_cast %scan3A_1584 : i32 to index
        %get3A_2123 = arith.index_cast %get3A_2121 : i32 to index
        %get3A_2124 = arith.constant 16 : index
        %get3A_2125 = tpu.vector_load %arg7[%get3A_2122, %get3A_2123, %get3A_2124] {strides = array<i32>} : memref<32x50x32xf32, #tpu.memory_space<vmem>>, vector<1x1x16xf32>,
        %get3A_2126 = vector.shape_cast %get3A_2125 : vector<1x1x16xf32> to vector<16xf32>
        %add3A_2127 = arith.addf %add3A_2113, %get3A_2126 : vector<16xf32>
        %get3A_2128 = arith.constant 39 : i32
        %get3A_2129 = arith.index_cast %scan3A_1584 : i32 to index
        %get3A_2130 = arith.index_cast %get3A_2128 : i32 to index
        %get3A_2131 = arith.constant 0 : index
        %get3A_2132 = tpu.vector_load %arg7[%get3A_2129, %get3A_2130, %get3A_2131] {strides = array<i32>} : memref<32x50x32xf32, #tpu.memory_space<vmem>>, vector<1x1x16xf32>,
        %get3A_2133 = vector.shape_cast %get3A_2132 : vector<1x1x16xf32> to vector<16xf32>
        %add3A_2134 = arith.addf %add3A_2120, %get3A_2133 : vector<16xf32>
        %get3A_2135 = arith.constant 39 : i32
        %get3A_2136 = arith.index_cast %scan3A_1584 : i32 to index
        %get3A_2137 = arith.index_cast %get3A_2135 : i32 to index
        %get3A_2138 = arith.constant 16 : index
        %get3A_2139 = tpu.vector_load %arg7[%get3A_2136, %get3A_2137, %get3A_2138] {strides = array<i32>} : memref<32x50x32xf32, #tpu.memory_space<vmem>>, vector<1x1x16xf32>,
        %get3A_2140 = vector.shape_cast %get3A_2139 : vector<1x1x16xf32> to vector<16xf32>
        %add3A_2141 = arith.addf %add3A_2127, %get3A_2140 : vector<16xf32>
        %get3A_2142 = arith.constant 40 : i32
        %get3A_2143 = arith.index_cast %scan3A_1584 : i32 to index
        %get3A_2144 = arith.index_cast %get3A_2142 : i32 to index
        %get3A_2145 = arith.constant 0 : index
        %get3A_2146 = tpu.vector_load %arg7[%get3A_2143, %get3A_2144, %get3A_2145] {strides = array<i32>} : memref<32x50x32xf32, #tpu.memory_space<vmem>>, vector<1x1x16xf32>,
        %get3A_2147 = vector.shape_cast %get3A_2146 : vector<1x1x16xf32> to vector<16xf32>
        %add3A_2148 = arith.addf %add3A_2134, %get3A_2147 : vector<16xf32>
        %get3A_2149 = arith.constant 40 : i32
        %get3A_2150 = arith.index_cast %scan3A_1584 : i32 to index
        %get3A_2151 = arith.index_cast %get3A_2149 : i32 to index
        %get3A_2152 = arith.constant 16 : index
        %get3A_2153 = tpu.vector_load %arg7[%get3A_2150, %get3A_2151, %get3A_2152] {strides = array<i32>} : memref<32x50x32xf32, #tpu.memory_space<vmem>>, vector<1x1x16xf32>,
        %get3A_2154 = vector.shape_cast %get3A_2153 : vector<1x1x16xf32> to vector<16xf32>
        %add3A_2155 = arith.addf %add3A_2141, %get3A_2154 : vector<16xf32>
        %get3A_2156 = arith.constant 41 : i32
        %get3A_2157 = arith.index_cast %scan3A_1584 : i32 to index
        %get3A_2158 = arith.index_cast %get3A_2156 : i32 to index
        %get3A_2159 = arith.constant 0 : index
        %get3A_2160 = tpu.vector_load %arg7[%get3A_2157, %get3A_2158, %get3A_2159] {strides = array<i32>} : memref<32x50x32xf32, #tpu.memory_space<vmem>>, vector<1x1x16xf32>,
        %get3A_2161 = vector.shape_cast %get3A_2160 : vector<1x1x16xf32> to vector<16xf32>
        %add3A_2162 = arith.addf %add3A_2148, %get3A_2161 : vector<16xf32>
        %get3A_2163 = arith.constant 41 : i32
        %get3A_2164 = arith.index_cast %scan3A_1584 : i32 to index
        %get3A_2165 = arith.index_cast %get3A_2163 : i32 to index
        %get3A_2166 = arith.constant 16 : index
        %get3A_2167 = tpu.vector_load %arg7[%get3A_2164, %get3A_2165, %get3A_2166] {strides = array<i32>} : memref<32x50x32xf32, #tpu.memory_space<vmem>>, vector<1x1x16xf32>,
        %get3A_2168 = vector.shape_cast %get3A_2167 : vector<1x1x16xf32> to vector<16xf32>
        %add3A_2169 = arith.addf %add3A_2155, %get3A_2168 : vector<16xf32>
        %get3A_2170 = arith.constant 42 : i32
        %get3A_2171 = arith.index_cast %scan3A_1584 : i32 to index
        %get3A_2172 = arith.index_cast %get3A_2170 : i32 to index
        %get3A_2173 = arith.constant 0 : index
        %get3A_2174 = tpu.vector_load %arg7[%get3A_2171, %get3A_2172, %get3A_2173] {strides = array<i32>} : memref<32x50x32xf32, #tpu.memory_space<vmem>>, vector<1x1x16xf32>,
        %get3A_2175 = vector.shape_cast %get3A_2174 : vector<1x1x16xf32> to vector<16xf32>
        %add3A_2176 = arith.addf %add3A_2162, %get3A_2175 : vector<16xf32>
        %get3A_2177 = arith.constant 42 : i32
        %get3A_2178 = arith.index_cast %scan3A_1584 : i32 to index
        %get3A_2179 = arith.index_cast %get3A_2177 : i32 to index
        %get3A_2180 = arith.constant 16 : index
        %get3A_2181 = tpu.vector_load %arg7[%get3A_2178, %get3A_2179, %get3A_2180] {strides = array<i32>} : memref<32x50x32xf32, #tpu.memory_space<vmem>>, vector<1x1x16xf32>,
        %get3A_2182 = vector.shape_cast %get3A_2181 : vector<1x1x16xf32> to vector<16xf32>
        %add3A_2183 = arith.addf %add3A_2169, %get3A_2182 : vector<16xf32>
        %get3A_2184 = arith.constant 43 : i32
        %get3A_2185 = arith.index_cast %scan3A_1584 : i32 to index
        %get3A_2186 = arith.index_cast %get3A_2184 : i32 to index
        %get3A_2187 = arith.constant 0 : index
        %get3A_2188 = tpu.vector_load %arg7[%get3A_2185, %get3A_2186, %get3A_2187] {strides = array<i32>} : memref<32x50x32xf32, #tpu.memory_space<vmem>>, vector<1x1x16xf32>,
        %get3A_2189 = vector.shape_cast %get3A_2188 : vector<1x1x16xf32> to vector<16xf32>
        %add3A_2190 = arith.addf %add3A_2176, %get3A_2189 : vector<16xf32>
        %get3A_2191 = arith.constant 43 : i32
        %get3A_2192 = arith.index_cast %scan3A_1584 : i32 to index
        %get3A_2193 = arith.index_cast %get3A_2191 : i32 to index
        %get3A_2194 = arith.constant 16 : index
        %get3A_2195 = tpu.vector_load %arg7[%get3A_2192, %get3A_2193, %get3A_2194] {strides = array<i32>} : memref<32x50x32xf32, #tpu.memory_space<vmem>>, vector<1x1x16xf32>,
        %get3A_2196 = vector.shape_cast %get3A_2195 : vector<1x1x16xf32> to vector<16xf32>
        %add3A_2197 = arith.addf %add3A_2183, %get3A_2196 : vector<16xf32>
        %get3A_2198 = arith.constant 44 : i32
        %get3A_2199 = arith.index_cast %scan3A_1584 : i32 to index
        %get3A_2200 = arith.index_cast %get3A_2198 : i32 to index
        %get3A_2201 = arith.constant 0 : index
        %get3A_2202 = tpu.vector_load %arg7[%get3A_2199, %get3A_2200, %get3A_2201] {strides = array<i32>} : memref<32x50x32xf32, #tpu.memory_space<vmem>>, vector<1x1x16xf32>,
        %get3A_2203 = vector.shape_cast %get3A_2202 : vector<1x1x16xf32> to vector<16xf32>
        %add3A_2204 = arith.addf %add3A_2190, %get3A_2203 : vector<16xf32>
        %get3A_2205 = arith.constant 44 : i32
        %get3A_2206 = arith.index_cast %scan3A_1584 : i32 to index
        %get3A_2207 = arith.index_cast %get3A_2205 : i32 to index
        %get3A_2208 = arith.constant 16 : index
        %get3A_2209 = tpu.vector_load %arg7[%get3A_2206, %get3A_2207, %get3A_2208] {strides = array<i32>} : memref<32x50x32xf32, #tpu.memory_space<vmem>>, vector<1x1x16xf32>,
        %get3A_2210 = vector.shape_cast %get3A_2209 : vector<1x1x16xf32> to vector<16xf32>
        %add3A_2211 = arith.addf %add3A_2197, %get3A_2210 : vector<16xf32>
        %get3A_2212 = arith.constant 45 : i32
        %get3A_2213 = arith.index_cast %scan3A_1584 : i32 to index
        %get3A_2214 = arith.index_cast %get3A_2212 : i32 to index
        %get3A_2215 = arith.constant 0 : index
        %get3A_2216 = tpu.vector_load %arg7[%get3A_2213, %get3A_2214, %get3A_2215] {strides = array<i32>} : memref<32x50x32xf32, #tpu.memory_space<vmem>>, vector<1x1x16xf32>,
        %get3A_2217 = vector.shape_cast %get3A_2216 : vector<1x1x16xf32> to vector<16xf32>
        %add3A_2218 = arith.addf %add3A_2204, %get3A_2217 : vector<16xf32>
        %get3A_2219 = arith.constant 45 : i32
        %get3A_2220 = arith.index_cast %scan3A_1584 : i32 to index
        %get3A_2221 = arith.index_cast %get3A_2219 : i32 to index
        %get3A_2222 = arith.constant 16 : index
        %get3A_2223 = tpu.vector_load %arg7[%get3A_2220, %get3A_2221, %get3A_2222] {strides = array<i32>} : memref<32x50x32xf32, #tpu.memory_space<vmem>>, vector<1x1x16xf32>,
        %get3A_2224 = vector.shape_cast %get3A_2223 : vector<1x1x16xf32> to vector<16xf32>
        %add3A_2225 = arith.addf %add3A_2211, %get3A_2224 : vector<16xf32>
        %get3A_2226 = arith.constant 46 : i32
        %get3A_2227 = arith.index_cast %scan3A_1584 : i32 to index
        %get3A_2228 = arith.index_cast %get3A_2226 : i32 to index
        %get3A_2229 = arith.constant 0 : index
        %get3A_2230 = tpu.vector_load %arg7[%get3A_2227, %get3A_2228, %get3A_2229] {strides = array<i32>} : memref<32x50x32xf32, #tpu.memory_space<vmem>>, vector<1x1x16xf32>,
        %get3A_2231 = vector.shape_cast %get3A_2230 : vector<1x1x16xf32> to vector<16xf32>
        %add3A_2232 = arith.addf %add3A_2218, %get3A_2231 : vector<16xf32>
        %get3A_2233 = arith.constant 46 : i32
        %get3A_2234 = arith.index_cast %scan3A_1584 : i32 to index
        %get3A_2235 = arith.index_cast %get3A_2233 : i32 to index
        %get3A_2236 = arith.constant 16 : index
        %get3A_2237 = tpu.vector_load %arg7[%get3A_2234, %get3A_2235, %get3A_2236] {strides = array<i32>} : memref<32x50x32xf32, #tpu.memory_space<vmem>>, vector<1x1x16xf32>,
        %get3A_2238 = vector.shape_cast %get3A_2237 : vector<1x1x16xf32> to vector<16xf32>
        %add3A_2239 = arith.addf %add3A_2225, %get3A_2238 : vector<16xf32>
        %get3A_2240 = arith.constant 47 : i32
        %get3A_2241 = arith.index_cast %scan3A_1584 : i32 to index
        %get3A_2242 = arith.index_cast %get3A_2240 : i32 to index
        %get3A_2243 = arith.constant 0 : index
        %get3A_2244 = tpu.vector_load %arg7[%get3A_2241, %get3A_2242, %get3A_2243] {strides = array<i32>} : memref<32x50x32xf32, #tpu.memory_space<vmem>>, vector<1x1x16xf32>,
        %get3A_2245 = vector.shape_cast %get3A_2244 : vector<1x1x16xf32> to vector<16xf32>
        %add3A_2246 = arith.addf %add3A_2232, %get3A_2245 : vector<16xf32>
        %get3A_2247 = arith.constant 47 : i32
        %get3A_2248 = arith.index_cast %scan3A_1584 : i32 to index
        %get3A_2249 = arith.index_cast %get3A_2247 : i32 to index
        %get3A_2250 = arith.constant 16 : index
        %get3A_2251 = tpu.vector_load %arg7[%get3A_2248, %get3A_2249, %get3A_2250] {strides = array<i32>} : memref<32x50x32xf32, #tpu.memory_space<vmem>>, vector<1x1x16xf32>,
        %get3A_2252 = vector.shape_cast %get3A_2251 : vector<1x1x16xf32> to vector<16xf32>
        %add3A_2253 = arith.addf %add3A_2239, %get3A_2252 : vector<16xf32>
        %get3A_2254 = arith.constant 48 : i32
        %get3A_2255 = arith.index_cast %scan3A_1584 : i32 to index
        %get3A_2256 = arith.index_cast %get3A_2254 : i32 to index
        %get3A_2257 = arith.constant 0 : index
        %get3A_2258 = tpu.vector_load %arg7[%get3A_2255, %get3A_2256, %get3A_2257] {strides = array<i32>} : memref<32x50x32xf32, #tpu.memory_space<vmem>>, vector<1x1x16xf32>,
        %get3A_2259 = vector.shape_cast %get3A_2258 : vector<1x1x16xf32> to vector<16xf32>
        %add3A_2260 = arith.addf %add3A_2246, %get3A_2259 : vector<16xf32>
        %get3A_2261 = arith.constant 48 : i32
        %get3A_2262 = arith.index_cast %scan3A_1584 : i32 to index
        %get3A_2263 = arith.index_cast %get3A_2261 : i32 to index
        %get3A_2264 = arith.constant 16 : index
        %get3A_2265 = tpu.vector_load %arg7[%get3A_2262, %get3A_2263, %get3A_2264] {strides = array<i32>} : memref<32x50x32xf32, #tpu.memory_space<vmem>>, vector<1x1x16xf32>,
        %get3A_2266 = vector.shape_cast %get3A_2265 : vector<1x1x16xf32> to vector<16xf32>
        %add3A_2267 = arith.addf %add3A_2253, %get3A_2266 : vector<16xf32>
        %get3A_2268 = arith.constant 49 : i32
        %get3A_2269 = arith.index_cast %scan3A_1584 : i32 to index
        %get3A_2270 = arith.index_cast %get3A_2268 : i32 to index
        %get3A_2271 = arith.constant 0 : index
        %get3A_2272 = tpu.vector_load %arg7[%get3A_2269, %get3A_2270, %get3A_2271] {strides = array<i32>} : memref<32x50x32xf32, #tpu.memory_space<vmem>>, vector<1x1x16xf32>,
        %get3A_2273 = vector.shape_cast %get3A_2272 : vector<1x1x16xf32> to vector<16xf32>
        %add3A_2274 = arith.addf %add3A_2260, %get3A_2273 : vector<16xf32>
        %get3A_2275 = arith.constant 49 : i32
        %get3A_2276 = arith.index_cast %scan3A_1584 : i32 to index
        %get3A_2277 = arith.index_cast %get3A_2275 : i32 to index
        %get3A_2278 = arith.constant 16 : index
        %get3A_2279 = tpu.vector_load %arg7[%get3A_2276, %get3A_2277, %get3A_2278] {strides = array<i32>} : memref<32x50x32xf32, #tpu.memory_space<vmem>>, vector<1x1x16xf32>,
        %get3A_2280 = vector.shape_cast %get3A_2279 : vector<1x1x16xf32> to vector<16xf32>
        %add3A_2281 = arith.addf %add3A_2267, %get3A_2280 : vector<16xf32>
        %swap3A = arith.index_cast %scan3A_1584 : i32 to index
        %swap3A_2282 = arith.constant 0 : index
        %swap3A_2283 = tpu.vector_load %arg9[%swap3A, %swap3A_2282] {strides = array<i32>} : memref<32x32xf32, #tpu.memory_space<vmem>>, vector<1x16xf32>,
        %swap3A_2284 = vector.shape_cast %swap3A_2283 : vector<1x16xf32> to vector<16xf32>
        %swap3A_2285 = vector.shape_cast %add3A_2274 : vector<16xf32> to vector<1x16xf32>
        tpu.vector_store %arg9[%swap3A, %swap3A_2282], %swap3A_2285 {strides = array<i32>} : memref<32x32xf32, #tpu.memory_space<vmem>>, vector<1x16xf32>,
        %swap3A_2286 = arith.index_cast %scan3A_1584 : i32 to index
        %swap3A_2287 = arith.constant 16 : index
        %swap3A_2288 = tpu.vector_load %arg9[%swap3A_2286, %swap3A_2287] {strides = array<i32>} : memref<32x32xf32, #tpu.memory_space<vmem>>, vector<1x16xf32>,
        %swap3A_2289 = vector.shape_cast %swap3A_2288 : vector<1x16xf32> to vector<16xf32>
        %swap3A_2290 = vector.shape_cast %add3A_2281 : vector<16xf32> to vector<1x16xf32>
        tpu.vector_store %arg9[%swap3A_2286, %swap3A_2287], %swap3A_2290 {strides = array<i32>} : memref<32x32xf32, #tpu.memory_space<vmem>>, vector<1x16xf32>,
      }
      %scan3A_1175 = arith.constant 32 : i32
      "tpu.region"() ({
        %run_scoped3A = tpu.sem_alloc : memref<!tpu.dma_semaphore, #tpu.memory_space<semaphore_mem>>
        %dma_start3A_1584 = arith.constant 0 : i32
        %dma_start3A_1585 = tpu.memref_slice %arg4[%add3A_1169, %dma_start3A_1584] : memref<16384x32xf32, #tpu.memory_space<hbm>> -> memref<32x32xf32, #tpu.memory_space<hbm>>
        %dma_start3A_1586 = arith.constant 0 : i32
        %dma_start3A_1587 = tpu.memref_slice %arg4[%add3A_1169, %dma_start3A_1586] : memref<16384x32xf32, #tpu.memory_space<hbm>> -> memref<32x32xf32, #tpu.memory_space<hbm>>
        tpu.enqueue_dma source(%arg9 : memref<32x32xf32, #tpu.memory_space<vmem>>) target(%dma_start3A_1587 : memref<32x32xf32, #tpu.memory_space<hbm>>) target_semaphore(%run_scoped3A : memref<!tpu.dma_semaphore, #tpu.memory_space<semaphore_mem>>)
        %dma_wait3A_1588 = arith.constant 0 : i32
        %dma_wait3A_1589 = tpu.memref_slice %arg4[%add3A_1169, %dma_wait3A_1588] : memref<16384x32xf32, #tpu.memory_space<hbm>> -> memref<32x32xf32, #tpu.memory_space<hbm>>
        %dma_wait3A_1590 = arith.constant 0 : i32
        %dma_wait3A_1591 = tpu.memref_slice %arg4[%add3A_1169, %dma_wait3A_1590] : memref<16384x32xf32, #tpu.memory_space<hbm>> -> memref<32x32xf32, #tpu.memory_space<hbm>>
        tpu.wait_dma2 semaphore(%run_scoped3A : memref<!tpu.dma_semaphore, #tpu.memory_space<semaphore_mem>>) src(%arg9 : memref<32x32xf32, #tpu.memory_space<vmem>>) dst(%dma_wait3A_1591 : memref<32x32xf32, #tpu.memory_space<hbm>>)
        tpu.yield
      }) : () -> ()
      %add3A_1176 = arith.constant 2 : i32
      %add3A_1177 = arith.addi %add3A_783, %add3A_1176 : i32
      %le3A = arith.constant 15 : i32
      %le3A_1178 = arith.cmpi sle, %add3A_1177, %le3A : i32
      %convert_element_type3A = arith.extui %le3A_1178 : i1 to i32
      %cond3A = arith.constant 0 : i32
      %cond3A_1179 = arith.cmpi ne, %convert_element_type3A, %cond3A : i32
      scf.if %cond3A_1179 {
        %add3A_1584 = arith.constant 2 : i32
        %add3A_1585 = arith.addi %add3A_783, %add3A_1584 : i32
        %mul3A_1586 = arith.constant 32 : i32
        %mul3A_1587 = arith.muli %add3A_1585, %mul3A_1586 : i32
        %add3A_1588 = arith.addi %mul3A_2, %mul3A_1587 : i32
        "tpu.region"() ({
          %run_scoped3A = tpu.sem_alloc : memref<!tpu.dma_semaphore, #tpu.memory_space<semaphore_mem>>
          %dma_start3A_1973 = arith.constant 0 : i32
          %dma_start3A_1974 = tpu.memref_slice %arg2[%add3A_1588, %dma_start3A_1973] : memref<16384x50xi32, #tpu.memory_space<hbm>> -> memref<32x50xi32, #tpu.memory_space<hbm>>
          %dma_start3A_1975 = arith.constant 0 : i32
          %dma_start3A_1976 = tpu.memref_slice %arg2[%add3A_1588, %dma_start3A_1975] : memref<16384x50xi32, #tpu.memory_space<hbm>> -> memref<32x50xi32, #tpu.memory_space<hbm>>
          tpu.enqueue_dma source(%dma_start3A_1976 : memref<32x50xi32, #tpu.memory_space<hbm>>) target(%arg5 : memref<32x50xi32, #tpu.memory_space<vmem>>) target_semaphore(%run_scoped3A : memref<!tpu.dma_semaphore, #tpu.memory_space<semaphore_mem>>)
          %dma_wait3A_1977 = arith.constant 0 : i32
          %dma_wait3A_1978 = tpu.memref_slice %arg2[%add3A_1588, %dma_wait3A_1977] : memref<16384x50xi32, #tpu.memory_space<hbm>> -> memref<32x50xi32, #tpu.memory_space<hbm>>
          %dma_wait3A_1979 = arith.constant 0 : i32
          %dma_wait3A_1980 = tpu.memref_slice %arg2[%add3A_1588, %dma_wait3A_1979] : memref<16384x50xi32, #tpu.memory_space<hbm>> -> memref<32x50xi32, #tpu.memory_space<hbm>>
          tpu.wait_dma2 semaphore(%run_scoped3A : memref<!tpu.dma_semaphore, #tpu.memory_space<semaphore_mem>>) src(%dma_wait3A_1980 : memref<32x50xi32, #tpu.memory_space<hbm>>) dst(%arg5 : memref<32x50xi32, #tpu.memory_space<vmem>>)
          tpu.yield
        }) : () -> ()
        %dma_start3A_1589 = arith.constant 0 : i32
        %dma_start3A_1590 = arith.constant 0 : i32
        %dma_start3A_1591 = arith.constant 0 : i32
        %dma_start3A_1592 = arith.constant 0 : i32
        %dma_start3A_1593 = tpu.memref_slice %arg7[%dma_start3A_1590, %dma_start3A_1591, %dma_start3A_1592] : memref<32x50x32xf32, #tpu.memory_space<vmem>> -> memref<1x50x32xf32, #tpu.memory_space<vmem>>
        %dma_start3A_1594 = tpu.memref_squeeze %dma_start3A_1593 : memref<1x50x32xf32, #tpu.memory_space<vmem>> -> memref<50x32xf32, #tpu.memory_space<vmem>>
        %dma_start3A_1595 = arith.constant 0 : i32
        %dma_start3A_1596 = tpu.memref_slice %arg5[%dma_start3A_1589, %dma_start3A_1595] : memref<32x50xi32, #tpu.memory_space<vmem>> -> memref<1x50xi32, #tpu.memory_space<vmem>>
        %dma_start3A_1597 = tpu.memref_squeeze %dma_start3A_1596 : memref<1x50xi32, #tpu.memory_space<vmem>> -> memref<50xi32, #tpu.memory_space<vmem>>
        %dma_start3A_1598 = arith.constant 0 : i32
        %dma_start3A_1599 = arith.constant 0 : i32
        %dma_start3A_1600 = tpu.memref_slice %arg3[%dma_start3A_1598, %dma_start3A_1599] : memref<1000000x32xf32, #tpu.memory_space<hbm>> -> memref<1000000x32xf32, #tpu.memory_space<hbm>>
        tpu.enqueue_indirect_dma source(%dma_start3A_1600 : memref<1000000x32xf32, #tpu.memory_space<hbm>>) target(%dma_start3A_1594 : memref<50x32xf32, #tpu.memory_space<vmem>>) offsets(%dma_start3A_1597 : memref<50xi32, #tpu.memory_space<vmem>>) semaphore(%arg10 : memref<!tpu.dma_semaphore, #tpu.memory_space<semaphore_mem>>)
        %dma_start3A_1601 = arith.constant 1 : i32
        %dma_start3A_1602 = arith.constant 1 : i32
        %dma_start3A_1603 = arith.constant 0 : i32
        %dma_start3A_1604 = arith.constant 0 : i32
        %dma_start3A_1605 = tpu.memref_slice %arg7[%dma_start3A_1602, %dma_start3A_1603, %dma_start3A_1604] : memref<32x50x32xf32, #tpu.memory_space<vmem>> -> memref<1x50x32xf32, #tpu.memory_space<vmem>>
        %dma_start3A_1606 = tpu.memref_squeeze %dma_start3A_1605 : memref<1x50x32xf32, #tpu.memory_space<vmem>> -> memref<50x32xf32, #tpu.memory_space<vmem>>
        %dma_start3A_1607 = arith.constant 0 : i32
        %dma_start3A_1608 = tpu.memref_slice %arg5[%dma_start3A_1601, %dma_start3A_1607] : memref<32x50xi32, #tpu.memory_space<vmem>> -> memref<1x50xi32, #tpu.memory_space<vmem>>
        %dma_start3A_1609 = tpu.memref_squeeze %dma_start3A_1608 : memref<1x50xi32, #tpu.memory_space<vmem>> -> memref<50xi32, #tpu.memory_space<vmem>>
        %dma_start3A_1610 = arith.constant 0 : i32
        %dma_start3A_1611 = arith.constant 0 : i32
        %dma_start3A_1612 = tpu.memref_slice %arg3[%dma_start3A_1610, %dma_start3A_1611] : memref<1000000x32xf32, #tpu.memory_space<hbm>> -> memref<1000000x32xf32, #tpu.memory_space<hbm>>
        tpu.enqueue_indirect_dma source(%dma_start3A_1612 : memref<1000000x32xf32, #tpu.memory_space<hbm>>) target(%dma_start3A_1606 : memref<50x32xf32, #tpu.memory_space<vmem>>) offsets(%dma_start3A_1609 : memref<50xi32, #tpu.memory_space<vmem>>) semaphore(%arg10 : memref<!tpu.dma_semaphore, #tpu.memory_space<semaphore_mem>>)
        %dma_start3A_1613 = arith.constant 2 : i32
        %dma_start3A_1614 = arith.constant 2 : i32
        %dma_start3A_1615 = arith.constant 0 : i32
        %dma_start3A_1616 = arith.constant 0 : i32
        %dma_start3A_1617 = tpu.memref_slice %arg7[%dma_start3A_1614, %dma_start3A_1615, %dma_start3A_1616] : memref<32x50x32xf32, #tpu.memory_space<vmem>> -> memref<1x50x32xf32, #tpu.memory_space<vmem>>
        %dma_start3A_1618 = tpu.memref_squeeze %dma_start3A_1617 : memref<1x50x32xf32, #tpu.memory_space<vmem>> -> memref<50x32xf32, #tpu.memory_space<vmem>>
        %dma_start3A_1619 = arith.constant 0 : i32
        %dma_start3A_1620 = tpu.memref_slice %arg5[%dma_start3A_1613, %dma_start3A_1619] : memref<32x50xi32, #tpu.memory_space<vmem>> -> memref<1x50xi32, #tpu.memory_space<vmem>>
        %dma_start3A_1621 = tpu.memref_squeeze %dma_start3A_1620 : memref<1x50xi32, #tpu.memory_space<vmem>> -> memref<50xi32, #tpu.memory_space<vmem>>
        %dma_start3A_1622 = arith.constant 0 : i32
        %dma_start3A_1623 = arith.constant 0 : i32
        %dma_start3A_1624 = tpu.memref_slice %arg3[%dma_start3A_1622, %dma_start3A_1623] : memref<1000000x32xf32, #tpu.memory_space<hbm>> -> memref<1000000x32xf32, #tpu.memory_space<hbm>>
        tpu.enqueue_indirect_dma source(%dma_start3A_1624 : memref<1000000x32xf32, #tpu.memory_space<hbm>>) target(%dma_start3A_1618 : memref<50x32xf32, #tpu.memory_space<vmem>>) offsets(%dma_start3A_1621 : memref<50xi32, #tpu.memory_space<vmem>>) semaphore(%arg10 : memref<!tpu.dma_semaphore, #tpu.memory_space<semaphore_mem>>)
        %dma_start3A_1625 = arith.constant 3 : i32
        %dma_start3A_1626 = arith.constant 3 : i32
        %dma_start3A_1627 = arith.constant 0 : i32
        %dma_start3A_1628 = arith.constant 0 : i32
        %dma_start3A_1629 = tpu.memref_slice %arg7[%dma_start3A_1626, %dma_start3A_1627, %dma_start3A_1628] : memref<32x50x32xf32, #tpu.memory_space<vmem>> -> memref<1x50x32xf32, #tpu.memory_space<vmem>>
        %dma_start3A_1630 = tpu.memref_squeeze %dma_start3A_1629 : memref<1x50x32xf32, #tpu.memory_space<vmem>> -> memref<50x32xf32, #tpu.memory_space<vmem>>
        %dma_start3A_1631 = arith.constant 0 : i32
        %dma_start3A_1632 = tpu.memref_slice %arg5[%dma_start3A_1625, %dma_start3A_1631] : memref<32x50xi32, #tpu.memory_space<vmem>> -> memref<1x50xi32, #tpu.memory_space<vmem>>
        %dma_start3A_1633 = tpu.memref_squeeze %dma_start3A_1632 : memref<1x50xi32, #tpu.memory_space<vmem>> -> memref<50xi32, #tpu.memory_space<vmem>>
        %dma_start3A_1634 = arith.constant 0 : i32
        %dma_start3A_1635 = arith.constant 0 : i32
        %dma_start3A_1636 = tpu.memref_slice %arg3[%dma_start3A_1634, %dma_start3A_1635] : memref<1000000x32xf32, #tpu.memory_space<hbm>> -> memref<1000000x32xf32, #tpu.memory_space<hbm>>
        tpu.enqueue_indirect_dma source(%dma_start3A_1636 : memref<1000000x32xf32, #tpu.memory_space<hbm>>) target(%dma_start3A_1630 : memref<50x32xf32, #tpu.memory_space<vmem>>) offsets(%dma_start3A_1633 : memref<50xi32, #tpu.memory_space<vmem>>) semaphore(%arg10 : memref<!tpu.dma_semaphore, #tpu.memory_space<semaphore_mem>>)
        %dma_start3A_1637 = arith.constant 4 : i32
        %dma_start3A_1638 = arith.constant 4 : i32
        %dma_start3A_1639 = arith.constant 0 : i32
        %dma_start3A_1640 = arith.constant 0 : i32
        %dma_start3A_1641 = tpu.memref_slice %arg7[%dma_start3A_1638, %dma_start3A_1639, %dma_start3A_1640] : memref<32x50x32xf32, #tpu.memory_space<vmem>> -> memref<1x50x32xf32, #tpu.memory_space<vmem>>
        %dma_start3A_1642 = tpu.memref_squeeze %dma_start3A_1641 : memref<1x50x32xf32, #tpu.memory_space<vmem>> -> memref<50x32xf32, #tpu.memory_space<vmem>>
        %dma_start3A_1643 = arith.constant 0 : i32
        %dma_start3A_1644 = tpu.memref_slice %arg5[%dma_start3A_1637, %dma_start3A_1643] : memref<32x50xi32, #tpu.memory_space<vmem>> -> memref<1x50xi32, #tpu.memory_space<vmem>>
        %dma_start3A_1645 = tpu.memref_squeeze %dma_start3A_1644 : memref<1x50xi32, #tpu.memory_space<vmem>> -> memref<50xi32, #tpu.memory_space<vmem>>
        %dma_start3A_1646 = arith.constant 0 : i32
        %dma_start3A_1647 = arith.constant 0 : i32
        %dma_start3A_1648 = tpu.memref_slice %arg3[%dma_start3A_1646, %dma_start3A_1647] : memref<1000000x32xf32, #tpu.memory_space<hbm>> -> memref<1000000x32xf32, #tpu.memory_space<hbm>>
        tpu.enqueue_indirect_dma source(%dma_start3A_1648 : memref<1000000x32xf32, #tpu.memory_space<hbm>>) target(%dma_start3A_1642 : memref<50x32xf32, #tpu.memory_space<vmem>>) offsets(%dma_start3A_1645 : memref<50xi32, #tpu.memory_space<vmem>>) semaphore(%arg10 : memref<!tpu.dma_semaphore, #tpu.memory_space<semaphore_mem>>)
        %dma_start3A_1649 = arith.constant 5 : i32
        %dma_start3A_1650 = arith.constant 5 : i32
        %dma_start3A_1651 = arith.constant 0 : i32
        %dma_start3A_1652 = arith.constant 0 : i32
        %dma_start3A_1653 = tpu.memref_slice %arg7[%dma_start3A_1650, %dma_start3A_1651, %dma_start3A_1652] : memref<32x50x32xf32, #tpu.memory_space<vmem>> -> memref<1x50x32xf32, #tpu.memory_space<vmem>>
        %dma_start3A_1654 = tpu.memref_squeeze %dma_start3A_1653 : memref<1x50x32xf32, #tpu.memory_space<vmem>> -> memref<50x32xf32, #tpu.memory_space<vmem>>
        %dma_start3A_1655 = arith.constant 0 : i32
        %dma_start3A_1656 = tpu.memref_slice %arg5[%dma_start3A_1649, %dma_start3A_1655] : memref<32x50xi32, #tpu.memory_space<vmem>> -> memref<1x50xi32, #tpu.memory_space<vmem>>
        %dma_start3A_1657 = tpu.memref_squeeze %dma_start3A_1656 : memref<1x50xi32, #tpu.memory_space<vmem>> -> memref<50xi32, #tpu.memory_space<vmem>>
        %dma_start3A_1658 = arith.constant 0 : i32
        %dma_start3A_1659 = arith.constant 0 : i32
        %dma_start3A_1660 = tpu.memref_slice %arg3[%dma_start3A_1658, %dma_start3A_1659] : memref<1000000x32xf32, #tpu.memory_space<hbm>> -> memref<1000000x32xf32, #tpu.memory_space<hbm>>
        tpu.enqueue_indirect_dma source(%dma_start3A_1660 : memref<1000000x32xf32, #tpu.memory_space<hbm>>) target(%dma_start3A_1654 : memref<50x32xf32, #tpu.memory_space<vmem>>) offsets(%dma_start3A_1657 : memref<50xi32, #tpu.memory_space<vmem>>) semaphore(%arg10 : memref<!tpu.dma_semaphore, #tpu.memory_space<semaphore_mem>>)
        %dma_start3A_1661 = arith.constant 6 : i32
        %dma_start3A_1662 = arith.constant 6 : i32
        %dma_start3A_1663 = arith.constant 0 : i32
        %dma_start3A_1664 = arith.constant 0 : i32
        %dma_start3A_1665 = tpu.memref_slice %arg7[%dma_start3A_1662, %dma_start3A_1663, %dma_start3A_1664] : memref<32x50x32xf32, #tpu.memory_space<vmem>> -> memref<1x50x32xf32, #tpu.memory_space<vmem>>
        %dma_start3A_1666 = tpu.memref_squeeze %dma_start3A_1665 : memref<1x50x32xf32, #tpu.memory_space<vmem>> -> memref<50x32xf32, #tpu.memory_space<vmem>>
        %dma_start3A_1667 = arith.constant 0 : i32
        %dma_start3A_1668 = tpu.memref_slice %arg5[%dma_start3A_1661, %dma_start3A_1667] : memref<32x50xi32, #tpu.memory_space<vmem>> -> memref<1x50xi32, #tpu.memory_space<vmem>>
        %dma_start3A_1669 = tpu.memref_squeeze %dma_start3A_1668 : memref<1x50xi32, #tpu.memory_space<vmem>> -> memref<50xi32, #tpu.memory_space<vmem>>
        %dma_start3A_1670 = arith.constant 0 : i32
        %dma_start3A_1671 = arith.constant 0 : i32
        %dma_start3A_1672 = tpu.memref_slice %arg3[%dma_start3A_1670, %dma_start3A_1671] : memref<1000000x32xf32, #tpu.memory_space<hbm>> -> memref<1000000x32xf32, #tpu.memory_space<hbm>>
        tpu.enqueue_indirect_dma source(%dma_start3A_1672 : memref<1000000x32xf32, #tpu.memory_space<hbm>>) target(%dma_start3A_1666 : memref<50x32xf32, #tpu.memory_space<vmem>>) offsets(%dma_start3A_1669 : memref<50xi32, #tpu.memory_space<vmem>>) semaphore(%arg10 : memref<!tpu.dma_semaphore, #tpu.memory_space<semaphore_mem>>)
        %dma_start3A_1673 = arith.constant 7 : i32
        %dma_start3A_1674 = arith.constant 7 : i32
        %dma_start3A_1675 = arith.constant 0 : i32
        %dma_start3A_1676 = arith.constant 0 : i32
        %dma_start3A_1677 = tpu.memref_slice %arg7[%dma_start3A_1674, %dma_start3A_1675, %dma_start3A_1676] : memref<32x50x32xf32, #tpu.memory_space<vmem>> -> memref<1x50x32xf32, #tpu.memory_space<vmem>>
        %dma_start3A_1678 = tpu.memref_squeeze %dma_start3A_1677 : memref<1x50x32xf32, #tpu.memory_space<vmem>> -> memref<50x32xf32, #tpu.memory_space<vmem>>
        %dma_start3A_1679 = arith.constant 0 : i32
        %dma_start3A_1680 = tpu.memref_slice %arg5[%dma_start3A_1673, %dma_start3A_1679] : memref<32x50xi32, #tpu.memory_space<vmem>> -> memref<1x50xi32, #tpu.memory_space<vmem>>
        %dma_start3A_1681 = tpu.memref_squeeze %dma_start3A_1680 : memref<1x50xi32, #tpu.memory_space<vmem>> -> memref<50xi32, #tpu.memory_space<vmem>>
        %dma_start3A_1682 = arith.constant 0 : i32
        %dma_start3A_1683 = arith.constant 0 : i32
        %dma_start3A_1684 = tpu.memref_slice %arg3[%dma_start3A_1682, %dma_start3A_1683] : memref<1000000x32xf32, #tpu.memory_space<hbm>> -> memref<1000000x32xf32, #tpu.memory_space<hbm>>
        tpu.enqueue_indirect_dma source(%dma_start3A_1684 : memref<1000000x32xf32, #tpu.memory_space<hbm>>) target(%dma_start3A_1678 : memref<50x32xf32, #tpu.memory_space<vmem>>) offsets(%dma_start3A_1681 : memref<50xi32, #tpu.memory_space<vmem>>) semaphore(%arg10 : memref<!tpu.dma_semaphore, #tpu.memory_space<semaphore_mem>>)
        %dma_start3A_1685 = arith.constant 8 : i32
        %dma_start3A_1686 = arith.constant 8 : i32
        %dma_start3A_1687 = arith.constant 0 : i32
        %dma_start3A_1688 = arith.constant 0 : i32
        %dma_start3A_1689 = tpu.memref_slice %arg7[%dma_start3A_1686, %dma_start3A_1687, %dma_start3A_1688] : memref<32x50x32xf32, #tpu.memory_space<vmem>> -> memref<1x50x32xf32, #tpu.memory_space<vmem>>
        %dma_start3A_1690 = tpu.memref_squeeze %dma_start3A_1689 : memref<1x50x32xf32, #tpu.memory_space<vmem>> -> memref<50x32xf32, #tpu.memory_space<vmem>>
        %dma_start3A_1691 = arith.constant 0 : i32
        %dma_start3A_1692 = tpu.memref_slice %arg5[%dma_start3A_1685, %dma_start3A_1691] : memref<32x50xi32, #tpu.memory_space<vmem>> -> memref<1x50xi32, #tpu.memory_space<vmem>>
        %dma_start3A_1693 = tpu.memref_squeeze %dma_start3A_1692 : memref<1x50xi32, #tpu.memory_space<vmem>> -> memref<50xi32, #tpu.memory_space<vmem>>
        %dma_start3A_1694 = arith.constant 0 : i32
        %dma_start3A_1695 = arith.constant 0 : i32
        %dma_start3A_1696 = tpu.memref_slice %arg3[%dma_start3A_1694, %dma_start3A_1695] : memref<1000000x32xf32, #tpu.memory_space<hbm>> -> memref<1000000x32xf32, #tpu.memory_space<hbm>>
        tpu.enqueue_indirect_dma source(%dma_start3A_1696 : memref<1000000x32xf32, #tpu.memory_space<hbm>>) target(%dma_start3A_1690 : memref<50x32xf32, #tpu.memory_space<vmem>>) offsets(%dma_start3A_1693 : memref<50xi32, #tpu.memory_space<vmem>>) semaphore(%arg10 : memref<!tpu.dma_semaphore, #tpu.memory_space<semaphore_mem>>)
        %dma_start3A_1697 = arith.constant 9 : i32
        %dma_start3A_1698 = arith.constant 9 : i32
        %dma_start3A_1699 = arith.constant 0 : i32
        %dma_start3A_1700 = arith.constant 0 : i32
        %dma_start3A_1701 = tpu.memref_slice %arg7[%dma_start3A_1698, %dma_start3A_1699, %dma_start3A_1700] : memref<32x50x32xf32, #tpu.memory_space<vmem>> -> memref<1x50x32xf32, #tpu.memory_space<vmem>>
        %dma_start3A_1702 = tpu.memref_squeeze %dma_start3A_1701 : memref<1x50x32xf32, #tpu.memory_space<vmem>> -> memref<50x32xf32, #tpu.memory_space<vmem>>
        %dma_start3A_1703 = arith.constant 0 : i32
        %dma_start3A_1704 = tpu.memref_slice %arg5[%dma_start3A_1697, %dma_start3A_1703] : memref<32x50xi32, #tpu.memory_space<vmem>> -> memref<1x50xi32, #tpu.memory_space<vmem>>
        %dma_start3A_1705 = tpu.memref_squeeze %dma_start3A_1704 : memref<1x50xi32, #tpu.memory_space<vmem>> -> memref<50xi32, #tpu.memory_space<vmem>>
        %dma_start3A_1706 = arith.constant 0 : i32
        %dma_start3A_1707 = arith.constant 0 : i32
        %dma_start3A_1708 = tpu.memref_slice %arg3[%dma_start3A_1706, %dma_start3A_1707] : memref<1000000x32xf32, #tpu.memory_space<hbm>> -> memref<1000000x32xf32, #tpu.memory_space<hbm>>
        tpu.enqueue_indirect_dma source(%dma_start3A_1708 : memref<1000000x32xf32, #tpu.memory_space<hbm>>) target(%dma_start3A_1702 : memref<50x32xf32, #tpu.memory_space<vmem>>) offsets(%dma_start3A_1705 : memref<50xi32, #tpu.memory_space<vmem>>) semaphore(%arg10 : memref<!tpu.dma_semaphore, #tpu.memory_space<semaphore_mem>>)
        %dma_start3A_1709 = arith.constant 10 : i32
        %dma_start3A_1710 = arith.constant 10 : i32
        %dma_start3A_1711 = arith.constant 0 : i32
        %dma_start3A_1712 = arith.constant 0 : i32
        %dma_start3A_1713 = tpu.memref_slice %arg7[%dma_start3A_1710, %dma_start3A_1711, %dma_start3A_1712] : memref<32x50x32xf32, #tpu.memory_space<vmem>> -> memref<1x50x32xf32, #tpu.memory_space<vmem>>
        %dma_start3A_1714 = tpu.memref_squeeze %dma_start3A_1713 : memref<1x50x32xf32, #tpu.memory_space<vmem>> -> memref<50x32xf32, #tpu.memory_space<vmem>>
        %dma_start3A_1715 = arith.constant 0 : i32
        %dma_start3A_1716 = tpu.memref_slice %arg5[%dma_start3A_1709, %dma_start3A_1715] : memref<32x50xi32, #tpu.memory_space<vmem>> -> memref<1x50xi32, #tpu.memory_space<vmem>>
        %dma_start3A_1717 = tpu.memref_squeeze %dma_start3A_1716 : memref<1x50xi32, #tpu.memory_space<vmem>> -> memref<50xi32, #tpu.memory_space<vmem>>
        %dma_start3A_1718 = arith.constant 0 : i32
        %dma_start3A_1719 = arith.constant 0 : i32
        %dma_start3A_1720 = tpu.memref_slice %arg3[%dma_start3A_1718, %dma_start3A_1719] : memref<1000000x32xf32, #tpu.memory_space<hbm>> -> memref<1000000x32xf32, #tpu.memory_space<hbm>>
        tpu.enqueue_indirect_dma source(%dma_start3A_1720 : memref<1000000x32xf32, #tpu.memory_space<hbm>>) target(%dma_start3A_1714 : memref<50x32xf32, #tpu.memory_space<vmem>>) offsets(%dma_start3A_1717 : memref<50xi32, #tpu.memory_space<vmem>>) semaphore(%arg10 : memref<!tpu.dma_semaphore, #tpu.memory_space<semaphore_mem>>)
        %dma_start3A_1721 = arith.constant 11 : i32
        %dma_start3A_1722 = arith.constant 11 : i32
        %dma_start3A_1723 = arith.constant 0 : i32
        %dma_start3A_1724 = arith.constant 0 : i32
        %dma_start3A_1725 = tpu.memref_slice %arg7[%dma_start3A_1722, %dma_start3A_1723, %dma_start3A_1724] : memref<32x50x32xf32, #tpu.memory_space<vmem>> -> memref<1x50x32xf32, #tpu.memory_space<vmem>>
        %dma_start3A_1726 = tpu.memref_squeeze %dma_start3A_1725 : memref<1x50x32xf32, #tpu.memory_space<vmem>> -> memref<50x32xf32, #tpu.memory_space<vmem>>
        %dma_start3A_1727 = arith.constant 0 : i32
        %dma_start3A_1728 = tpu.memref_slice %arg5[%dma_start3A_1721, %dma_start3A_1727] : memref<32x50xi32, #tpu.memory_space<vmem>> -> memref<1x50xi32, #tpu.memory_space<vmem>>
        %dma_start3A_1729 = tpu.memref_squeeze %dma_start3A_1728 : memref<1x50xi32, #tpu.memory_space<vmem>> -> memref<50xi32, #tpu.memory_space<vmem>>
        %dma_start3A_1730 = arith.constant 0 : i32
        %dma_start3A_1731 = arith.constant 0 : i32
        %dma_start3A_1732 = tpu.memref_slice %arg3[%dma_start3A_1730, %dma_start3A_1731] : memref<1000000x32xf32, #tpu.memory_space<hbm>> -> memref<1000000x32xf32, #tpu.memory_space<hbm>>
        tpu.enqueue_indirect_dma source(%dma_start3A_1732 : memref<1000000x32xf32, #tpu.memory_space<hbm>>) target(%dma_start3A_1726 : memref<50x32xf32, #tpu.memory_space<vmem>>) offsets(%dma_start3A_1729 : memref<50xi32, #tpu.memory_space<vmem>>) semaphore(%arg10 : memref<!tpu.dma_semaphore, #tpu.memory_space<semaphore_mem>>)
        %dma_start3A_1733 = arith.constant 12 : i32
        %dma_start3A_1734 = arith.constant 12 : i32
        %dma_start3A_1735 = arith.constant 0 : i32
        %dma_start3A_1736 = arith.constant 0 : i32
        %dma_start3A_1737 = tpu.memref_slice %arg7[%dma_start3A_1734, %dma_start3A_1735, %dma_start3A_1736] : memref<32x50x32xf32, #tpu.memory_space<vmem>> -> memref<1x50x32xf32, #tpu.memory_space<vmem>>
        %dma_start3A_1738 = tpu.memref_squeeze %dma_start3A_1737 : memref<1x50x32xf32, #tpu.memory_space<vmem>> -> memref<50x32xf32, #tpu.memory_space<vmem>>
        %dma_start3A_1739 = arith.constant 0 : i32
        %dma_start3A_1740 = tpu.memref_slice %arg5[%dma_start3A_1733, %dma_start3A_1739] : memref<32x50xi32, #tpu.memory_space<vmem>> -> memref<1x50xi32, #tpu.memory_space<vmem>>
        %dma_start3A_1741 = tpu.memref_squeeze %dma_start3A_1740 : memref<1x50xi32, #tpu.memory_space<vmem>> -> memref<50xi32, #tpu.memory_space<vmem>>
        %dma_start3A_1742 = arith.constant 0 : i32
        %dma_start3A_1743 = arith.constant 0 : i32
        %dma_start3A_1744 = tpu.memref_slice %arg3[%dma_start3A_1742, %dma_start3A_1743] : memref<1000000x32xf32, #tpu.memory_space<hbm>> -> memref<1000000x32xf32, #tpu.memory_space<hbm>>
        tpu.enqueue_indirect_dma source(%dma_start3A_1744 : memref<1000000x32xf32, #tpu.memory_space<hbm>>) target(%dma_start3A_1738 : memref<50x32xf32, #tpu.memory_space<vmem>>) offsets(%dma_start3A_1741 : memref<50xi32, #tpu.memory_space<vmem>>) semaphore(%arg10 : memref<!tpu.dma_semaphore, #tpu.memory_space<semaphore_mem>>)
        %dma_start3A_1745 = arith.constant 13 : i32
        %dma_start3A_1746 = arith.constant 13 : i32
        %dma_start3A_1747 = arith.constant 0 : i32
        %dma_start3A_1748 = arith.constant 0 : i32
        %dma_start3A_1749 = tpu.memref_slice %arg7[%dma_start3A_1746, %dma_start3A_1747, %dma_start3A_1748] : memref<32x50x32xf32, #tpu.memory_space<vmem>> -> memref<1x50x32xf32, #tpu.memory_space<vmem>>
        %dma_start3A_1750 = tpu.memref_squeeze %dma_start3A_1749 : memref<1x50x32xf32, #tpu.memory_space<vmem>> -> memref<50x32xf32, #tpu.memory_space<vmem>>
        %dma_start3A_1751 = arith.constant 0 : i32
        %dma_start3A_1752 = tpu.memref_slice %arg5[%dma_start3A_1745, %dma_start3A_1751] : memref<32x50xi32, #tpu.memory_space<vmem>> -> memref<1x50xi32, #tpu.memory_space<vmem>>
        %dma_start3A_1753 = tpu.memref_squeeze %dma_start3A_1752 : memref<1x50xi32, #tpu.memory_space<vmem>> -> memref<50xi32, #tpu.memory_space<vmem>>
        %dma_start3A_1754 = arith.constant 0 : i32
        %dma_start3A_1755 = arith.constant 0 : i32
        %dma_start3A_1756 = tpu.memref_slice %arg3[%dma_start3A_1754, %dma_start3A_1755] : memref<1000000x32xf32, #tpu.memory_space<hbm>> -> memref<1000000x32xf32, #tpu.memory_space<hbm>>
        tpu.enqueue_indirect_dma source(%dma_start3A_1756 : memref<1000000x32xf32, #tpu.memory_space<hbm>>) target(%dma_start3A_1750 : memref<50x32xf32, #tpu.memory_space<vmem>>) offsets(%dma_start3A_1753 : memref<50xi32, #tpu.memory_space<vmem>>) semaphore(%arg10 : memref<!tpu.dma_semaphore, #tpu.memory_space<semaphore_mem>>)
        %dma_start3A_1757 = arith.constant 14 : i32
        %dma_start3A_1758 = arith.constant 14 : i32
        %dma_start3A_1759 = arith.constant 0 : i32
        %dma_start3A_1760 = arith.constant 0 : i32
        %dma_start3A_1761 = tpu.memref_slice %arg7[%dma_start3A_1758, %dma_start3A_1759, %dma_start3A_1760] : memref<32x50x32xf32, #tpu.memory_space<vmem>> -> memref<1x50x32xf32, #tpu.memory_space<vmem>>
        %dma_start3A_1762 = tpu.memref_squeeze %dma_start3A_1761 : memref<1x50x32xf32, #tpu.memory_space<vmem>> -> memref<50x32xf32, #tpu.memory_space<vmem>>
        %dma_start3A_1763 = arith.constant 0 : i32
        %dma_start3A_1764 = tpu.memref_slice %arg5[%dma_start3A_1757, %dma_start3A_1763] : memref<32x50xi32, #tpu.memory_space<vmem>> -> memref<1x50xi32, #tpu.memory_space<vmem>>
        %dma_start3A_1765 = tpu.memref_squeeze %dma_start3A_1764 : memref<1x50xi32, #tpu.memory_space<vmem>> -> memref<50xi32, #tpu.memory_space<vmem>>
        %dma_start3A_1766 = arith.constant 0 : i32
        %dma_start3A_1767 = arith.constant 0 : i32
        %dma_start3A_1768 = tpu.memref_slice %arg3[%dma_start3A_1766, %dma_start3A_1767] : memref<1000000x32xf32, #tpu.memory_space<hbm>> -> memref<1000000x32xf32, #tpu.memory_space<hbm>>
        tpu.enqueue_indirect_dma source(%dma_start3A_1768 : memref<1000000x32xf32, #tpu.memory_space<hbm>>) target(%dma_start3A_1762 : memref<50x32xf32, #tpu.memory_space<vmem>>) offsets(%dma_start3A_1765 : memref<50xi32, #tpu.memory_space<vmem>>) semaphore(%arg10 : memref<!tpu.dma_semaphore, #tpu.memory_space<semaphore_mem>>)
        %dma_start3A_1769 = arith.constant 15 : i32
        %dma_start3A_1770 = arith.constant 15 : i32
        %dma_start3A_1771 = arith.constant 0 : i32
        %dma_start3A_1772 = arith.constant 0 : i32
        %dma_start3A_1773 = tpu.memref_slice %arg7[%dma_start3A_1770, %dma_start3A_1771, %dma_start3A_1772] : memref<32x50x32xf32, #tpu.memory_space<vmem>> -> memref<1x50x32xf32, #tpu.memory_space<vmem>>
        %dma_start3A_1774 = tpu.memref_squeeze %dma_start3A_1773 : memref<1x50x32xf32, #tpu.memory_space<vmem>> -> memref<50x32xf32, #tpu.memory_space<vmem>>
        %dma_start3A_1775 = arith.constant 0 : i32
        %dma_start3A_1776 = tpu.memref_slice %arg5[%dma_start3A_1769, %dma_start3A_1775] : memref<32x50xi32, #tpu.memory_space<vmem>> -> memref<1x50xi32, #tpu.memory_space<vmem>>
        %dma_start3A_1777 = tpu.memref_squeeze %dma_start3A_1776 : memref<1x50xi32, #tpu.memory_space<vmem>> -> memref<50xi32, #tpu.memory_space<vmem>>
        %dma_start3A_1778 = arith.constant 0 : i32
        %dma_start3A_1779 = arith.constant 0 : i32
        %dma_start3A_1780 = tpu.memref_slice %arg3[%dma_start3A_1778, %dma_start3A_1779] : memref<1000000x32xf32, #tpu.memory_space<hbm>> -> memref<1000000x32xf32, #tpu.memory_space<hbm>>
        tpu.enqueue_indirect_dma source(%dma_start3A_1780 : memref<1000000x32xf32, #tpu.memory_space<hbm>>) target(%dma_start3A_1774 : memref<50x32xf32, #tpu.memory_space<vmem>>) offsets(%dma_start3A_1777 : memref<50xi32, #tpu.memory_space<vmem>>) semaphore(%arg10 : memref<!tpu.dma_semaphore, #tpu.memory_space<semaphore_mem>>)
        %dma_start3A_1781 = arith.constant 16 : i32
        %dma_start3A_1782 = arith.constant 16 : i32
        %dma_start3A_1783 = arith.constant 0 : i32
        %dma_start3A_1784 = arith.constant 0 : i32
        %dma_start3A_1785 = tpu.memref_slice %arg7[%dma_start3A_1782, %dma_start3A_1783, %dma_start3A_1784] : memref<32x50x32xf32, #tpu.memory_space<vmem>> -> memref<1x50x32xf32, #tpu.memory_space<vmem>>
        %dma_start3A_1786 = tpu.memref_squeeze %dma_start3A_1785 : memref<1x50x32xf32, #tpu.memory_space<vmem>> -> memref<50x32xf32, #tpu.memory_space<vmem>>
        %dma_start3A_1787 = arith.constant 0 : i32
        %dma_start3A_1788 = tpu.memref_slice %arg5[%dma_start3A_1781, %dma_start3A_1787] : memref<32x50xi32, #tpu.memory_space<vmem>> -> memref<1x50xi32, #tpu.memory_space<vmem>>
        %dma_start3A_1789 = tpu.memref_squeeze %dma_start3A_1788 : memref<1x50xi32, #tpu.memory_space<vmem>> -> memref<50xi32, #tpu.memory_space<vmem>>
        %dma_start3A_1790 = arith.constant 0 : i32
        %dma_start3A_1791 = arith.constant 0 : i32
        %dma_start3A_1792 = tpu.memref_slice %arg3[%dma_start3A_1790, %dma_start3A_1791] : memref<1000000x32xf32, #tpu.memory_space<hbm>> -> memref<1000000x32xf32, #tpu.memory_space<hbm>>
        tpu.enqueue_indirect_dma source(%dma_start3A_1792 : memref<1000000x32xf32, #tpu.memory_space<hbm>>) target(%dma_start3A_1786 : memref<50x32xf32, #tpu.memory_space<vmem>>) offsets(%dma_start3A_1789 : memref<50xi32, #tpu.memory_space<vmem>>) semaphore(%arg10 : memref<!tpu.dma_semaphore, #tpu.memory_space<semaphore_mem>>)
        %dma_start3A_1793 = arith.constant 17 : i32
        %dma_start3A_1794 = arith.constant 17 : i32
        %dma_start3A_1795 = arith.constant 0 : i32
        %dma_start3A_1796 = arith.constant 0 : i32
        %dma_start3A_1797 = tpu.memref_slice %arg7[%dma_start3A_1794, %dma_start3A_1795, %dma_start3A_1796] : memref<32x50x32xf32, #tpu.memory_space<vmem>> -> memref<1x50x32xf32, #tpu.memory_space<vmem>>
        %dma_start3A_1798 = tpu.memref_squeeze %dma_start3A_1797 : memref<1x50x32xf32, #tpu.memory_space<vmem>> -> memref<50x32xf32, #tpu.memory_space<vmem>>
        %dma_start3A_1799 = arith.constant 0 : i32
        %dma_start3A_1800 = tpu.memref_slice %arg5[%dma_start3A_1793, %dma_start3A_1799] : memref<32x50xi32, #tpu.memory_space<vmem>> -> memref<1x50xi32, #tpu.memory_space<vmem>>
        %dma_start3A_1801 = tpu.memref_squeeze %dma_start3A_1800 : memref<1x50xi32, #tpu.memory_space<vmem>> -> memref<50xi32, #tpu.memory_space<vmem>>
        %dma_start3A_1802 = arith.constant 0 : i32
        %dma_start3A_1803 = arith.constant 0 : i32
        %dma_start3A_1804 = tpu.memref_slice %arg3[%dma_start3A_1802, %dma_start3A_1803] : memref<1000000x32xf32, #tpu.memory_space<hbm>> -> memref<1000000x32xf32, #tpu.memory_space<hbm>>
        tpu.enqueue_indirect_dma source(%dma_start3A_1804 : memref<1000000x32xf32, #tpu.memory_space<hbm>>) target(%dma_start3A_1798 : memref<50x32xf32, #tpu.memory_space<vmem>>) offsets(%dma_start3A_1801 : memref<50xi32, #tpu.memory_space<vmem>>) semaphore(%arg10 : memref<!tpu.dma_semaphore, #tpu.memory_space<semaphore_mem>>)
        %dma_start3A_1805 = arith.constant 18 : i32
        %dma_start3A_1806 = arith.constant 18 : i32
        %dma_start3A_1807 = arith.constant 0 : i32
        %dma_start3A_1808 = arith.constant 0 : i32
        %dma_start3A_1809 = tpu.memref_slice %arg7[%dma_start3A_1806, %dma_start3A_1807, %dma_start3A_1808] : memref<32x50x32xf32, #tpu.memory_space<vmem>> -> memref<1x50x32xf32, #tpu.memory_space<vmem>>
        %dma_start3A_1810 = tpu.memref_squeeze %dma_start3A_1809 : memref<1x50x32xf32, #tpu.memory_space<vmem>> -> memref<50x32xf32, #tpu.memory_space<vmem>>
        %dma_start3A_1811 = arith.constant 0 : i32
        %dma_start3A_1812 = tpu.memref_slice %arg5[%dma_start3A_1805, %dma_start3A_1811] : memref<32x50xi32, #tpu.memory_space<vmem>> -> memref<1x50xi32, #tpu.memory_space<vmem>>
        %dma_start3A_1813 = tpu.memref_squeeze %dma_start3A_1812 : memref<1x50xi32, #tpu.memory_space<vmem>> -> memref<50xi32, #tpu.memory_space<vmem>>
        %dma_start3A_1814 = arith.constant 0 : i32
        %dma_start3A_1815 = arith.constant 0 : i32
        %dma_start3A_1816 = tpu.memref_slice %arg3[%dma_start3A_1814, %dma_start3A_1815] : memref<1000000x32xf32, #tpu.memory_space<hbm>> -> memref<1000000x32xf32, #tpu.memory_space<hbm>>
        tpu.enqueue_indirect_dma source(%dma_start3A_1816 : memref<1000000x32xf32, #tpu.memory_space<hbm>>) target(%dma_start3A_1810 : memref<50x32xf32, #tpu.memory_space<vmem>>) offsets(%dma_start3A_1813 : memref<50xi32, #tpu.memory_space<vmem>>) semaphore(%arg10 : memref<!tpu.dma_semaphore, #tpu.memory_space<semaphore_mem>>)
        %dma_start3A_1817 = arith.constant 19 : i32
        %dma_start3A_1818 = arith.constant 19 : i32
        %dma_start3A_1819 = arith.constant 0 : i32
        %dma_start3A_1820 = arith.constant 0 : i32
        %dma_start3A_1821 = tpu.memref_slice %arg7[%dma_start3A_1818, %dma_start3A_1819, %dma_start3A_1820] : memref<32x50x32xf32, #tpu.memory_space<vmem>> -> memref<1x50x32xf32, #tpu.memory_space<vmem>>
        %dma_start3A_1822 = tpu.memref_squeeze %dma_start3A_1821 : memref<1x50x32xf32, #tpu.memory_space<vmem>> -> memref<50x32xf32, #tpu.memory_space<vmem>>
        %dma_start3A_1823 = arith.constant 0 : i32
        %dma_start3A_1824 = tpu.memref_slice %arg5[%dma_start3A_1817, %dma_start3A_1823] : memref<32x50xi32, #tpu.memory_space<vmem>> -> memref<1x50xi32, #tpu.memory_space<vmem>>
        %dma_start3A_1825 = tpu.memref_squeeze %dma_start3A_1824 : memref<1x50xi32, #tpu.memory_space<vmem>> -> memref<50xi32, #tpu.memory_space<vmem>>
        %dma_start3A_1826 = arith.constant 0 : i32
        %dma_start3A_1827 = arith.constant 0 : i32
        %dma_start3A_1828 = tpu.memref_slice %arg3[%dma_start3A_1826, %dma_start3A_1827] : memref<1000000x32xf32, #tpu.memory_space<hbm>> -> memref<1000000x32xf32, #tpu.memory_space<hbm>>
        tpu.enqueue_indirect_dma source(%dma_start3A_1828 : memref<1000000x32xf32, #tpu.memory_space<hbm>>) target(%dma_start3A_1822 : memref<50x32xf32, #tpu.memory_space<vmem>>) offsets(%dma_start3A_1825 : memref<50xi32, #tpu.memory_space<vmem>>) semaphore(%arg10 : memref<!tpu.dma_semaphore, #tpu.memory_space<semaphore_mem>>)
        %dma_start3A_1829 = arith.constant 20 : i32
        %dma_start3A_1830 = arith.constant 20 : i32
        %dma_start3A_1831 = arith.constant 0 : i32
        %dma_start3A_1832 = arith.constant 0 : i32
        %dma_start3A_1833 = tpu.memref_slice %arg7[%dma_start3A_1830, %dma_start3A_1831, %dma_start3A_1832] : memref<32x50x32xf32, #tpu.memory_space<vmem>> -> memref<1x50x32xf32, #tpu.memory_space<vmem>>
        %dma_start3A_1834 = tpu.memref_squeeze %dma_start3A_1833 : memref<1x50x32xf32, #tpu.memory_space<vmem>> -> memref<50x32xf32, #tpu.memory_space<vmem>>
        %dma_start3A_1835 = arith.constant 0 : i32
        %dma_start3A_1836 = tpu.memref_slice %arg5[%dma_start3A_1829, %dma_start3A_1835] : memref<32x50xi32, #tpu.memory_space<vmem>> -> memref<1x50xi32, #tpu.memory_space<vmem>>
        %dma_start3A_1837 = tpu.memref_squeeze %dma_start3A_1836 : memref<1x50xi32, #tpu.memory_space<vmem>> -> memref<50xi32, #tpu.memory_space<vmem>>
        %dma_start3A_1838 = arith.constant 0 : i32
        %dma_start3A_1839 = arith.constant 0 : i32
        %dma_start3A_1840 = tpu.memref_slice %arg3[%dma_start3A_1838, %dma_start3A_1839] : memref<1000000x32xf32, #tpu.memory_space<hbm>> -> memref<1000000x32xf32, #tpu.memory_space<hbm>>
        tpu.enqueue_indirect_dma source(%dma_start3A_1840 : memref<1000000x32xf32, #tpu.memory_space<hbm>>) target(%dma_start3A_1834 : memref<50x32xf32, #tpu.memory_space<vmem>>) offsets(%dma_start3A_1837 : memref<50xi32, #tpu.memory_space<vmem>>) semaphore(%arg10 : memref<!tpu.dma_semaphore, #tpu.memory_space<semaphore_mem>>)
        %dma_start3A_1841 = arith.constant 21 : i32
        %dma_start3A_1842 = arith.constant 21 : i32
        %dma_start3A_1843 = arith.constant 0 : i32
        %dma_start3A_1844 = arith.constant 0 : i32
        %dma_start3A_1845 = tpu.memref_slice %arg7[%dma_start3A_1842, %dma_start3A_1843, %dma_start3A_1844] : memref<32x50x32xf32, #tpu.memory_space<vmem>> -> memref<1x50x32xf32, #tpu.memory_space<vmem>>
        %dma_start3A_1846 = tpu.memref_squeeze %dma_start3A_1845 : memref<1x50x32xf32, #tpu.memory_space<vmem>> -> memref<50x32xf32, #tpu.memory_space<vmem>>
        %dma_start3A_1847 = arith.constant 0 : i32
        %dma_start3A_1848 = tpu.memref_slice %arg5[%dma_start3A_1841, %dma_start3A_1847] : memref<32x50xi32, #tpu.memory_space<vmem>> -> memref<1x50xi32, #tpu.memory_space<vmem>>
        %dma_start3A_1849 = tpu.memref_squeeze %dma_start3A_1848 : memref<1x50xi32, #tpu.memory_space<vmem>> -> memref<50xi32, #tpu.memory_space<vmem>>
        %dma_start3A_1850 = arith.constant 0 : i32
        %dma_start3A_1851 = arith.constant 0 : i32
        %dma_start3A_1852 = tpu.memref_slice %arg3[%dma_start3A_1850, %dma_start3A_1851] : memref<1000000x32xf32, #tpu.memory_space<hbm>> -> memref<1000000x32xf32, #tpu.memory_space<hbm>>
        tpu.enqueue_indirect_dma source(%dma_start3A_1852 : memref<1000000x32xf32, #tpu.memory_space<hbm>>) target(%dma_start3A_1846 : memref<50x32xf32, #tpu.memory_space<vmem>>) offsets(%dma_start3A_1849 : memref<50xi32, #tpu.memory_space<vmem>>) semaphore(%arg10 : memref<!tpu.dma_semaphore, #tpu.memory_space<semaphore_mem>>)
        %dma_start3A_1853 = arith.constant 22 : i32
        %dma_start3A_1854 = arith.constant 22 : i32
        %dma_start3A_1855 = arith.constant 0 : i32
        %dma_start3A_1856 = arith.constant 0 : i32
        %dma_start3A_1857 = tpu.memref_slice %arg7[%dma_start3A_1854, %dma_start3A_1855, %dma_start3A_1856] : memref<32x50x32xf32, #tpu.memory_space<vmem>> -> memref<1x50x32xf32, #tpu.memory_space<vmem>>
        %dma_start3A_1858 = tpu.memref_squeeze %dma_start3A_1857 : memref<1x50x32xf32, #tpu.memory_space<vmem>> -> memref<50x32xf32, #tpu.memory_space<vmem>>
        %dma_start3A_1859 = arith.constant 0 : i32
        %dma_start3A_1860 = tpu.memref_slice %arg5[%dma_start3A_1853, %dma_start3A_1859] : memref<32x50xi32, #tpu.memory_space<vmem>> -> memref<1x50xi32, #tpu.memory_space<vmem>>
        %dma_start3A_1861 = tpu.memref_squeeze %dma_start3A_1860 : memref<1x50xi32, #tpu.memory_space<vmem>> -> memref<50xi32, #tpu.memory_space<vmem>>
        %dma_start3A_1862 = arith.constant 0 : i32
        %dma_start3A_1863 = arith.constant 0 : i32
        %dma_start3A_1864 = tpu.memref_slice %arg3[%dma_start3A_1862, %dma_start3A_1863] : memref<1000000x32xf32, #tpu.memory_space<hbm>> -> memref<1000000x32xf32, #tpu.memory_space<hbm>>
        tpu.enqueue_indirect_dma source(%dma_start3A_1864 : memref<1000000x32xf32, #tpu.memory_space<hbm>>) target(%dma_start3A_1858 : memref<50x32xf32, #tpu.memory_space<vmem>>) offsets(%dma_start3A_1861 : memref<50xi32, #tpu.memory_space<vmem>>) semaphore(%arg10 : memref<!tpu.dma_semaphore, #tpu.memory_space<semaphore_mem>>)
        %dma_start3A_1865 = arith.constant 23 : i32
        %dma_start3A_1866 = arith.constant 23 : i32
        %dma_start3A_1867 = arith.constant 0 : i32
        %dma_start3A_1868 = arith.constant 0 : i32
        %dma_start3A_1869 = tpu.memref_slice %arg7[%dma_start3A_1866, %dma_start3A_1867, %dma_start3A_1868] : memref<32x50x32xf32, #tpu.memory_space<vmem>> -> memref<1x50x32xf32, #tpu.memory_space<vmem>>
        %dma_start3A_1870 = tpu.memref_squeeze %dma_start3A_1869 : memref<1x50x32xf32, #tpu.memory_space<vmem>> -> memref<50x32xf32, #tpu.memory_space<vmem>>
        %dma_start3A_1871 = arith.constant 0 : i32
        %dma_start3A_1872 = tpu.memref_slice %arg5[%dma_start3A_1865, %dma_start3A_1871] : memref<32x50xi32, #tpu.memory_space<vmem>> -> memref<1x50xi32, #tpu.memory_space<vmem>>
        %dma_start3A_1873 = tpu.memref_squeeze %dma_start3A_1872 : memref<1x50xi32, #tpu.memory_space<vmem>> -> memref<50xi32, #tpu.memory_space<vmem>>
        %dma_start3A_1874 = arith.constant 0 : i32
        %dma_start3A_1875 = arith.constant 0 : i32
        %dma_start3A_1876 = tpu.memref_slice %arg3[%dma_start3A_1874, %dma_start3A_1875] : memref<1000000x32xf32, #tpu.memory_space<hbm>> -> memref<1000000x32xf32, #tpu.memory_space<hbm>>
        tpu.enqueue_indirect_dma source(%dma_start3A_1876 : memref<1000000x32xf32, #tpu.memory_space<hbm>>) target(%dma_start3A_1870 : memref<50x32xf32, #tpu.memory_space<vmem>>) offsets(%dma_start3A_1873 : memref<50xi32, #tpu.memory_space<vmem>>) semaphore(%arg10 : memref<!tpu.dma_semaphore, #tpu.memory_space<semaphore_mem>>)
        %dma_start3A_1877 = arith.constant 24 : i32
        %dma_start3A_1878 = arith.constant 24 : i32
        %dma_start3A_1879 = arith.constant 0 : i32
        %dma_start3A_1880 = arith.constant 0 : i32
        %dma_start3A_1881 = tpu.memref_slice %arg7[%dma_start3A_1878, %dma_start3A_1879, %dma_start3A_1880] : memref<32x50x32xf32, #tpu.memory_space<vmem>> -> memref<1x50x32xf32, #tpu.memory_space<vmem>>
        %dma_start3A_1882 = tpu.memref_squeeze %dma_start3A_1881 : memref<1x50x32xf32, #tpu.memory_space<vmem>> -> memref<50x32xf32, #tpu.memory_space<vmem>>
        %dma_start3A_1883 = arith.constant 0 : i32
        %dma_start3A_1884 = tpu.memref_slice %arg5[%dma_start3A_1877, %dma_start3A_1883] : memref<32x50xi32, #tpu.memory_space<vmem>> -> memref<1x50xi32, #tpu.memory_space<vmem>>
        %dma_start3A_1885 = tpu.memref_squeeze %dma_start3A_1884 : memref<1x50xi32, #tpu.memory_space<vmem>> -> memref<50xi32, #tpu.memory_space<vmem>>
        %dma_start3A_1886 = arith.constant 0 : i32
        %dma_start3A_1887 = arith.constant 0 : i32
        %dma_start3A_1888 = tpu.memref_slice %arg3[%dma_start3A_1886, %dma_start3A_1887] : memref<1000000x32xf32, #tpu.memory_space<hbm>> -> memref<1000000x32xf32, #tpu.memory_space<hbm>>
        tpu.enqueue_indirect_dma source(%dma_start3A_1888 : memref<1000000x32xf32, #tpu.memory_space<hbm>>) target(%dma_start3A_1882 : memref<50x32xf32, #tpu.memory_space<vmem>>) offsets(%dma_start3A_1885 : memref<50xi32, #tpu.memory_space<vmem>>) semaphore(%arg10 : memref<!tpu.dma_semaphore, #tpu.memory_space<semaphore_mem>>)
        %dma_start3A_1889 = arith.constant 25 : i32
        %dma_start3A_1890 = arith.constant 25 : i32
        %dma_start3A_1891 = arith.constant 0 : i32
        %dma_start3A_1892 = arith.constant 0 : i32
        %dma_start3A_1893 = tpu.memref_slice %arg7[%dma_start3A_1890, %dma_start3A_1891, %dma_start3A_1892] : memref<32x50x32xf32, #tpu.memory_space<vmem>> -> memref<1x50x32xf32, #tpu.memory_space<vmem>>
        %dma_start3A_1894 = tpu.memref_squeeze %dma_start3A_1893 : memref<1x50x32xf32, #tpu.memory_space<vmem>> -> memref<50x32xf32, #tpu.memory_space<vmem>>
        %dma_start3A_1895 = arith.constant 0 : i32
        %dma_start3A_1896 = tpu.memref_slice %arg5[%dma_start3A_1889, %dma_start3A_1895] : memref<32x50xi32, #tpu.memory_space<vmem>> -> memref<1x50xi32, #tpu.memory_space<vmem>>
        %dma_start3A_1897 = tpu.memref_squeeze %dma_start3A_1896 : memref<1x50xi32, #tpu.memory_space<vmem>> -> memref<50xi32, #tpu.memory_space<vmem>>
        %dma_start3A_1898 = arith.constant 0 : i32
        %dma_start3A_1899 = arith.constant 0 : i32
        %dma_start3A_1900 = tpu.memref_slice %arg3[%dma_start3A_1898, %dma_start3A_1899] : memref<1000000x32xf32, #tpu.memory_space<hbm>> -> memref<1000000x32xf32, #tpu.memory_space<hbm>>
        tpu.enqueue_indirect_dma source(%dma_start3A_1900 : memref<1000000x32xf32, #tpu.memory_space<hbm>>) target(%dma_start3A_1894 : memref<50x32xf32, #tpu.memory_space<vmem>>) offsets(%dma_start3A_1897 : memref<50xi32, #tpu.memory_space<vmem>>) semaphore(%arg10 : memref<!tpu.dma_semaphore, #tpu.memory_space<semaphore_mem>>)
        %dma_start3A_1901 = arith.constant 26 : i32
        %dma_start3A_1902 = arith.constant 26 : i32
        %dma_start3A_1903 = arith.constant 0 : i32
        %dma_start3A_1904 = arith.constant 0 : i32
        %dma_start3A_1905 = tpu.memref_slice %arg7[%dma_start3A_1902, %dma_start3A_1903, %dma_start3A_1904] : memref<32x50x32xf32, #tpu.memory_space<vmem>> -> memref<1x50x32xf32, #tpu.memory_space<vmem>>
        %dma_start3A_1906 = tpu.memref_squeeze %dma_start3A_1905 : memref<1x50x32xf32, #tpu.memory_space<vmem>> -> memref<50x32xf32, #tpu.memory_space<vmem>>
        %dma_start3A_1907 = arith.constant 0 : i32
        %dma_start3A_1908 = tpu.memref_slice %arg5[%dma_start3A_1901, %dma_start3A_1907] : memref<32x50xi32, #tpu.memory_space<vmem>> -> memref<1x50xi32, #tpu.memory_space<vmem>>
        %dma_start3A_1909 = tpu.memref_squeeze %dma_start3A_1908 : memref<1x50xi32, #tpu.memory_space<vmem>> -> memref<50xi32, #tpu.memory_space<vmem>>
        %dma_start3A_1910 = arith.constant 0 : i32
        %dma_start3A_1911 = arith.constant 0 : i32
        %dma_start3A_1912 = tpu.memref_slice %arg3[%dma_start3A_1910, %dma_start3A_1911] : memref<1000000x32xf32, #tpu.memory_space<hbm>> -> memref<1000000x32xf32, #tpu.memory_space<hbm>>
        tpu.enqueue_indirect_dma source(%dma_start3A_1912 : memref<1000000x32xf32, #tpu.memory_space<hbm>>) target(%dma_start3A_1906 : memref<50x32xf32, #tpu.memory_space<vmem>>) offsets(%dma_start3A_1909 : memref<50xi32, #tpu.memory_space<vmem>>) semaphore(%arg10 : memref<!tpu.dma_semaphore, #tpu.memory_space<semaphore_mem>>)
        %dma_start3A_1913 = arith.constant 27 : i32
        %dma_start3A_1914 = arith.constant 27 : i32
        %dma_start3A_1915 = arith.constant 0 : i32
        %dma_start3A_1916 = arith.constant 0 : i32
        %dma_start3A_1917 = tpu.memref_slice %arg7[%dma_start3A_1914, %dma_start3A_1915, %dma_start3A_1916] : memref<32x50x32xf32, #tpu.memory_space<vmem>> -> memref<1x50x32xf32, #tpu.memory_space<vmem>>
        %dma_start3A_1918 = tpu.memref_squeeze %dma_start3A_1917 : memref<1x50x32xf32, #tpu.memory_space<vmem>> -> memref<50x32xf32, #tpu.memory_space<vmem>>
        %dma_start3A_1919 = arith.constant 0 : i32
        %dma_start3A_1920 = tpu.memref_slice %arg5[%dma_start3A_1913, %dma_start3A_1919] : memref<32x50xi32, #tpu.memory_space<vmem>> -> memref<1x50xi32, #tpu.memory_space<vmem>>
        %dma_start3A_1921 = tpu.memref_squeeze %dma_start3A_1920 : memref<1x50xi32, #tpu.memory_space<vmem>> -> memref<50xi32, #tpu.memory_space<vmem>>
        %dma_start3A_1922 = arith.constant 0 : i32
        %dma_start3A_1923 = arith.constant 0 : i32
        %dma_start3A_1924 = tpu.memref_slice %arg3[%dma_start3A_1922, %dma_start3A_1923] : memref<1000000x32xf32, #tpu.memory_space<hbm>> -> memref<1000000x32xf32, #tpu.memory_space<hbm>>
        tpu.enqueue_indirect_dma source(%dma_start3A_1924 : memref<1000000x32xf32, #tpu.memory_space<hbm>>) target(%dma_start3A_1918 : memref<50x32xf32, #tpu.memory_space<vmem>>) offsets(%dma_start3A_1921 : memref<50xi32, #tpu.memory_space<vmem>>) semaphore(%arg10 : memref<!tpu.dma_semaphore, #tpu.memory_space<semaphore_mem>>)
        %dma_start3A_1925 = arith.constant 28 : i32
        %dma_start3A_1926 = arith.constant 28 : i32
        %dma_start3A_1927 = arith.constant 0 : i32
        %dma_start3A_1928 = arith.constant 0 : i32
        %dma_start3A_1929 = tpu.memref_slice %arg7[%dma_start3A_1926, %dma_start3A_1927, %dma_start3A_1928] : memref<32x50x32xf32, #tpu.memory_space<vmem>> -> memref<1x50x32xf32, #tpu.memory_space<vmem>>
        %dma_start3A_1930 = tpu.memref_squeeze %dma_start3A_1929 : memref<1x50x32xf32, #tpu.memory_space<vmem>> -> memref<50x32xf32, #tpu.memory_space<vmem>>
        %dma_start3A_1931 = arith.constant 0 : i32
        %dma_start3A_1932 = tpu.memref_slice %arg5[%dma_start3A_1925, %dma_start3A_1931] : memref<32x50xi32, #tpu.memory_space<vmem>> -> memref<1x50xi32, #tpu.memory_space<vmem>>
        %dma_start3A_1933 = tpu.memref_squeeze %dma_start3A_1932 : memref<1x50xi32, #tpu.memory_space<vmem>> -> memref<50xi32, #tpu.memory_space<vmem>>
        %dma_start3A_1934 = arith.constant 0 : i32
        %dma_start3A_1935 = arith.constant 0 : i32
        %dma_start3A_1936 = tpu.memref_slice %arg3[%dma_start3A_1934, %dma_start3A_1935] : memref<1000000x32xf32, #tpu.memory_space<hbm>> -> memref<1000000x32xf32, #tpu.memory_space<hbm>>
        tpu.enqueue_indirect_dma source(%dma_start3A_1936 : memref<1000000x32xf32, #tpu.memory_space<hbm>>) target(%dma_start3A_1930 : memref<50x32xf32, #tpu.memory_space<vmem>>) offsets(%dma_start3A_1933 : memref<50xi32, #tpu.memory_space<vmem>>) semaphore(%arg10 : memref<!tpu.dma_semaphore, #tpu.memory_space<semaphore_mem>>)
        %dma_start3A_1937 = arith.constant 29 : i32
        %dma_start3A_1938 = arith.constant 29 : i32
        %dma_start3A_1939 = arith.constant 0 : i32
        %dma_start3A_1940 = arith.constant 0 : i32
        %dma_start3A_1941 = tpu.memref_slice %arg7[%dma_start3A_1938, %dma_start3A_1939, %dma_start3A_1940] : memref<32x50x32xf32, #tpu.memory_space<vmem>> -> memref<1x50x32xf32, #tpu.memory_space<vmem>>
        %dma_start3A_1942 = tpu.memref_squeeze %dma_start3A_1941 : memref<1x50x32xf32, #tpu.memory_space<vmem>> -> memref<50x32xf32, #tpu.memory_space<vmem>>
        %dma_start3A_1943 = arith.constant 0 : i32
        %dma_start3A_1944 = tpu.memref_slice %arg5[%dma_start3A_1937, %dma_start3A_1943] : memref<32x50xi32, #tpu.memory_space<vmem>> -> memref<1x50xi32, #tpu.memory_space<vmem>>
        %dma_start3A_1945 = tpu.memref_squeeze %dma_start3A_1944 : memref<1x50xi32, #tpu.memory_space<vmem>> -> memref<50xi32, #tpu.memory_space<vmem>>
        %dma_start3A_1946 = arith.constant 0 : i32
        %dma_start3A_1947 = arith.constant 0 : i32
        %dma_start3A_1948 = tpu.memref_slice %arg3[%dma_start3A_1946, %dma_start3A_1947] : memref<1000000x32xf32, #tpu.memory_space<hbm>> -> memref<1000000x32xf32, #tpu.memory_space<hbm>>
        tpu.enqueue_indirect_dma source(%dma_start3A_1948 : memref<1000000x32xf32, #tpu.memory_space<hbm>>) target(%dma_start3A_1942 : memref<50x32xf32, #tpu.memory_space<vmem>>) offsets(%dma_start3A_1945 : memref<50xi32, #tpu.memory_space<vmem>>) semaphore(%arg10 : memref<!tpu.dma_semaphore, #tpu.memory_space<semaphore_mem>>)
        %dma_start3A_1949 = arith.constant 30 : i32
        %dma_start3A_1950 = arith.constant 30 : i32
        %dma_start3A_1951 = arith.constant 0 : i32
        %dma_start3A_1952 = arith.constant 0 : i32
        %dma_start3A_1953 = tpu.memref_slice %arg7[%dma_start3A_1950, %dma_start3A_1951, %dma_start3A_1952] : memref<32x50x32xf32, #tpu.memory_space<vmem>> -> memref<1x50x32xf32, #tpu.memory_space<vmem>>
        %dma_start3A_1954 = tpu.memref_squeeze %dma_start3A_1953 : memref<1x50x32xf32, #tpu.memory_space<vmem>> -> memref<50x32xf32, #tpu.memory_space<vmem>>
        %dma_start3A_1955 = arith.constant 0 : i32
        %dma_start3A_1956 = tpu.memref_slice %arg5[%dma_start3A_1949, %dma_start3A_1955] : memref<32x50xi32, #tpu.memory_space<vmem>> -> memref<1x50xi32, #tpu.memory_space<vmem>>
        %dma_start3A_1957 = tpu.memref_squeeze %dma_start3A_1956 : memref<1x50xi32, #tpu.memory_space<vmem>> -> memref<50xi32, #tpu.memory_space<vmem>>
        %dma_start3A_1958 = arith.constant 0 : i32
        %dma_start3A_1959 = arith.constant 0 : i32
        %dma_start3A_1960 = tpu.memref_slice %arg3[%dma_start3A_1958, %dma_start3A_1959] : memref<1000000x32xf32, #tpu.memory_space<hbm>> -> memref<1000000x32xf32, #tpu.memory_space<hbm>>
        tpu.enqueue_indirect_dma source(%dma_start3A_1960 : memref<1000000x32xf32, #tpu.memory_space<hbm>>) target(%dma_start3A_1954 : memref<50x32xf32, #tpu.memory_space<vmem>>) offsets(%dma_start3A_1957 : memref<50xi32, #tpu.memory_space<vmem>>) semaphore(%arg10 : memref<!tpu.dma_semaphore, #tpu.memory_space<semaphore_mem>>)
        %dma_start3A_1961 = arith.constant 31 : i32
        %dma_start3A_1962 = arith.constant 31 : i32
        %dma_start3A_1963 = arith.constant 0 : i32
        %dma_start3A_1964 = arith.constant 0 : i32
        %dma_start3A_1965 = tpu.memref_slice %arg7[%dma_start3A_1962, %dma_start3A_1963, %dma_start3A_1964] : memref<32x50x32xf32, #tpu.memory_space<vmem>> -> memref<1x50x32xf32, #tpu.memory_space<vmem>>
        %dma_start3A_1966 = tpu.memref_squeeze %dma_start3A_1965 : memref<1x50x32xf32, #tpu.memory_space<vmem>> -> memref<50x32xf32, #tpu.memory_space<vmem>>
        %dma_start3A_1967 = arith.constant 0 : i32
        %dma_start3A_1968 = tpu.memref_slice %arg5[%dma_start3A_1961, %dma_start3A_1967] : memref<32x50xi32, #tpu.memory_space<vmem>> -> memref<1x50xi32, #tpu.memory_space<vmem>>
        %dma_start3A_1969 = tpu.memref_squeeze %dma_start3A_1968 : memref<1x50xi32, #tpu.memory_space<vmem>> -> memref<50xi32, #tpu.memory_space<vmem>>
        %dma_start3A_1970 = arith.constant 0 : i32
        %dma_start3A_1971 = arith.constant 0 : i32
        %dma_start3A_1972 = tpu.memref_slice %arg3[%dma_start3A_1970, %dma_start3A_1971] : memref<1000000x32xf32, #tpu.memory_space<hbm>> -> memref<1000000x32xf32, #tpu.memory_space<hbm>>
        tpu.enqueue_indirect_dma source(%dma_start3A_1972 : memref<1000000x32xf32, #tpu.memory_space<hbm>>) target(%dma_start3A_1966 : memref<50x32xf32, #tpu.memory_space<vmem>>) offsets(%dma_start3A_1969 : memref<50xi32, #tpu.memory_space<vmem>>) semaphore(%arg10 : memref<!tpu.dma_semaphore, #tpu.memory_space<semaphore_mem>>)
      } else {
      }
      %mul3A_1180 = arith.constant 2 : i32
      %mul3A_1181 = arith.muli %mul3A_1180, %scan3A_779 : i32
      %add3A_1182 = arith.constant 1 : i32
      %add3A_1183 = arith.addi %mul3A_1181, %add3A_1182 : i32
      %dma_wait3A_1184 = arith.constant 0 : i32
      %dma_wait3A_1185 = arith.constant 0 : i32
      %dma_wait3A_1186 = arith.constant 0 : i32
      %dma_wait3A_1187 = arith.constant 0 : i32
      %dma_wait3A_1188 = tpu.memref_slice %arg8[%dma_wait3A_1185, %dma_wait3A_1186, %dma_wait3A_1187] : memref<32x50x32xf32, #tpu.memory_space<vmem>> -> memref<1x50x32xf32, #tpu.memory_space<vmem>>
      %dma_wait3A_1189 = tpu.memref_squeeze %dma_wait3A_1188 : memref<1x50x32xf32, #tpu.memory_space<vmem>> -> memref<50x32xf32, #tpu.memory_space<vmem>>
      %dma_wait3A_1190 = arith.constant 0 : i32
      %dma_wait3A_1191 = tpu.memref_slice %arg6[%dma_wait3A_1184, %dma_wait3A_1190] : memref<32x50xi32, #tpu.memory_space<vmem>> -> memref<1x50xi32, #tpu.memory_space<vmem>>
      %dma_wait3A_1192 = tpu.memref_squeeze %dma_wait3A_1191 : memref<1x50xi32, #tpu.memory_space<vmem>> -> memref<50xi32, #tpu.memory_space<vmem>>
      %dma_wait3A_1193 = arith.constant 0 : i32
      %dma_wait3A_1194 = arith.constant 0 : i32
      %dma_wait3A_1195 = tpu.memref_slice %arg3[%dma_wait3A_1193, %dma_wait3A_1194] : memref<1000000x32xf32, #tpu.memory_space<hbm>> -> memref<1000000x32xf32, #tpu.memory_space<hbm>>
      tpu.wait_indirect_dma semaphore(%arg11 : memref<!tpu.dma_semaphore, #tpu.memory_space<semaphore_mem>>) src(%dma_wait3A_1195 : memref<1000000x32xf32, #tpu.memory_space<hbm>>) dst(%dma_wait3A_1189 : memref<50x32xf32, #tpu.memory_space<vmem>>)
      %dma_wait3A_1196 = arith.constant 1 : i32
      %dma_wait3A_1197 = arith.constant 1 : i32
      %dma_wait3A_1198 = arith.constant 0 : i32
      %dma_wait3A_1199 = arith.constant 0 : i32
      %dma_wait3A_1200 = tpu.memref_slice %arg8[%dma_wait3A_1197, %dma_wait3A_1198, %dma_wait3A_1199] : memref<32x50x32xf32, #tpu.memory_space<vmem>> -> memref<1x50x32xf32, #tpu.memory_space<vmem>>
      %dma_wait3A_1201 = tpu.memref_squeeze %dma_wait3A_1200 : memref<1x50x32xf32, #tpu.memory_space<vmem>> -> memref<50x32xf32, #tpu.memory_space<vmem>>
      %dma_wait3A_1202 = arith.constant 0 : i32
      %dma_wait3A_1203 = tpu.memref_slice %arg6[%dma_wait3A_1196, %dma_wait3A_1202] : memref<32x50xi32, #tpu.memory_space<vmem>> -> memref<1x50xi32, #tpu.memory_space<vmem>>
      %dma_wait3A_1204 = tpu.memref_squeeze %dma_wait3A_1203 : memref<1x50xi32, #tpu.memory_space<vmem>> -> memref<50xi32, #tpu.memory_space<vmem>>
      %dma_wait3A_1205 = arith.constant 0 : i32
      %dma_wait3A_1206 = arith.constant 0 : i32
      %dma_wait3A_1207 = tpu.memref_slice %arg3[%dma_wait3A_1205, %dma_wait3A_1206] : memref<1000000x32xf32, #tpu.memory_space<hbm>> -> memref<1000000x32xf32, #tpu.memory_space<hbm>>
      tpu.wait_indirect_dma semaphore(%arg11 : memref<!tpu.dma_semaphore, #tpu.memory_space<semaphore_mem>>) src(%dma_wait3A_1207 : memref<1000000x32xf32, #tpu.memory_space<hbm>>) dst(%dma_wait3A_1201 : memref<50x32xf32, #tpu.memory_space<vmem>>)
      %dma_wait3A_1208 = arith.constant 2 : i32
      %dma_wait3A_1209 = arith.constant 2 : i32
      %dma_wait3A_1210 = arith.constant 0 : i32
      %dma_wait3A_1211 = arith.constant 0 : i32
      %dma_wait3A_1212 = tpu.memref_slice %arg8[%dma_wait3A_1209, %dma_wait3A_1210, %dma_wait3A_1211] : memref<32x50x32xf32, #tpu.memory_space<vmem>> -> memref<1x50x32xf32, #tpu.memory_space<vmem>>
      %dma_wait3A_1213 = tpu.memref_squeeze %dma_wait3A_1212 : memref<1x50x32xf32, #tpu.memory_space<vmem>> -> memref<50x32xf32, #tpu.memory_space<vmem>>
      %dma_wait3A_1214 = arith.constant 0 : i32
      %dma_wait3A_1215 = tpu.memref_slice %arg6[%dma_wait3A_1208, %dma_wait3A_1214] : memref<32x50xi32, #tpu.memory_space<vmem>> -> memref<1x50xi32, #tpu.memory_space<vmem>>
      %dma_wait3A_1216 = tpu.memref_squeeze %dma_wait3A_1215 : memref<1x50xi32, #tpu.memory_space<vmem>> -> memref<50xi32, #tpu.memory_space<vmem>>
      %dma_wait3A_1217 = arith.constant 0 : i32
      %dma_wait3A_1218 = arith.constant 0 : i32
      %dma_wait3A_1219 = tpu.memref_slice %arg3[%dma_wait3A_1217, %dma_wait3A_1218] : memref<1000000x32xf32, #tpu.memory_space<hbm>> -> memref<1000000x32xf32, #tpu.memory_space<hbm>>
      tpu.wait_indirect_dma semaphore(%arg11 : memref<!tpu.dma_semaphore, #tpu.memory_space<semaphore_mem>>) src(%dma_wait3A_1219 : memref<1000000x32xf32, #tpu.memory_space<hbm>>) dst(%dma_wait3A_1213 : memref<50x32xf32, #tpu.memory_space<vmem>>)
      %dma_wait3A_1220 = arith.constant 3 : i32
      %dma_wait3A_1221 = arith.constant 3 : i32
      %dma_wait3A_1222 = arith.constant 0 : i32
      %dma_wait3A_1223 = arith.constant 0 : i32
      %dma_wait3A_1224 = tpu.memref_slice %arg8[%dma_wait3A_1221, %dma_wait3A_1222, %dma_wait3A_1223] : memref<32x50x32xf32, #tpu.memory_space<vmem>> -> memref<1x50x32xf32, #tpu.memory_space<vmem>>
      %dma_wait3A_1225 = tpu.memref_squeeze %dma_wait3A_1224 : memref<1x50x32xf32, #tpu.memory_space<vmem>> -> memref<50x32xf32, #tpu.memory_space<vmem>>
      %dma_wait3A_1226 = arith.constant 0 : i32
      %dma_wait3A_1227 = tpu.memref_slice %arg6[%dma_wait3A_1220, %dma_wait3A_1226] : memref<32x50xi32, #tpu.memory_space<vmem>> -> memref<1x50xi32, #tpu.memory_space<vmem>>
      %dma_wait3A_1228 = tpu.memref_squeeze %dma_wait3A_1227 : memref<1x50xi32, #tpu.memory_space<vmem>> -> memref<50xi32, #tpu.memory_space<vmem>>
      %dma_wait3A_1229 = arith.constant 0 : i32
      %dma_wait3A_1230 = arith.constant 0 : i32
      %dma_wait3A_1231 = tpu.memref_slice %arg3[%dma_wait3A_1229, %dma_wait3A_1230] : memref<1000000x32xf32, #tpu.memory_space<hbm>> -> memref<1000000x32xf32, #tpu.memory_space<hbm>>
      tpu.wait_indirect_dma semaphore(%arg11 : memref<!tpu.dma_semaphore, #tpu.memory_space<semaphore_mem>>) src(%dma_wait3A_1231 : memref<1000000x32xf32, #tpu.memory_space<hbm>>) dst(%dma_wait3A_1225 : memref<50x32xf32, #tpu.memory_space<vmem>>)
      %dma_wait3A_1232 = arith.constant 4 : i32
      %dma_wait3A_1233 = arith.constant 4 : i32
      %dma_wait3A_1234 = arith.constant 0 : i32
      %dma_wait3A_1235 = arith.constant 0 : i32
      %dma_wait3A_1236 = tpu.memref_slice %arg8[%dma_wait3A_1233, %dma_wait3A_1234, %dma_wait3A_1235] : memref<32x50x32xf32, #tpu.memory_space<vmem>> -> memref<1x50x32xf32, #tpu.memory_space<vmem>>
      %dma_wait3A_1237 = tpu.memref_squeeze %dma_wait3A_1236 : memref<1x50x32xf32, #tpu.memory_space<vmem>> -> memref<50x32xf32, #tpu.memory_space<vmem>>
      %dma_wait3A_1238 = arith.constant 0 : i32
      %dma_wait3A_1239 = tpu.memref_slice %arg6[%dma_wait3A_1232, %dma_wait3A_1238] : memref<32x50xi32, #tpu.memory_space<vmem>> -> memref<1x50xi32, #tpu.memory_space<vmem>>
      %dma_wait3A_1240 = tpu.memref_squeeze %dma_wait3A_1239 : memref<1x50xi32, #tpu.memory_space<vmem>> -> memref<50xi32, #tpu.memory_space<vmem>>
      %dma_wait3A_1241 = arith.constant 0 : i32
      %dma_wait3A_1242 = arith.constant 0 : i32
      %dma_wait3A_1243 = tpu.memref_slice %arg3[%dma_wait3A_1241, %dma_wait3A_1242] : memref<1000000x32xf32, #tpu.memory_space<hbm>> -> memref<1000000x32xf32, #tpu.memory_space<hbm>>
      tpu.wait_indirect_dma semaphore(%arg11 : memref<!tpu.dma_semaphore, #tpu.memory_space<semaphore_mem>>) src(%dma_wait3A_1243 : memref<1000000x32xf32, #tpu.memory_space<hbm>>) dst(%dma_wait3A_1237 : memref<50x32xf32, #tpu.memory_space<vmem>>)
      %dma_wait3A_1244 = arith.constant 5 : i32
      %dma_wait3A_1245 = arith.constant 5 : i32
      %dma_wait3A_1246 = arith.constant 0 : i32
      %dma_wait3A_1247 = arith.constant 0 : i32
      %dma_wait3A_1248 = tpu.memref_slice %arg8[%dma_wait3A_1245, %dma_wait3A_1246, %dma_wait3A_1247] : memref<32x50x32xf32, #tpu.memory_space<vmem>> -> memref<1x50x32xf32, #tpu.memory_space<vmem>>
      %dma_wait3A_1249 = tpu.memref_squeeze %dma_wait3A_1248 : memref<1x50x32xf32, #tpu.memory_space<vmem>> -> memref<50x32xf32, #tpu.memory_space<vmem>>
      %dma_wait3A_1250 = arith.constant 0 : i32
      %dma_wait3A_1251 = tpu.memref_slice %arg6[%dma_wait3A_1244, %dma_wait3A_1250] : memref<32x50xi32, #tpu.memory_space<vmem>> -> memref<1x50xi32, #tpu.memory_space<vmem>>
      %dma_wait3A_1252 = tpu.memref_squeeze %dma_wait3A_1251 : memref<1x50xi32, #tpu.memory_space<vmem>> -> memref<50xi32, #tpu.memory_space<vmem>>
      %dma_wait3A_1253 = arith.constant 0 : i32
      %dma_wait3A_1254 = arith.constant 0 : i32
      %dma_wait3A_1255 = tpu.memref_slice %arg3[%dma_wait3A_1253, %dma_wait3A_1254] : memref<1000000x32xf32, #tpu.memory_space<hbm>> -> memref<1000000x32xf32, #tpu.memory_space<hbm>>
      tpu.wait_indirect_dma semaphore(%arg11 : memref<!tpu.dma_semaphore, #tpu.memory_space<semaphore_mem>>) src(%dma_wait3A_1255 : memref<1000000x32xf32, #tpu.memory_space<hbm>>) dst(%dma_wait3A_1249 : memref<50x32xf32, #tpu.memory_space<vmem>>)
      %dma_wait3A_1256 = arith.constant 6 : i32
      %dma_wait3A_1257 = arith.constant 6 : i32
      %dma_wait3A_1258 = arith.constant 0 : i32
      %dma_wait3A_1259 = arith.constant 0 : i32
      %dma_wait3A_1260 = tpu.memref_slice %arg8[%dma_wait3A_1257, %dma_wait3A_1258, %dma_wait3A_1259] : memref<32x50x32xf32, #tpu.memory_space<vmem>> -> memref<1x50x32xf32, #tpu.memory_space<vmem>>
      %dma_wait3A_1261 = tpu.memref_squeeze %dma_wait3A_1260 : memref<1x50x32xf32, #tpu.memory_space<vmem>> -> memref<50x32xf32, #tpu.memory_space<vmem>>
      %dma_wait3A_1262 = arith.constant 0 : i32
      %dma_wait3A_1263 = tpu.memref_slice %arg6[%dma_wait3A_1256, %dma_wait3A_1262] : memref<32x50xi32, #tpu.memory_space<vmem>> -> memref<1x50xi32, #tpu.memory_space<vmem>>
      %dma_wait3A_1264 = tpu.memref_squeeze %dma_wait3A_1263 : memref<1x50xi32, #tpu.memory_space<vmem>> -> memref<50xi32, #tpu.memory_space<vmem>>
      %dma_wait3A_1265 = arith.constant 0 : i32
      %dma_wait3A_1266 = arith.constant 0 : i32
      %dma_wait3A_1267 = tpu.memref_slice %arg3[%dma_wait3A_1265, %dma_wait3A_1266] : memref<1000000x32xf32, #tpu.memory_space<hbm>> -> memref<1000000x32xf32, #tpu.memory_space<hbm>>
      tpu.wait_indirect_dma semaphore(%arg11 : memref<!tpu.dma_semaphore, #tpu.memory_space<semaphore_mem>>) src(%dma_wait3A_1267 : memref<1000000x32xf32, #tpu.memory_space<hbm>>) dst(%dma_wait3A_1261 : memref<50x32xf32, #tpu.memory_space<vmem>>)
      %dma_wait3A_1268 = arith.constant 7 : i32
      %dma_wait3A_1269 = arith.constant 7 : i32
      %dma_wait3A_1270 = arith.constant 0 : i32
      %dma_wait3A_1271 = arith.constant 0 : i32
      %dma_wait3A_1272 = tpu.memref_slice %arg8[%dma_wait3A_1269, %dma_wait3A_1270, %dma_wait3A_1271] : memref<32x50x32xf32, #tpu.memory_space<vmem>> -> memref<1x50x32xf32, #tpu.memory_space<vmem>>
      %dma_wait3A_1273 = tpu.memref_squeeze %dma_wait3A_1272 : memref<1x50x32xf32, #tpu.memory_space<vmem>> -> memref<50x32xf32, #tpu.memory_space<vmem>>
      %dma_wait3A_1274 = arith.constant 0 : i32
      %dma_wait3A_1275 = tpu.memref_slice %arg6[%dma_wait3A_1268, %dma_wait3A_1274] : memref<32x50xi32, #tpu.memory_space<vmem>> -> memref<1x50xi32, #tpu.memory_space<vmem>>
      %dma_wait3A_1276 = tpu.memref_squeeze %dma_wait3A_1275 : memref<1x50xi32, #tpu.memory_space<vmem>> -> memref<50xi32, #tpu.memory_space<vmem>>
      %dma_wait3A_1277 = arith.constant 0 : i32
      %dma_wait3A_1278 = arith.constant 0 : i32
      %dma_wait3A_1279 = tpu.memref_slice %arg3[%dma_wait3A_1277, %dma_wait3A_1278] : memref<1000000x32xf32, #tpu.memory_space<hbm>> -> memref<1000000x32xf32, #tpu.memory_space<hbm>>
      tpu.wait_indirect_dma semaphore(%arg11 : memref<!tpu.dma_semaphore, #tpu.memory_space<semaphore_mem>>) src(%dma_wait3A_1279 : memref<1000000x32xf32, #tpu.memory_space<hbm>>) dst(%dma_wait3A_1273 : memref<50x32xf32, #tpu.memory_space<vmem>>)
      %dma_wait3A_1280 = arith.constant 8 : i32
      %dma_wait3A_1281 = arith.constant 8 : i32
      %dma_wait3A_1282 = arith.constant 0 : i32
      %dma_wait3A_1283 = arith.constant 0 : i32
      %dma_wait3A_1284 = tpu.memref_slice %arg8[%dma_wait3A_1281, %dma_wait3A_1282, %dma_wait3A_1283] : memref<32x50x32xf32, #tpu.memory_space<vmem>> -> memref<1x50x32xf32, #tpu.memory_space<vmem>>
      %dma_wait3A_1285 = tpu.memref_squeeze %dma_wait3A_1284 : memref<1x50x32xf32, #tpu.memory_space<vmem>> -> memref<50x32xf32, #tpu.memory_space<vmem>>
      %dma_wait3A_1286 = arith.constant 0 : i32
      %dma_wait3A_1287 = tpu.memref_slice %arg6[%dma_wait3A_1280, %dma_wait3A_1286] : memref<32x50xi32, #tpu.memory_space<vmem>> -> memref<1x50xi32, #tpu.memory_space<vmem>>
      %dma_wait3A_1288 = tpu.memref_squeeze %dma_wait3A_1287 : memref<1x50xi32, #tpu.memory_space<vmem>> -> memref<50xi32, #tpu.memory_space<vmem>>
      %dma_wait3A_1289 = arith.constant 0 : i32
      %dma_wait3A_1290 = arith.constant 0 : i32
      %dma_wait3A_1291 = tpu.memref_slice %arg3[%dma_wait3A_1289, %dma_wait3A_1290] : memref<1000000x32xf32, #tpu.memory_space<hbm>> -> memref<1000000x32xf32, #tpu.memory_space<hbm>>
      tpu.wait_indirect_dma semaphore(%arg11 : memref<!tpu.dma_semaphore, #tpu.memory_space<semaphore_mem>>) src(%dma_wait3A_1291 : memref<1000000x32xf32, #tpu.memory_space<hbm>>) dst(%dma_wait3A_1285 : memref<50x32xf32, #tpu.memory_space<vmem>>)
      %dma_wait3A_1292 = arith.constant 9 : i32
      %dma_wait3A_1293 = arith.constant 9 : i32
      %dma_wait3A_1294 = arith.constant 0 : i32
      %dma_wait3A_1295 = arith.constant 0 : i32
      %dma_wait3A_1296 = tpu.memref_slice %arg8[%dma_wait3A_1293, %dma_wait3A_1294, %dma_wait3A_1295] : memref<32x50x32xf32, #tpu.memory_space<vmem>> -> memref<1x50x32xf32, #tpu.memory_space<vmem>>
      %dma_wait3A_1297 = tpu.memref_squeeze %dma_wait3A_1296 : memref<1x50x32xf32, #tpu.memory_space<vmem>> -> memref<50x32xf32, #tpu.memory_space<vmem>>
      %dma_wait3A_1298 = arith.constant 0 : i32
      %dma_wait3A_1299 = tpu.memref_slice %arg6[%dma_wait3A_1292, %dma_wait3A_1298] : memref<32x50xi32, #tpu.memory_space<vmem>> -> memref<1x50xi32, #tpu.memory_space<vmem>>
      %dma_wait3A_1300 = tpu.memref_squeeze %dma_wait3A_1299 : memref<1x50xi32, #tpu.memory_space<vmem>> -> memref<50xi32, #tpu.memory_space<vmem>>
      %dma_wait3A_1301 = arith.constant 0 : i32
      %dma_wait3A_1302 = arith.constant 0 : i32
      %dma_wait3A_1303 = tpu.memref_slice %arg3[%dma_wait3A_1301, %dma_wait3A_1302] : memref<1000000x32xf32, #tpu.memory_space<hbm>> -> memref<1000000x32xf32, #tpu.memory_space<hbm>>
      tpu.wait_indirect_dma semaphore(%arg11 : memref<!tpu.dma_semaphore, #tpu.memory_space<semaphore_mem>>) src(%dma_wait3A_1303 : memref<1000000x32xf32, #tpu.memory_space<hbm>>) dst(%dma_wait3A_1297 : memref<50x32xf32, #tpu.memory_space<vmem>>)
      %dma_wait3A_1304 = arith.constant 10 : i32
      %dma_wait3A_1305 = arith.constant 10 : i32
      %dma_wait3A_1306 = arith.constant 0 : i32
      %dma_wait3A_1307 = arith.constant 0 : i32
      %dma_wait3A_1308 = tpu.memref_slice %arg8[%dma_wait3A_1305, %dma_wait3A_1306, %dma_wait3A_1307] : memref<32x50x32xf32, #tpu.memory_space<vmem>> -> memref<1x50x32xf32, #tpu.memory_space<vmem>>
      %dma_wait3A_1309 = tpu.memref_squeeze %dma_wait3A_1308 : memref<1x50x32xf32, #tpu.memory_space<vmem>> -> memref<50x32xf32, #tpu.memory_space<vmem>>
      %dma_wait3A_1310 = arith.constant 0 : i32
      %dma_wait3A_1311 = tpu.memref_slice %arg6[%dma_wait3A_1304, %dma_wait3A_1310] : memref<32x50xi32, #tpu.memory_space<vmem>> -> memref<1x50xi32, #tpu.memory_space<vmem>>
      %dma_wait3A_1312 = tpu.memref_squeeze %dma_wait3A_1311 : memref<1x50xi32, #tpu.memory_space<vmem>> -> memref<50xi32, #tpu.memory_space<vmem>>
      %dma_wait3A_1313 = arith.constant 0 : i32
      %dma_wait3A_1314 = arith.constant 0 : i32
      %dma_wait3A_1315 = tpu.memref_slice %arg3[%dma_wait3A_1313, %dma_wait3A_1314] : memref<1000000x32xf32, #tpu.memory_space<hbm>> -> memref<1000000x32xf32, #tpu.memory_space<hbm>>
      tpu.wait_indirect_dma semaphore(%arg11 : memref<!tpu.dma_semaphore, #tpu.memory_space<semaphore_mem>>) src(%dma_wait3A_1315 : memref<1000000x32xf32, #tpu.memory_space<hbm>>) dst(%dma_wait3A_1309 : memref<50x32xf32, #tpu.memory_space<vmem>>)
      %dma_wait3A_1316 = arith.constant 11 : i32
      %dma_wait3A_1317 = arith.constant 11 : i32
      %dma_wait3A_1318 = arith.constant 0 : i32
      %dma_wait3A_1319 = arith.constant 0 : i32
      %dma_wait3A_1320 = tpu.memref_slice %arg8[%dma_wait3A_1317, %dma_wait3A_1318, %dma_wait3A_1319] : memref<32x50x32xf32, #tpu.memory_space<vmem>> -> memref<1x50x32xf32, #tpu.memory_space<vmem>>
      %dma_wait3A_1321 = tpu.memref_squeeze %dma_wait3A_1320 : memref<1x50x32xf32, #tpu.memory_space<vmem>> -> memref<50x32xf32, #tpu.memory_space<vmem>>
      %dma_wait3A_1322 = arith.constant 0 : i32
      %dma_wait3A_1323 = tpu.memref_slice %arg6[%dma_wait3A_1316, %dma_wait3A_1322] : memref<32x50xi32, #tpu.memory_space<vmem>> -> memref<1x50xi32, #tpu.memory_space<vmem>>
      %dma_wait3A_1324 = tpu.memref_squeeze %dma_wait3A_1323 : memref<1x50xi32, #tpu.memory_space<vmem>> -> memref<50xi32, #tpu.memory_space<vmem>>
      %dma_wait3A_1325 = arith.constant 0 : i32
      %dma_wait3A_1326 = arith.constant 0 : i32
      %dma_wait3A_1327 = tpu.memref_slice %arg3[%dma_wait3A_1325, %dma_wait3A_1326] : memref<1000000x32xf32, #tpu.memory_space<hbm>> -> memref<1000000x32xf32, #tpu.memory_space<hbm>>
      tpu.wait_indirect_dma semaphore(%arg11 : memref<!tpu.dma_semaphore, #tpu.memory_space<semaphore_mem>>) src(%dma_wait3A_1327 : memref<1000000x32xf32, #tpu.memory_space<hbm>>) dst(%dma_wait3A_1321 : memref<50x32xf32, #tpu.memory_space<vmem>>)
      %dma_wait3A_1328 = arith.constant 12 : i32
      %dma_wait3A_1329 = arith.constant 12 : i32
      %dma_wait3A_1330 = arith.constant 0 : i32
      %dma_wait3A_1331 = arith.constant 0 : i32
      %dma_wait3A_1332 = tpu.memref_slice %arg8[%dma_wait3A_1329, %dma_wait3A_1330, %dma_wait3A_1331] : memref<32x50x32xf32, #tpu.memory_space<vmem>> -> memref<1x50x32xf32, #tpu.memory_space<vmem>>
      %dma_wait3A_1333 = tpu.memref_squeeze %dma_wait3A_1332 : memref<1x50x32xf32, #tpu.memory_space<vmem>> -> memref<50x32xf32, #tpu.memory_space<vmem>>
      %dma_wait3A_1334 = arith.constant 0 : i32
      %dma_wait3A_1335 = tpu.memref_slice %arg6[%dma_wait3A_1328, %dma_wait3A_1334] : memref<32x50xi32, #tpu.memory_space<vmem>> -> memref<1x50xi32, #tpu.memory_space<vmem>>
      %dma_wait3A_1336 = tpu.memref_squeeze %dma_wait3A_1335 : memref<1x50xi32, #tpu.memory_space<vmem>> -> memref<50xi32, #tpu.memory_space<vmem>>
      %dma_wait3A_1337 = arith.constant 0 : i32
      %dma_wait3A_1338 = arith.constant 0 : i32
      %dma_wait3A_1339 = tpu.memref_slice %arg3[%dma_wait3A_1337, %dma_wait3A_1338] : memref<1000000x32xf32, #tpu.memory_space<hbm>> -> memref<1000000x32xf32, #tpu.memory_space<hbm>>
      tpu.wait_indirect_dma semaphore(%arg11 : memref<!tpu.dma_semaphore, #tpu.memory_space<semaphore_mem>>) src(%dma_wait3A_1339 : memref<1000000x32xf32, #tpu.memory_space<hbm>>) dst(%dma_wait3A_1333 : memref<50x32xf32, #tpu.memory_space<vmem>>)
      %dma_wait3A_1340 = arith.constant 13 : i32
      %dma_wait3A_1341 = arith.constant 13 : i32
      %dma_wait3A_1342 = arith.constant 0 : i32
      %dma_wait3A_1343 = arith.constant 0 : i32
      %dma_wait3A_1344 = tpu.memref_slice %arg8[%dma_wait3A_1341, %dma_wait3A_1342, %dma_wait3A_1343] : memref<32x50x32xf32, #tpu.memory_space<vmem>> -> memref<1x50x32xf32, #tpu.memory_space<vmem>>
      %dma_wait3A_1345 = tpu.memref_squeeze %dma_wait3A_1344 : memref<1x50x32xf32, #tpu.memory_space<vmem>> -> memref<50x32xf32, #tpu.memory_space<vmem>>
      %dma_wait3A_1346 = arith.constant 0 : i32
      %dma_wait3A_1347 = tpu.memref_slice %arg6[%dma_wait3A_1340, %dma_wait3A_1346] : memref<32x50xi32, #tpu.memory_space<vmem>> -> memref<1x50xi32, #tpu.memory_space<vmem>>
      %dma_wait3A_1348 = tpu.memref_squeeze %dma_wait3A_1347 : memref<1x50xi32, #tpu.memory_space<vmem>> -> memref<50xi32, #tpu.memory_space<vmem>>
      %dma_wait3A_1349 = arith.constant 0 : i32
      %dma_wait3A_1350 = arith.constant 0 : i32
      %dma_wait3A_1351 = tpu.memref_slice %arg3[%dma_wait3A_1349, %dma_wait3A_1350] : memref<1000000x32xf32, #tpu.memory_space<hbm>> -> memref<1000000x32xf32, #tpu.memory_space<hbm>>
      tpu.wait_indirect_dma semaphore(%arg11 : memref<!tpu.dma_semaphore, #tpu.memory_space<semaphore_mem>>) src(%dma_wait3A_1351 : memref<1000000x32xf32, #tpu.memory_space<hbm>>) dst(%dma_wait3A_1345 : memref<50x32xf32, #tpu.memory_space<vmem>>)
      %dma_wait3A_1352 = arith.constant 14 : i32
      %dma_wait3A_1353 = arith.constant 14 : i32
      %dma_wait3A_1354 = arith.constant 0 : i32
      %dma_wait3A_1355 = arith.constant 0 : i32
      %dma_wait3A_1356 = tpu.memref_slice %arg8[%dma_wait3A_1353, %dma_wait3A_1354, %dma_wait3A_1355] : memref<32x50x32xf32, #tpu.memory_space<vmem>> -> memref<1x50x32xf32, #tpu.memory_space<vmem>>
      %dma_wait3A_1357 = tpu.memref_squeeze %dma_wait3A_1356 : memref<1x50x32xf32, #tpu.memory_space<vmem>> -> memref<50x32xf32, #tpu.memory_space<vmem>>
      %dma_wait3A_1358 = arith.constant 0 : i32
      %dma_wait3A_1359 = tpu.memref_slice %arg6[%dma_wait3A_1352, %dma_wait3A_1358] : memref<32x50xi32, #tpu.memory_space<vmem>> -> memref<1x50xi32, #tpu.memory_space<vmem>>
      %dma_wait3A_1360 = tpu.memref_squeeze %dma_wait3A_1359 : memref<1x50xi32, #tpu.memory_space<vmem>> -> memref<50xi32, #tpu.memory_space<vmem>>
      %dma_wait3A_1361 = arith.constant 0 : i32
      %dma_wait3A_1362 = arith.constant 0 : i32
      %dma_wait3A_1363 = tpu.memref_slice %arg3[%dma_wait3A_1361, %dma_wait3A_1362] : memref<1000000x32xf32, #tpu.memory_space<hbm>> -> memref<1000000x32xf32, #tpu.memory_space<hbm>>
      tpu.wait_indirect_dma semaphore(%arg11 : memref<!tpu.dma_semaphore, #tpu.memory_space<semaphore_mem>>) src(%dma_wait3A_1363 : memref<1000000x32xf32, #tpu.memory_space<hbm>>) dst(%dma_wait3A_1357 : memref<50x32xf32, #tpu.memory_space<vmem>>)
      %dma_wait3A_1364 = arith.constant 15 : i32
      %dma_wait3A_1365 = arith.constant 15 : i32
      %dma_wait3A_1366 = arith.constant 0 : i32
      %dma_wait3A_1367 = arith.constant 0 : i32
      %dma_wait3A_1368 = tpu.memref_slice %arg8[%dma_wait3A_1365, %dma_wait3A_1366, %dma_wait3A_1367] : memref<32x50x32xf32, #tpu.memory_space<vmem>> -> memref<1x50x32xf32, #tpu.memory_space<vmem>>
      %dma_wait3A_1369 = tpu.memref_squeeze %dma_wait3A_1368 : memref<1x50x32xf32, #tpu.memory_space<vmem>> -> memref<50x32xf32, #tpu.memory_space<vmem>>
      %dma_wait3A_1370 = arith.constant 0 : i32
      %dma_wait3A_1371 = tpu.memref_slice %arg6[%dma_wait3A_1364, %dma_wait3A_1370] : memref<32x50xi32, #tpu.memory_space<vmem>> -> memref<1x50xi32, #tpu.memory_space<vmem>>
      %dma_wait3A_1372 = tpu.memref_squeeze %dma_wait3A_1371 : memref<1x50xi32, #tpu.memory_space<vmem>> -> memref<50xi32, #tpu.memory_space<vmem>>
      %dma_wait3A_1373 = arith.constant 0 : i32
      %dma_wait3A_1374 = arith.constant 0 : i32
      %dma_wait3A_1375 = tpu.memref_slice %arg3[%dma_wait3A_1373, %dma_wait3A_1374] : memref<1000000x32xf32, #tpu.memory_space<hbm>> -> memref<1000000x32xf32, #tpu.memory_space<hbm>>
      tpu.wait_indirect_dma semaphore(%arg11 : memref<!tpu.dma_semaphore, #tpu.memory_space<semaphore_mem>>) src(%dma_wait3A_1375 : memref<1000000x32xf32, #tpu.memory_space<hbm>>) dst(%dma_wait3A_1369 : memref<50x32xf32, #tpu.memory_space<vmem>>)
      %dma_wait3A_1376 = arith.constant 16 : i32
      %dma_wait3A_1377 = arith.constant 16 : i32
      %dma_wait3A_1378 = arith.constant 0 : i32
      %dma_wait3A_1379 = arith.constant 0 : i32
      %dma_wait3A_1380 = tpu.memref_slice %arg8[%dma_wait3A_1377, %dma_wait3A_1378, %dma_wait3A_1379] : memref<32x50x32xf32, #tpu.memory_space<vmem>> -> memref<1x50x32xf32, #tpu.memory_space<vmem>>
      %dma_wait3A_1381 = tpu.memref_squeeze %dma_wait3A_1380 : memref<1x50x32xf32, #tpu.memory_space<vmem>> -> memref<50x32xf32, #tpu.memory_space<vmem>>
      %dma_wait3A_1382 = arith.constant 0 : i32
      %dma_wait3A_1383 = tpu.memref_slice %arg6[%dma_wait3A_1376, %dma_wait3A_1382] : memref<32x50xi32, #tpu.memory_space<vmem>> -> memref<1x50xi32, #tpu.memory_space<vmem>>
      %dma_wait3A_1384 = tpu.memref_squeeze %dma_wait3A_1383 : memref<1x50xi32, #tpu.memory_space<vmem>> -> memref<50xi32, #tpu.memory_space<vmem>>
      %dma_wait3A_1385 = arith.constant 0 : i32
      %dma_wait3A_1386 = arith.constant 0 : i32
      %dma_wait3A_1387 = tpu.memref_slice %arg3[%dma_wait3A_1385, %dma_wait3A_1386] : memref<1000000x32xf32, #tpu.memory_space<hbm>> -> memref<1000000x32xf32, #tpu.memory_space<hbm>>
      tpu.wait_indirect_dma semaphore(%arg11 : memref<!tpu.dma_semaphore, #tpu.memory_space<semaphore_mem>>) src(%dma_wait3A_1387 : memref<1000000x32xf32, #tpu.memory_space<hbm>>) dst(%dma_wait3A_1381 : memref<50x32xf32, #tpu.memory_space<vmem>>)
      %dma_wait3A_1388 = arith.constant 17 : i32
      %dma_wait3A_1389 = arith.constant 17 : i32
      %dma_wait3A_1390 = arith.constant 0 : i32
      %dma_wait3A_1391 = arith.constant 0 : i32
      %dma_wait3A_1392 = tpu.memref_slice %arg8[%dma_wait3A_1389, %dma_wait3A_1390, %dma_wait3A_1391] : memref<32x50x32xf32, #tpu.memory_space<vmem>> -> memref<1x50x32xf32, #tpu.memory_space<vmem>>
      %dma_wait3A_1393 = tpu.memref_squeeze %dma_wait3A_1392 : memref<1x50x32xf32, #tpu.memory_space<vmem>> -> memref<50x32xf32, #tpu.memory_space<vmem>>
      %dma_wait3A_1394 = arith.constant 0 : i32
      %dma_wait3A_1395 = tpu.memref_slice %arg6[%dma_wait3A_1388, %dma_wait3A_1394] : memref<32x50xi32, #tpu.memory_space<vmem>> -> memref<1x50xi32, #tpu.memory_space<vmem>>
      %dma_wait3A_1396 = tpu.memref_squeeze %dma_wait3A_1395 : memref<1x50xi32, #tpu.memory_space<vmem>> -> memref<50xi32, #tpu.memory_space<vmem>>
      %dma_wait3A_1397 = arith.constant 0 : i32
      %dma_wait3A_1398 = arith.constant 0 : i32
      %dma_wait3A_1399 = tpu.memref_slice %arg3[%dma_wait3A_1397, %dma_wait3A_1398] : memref<1000000x32xf32, #tpu.memory_space<hbm>> -> memref<1000000x32xf32, #tpu.memory_space<hbm>>
      tpu.wait_indirect_dma semaphore(%arg11 : memref<!tpu.dma_semaphore, #tpu.memory_space<semaphore_mem>>) src(%dma_wait3A_1399 : memref<1000000x32xf32, #tpu.memory_space<hbm>>) dst(%dma_wait3A_1393 : memref<50x32xf32, #tpu.memory_space<vmem>>)
      %dma_wait3A_1400 = arith.constant 18 : i32
      %dma_wait3A_1401 = arith.constant 18 : i32
      %dma_wait3A_1402 = arith.constant 0 : i32
      %dma_wait3A_1403 = arith.constant 0 : i32
      %dma_wait3A_1404 = tpu.memref_slice %arg8[%dma_wait3A_1401, %dma_wait3A_1402, %dma_wait3A_1403] : memref<32x50x32xf32, #tpu.memory_space<vmem>> -> memref<1x50x32xf32, #tpu.memory_space<vmem>>
      %dma_wait3A_1405 = tpu.memref_squeeze %dma_wait3A_1404 : memref<1x50x32xf32, #tpu.memory_space<vmem>> -> memref<50x32xf32, #tpu.memory_space<vmem>>
      %dma_wait3A_1406 = arith.constant 0 : i32
      %dma_wait3A_1407 = tpu.memref_slice %arg6[%dma_wait3A_1400, %dma_wait3A_1406] : memref<32x50xi32, #tpu.memory_space<vmem>> -> memref<1x50xi32, #tpu.memory_space<vmem>>
      %dma_wait3A_1408 = tpu.memref_squeeze %dma_wait3A_1407 : memref<1x50xi32, #tpu.memory_space<vmem>> -> memref<50xi32, #tpu.memory_space<vmem>>
      %dma_wait3A_1409 = arith.constant 0 : i32
      %dma_wait3A_1410 = arith.constant 0 : i32
      %dma_wait3A_1411 = tpu.memref_slice %arg3[%dma_wait3A_1409, %dma_wait3A_1410] : memref<1000000x32xf32, #tpu.memory_space<hbm>> -> memref<1000000x32xf32, #tpu.memory_space<hbm>>
      tpu.wait_indirect_dma semaphore(%arg11 : memref<!tpu.dma_semaphore, #tpu.memory_space<semaphore_mem>>) src(%dma_wait3A_1411 : memref<1000000x32xf32, #tpu.memory_space<hbm>>) dst(%dma_wait3A_1405 : memref<50x32xf32, #tpu.memory_space<vmem>>)
      %dma_wait3A_1412 = arith.constant 19 : i32
      %dma_wait3A_1413 = arith.constant 19 : i32
      %dma_wait3A_1414 = arith.constant 0 : i32
      %dma_wait3A_1415 = arith.constant 0 : i32
      %dma_wait3A_1416 = tpu.memref_slice %arg8[%dma_wait3A_1413, %dma_wait3A_1414, %dma_wait3A_1415] : memref<32x50x32xf32, #tpu.memory_space<vmem>> -> memref<1x50x32xf32, #tpu.memory_space<vmem>>
      %dma_wait3A_1417 = tpu.memref_squeeze %dma_wait3A_1416 : memref<1x50x32xf32, #tpu.memory_space<vmem>> -> memref<50x32xf32, #tpu.memory_space<vmem>>
      %dma_wait3A_1418 = arith.constant 0 : i32
      %dma_wait3A_1419 = tpu.memref_slice %arg6[%dma_wait3A_1412, %dma_wait3A_1418] : memref<32x50xi32, #tpu.memory_space<vmem>> -> memref<1x50xi32, #tpu.memory_space<vmem>>
      %dma_wait3A_1420 = tpu.memref_squeeze %dma_wait3A_1419 : memref<1x50xi32, #tpu.memory_space<vmem>> -> memref<50xi32, #tpu.memory_space<vmem>>
      %dma_wait3A_1421 = arith.constant 0 : i32
      %dma_wait3A_1422 = arith.constant 0 : i32
      %dma_wait3A_1423 = tpu.memref_slice %arg3[%dma_wait3A_1421, %dma_wait3A_1422] : memref<1000000x32xf32, #tpu.memory_space<hbm>> -> memref<1000000x32xf32, #tpu.memory_space<hbm>>
      tpu.wait_indirect_dma semaphore(%arg11 : memref<!tpu.dma_semaphore, #tpu.memory_space<semaphore_mem>>) src(%dma_wait3A_1423 : memref<1000000x32xf32, #tpu.memory_space<hbm>>) dst(%dma_wait3A_1417 : memref<50x32xf32, #tpu.memory_space<vmem>>)
      %dma_wait3A_1424 = arith.constant 20 : i32
      %dma_wait3A_1425 = arith.constant 20 : i32
      %dma_wait3A_1426 = arith.constant 0 : i32
      %dma_wait3A_1427 = arith.constant 0 : i32
      %dma_wait3A_1428 = tpu.memref_slice %arg8[%dma_wait3A_1425, %dma_wait3A_1426, %dma_wait3A_1427] : memref<32x50x32xf32, #tpu.memory_space<vmem>> -> memref<1x50x32xf32, #tpu.memory_space<vmem>>
      %dma_wait3A_1429 = tpu.memref_squeeze %dma_wait3A_1428 : memref<1x50x32xf32, #tpu.memory_space<vmem>> -> memref<50x32xf32, #tpu.memory_space<vmem>>
      %dma_wait3A_1430 = arith.constant 0 : i32
      %dma_wait3A_1431 = tpu.memref_slice %arg6[%dma_wait3A_1424, %dma_wait3A_1430] : memref<32x50xi32, #tpu.memory_space<vmem>> -> memref<1x50xi32, #tpu.memory_space<vmem>>
      %dma_wait3A_1432 = tpu.memref_squeeze %dma_wait3A_1431 : memref<1x50xi32, #tpu.memory_space<vmem>> -> memref<50xi32, #tpu.memory_space<vmem>>
      %dma_wait3A_1433 = arith.constant 0 : i32
      %dma_wait3A_1434 = arith.constant 0 : i32
      %dma_wait3A_1435 = tpu.memref_slice %arg3[%dma_wait3A_1433, %dma_wait3A_1434] : memref<1000000x32xf32, #tpu.memory_space<hbm>> -> memref<1000000x32xf32, #tpu.memory_space<hbm>>
      tpu.wait_indirect_dma semaphore(%arg11 : memref<!tpu.dma_semaphore, #tpu.memory_space<semaphore_mem>>) src(%dma_wait3A_1435 : memref<1000000x32xf32, #tpu.memory_space<hbm>>) dst(%dma_wait3A_1429 : memref<50x32xf32, #tpu.memory_space<vmem>>)
      %dma_wait3A_1436 = arith.constant 21 : i32
      %dma_wait3A_1437 = arith.constant 21 : i32
      %dma_wait3A_1438 = arith.constant 0 : i32
      %dma_wait3A_1439 = arith.constant 0 : i32
      %dma_wait3A_1440 = tpu.memref_slice %arg8[%dma_wait3A_1437, %dma_wait3A_1438, %dma_wait3A_1439] : memref<32x50x32xf32, #tpu.memory_space<vmem>> -> memref<1x50x32xf32, #tpu.memory_space<vmem>>
      %dma_wait3A_1441 = tpu.memref_squeeze %dma_wait3A_1440 : memref<1x50x32xf32, #tpu.memory_space<vmem>> -> memref<50x32xf32, #tpu.memory_space<vmem>>
      %dma_wait3A_1442 = arith.constant 0 : i32
      %dma_wait3A_1443 = tpu.memref_slice %arg6[%dma_wait3A_1436, %dma_wait3A_1442] : memref<32x50xi32, #tpu.memory_space<vmem>> -> memref<1x50xi32, #tpu.memory_space<vmem>>
      %dma_wait3A_1444 = tpu.memref_squeeze %dma_wait3A_1443 : memref<1x50xi32, #tpu.memory_space<vmem>> -> memref<50xi32, #tpu.memory_space<vmem>>
      %dma_wait3A_1445 = arith.constant 0 : i32
      %dma_wait3A_1446 = arith.constant 0 : i32
      %dma_wait3A_1447 = tpu.memref_slice %arg3[%dma_wait3A_1445, %dma_wait3A_1446] : memref<1000000x32xf32, #tpu.memory_space<hbm>> -> memref<1000000x32xf32, #tpu.memory_space<hbm>>
      tpu.wait_indirect_dma semaphore(%arg11 : memref<!tpu.dma_semaphore, #tpu.memory_space<semaphore_mem>>) src(%dma_wait3A_1447 : memref<1000000x32xf32, #tpu.memory_space<hbm>>) dst(%dma_wait3A_1441 : memref<50x32xf32, #tpu.memory_space<vmem>>)
      %dma_wait3A_1448 = arith.constant 22 : i32
      %dma_wait3A_1449 = arith.constant 22 : i32
      %dma_wait3A_1450 = arith.constant 0 : i32
      %dma_wait3A_1451 = arith.constant 0 : i32
      %dma_wait3A_1452 = tpu.memref_slice %arg8[%dma_wait3A_1449, %dma_wait3A_1450, %dma_wait3A_1451] : memref<32x50x32xf32, #tpu.memory_space<vmem>> -> memref<1x50x32xf32, #tpu.memory_space<vmem>>
      %dma_wait3A_1453 = tpu.memref_squeeze %dma_wait3A_1452 : memref<1x50x32xf32, #tpu.memory_space<vmem>> -> memref<50x32xf32, #tpu.memory_space<vmem>>
      %dma_wait3A_1454 = arith.constant 0 : i32
      %dma_wait3A_1455 = tpu.memref_slice %arg6[%dma_wait3A_1448, %dma_wait3A_1454] : memref<32x50xi32, #tpu.memory_space<vmem>> -> memref<1x50xi32, #tpu.memory_space<vmem>>
      %dma_wait3A_1456 = tpu.memref_squeeze %dma_wait3A_1455 : memref<1x50xi32, #tpu.memory_space<vmem>> -> memref<50xi32, #tpu.memory_space<vmem>>
      %dma_wait3A_1457 = arith.constant 0 : i32
      %dma_wait3A_1458 = arith.constant 0 : i32
      %dma_wait3A_1459 = tpu.memref_slice %arg3[%dma_wait3A_1457, %dma_wait3A_1458] : memref<1000000x32xf32, #tpu.memory_space<hbm>> -> memref<1000000x32xf32, #tpu.memory_space<hbm>>
      tpu.wait_indirect_dma semaphore(%arg11 : memref<!tpu.dma_semaphore, #tpu.memory_space<semaphore_mem>>) src(%dma_wait3A_1459 : memref<1000000x32xf32, #tpu.memory_space<hbm>>) dst(%dma_wait3A_1453 : memref<50x32xf32, #tpu.memory_space<vmem>>)
      %dma_wait3A_1460 = arith.constant 23 : i32
      %dma_wait3A_1461 = arith.constant 23 : i32
      %dma_wait3A_1462 = arith.constant 0 : i32
      %dma_wait3A_1463 = arith.constant 0 : i32
      %dma_wait3A_1464 = tpu.memref_slice %arg8[%dma_wait3A_1461, %dma_wait3A_1462, %dma_wait3A_1463] : memref<32x50x32xf32, #tpu.memory_space<vmem>> -> memref<1x50x32xf32, #tpu.memory_space<vmem>>
      %dma_wait3A_1465 = tpu.memref_squeeze %dma_wait3A_1464 : memref<1x50x32xf32, #tpu.memory_space<vmem>> -> memref<50x32xf32, #tpu.memory_space<vmem>>
      %dma_wait3A_1466 = arith.constant 0 : i32
      %dma_wait3A_1467 = tpu.memref_slice %arg6[%dma_wait3A_1460, %dma_wait3A_1466] : memref<32x50xi32, #tpu.memory_space<vmem>> -> memref<1x50xi32, #tpu.memory_space<vmem>>
      %dma_wait3A_1468 = tpu.memref_squeeze %dma_wait3A_1467 : memref<1x50xi32, #tpu.memory_space<vmem>> -> memref<50xi32, #tpu.memory_space<vmem>>
      %dma_wait3A_1469 = arith.constant 0 : i32
      %dma_wait3A_1470 = arith.constant 0 : i32
      %dma_wait3A_1471 = tpu.memref_slice %arg3[%dma_wait3A_1469, %dma_wait3A_1470] : memref<1000000x32xf32, #tpu.memory_space<hbm>> -> memref<1000000x32xf32, #tpu.memory_space<hbm>>
      tpu.wait_indirect_dma semaphore(%arg11 : memref<!tpu.dma_semaphore, #tpu.memory_space<semaphore_mem>>) src(%dma_wait3A_1471 : memref<1000000x32xf32, #tpu.memory_space<hbm>>) dst(%dma_wait3A_1465 : memref<50x32xf32, #tpu.memory_space<vmem>>)
      %dma_wait3A_1472 = arith.constant 24 : i32
      %dma_wait3A_1473 = arith.constant 24 : i32
      %dma_wait3A_1474 = arith.constant 0 : i32
      %dma_wait3A_1475 = arith.constant 0 : i32
      %dma_wait3A_1476 = tpu.memref_slice %arg8[%dma_wait3A_1473, %dma_wait3A_1474, %dma_wait3A_1475] : memref<32x50x32xf32, #tpu.memory_space<vmem>> -> memref<1x50x32xf32, #tpu.memory_space<vmem>>
      %dma_wait3A_1477 = tpu.memref_squeeze %dma_wait3A_1476 : memref<1x50x32xf32, #tpu.memory_space<vmem>> -> memref<50x32xf32, #tpu.memory_space<vmem>>
      %dma_wait3A_1478 = arith.constant 0 : i32
      %dma_wait3A_1479 = tpu.memref_slice %arg6[%dma_wait3A_1472, %dma_wait3A_1478] : memref<32x50xi32, #tpu.memory_space<vmem>> -> memref<1x50xi32, #tpu.memory_space<vmem>>
      %dma_wait3A_1480 = tpu.memref_squeeze %dma_wait3A_1479 : memref<1x50xi32, #tpu.memory_space<vmem>> -> memref<50xi32, #tpu.memory_space<vmem>>
      %dma_wait3A_1481 = arith.constant 0 : i32
      %dma_wait3A_1482 = arith.constant 0 : i32
      %dma_wait3A_1483 = tpu.memref_slice %arg3[%dma_wait3A_1481, %dma_wait3A_1482] : memref<1000000x32xf32, #tpu.memory_space<hbm>> -> memref<1000000x32xf32, #tpu.memory_space<hbm>>
      tpu.wait_indirect_dma semaphore(%arg11 : memref<!tpu.dma_semaphore, #tpu.memory_space<semaphore_mem>>) src(%dma_wait3A_1483 : memref<1000000x32xf32, #tpu.memory_space<hbm>>) dst(%dma_wait3A_1477 : memref<50x32xf32, #tpu.memory_space<vmem>>)
      %dma_wait3A_1484 = arith.constant 25 : i32
      %dma_wait3A_1485 = arith.constant 25 : i32
      %dma_wait3A_1486 = arith.constant 0 : i32
      %dma_wait3A_1487 = arith.constant 0 : i32
      %dma_wait3A_1488 = tpu.memref_slice %arg8[%dma_wait3A_1485, %dma_wait3A_1486, %dma_wait3A_1487] : memref<32x50x32xf32, #tpu.memory_space<vmem>> -> memref<1x50x32xf32, #tpu.memory_space<vmem>>
      %dma_wait3A_1489 = tpu.memref_squeeze %dma_wait3A_1488 : memref<1x50x32xf32, #tpu.memory_space<vmem>> -> memref<50x32xf32, #tpu.memory_space<vmem>>
      %dma_wait3A_1490 = arith.constant 0 : i32
      %dma_wait3A_1491 = tpu.memref_slice %arg6[%dma_wait3A_1484, %dma_wait3A_1490] : memref<32x50xi32, #tpu.memory_space<vmem>> -> memref<1x50xi32, #tpu.memory_space<vmem>>
      %dma_wait3A_1492 = tpu.memref_squeeze %dma_wait3A_1491 : memref<1x50xi32, #tpu.memory_space<vmem>> -> memref<50xi32, #tpu.memory_space<vmem>>
      %dma_wait3A_1493 = arith.constant 0 : i32
      %dma_wait3A_1494 = arith.constant 0 : i32
      %dma_wait3A_1495 = tpu.memref_slice %arg3[%dma_wait3A_1493, %dma_wait3A_1494] : memref<1000000x32xf32, #tpu.memory_space<hbm>> -> memref<1000000x32xf32, #tpu.memory_space<hbm>>
      tpu.wait_indirect_dma semaphore(%arg11 : memref<!tpu.dma_semaphore, #tpu.memory_space<semaphore_mem>>) src(%dma_wait3A_1495 : memref<1000000x32xf32, #tpu.memory_space<hbm>>) dst(%dma_wait3A_1489 : memref<50x32xf32, #tpu.memory_space<vmem>>)
      %dma_wait3A_1496 = arith.constant 26 : i32
      %dma_wait3A_1497 = arith.constant 26 : i32
      %dma_wait3A_1498 = arith.constant 0 : i32
      %dma_wait3A_1499 = arith.constant 0 : i32
      %dma_wait3A_1500 = tpu.memref_slice %arg8[%dma_wait3A_1497, %dma_wait3A_1498, %dma_wait3A_1499] : memref<32x50x32xf32, #tpu.memory_space<vmem>> -> memref<1x50x32xf32, #tpu.memory_space<vmem>>
      %dma_wait3A_1501 = tpu.memref_squeeze %dma_wait3A_1500 : memref<1x50x32xf32, #tpu.memory_space<vmem>> -> memref<50x32xf32, #tpu.memory_space<vmem>>
      %dma_wait3A_1502 = arith.constant 0 : i32
      %dma_wait3A_1503 = tpu.memref_slice %arg6[%dma_wait3A_1496, %dma_wait3A_1502] : memref<32x50xi32, #tpu.memory_space<vmem>> -> memref<1x50xi32, #tpu.memory_space<vmem>>
      %dma_wait3A_1504 = tpu.memref_squeeze %dma_wait3A_1503 : memref<1x50xi32, #tpu.memory_space<vmem>> -> memref<50xi32, #tpu.memory_space<vmem>>
      %dma_wait3A_1505 = arith.constant 0 : i32
      %dma_wait3A_1506 = arith.constant 0 : i32
      %dma_wait3A_1507 = tpu.memref_slice %arg3[%dma_wait3A_1505, %dma_wait3A_1506] : memref<1000000x32xf32, #tpu.memory_space<hbm>> -> memref<1000000x32xf32, #tpu.memory_space<hbm>>
      tpu.wait_indirect_dma semaphore(%arg11 : memref<!tpu.dma_semaphore, #tpu.memory_space<semaphore_mem>>) src(%dma_wait3A_1507 : memref<1000000x32xf32, #tpu.memory_space<hbm>>) dst(%dma_wait3A_1501 : memref<50x32xf32, #tpu.memory_space<vmem>>)
      %dma_wait3A_1508 = arith.constant 27 : i32
      %dma_wait3A_1509 = arith.constant 27 : i32
      %dma_wait3A_1510 = arith.constant 0 : i32
      %dma_wait3A_1511 = arith.constant 0 : i32
      %dma_wait3A_1512 = tpu.memref_slice %arg8[%dma_wait3A_1509, %dma_wait3A_1510, %dma_wait3A_1511] : memref<32x50x32xf32, #tpu.memory_space<vmem>> -> memref<1x50x32xf32, #tpu.memory_space<vmem>>
      %dma_wait3A_1513 = tpu.memref_squeeze %dma_wait3A_1512 : memref<1x50x32xf32, #tpu.memory_space<vmem>> -> memref<50x32xf32, #tpu.memory_space<vmem>>
      %dma_wait3A_1514 = arith.constant 0 : i32
      %dma_wait3A_1515 = tpu.memref_slice %arg6[%dma_wait3A_1508, %dma_wait3A_1514] : memref<32x50xi32, #tpu.memory_space<vmem>> -> memref<1x50xi32, #tpu.memory_space<vmem>>
      %dma_wait3A_1516 = tpu.memref_squeeze %dma_wait3A_1515 : memref<1x50xi32, #tpu.memory_space<vmem>> -> memref<50xi32, #tpu.memory_space<vmem>>
      %dma_wait3A_1517 = arith.constant 0 : i32
      %dma_wait3A_1518 = arith.constant 0 : i32
      %dma_wait3A_1519 = tpu.memref_slice %arg3[%dma_wait3A_1517, %dma_wait3A_1518] : memref<1000000x32xf32, #tpu.memory_space<hbm>> -> memref<1000000x32xf32, #tpu.memory_space<hbm>>
      tpu.wait_indirect_dma semaphore(%arg11 : memref<!tpu.dma_semaphore, #tpu.memory_space<semaphore_mem>>) src(%dma_wait3A_1519 : memref<1000000x32xf32, #tpu.memory_space<hbm>>) dst(%dma_wait3A_1513 : memref<50x32xf32, #tpu.memory_space<vmem>>)
      %dma_wait3A_1520 = arith.constant 28 : i32
      %dma_wait3A_1521 = arith.constant 28 : i32
      %dma_wait3A_1522 = arith.constant 0 : i32
      %dma_wait3A_1523 = arith.constant 0 : i32
      %dma_wait3A_1524 = tpu.memref_slice %arg8[%dma_wait3A_1521, %dma_wait3A_1522, %dma_wait3A_1523] : memref<32x50x32xf32, #tpu.memory_space<vmem>> -> memref<1x50x32xf32, #tpu.memory_space<vmem>>
      %dma_wait3A_1525 = tpu.memref_squeeze %dma_wait3A_1524 : memref<1x50x32xf32, #tpu.memory_space<vmem>> -> memref<50x32xf32, #tpu.memory_space<vmem>>
      %dma_wait3A_1526 = arith.constant 0 : i32
      %dma_wait3A_1527 = tpu.memref_slice %arg6[%dma_wait3A_1520, %dma_wait3A_1526] : memref<32x50xi32, #tpu.memory_space<vmem>> -> memref<1x50xi32, #tpu.memory_space<vmem>>
      %dma_wait3A_1528 = tpu.memref_squeeze %dma_wait3A_1527 : memref<1x50xi32, #tpu.memory_space<vmem>> -> memref<50xi32, #tpu.memory_space<vmem>>
      %dma_wait3A_1529 = arith.constant 0 : i32
      %dma_wait3A_1530 = arith.constant 0 : i32
      %dma_wait3A_1531 = tpu.memref_slice %arg3[%dma_wait3A_1529, %dma_wait3A_1530] : memref<1000000x32xf32, #tpu.memory_space<hbm>> -> memref<1000000x32xf32, #tpu.memory_space<hbm>>
      tpu.wait_indirect_dma semaphore(%arg11 : memref<!tpu.dma_semaphore, #tpu.memory_space<semaphore_mem>>) src(%dma_wait3A_1531 : memref<1000000x32xf32, #tpu.memory_space<hbm>>) dst(%dma_wait3A_1525 : memref<50x32xf32, #tpu.memory_space<vmem>>)
      %dma_wait3A_1532 = arith.constant 29 : i32
      %dma_wait3A_1533 = arith.constant 29 : i32
      %dma_wait3A_1534 = arith.constant 0 : i32
      %dma_wait3A_1535 = arith.constant 0 : i32
      %dma_wait3A_1536 = tpu.memref_slice %arg8[%dma_wait3A_1533, %dma_wait3A_1534, %dma_wait3A_1535] : memref<32x50x32xf32, #tpu.memory_space<vmem>> -> memref<1x50x32xf32, #tpu.memory_space<vmem>>
      %dma_wait3A_1537 = tpu.memref_squeeze %dma_wait3A_1536 : memref<1x50x32xf32, #tpu.memory_space<vmem>> -> memref<50x32xf32, #tpu.memory_space<vmem>>
      %dma_wait3A_1538 = arith.constant 0 : i32
      %dma_wait3A_1539 = tpu.memref_slice %arg6[%dma_wait3A_1532, %dma_wait3A_1538] : memref<32x50xi32, #tpu.memory_space<vmem>> -> memref<1x50xi32, #tpu.memory_space<vmem>>
      %dma_wait3A_1540 = tpu.memref_squeeze %dma_wait3A_1539 : memref<1x50xi32, #tpu.memory_space<vmem>> -> memref<50xi32, #tpu.memory_space<vmem>>
      %dma_wait3A_1541 = arith.constant 0 : i32
      %dma_wait3A_1542 = arith.constant 0 : i32
      %dma_wait3A_1543 = tpu.memref_slice %arg3[%dma_wait3A_1541, %dma_wait3A_1542] : memref<1000000x32xf32, #tpu.memory_space<hbm>> -> memref<1000000x32xf32, #tpu.memory_space<hbm>>
      tpu.wait_indirect_dma semaphore(%arg11 : memref<!tpu.dma_semaphore, #tpu.memory_space<semaphore_mem>>) src(%dma_wait3A_1543 : memref<1000000x32xf32, #tpu.memory_space<hbm>>) dst(%dma_wait3A_1537 : memref<50x32xf32, #tpu.memory_space<vmem>>)
      %dma_wait3A_1544 = arith.constant 30 : i32
      %dma_wait3A_1545 = arith.constant 30 : i32
      %dma_wait3A_1546 = arith.constant 0 : i32
      %dma_wait3A_1547 = arith.constant 0 : i32
      %dma_wait3A_1548 = tpu.memref_slice %arg8[%dma_wait3A_1545, %dma_wait3A_1546, %dma_wait3A_1547] : memref<32x50x32xf32, #tpu.memory_space<vmem>> -> memref<1x50x32xf32, #tpu.memory_space<vmem>>
      %dma_wait3A_1549 = tpu.memref_squeeze %dma_wait3A_1548 : memref<1x50x32xf32, #tpu.memory_space<vmem>> -> memref<50x32xf32, #tpu.memory_space<vmem>>
      %dma_wait3A_1550 = arith.constant 0 : i32
      %dma_wait3A_1551 = tpu.memref_slice %arg6[%dma_wait3A_1544, %dma_wait3A_1550] : memref<32x50xi32, #tpu.memory_space<vmem>> -> memref<1x50xi32, #tpu.memory_space<vmem>>
      %dma_wait3A_1552 = tpu.memref_squeeze %dma_wait3A_1551 : memref<1x50xi32, #tpu.memory_space<vmem>> -> memref<50xi32, #tpu.memory_space<vmem>>
      %dma_wait3A_1553 = arith.constant 0 : i32
      %dma_wait3A_1554 = arith.constant 0 : i32
      %dma_wait3A_1555 = tpu.memref_slice %arg3[%dma_wait3A_1553, %dma_wait3A_1554] : memref<1000000x32xf32, #tpu.memory_space<hbm>> -> memref<1000000x32xf32, #tpu.memory_space<hbm>>
      tpu.wait_indirect_dma semaphore(%arg11 : memref<!tpu.dma_semaphore, #tpu.memory_space<semaphore_mem>>) src(%dma_wait3A_1555 : memref<1000000x32xf32, #tpu.memory_space<hbm>>) dst(%dma_wait3A_1549 : memref<50x32xf32, #tpu.memory_space<vmem>>)
      %dma_wait3A_1556 = arith.constant 31 : i32
      %dma_wait3A_1557 = arith.constant 31 : i32
      %dma_wait3A_1558 = arith.constant 0 : i32
      %dma_wait3A_1559 = arith.constant 0 : i32
      %dma_wait3A_1560 = tpu.memref_slice %arg8[%dma_wait3A_1557, %dma_wait3A_1558, %dma_wait3A_1559] : memref<32x50x32xf32, #tpu.memory_space<vmem>> -> memref<1x50x32xf32, #tpu.memory_space<vmem>>
      %dma_wait3A_1561 = tpu.memref_squeeze %dma_wait3A_1560 : memref<1x50x32xf32, #tpu.memory_space<vmem>> -> memref<50x32xf32, #tpu.memory_space<vmem>>
      %dma_wait3A_1562 = arith.constant 0 : i32
      %dma_wait3A_1563 = tpu.memref_slice %arg6[%dma_wait3A_1556, %dma_wait3A_1562] : memref<32x50xi32, #tpu.memory_space<vmem>> -> memref<1x50xi32, #tpu.memory_space<vmem>>
      %dma_wait3A_1564 = tpu.memref_squeeze %dma_wait3A_1563 : memref<1x50xi32, #tpu.memory_space<vmem>> -> memref<50xi32, #tpu.memory_space<vmem>>
      %dma_wait3A_1565 = arith.constant 0 : i32
      %dma_wait3A_1566 = arith.constant 0 : i32
      %dma_wait3A_1567 = tpu.memref_slice %arg3[%dma_wait3A_1565, %dma_wait3A_1566] : memref<1000000x32xf32, #tpu.memory_space<hbm>> -> memref<1000000x32xf32, #tpu.memory_space<hbm>>
      tpu.wait_indirect_dma semaphore(%arg11 : memref<!tpu.dma_semaphore, #tpu.memory_space<semaphore_mem>>) src(%dma_wait3A_1567 : memref<1000000x32xf32, #tpu.memory_space<hbm>>) dst(%dma_wait3A_1561 : memref<50x32xf32, #tpu.memory_space<vmem>>)
      %mul3A_1568 = arith.constant 32 : i32
      %mul3A_1569 = arith.muli %add3A_1183, %mul3A_1568 : i32
      %add3A_1570 = arith.addi %mul3A_2, %mul3A_1569 : i32
      %scan3A_1571 = arith.constant 0 : i32
      %scan3A_1572 = arith.constant 0 : i32
      %scan3A_1573 = arith.constant 32 : i32
      %scan3A_1574 = arith.addi %scan3A_1572, %scan3A_1573 : i32
      %scan3A_1575 = arith.constant 1 : i32
      scf.for %scan3A_1584 = %scan3A_1572 to %scan3A_1574 step %scan3A_1575  : i32 {
        %get3A = arith.constant 0 : i32
        %get3A_1585 = arith.index_cast %scan3A_1584 : i32 to index
        %get3A_1586 = arith.index_cast %get3A : i32 to index
        %get3A_1587 = arith.constant 0 : index
        %get3A_1588 = tpu.vector_load %arg8[%get3A_1585, %get3A_1586, %get3A_1587] {strides = array<i32>} : memref<32x50x32xf32, #tpu.memory_space<vmem>>, vector<1x1x16xf32>,
        %get3A_1589 = vector.shape_cast %get3A_1588 : vector<1x1x16xf32> to vector<16xf32>
        %get3A_1590 = arith.constant 0 : i32
        %get3A_1591 = arith.index_cast %scan3A_1584 : i32 to index
        %get3A_1592 = arith.index_cast %get3A_1590 : i32 to index
        %get3A_1593 = arith.constant 16 : index
        %get3A_1594 = tpu.vector_load %arg8[%get3A_1591, %get3A_1592, %get3A_1593] {strides = array<i32>} : memref<32x50x32xf32, #tpu.memory_space<vmem>>, vector<1x1x16xf32>,
        %get3A_1595 = vector.shape_cast %get3A_1594 : vector<1x1x16xf32> to vector<16xf32>
        %get3A_1596 = arith.constant 1 : i32
        %get3A_1597 = arith.index_cast %scan3A_1584 : i32 to index
        %get3A_1598 = arith.index_cast %get3A_1596 : i32 to index
        %get3A_1599 = arith.constant 0 : index
        %get3A_1600 = tpu.vector_load %arg8[%get3A_1597, %get3A_1598, %get3A_1599] {strides = array<i32>} : memref<32x50x32xf32, #tpu.memory_space<vmem>>, vector<1x1x16xf32>,
        %get3A_1601 = vector.shape_cast %get3A_1600 : vector<1x1x16xf32> to vector<16xf32>
        %add3A_1602 = arith.addf %get3A_1589, %get3A_1601 : vector<16xf32>
        %get3A_1603 = arith.constant 1 : i32
        %get3A_1604 = arith.index_cast %scan3A_1584 : i32 to index
        %get3A_1605 = arith.index_cast %get3A_1603 : i32 to index
        %get3A_1606 = arith.constant 16 : index
        %get3A_1607 = tpu.vector_load %arg8[%get3A_1604, %get3A_1605, %get3A_1606] {strides = array<i32>} : memref<32x50x32xf32, #tpu.memory_space<vmem>>, vector<1x1x16xf32>,
        %get3A_1608 = vector.shape_cast %get3A_1607 : vector<1x1x16xf32> to vector<16xf32>
        %add3A_1609 = arith.addf %get3A_1595, %get3A_1608 : vector<16xf32>
        %get3A_1610 = arith.constant 2 : i32
        %get3A_1611 = arith.index_cast %scan3A_1584 : i32 to index
        %get3A_1612 = arith.index_cast %get3A_1610 : i32 to index
        %get3A_1613 = arith.constant 0 : index
        %get3A_1614 = tpu.vector_load %arg8[%get3A_1611, %get3A_1612, %get3A_1613] {strides = array<i32>} : memref<32x50x32xf32, #tpu.memory_space<vmem>>, vector<1x1x16xf32>,
        %get3A_1615 = vector.shape_cast %get3A_1614 : vector<1x1x16xf32> to vector<16xf32>
        %add3A_1616 = arith.addf %add3A_1602, %get3A_1615 : vector<16xf32>
        %get3A_1617 = arith.constant 2 : i32
        %get3A_1618 = arith.index_cast %scan3A_1584 : i32 to index
        %get3A_1619 = arith.index_cast %get3A_1617 : i32 to index
        %get3A_1620 = arith.constant 16 : index
        %get3A_1621 = tpu.vector_load %arg8[%get3A_1618, %get3A_1619, %get3A_1620] {strides = array<i32>} : memref<32x50x32xf32, #tpu.memory_space<vmem>>, vector<1x1x16xf32>,
        %get3A_1622 = vector.shape_cast %get3A_1621 : vector<1x1x16xf32> to vector<16xf32>
        %add3A_1623 = arith.addf %add3A_1609, %get3A_1622 : vector<16xf32>
        %get3A_1624 = arith.constant 3 : i32
        %get3A_1625 = arith.index_cast %scan3A_1584 : i32 to index
        %get3A_1626 = arith.index_cast %get3A_1624 : i32 to index
        %get3A_1627 = arith.constant 0 : index
        %get3A_1628 = tpu.vector_load %arg8[%get3A_1625, %get3A_1626, %get3A_1627] {strides = array<i32>} : memref<32x50x32xf32, #tpu.memory_space<vmem>>, vector<1x1x16xf32>,
        %get3A_1629 = vector.shape_cast %get3A_1628 : vector<1x1x16xf32> to vector<16xf32>
        %add3A_1630 = arith.addf %add3A_1616, %get3A_1629 : vector<16xf32>
        %get3A_1631 = arith.constant 3 : i32
        %get3A_1632 = arith.index_cast %scan3A_1584 : i32 to index
        %get3A_1633 = arith.index_cast %get3A_1631 : i32 to index
        %get3A_1634 = arith.constant 16 : index
        %get3A_1635 = tpu.vector_load %arg8[%get3A_1632, %get3A_1633, %get3A_1634] {strides = array<i32>} : memref<32x50x32xf32, #tpu.memory_space<vmem>>, vector<1x1x16xf32>,
        %get3A_1636 = vector.shape_cast %get3A_1635 : vector<1x1x16xf32> to vector<16xf32>
        %add3A_1637 = arith.addf %add3A_1623, %get3A_1636 : vector<16xf32>
        %get3A_1638 = arith.constant 4 : i32
        %get3A_1639 = arith.index_cast %scan3A_1584 : i32 to index
        %get3A_1640 = arith.index_cast %get3A_1638 : i32 to index
        %get3A_1641 = arith.constant 0 : index
        %get3A_1642 = tpu.vector_load %arg8[%get3A_1639, %get3A_1640, %get3A_1641] {strides = array<i32>} : memref<32x50x32xf32, #tpu.memory_space<vmem>>, vector<1x1x16xf32>,
        %get3A_1643 = vector.shape_cast %get3A_1642 : vector<1x1x16xf32> to vector<16xf32>
        %add3A_1644 = arith.addf %add3A_1630, %get3A_1643 : vector<16xf32>
        %get3A_1645 = arith.constant 4 : i32
        %get3A_1646 = arith.index_cast %scan3A_1584 : i32 to index
        %get3A_1647 = arith.index_cast %get3A_1645 : i32 to index
        %get3A_1648 = arith.constant 16 : index
        %get3A_1649 = tpu.vector_load %arg8[%get3A_1646, %get3A_1647, %get3A_1648] {strides = array<i32>} : memref<32x50x32xf32, #tpu.memory_space<vmem>>, vector<1x1x16xf32>,
        %get3A_1650 = vector.shape_cast %get3A_1649 : vector<1x1x16xf32> to vector<16xf32>
        %add3A_1651 = arith.addf %add3A_1637, %get3A_1650 : vector<16xf32>
        %get3A_1652 = arith.constant 5 : i32
        %get3A_1653 = arith.index_cast %scan3A_1584 : i32 to index
        %get3A_1654 = arith.index_cast %get3A_1652 : i32 to index
        %get3A_1655 = arith.constant 0 : index
        %get3A_1656 = tpu.vector_load %arg8[%get3A_1653, %get3A_1654, %get3A_1655] {strides = array<i32>} : memref<32x50x32xf32, #tpu.memory_space<vmem>>, vector<1x1x16xf32>,
        %get3A_1657 = vector.shape_cast %get3A_1656 : vector<1x1x16xf32> to vector<16xf32>
        %add3A_1658 = arith.addf %add3A_1644, %get3A_1657 : vector<16xf32>
        %get3A_1659 = arith.constant 5 : i32
        %get3A_1660 = arith.index_cast %scan3A_1584 : i32 to index
        %get3A_1661 = arith.index_cast %get3A_1659 : i32 to index
        %get3A_1662 = arith.constant 16 : index
        %get3A_1663 = tpu.vector_load %arg8[%get3A_1660, %get3A_1661, %get3A_1662] {strides = array<i32>} : memref<32x50x32xf32, #tpu.memory_space<vmem>>, vector<1x1x16xf32>,
        %get3A_1664 = vector.shape_cast %get3A_1663 : vector<1x1x16xf32> to vector<16xf32>
        %add3A_1665 = arith.addf %add3A_1651, %get3A_1664 : vector<16xf32>
        %get3A_1666 = arith.constant 6 : i32
        %get3A_1667 = arith.index_cast %scan3A_1584 : i32 to index
        %get3A_1668 = arith.index_cast %get3A_1666 : i32 to index
        %get3A_1669 = arith.constant 0 : index
        %get3A_1670 = tpu.vector_load %arg8[%get3A_1667, %get3A_1668, %get3A_1669] {strides = array<i32>} : memref<32x50x32xf32, #tpu.memory_space<vmem>>, vector<1x1x16xf32>,
        %get3A_1671 = vector.shape_cast %get3A_1670 : vector<1x1x16xf32> to vector<16xf32>
        %add3A_1672 = arith.addf %add3A_1658, %get3A_1671 : vector<16xf32>
        %get3A_1673 = arith.constant 6 : i32
        %get3A_1674 = arith.index_cast %scan3A_1584 : i32 to index
        %get3A_1675 = arith.index_cast %get3A_1673 : i32 to index
        %get3A_1676 = arith.constant 16 : index
        %get3A_1677 = tpu.vector_load %arg8[%get3A_1674, %get3A_1675, %get3A_1676] {strides = array<i32>} : memref<32x50x32xf32, #tpu.memory_space<vmem>>, vector<1x1x16xf32>,
        %get3A_1678 = vector.shape_cast %get3A_1677 : vector<1x1x16xf32> to vector<16xf32>
        %add3A_1679 = arith.addf %add3A_1665, %get3A_1678 : vector<16xf32>
        %get3A_1680 = arith.constant 7 : i32
        %get3A_1681 = arith.index_cast %scan3A_1584 : i32 to index
        %get3A_1682 = arith.index_cast %get3A_1680 : i32 to index
        %get3A_1683 = arith.constant 0 : index
        %get3A_1684 = tpu.vector_load %arg8[%get3A_1681, %get3A_1682, %get3A_1683] {strides = array<i32>} : memref<32x50x32xf32, #tpu.memory_space<vmem>>, vector<1x1x16xf32>,
        %get3A_1685 = vector.shape_cast %get3A_1684 : vector<1x1x16xf32> to vector<16xf32>
        %add3A_1686 = arith.addf %add3A_1672, %get3A_1685 : vector<16xf32>
        %get3A_1687 = arith.constant 7 : i32
        %get3A_1688 = arith.index_cast %scan3A_1584 : i32 to index
        %get3A_1689 = arith.index_cast %get3A_1687 : i32 to index
        %get3A_1690 = arith.constant 16 : index
        %get3A_1691 = tpu.vector_load %arg8[%get3A_1688, %get3A_1689, %get3A_1690] {strides = array<i32>} : memref<32x50x32xf32, #tpu.memory_space<vmem>>, vector<1x1x16xf32>,
        %get3A_1692 = vector.shape_cast %get3A_1691 : vector<1x1x16xf32> to vector<16xf32>
        %add3A_1693 = arith.addf %add3A_1679, %get3A_1692 : vector<16xf32>
        %get3A_1694 = arith.constant 8 : i32
        %get3A_1695 = arith.index_cast %scan3A_1584 : i32 to index
        %get3A_1696 = arith.index_cast %get3A_1694 : i32 to index
        %get3A_1697 = arith.constant 0 : index
        %get3A_1698 = tpu.vector_load %arg8[%get3A_1695, %get3A_1696, %get3A_1697] {strides = array<i32>} : memref<32x50x32xf32, #tpu.memory_space<vmem>>, vector<1x1x16xf32>,
        %get3A_1699 = vector.shape_cast %get3A_1698 : vector<1x1x16xf32> to vector<16xf32>
        %add3A_1700 = arith.addf %add3A_1686, %get3A_1699 : vector<16xf32>
        %get3A_1701 = arith.constant 8 : i32
        %get3A_1702 = arith.index_cast %scan3A_1584 : i32 to index
        %get3A_1703 = arith.index_cast %get3A_1701 : i32 to index
        %get3A_1704 = arith.constant 16 : index
        %get3A_1705 = tpu.vector_load %arg8[%get3A_1702, %get3A_1703, %get3A_1704] {strides = array<i32>} : memref<32x50x32xf32, #tpu.memory_space<vmem>>, vector<1x1x16xf32>,
        %get3A_1706 = vector.shape_cast %get3A_1705 : vector<1x1x16xf32> to vector<16xf32>
        %add3A_1707 = arith.addf %add3A_1693, %get3A_1706 : vector<16xf32>
        %get3A_1708 = arith.constant 9 : i32
        %get3A_1709 = arith.index_cast %scan3A_1584 : i32 to index
        %get3A_1710 = arith.index_cast %get3A_1708 : i32 to index
        %get3A_1711 = arith.constant 0 : index
        %get3A_1712 = tpu.vector_load %arg8[%get3A_1709, %get3A_1710, %get3A_1711] {strides = array<i32>} : memref<32x50x32xf32, #tpu.memory_space<vmem>>, vector<1x1x16xf32>,
        %get3A_1713 = vector.shape_cast %get3A_1712 : vector<1x1x16xf32> to vector<16xf32>
        %add3A_1714 = arith.addf %add3A_1700, %get3A_1713 : vector<16xf32>
        %get3A_1715 = arith.constant 9 : i32
        %get3A_1716 = arith.index_cast %scan3A_1584 : i32 to index
        %get3A_1717 = arith.index_cast %get3A_1715 : i32 to index
        %get3A_1718 = arith.constant 16 : index
        %get3A_1719 = tpu.vector_load %arg8[%get3A_1716, %get3A_1717, %get3A_1718] {strides = array<i32>} : memref<32x50x32xf32, #tpu.memory_space<vmem>>, vector<1x1x16xf32>,
        %get3A_1720 = vector.shape_cast %get3A_1719 : vector<1x1x16xf32> to vector<16xf32>
        %add3A_1721 = arith.addf %add3A_1707, %get3A_1720 : vector<16xf32>
        %get3A_1722 = arith.constant 10 : i32
        %get3A_1723 = arith.index_cast %scan3A_1584 : i32 to index
        %get3A_1724 = arith.index_cast %get3A_1722 : i32 to index
        %get3A_1725 = arith.constant 0 : index
        %get3A_1726 = tpu.vector_load %arg8[%get3A_1723, %get3A_1724, %get3A_1725] {strides = array<i32>} : memref<32x50x32xf32, #tpu.memory_space<vmem>>, vector<1x1x16xf32>,
        %get3A_1727 = vector.shape_cast %get3A_1726 : vector<1x1x16xf32> to vector<16xf32>
        %add3A_1728 = arith.addf %add3A_1714, %get3A_1727 : vector<16xf32>
        %get3A_1729 = arith.constant 10 : i32
        %get3A_1730 = arith.index_cast %scan3A_1584 : i32 to index
        %get3A_1731 = arith.index_cast %get3A_1729 : i32 to index
        %get3A_1732 = arith.constant 16 : index
        %get3A_1733 = tpu.vector_load %arg8[%get3A_1730, %get3A_1731, %get3A_1732] {strides = array<i32>} : memref<32x50x32xf32, #tpu.memory_space<vmem>>, vector<1x1x16xf32>,
        %get3A_1734 = vector.shape_cast %get3A_1733 : vector<1x1x16xf32> to vector<16xf32>
        %add3A_1735 = arith.addf %add3A_1721, %get3A_1734 : vector<16xf32>
        %get3A_1736 = arith.constant 11 : i32
        %get3A_1737 = arith.index_cast %scan3A_1584 : i32 to index
        %get3A_1738 = arith.index_cast %get3A_1736 : i32 to index
        %get3A_1739 = arith.constant 0 : index
        %get3A_1740 = tpu.vector_load %arg8[%get3A_1737, %get3A_1738, %get3A_1739] {strides = array<i32>} : memref<32x50x32xf32, #tpu.memory_space<vmem>>, vector<1x1x16xf32>,
        %get3A_1741 = vector.shape_cast %get3A_1740 : vector<1x1x16xf32> to vector<16xf32>
        %add3A_1742 = arith.addf %add3A_1728, %get3A_1741 : vector<16xf32>
        %get3A_1743 = arith.constant 11 : i32
        %get3A_1744 = arith.index_cast %scan3A_1584 : i32 to index
        %get3A_1745 = arith.index_cast %get3A_1743 : i32 to index
        %get3A_1746 = arith.constant 16 : index
        %get3A_1747 = tpu.vector_load %arg8[%get3A_1744, %get3A_1745, %get3A_1746] {strides = array<i32>} : memref<32x50x32xf32, #tpu.memory_space<vmem>>, vector<1x1x16xf32>,
        %get3A_1748 = vector.shape_cast %get3A_1747 : vector<1x1x16xf32> to vector<16xf32>
        %add3A_1749 = arith.addf %add3A_1735, %get3A_1748 : vector<16xf32>
        %get3A_1750 = arith.constant 12 : i32
        %get3A_1751 = arith.index_cast %scan3A_1584 : i32 to index
        %get3A_1752 = arith.index_cast %get3A_1750 : i32 to index
        %get3A_1753 = arith.constant 0 : index
        %get3A_1754 = tpu.vector_load %arg8[%get3A_1751, %get3A_1752, %get3A_1753] {strides = array<i32>} : memref<32x50x32xf32, #tpu.memory_space<vmem>>, vector<1x1x16xf32>,
        %get3A_1755 = vector.shape_cast %get3A_1754 : vector<1x1x16xf32> to vector<16xf32>
        %add3A_1756 = arith.addf %add3A_1742, %get3A_1755 : vector<16xf32>
        %get3A_1757 = arith.constant 12 : i32
        %get3A_1758 = arith.index_cast %scan3A_1584 : i32 to index
        %get3A_1759 = arith.index_cast %get3A_1757 : i32 to index
        %get3A_1760 = arith.constant 16 : index
        %get3A_1761 = tpu.vector_load %arg8[%get3A_1758, %get3A_1759, %get3A_1760] {strides = array<i32>} : memref<32x50x32xf32, #tpu.memory_space<vmem>>, vector<1x1x16xf32>,
        %get3A_1762 = vector.shape_cast %get3A_1761 : vector<1x1x16xf32> to vector<16xf32>
        %add3A_1763 = arith.addf %add3A_1749, %get3A_1762 : vector<16xf32>
        %get3A_1764 = arith.constant 13 : i32
        %get3A_1765 = arith.index_cast %scan3A_1584 : i32 to index
        %get3A_1766 = arith.index_cast %get3A_1764 : i32 to index
        %get3A_1767 = arith.constant 0 : index
        %get3A_1768 = tpu.vector_load %arg8[%get3A_1765, %get3A_1766, %get3A_1767] {strides = array<i32>} : memref<32x50x32xf32, #tpu.memory_space<vmem>>, vector<1x1x16xf32>,
        %get3A_1769 = vector.shape_cast %get3A_1768 : vector<1x1x16xf32> to vector<16xf32>
        %add3A_1770 = arith.addf %add3A_1756, %get3A_1769 : vector<16xf32>
        %get3A_1771 = arith.constant 13 : i32
        %get3A_1772 = arith.index_cast %scan3A_1584 : i32 to index
        %get3A_1773 = arith.index_cast %get3A_1771 : i32 to index
        %get3A_1774 = arith.constant 16 : index
        %get3A_1775 = tpu.vector_load %arg8[%get3A_1772, %get3A_1773, %get3A_1774] {strides = array<i32>} : memref<32x50x32xf32, #tpu.memory_space<vmem>>, vector<1x1x16xf32>,
        %get3A_1776 = vector.shape_cast %get3A_1775 : vector<1x1x16xf32> to vector<16xf32>
        %add3A_1777 = arith.addf %add3A_1763, %get3A_1776 : vector<16xf32>
        %get3A_1778 = arith.constant 14 : i32
        %get3A_1779 = arith.index_cast %scan3A_1584 : i32 to index
        %get3A_1780 = arith.index_cast %get3A_1778 : i32 to index
        %get3A_1781 = arith.constant 0 : index
        %get3A_1782 = tpu.vector_load %arg8[%get3A_1779, %get3A_1780, %get3A_1781] {strides = array<i32>} : memref<32x50x32xf32, #tpu.memory_space<vmem>>, vector<1x1x16xf32>,
        %get3A_1783 = vector.shape_cast %get3A_1782 : vector<1x1x16xf32> to vector<16xf32>
        %add3A_1784 = arith.addf %add3A_1770, %get3A_1783 : vector<16xf32>
        %get3A_1785 = arith.constant 14 : i32
        %get3A_1786 = arith.index_cast %scan3A_1584 : i32 to index
        %get3A_1787 = arith.index_cast %get3A_1785 : i32 to index
        %get3A_1788 = arith.constant 16 : index
        %get3A_1789 = tpu.vector_load %arg8[%get3A_1786, %get3A_1787, %get3A_1788] {strides = array<i32>} : memref<32x50x32xf32, #tpu.memory_space<vmem>>, vector<1x1x16xf32>,
        %get3A_1790 = vector.shape_cast %get3A_1789 : vector<1x1x16xf32> to vector<16xf32>
        %add3A_1791 = arith.addf %add3A_1777, %get3A_1790 : vector<16xf32>
        %get3A_1792 = arith.constant 15 : i32
        %get3A_1793 = arith.index_cast %scan3A_1584 : i32 to index
        %get3A_1794 = arith.index_cast %get3A_1792 : i32 to index
        %get3A_1795 = arith.constant 0 : index
        %get3A_1796 = tpu.vector_load %arg8[%get3A_1793, %get3A_1794, %get3A_1795] {strides = array<i32>} : memref<32x50x32xf32, #tpu.memory_space<vmem>>, vector<1x1x16xf32>,
        %get3A_1797 = vector.shape_cast %get3A_1796 : vector<1x1x16xf32> to vector<16xf32>
        %add3A_1798 = arith.addf %add3A_1784, %get3A_1797 : vector<16xf32>
        %get3A_1799 = arith.constant 15 : i32
        %get3A_1800 = arith.index_cast %scan3A_1584 : i32 to index
        %get3A_1801 = arith.index_cast %get3A_1799 : i32 to index
        %get3A_1802 = arith.constant 16 : index
        %get3A_1803 = tpu.vector_load %arg8[%get3A_1800, %get3A_1801, %get3A_1802] {strides = array<i32>} : memref<32x50x32xf32, #tpu.memory_space<vmem>>, vector<1x1x16xf32>,
        %get3A_1804 = vector.shape_cast %get3A_1803 : vector<1x1x16xf32> to vector<16xf32>
        %add3A_1805 = arith.addf %add3A_1791, %get3A_1804 : vector<16xf32>
        %get3A_1806 = arith.constant 16 : i32
        %get3A_1807 = arith.index_cast %scan3A_1584 : i32 to index
        %get3A_1808 = arith.index_cast %get3A_1806 : i32 to index
        %get3A_1809 = arith.constant 0 : index
        %get3A_1810 = tpu.vector_load %arg8[%get3A_1807, %get3A_1808, %get3A_1809] {strides = array<i32>} : memref<32x50x32xf32, #tpu.memory_space<vmem>>, vector<1x1x16xf32>,
        %get3A_1811 = vector.shape_cast %get3A_1810 : vector<1x1x16xf32> to vector<16xf32>
        %add3A_1812 = arith.addf %add3A_1798, %get3A_1811 : vector<16xf32>
        %get3A_1813 = arith.constant 16 : i32
        %get3A_1814 = arith.index_cast %scan3A_1584 : i32 to index
        %get3A_1815 = arith.index_cast %get3A_1813 : i32 to index
        %get3A_1816 = arith.constant 16 : index
        %get3A_1817 = tpu.vector_load %arg8[%get3A_1814, %get3A_1815, %get3A_1816] {strides = array<i32>} : memref<32x50x32xf32, #tpu.memory_space<vmem>>, vector<1x1x16xf32>,
        %get3A_1818 = vector.shape_cast %get3A_1817 : vector<1x1x16xf32> to vector<16xf32>
        %add3A_1819 = arith.addf %add3A_1805, %get3A_1818 : vector<16xf32>
        %get3A_1820 = arith.constant 17 : i32
        %get3A_1821 = arith.index_cast %scan3A_1584 : i32 to index
        %get3A_1822 = arith.index_cast %get3A_1820 : i32 to index
        %get3A_1823 = arith.constant 0 : index
        %get3A_1824 = tpu.vector_load %arg8[%get3A_1821, %get3A_1822, %get3A_1823] {strides = array<i32>} : memref<32x50x32xf32, #tpu.memory_space<vmem>>, vector<1x1x16xf32>,
        %get3A_1825 = vector.shape_cast %get3A_1824 : vector<1x1x16xf32> to vector<16xf32>
        %add3A_1826 = arith.addf %add3A_1812, %get3A_1825 : vector<16xf32>
        %get3A_1827 = arith.constant 17 : i32
        %get3A_1828 = arith.index_cast %scan3A_1584 : i32 to index
        %get3A_1829 = arith.index_cast %get3A_1827 : i32 to index
        %get3A_1830 = arith.constant 16 : index
        %get3A_1831 = tpu.vector_load %arg8[%get3A_1828, %get3A_1829, %get3A_1830] {strides = array<i32>} : memref<32x50x32xf32, #tpu.memory_space<vmem>>, vector<1x1x16xf32>,
        %get3A_1832 = vector.shape_cast %get3A_1831 : vector<1x1x16xf32> to vector<16xf32>
        %add3A_1833 = arith.addf %add3A_1819, %get3A_1832 : vector<16xf32>
        %get3A_1834 = arith.constant 18 : i32
        %get3A_1835 = arith.index_cast %scan3A_1584 : i32 to index
        %get3A_1836 = arith.index_cast %get3A_1834 : i32 to index
        %get3A_1837 = arith.constant 0 : index
        %get3A_1838 = tpu.vector_load %arg8[%get3A_1835, %get3A_1836, %get3A_1837] {strides = array<i32>} : memref<32x50x32xf32, #tpu.memory_space<vmem>>, vector<1x1x16xf32>,
        %get3A_1839 = vector.shape_cast %get3A_1838 : vector<1x1x16xf32> to vector<16xf32>
        %add3A_1840 = arith.addf %add3A_1826, %get3A_1839 : vector<16xf32>
        %get3A_1841 = arith.constant 18 : i32
        %get3A_1842 = arith.index_cast %scan3A_1584 : i32 to index
        %get3A_1843 = arith.index_cast %get3A_1841 : i32 to index
        %get3A_1844 = arith.constant 16 : index
        %get3A_1845 = tpu.vector_load %arg8[%get3A_1842, %get3A_1843, %get3A_1844] {strides = array<i32>} : memref<32x50x32xf32, #tpu.memory_space<vmem>>, vector<1x1x16xf32>,
        %get3A_1846 = vector.shape_cast %get3A_1845 : vector<1x1x16xf32> to vector<16xf32>
        %add3A_1847 = arith.addf %add3A_1833, %get3A_1846 : vector<16xf32>
        %get3A_1848 = arith.constant 19 : i32
        %get3A_1849 = arith.index_cast %scan3A_1584 : i32 to index
        %get3A_1850 = arith.index_cast %get3A_1848 : i32 to index
        %get3A_1851 = arith.constant 0 : index
        %get3A_1852 = tpu.vector_load %arg8[%get3A_1849, %get3A_1850, %get3A_1851] {strides = array<i32>} : memref<32x50x32xf32, #tpu.memory_space<vmem>>, vector<1x1x16xf32>,
        %get3A_1853 = vector.shape_cast %get3A_1852 : vector<1x1x16xf32> to vector<16xf32>
        %add3A_1854 = arith.addf %add3A_1840, %get3A_1853 : vector<16xf32>
        %get3A_1855 = arith.constant 19 : i32
        %get3A_1856 = arith.index_cast %scan3A_1584 : i32 to index
        %get3A_1857 = arith.index_cast %get3A_1855 : i32 to index
        %get3A_1858 = arith.constant 16 : index
        %get3A_1859 = tpu.vector_load %arg8[%get3A_1856, %get3A_1857, %get3A_1858] {strides = array<i32>} : memref<32x50x32xf32, #tpu.memory_space<vmem>>, vector<1x1x16xf32>,
        %get3A_1860 = vector.shape_cast %get3A_1859 : vector<1x1x16xf32> to vector<16xf32>
        %add3A_1861 = arith.addf %add3A_1847, %get3A_1860 : vector<16xf32>
        %get3A_1862 = arith.constant 20 : i32
        %get3A_1863 = arith.index_cast %scan3A_1584 : i32 to index
        %get3A_1864 = arith.index_cast %get3A_1862 : i32 to index
        %get3A_1865 = arith.constant 0 : index
        %get3A_1866 = tpu.vector_load %arg8[%get3A_1863, %get3A_1864, %get3A_1865] {strides = array<i32>} : memref<32x50x32xf32, #tpu.memory_space<vmem>>, vector<1x1x16xf32>,
        %get3A_1867 = vector.shape_cast %get3A_1866 : vector<1x1x16xf32> to vector<16xf32>
        %add3A_1868 = arith.addf %add3A_1854, %get3A_1867 : vector<16xf32>
        %get3A_1869 = arith.constant 20 : i32
        %get3A_1870 = arith.index_cast %scan3A_1584 : i32 to index
        %get3A_1871 = arith.index_cast %get3A_1869 : i32 to index
        %get3A_1872 = arith.constant 16 : index
        %get3A_1873 = tpu.vector_load %arg8[%get3A_1870, %get3A_1871, %get3A_1872] {strides = array<i32>} : memref<32x50x32xf32, #tpu.memory_space<vmem>>, vector<1x1x16xf32>,
        %get3A_1874 = vector.shape_cast %get3A_1873 : vector<1x1x16xf32> to vector<16xf32>
        %add3A_1875 = arith.addf %add3A_1861, %get3A_1874 : vector<16xf32>
        %get3A_1876 = arith.constant 21 : i32
        %get3A_1877 = arith.index_cast %scan3A_1584 : i32 to index
        %get3A_1878 = arith.index_cast %get3A_1876 : i32 to index
        %get3A_1879 = arith.constant 0 : index
        %get3A_1880 = tpu.vector_load %arg8[%get3A_1877, %get3A_1878, %get3A_1879] {strides = array<i32>} : memref<32x50x32xf32, #tpu.memory_space<vmem>>, vector<1x1x16xf32>,
        %get3A_1881 = vector.shape_cast %get3A_1880 : vector<1x1x16xf32> to vector<16xf32>
        %add3A_1882 = arith.addf %add3A_1868, %get3A_1881 : vector<16xf32>
        %get3A_1883 = arith.constant 21 : i32
        %get3A_1884 = arith.index_cast %scan3A_1584 : i32 to index
        %get3A_1885 = arith.index_cast %get3A_1883 : i32 to index
        %get3A_1886 = arith.constant 16 : index
        %get3A_1887 = tpu.vector_load %arg8[%get3A_1884, %get3A_1885, %get3A_1886] {strides = array<i32>} : memref<32x50x32xf32, #tpu.memory_space<vmem>>, vector<1x1x16xf32>,
        %get3A_1888 = vector.shape_cast %get3A_1887 : vector<1x1x16xf32> to vector<16xf32>
        %add3A_1889 = arith.addf %add3A_1875, %get3A_1888 : vector<16xf32>
        %get3A_1890 = arith.constant 22 : i32
        %get3A_1891 = arith.index_cast %scan3A_1584 : i32 to index
        %get3A_1892 = arith.index_cast %get3A_1890 : i32 to index
        %get3A_1893 = arith.constant 0 : index
        %get3A_1894 = tpu.vector_load %arg8[%get3A_1891, %get3A_1892, %get3A_1893] {strides = array<i32>} : memref<32x50x32xf32, #tpu.memory_space<vmem>>, vector<1x1x16xf32>,
        %get3A_1895 = vector.shape_cast %get3A_1894 : vector<1x1x16xf32> to vector<16xf32>
        %add3A_1896 = arith.addf %add3A_1882, %get3A_1895 : vector<16xf32>
        %get3A_1897 = arith.constant 22 : i32
        %get3A_1898 = arith.index_cast %scan3A_1584 : i32 to index
        %get3A_1899 = arith.index_cast %get3A_1897 : i32 to index
        %get3A_1900 = arith.constant 16 : index
        %get3A_1901 = tpu.vector_load %arg8[%get3A_1898, %get3A_1899, %get3A_1900] {strides = array<i32>} : memref<32x50x32xf32, #tpu.memory_space<vmem>>, vector<1x1x16xf32>,
        %get3A_1902 = vector.shape_cast %get3A_1901 : vector<1x1x16xf32> to vector<16xf32>
        %add3A_1903 = arith.addf %add3A_1889, %get3A_1902 : vector<16xf32>
        %get3A_1904 = arith.constant 23 : i32
        %get3A_1905 = arith.index_cast %scan3A_1584 : i32 to index
        %get3A_1906 = arith.index_cast %get3A_1904 : i32 to index
        %get3A_1907 = arith.constant 0 : index
        %get3A_1908 = tpu.vector_load %arg8[%get3A_1905, %get3A_1906, %get3A_1907] {strides = array<i32>} : memref<32x50x32xf32, #tpu.memory_space<vmem>>, vector<1x1x16xf32>,
        %get3A_1909 = vector.shape_cast %get3A_1908 : vector<1x1x16xf32> to vector<16xf32>
        %add3A_1910 = arith.addf %add3A_1896, %get3A_1909 : vector<16xf32>
        %get3A_1911 = arith.constant 23 : i32
        %get3A_1912 = arith.index_cast %scan3A_1584 : i32 to index
        %get3A_1913 = arith.index_cast %get3A_1911 : i32 to index
        %get3A_1914 = arith.constant 16 : index
        %get3A_1915 = tpu.vector_load %arg8[%get3A_1912, %get3A_1913, %get3A_1914] {strides = array<i32>} : memref<32x50x32xf32, #tpu.memory_space<vmem>>, vector<1x1x16xf32>,
        %get3A_1916 = vector.shape_cast %get3A_1915 : vector<1x1x16xf32> to vector<16xf32>
        %add3A_1917 = arith.addf %add3A_1903, %get3A_1916 : vector<16xf32>
        %get3A_1918 = arith.constant 24 : i32
        %get3A_1919 = arith.index_cast %scan3A_1584 : i32 to index
        %get3A_1920 = arith.index_cast %get3A_1918 : i32 to index
        %get3A_1921 = arith.constant 0 : index
        %get3A_1922 = tpu.vector_load %arg8[%get3A_1919, %get3A_1920, %get3A_1921] {strides = array<i32>} : memref<32x50x32xf32, #tpu.memory_space<vmem>>, vector<1x1x16xf32>,
        %get3A_1923 = vector.shape_cast %get3A_1922 : vector<1x1x16xf32> to vector<16xf32>
        %add3A_1924 = arith.addf %add3A_1910, %get3A_1923 : vector<16xf32>
        %get3A_1925 = arith.constant 24 : i32
        %get3A_1926 = arith.index_cast %scan3A_1584 : i32 to index
        %get3A_1927 = arith.index_cast %get3A_1925 : i32 to index
        %get3A_1928 = arith.constant 16 : index
        %get3A_1929 = tpu.vector_load %arg8[%get3A_1926, %get3A_1927, %get3A_1928] {strides = array<i32>} : memref<32x50x32xf32, #tpu.memory_space<vmem>>, vector<1x1x16xf32>,
        %get3A_1930 = vector.shape_cast %get3A_1929 : vector<1x1x16xf32> to vector<16xf32>
        %add3A_1931 = arith.addf %add3A_1917, %get3A_1930 : vector<16xf32>
        %get3A_1932 = arith.constant 25 : i32
        %get3A_1933 = arith.index_cast %scan3A_1584 : i32 to index
        %get3A_1934 = arith.index_cast %get3A_1932 : i32 to index
        %get3A_1935 = arith.constant 0 : index
        %get3A_1936 = tpu.vector_load %arg8[%get3A_1933, %get3A_1934, %get3A_1935] {strides = array<i32>} : memref<32x50x32xf32, #tpu.memory_space<vmem>>, vector<1x1x16xf32>,
        %get3A_1937 = vector.shape_cast %get3A_1936 : vector<1x1x16xf32> to vector<16xf32>
        %add3A_1938 = arith.addf %add3A_1924, %get3A_1937 : vector<16xf32>
        %get3A_1939 = arith.constant 25 : i32
        %get3A_1940 = arith.index_cast %scan3A_1584 : i32 to index
        %get3A_1941 = arith.index_cast %get3A_1939 : i32 to index
        %get3A_1942 = arith.constant 16 : index
        %get3A_1943 = tpu.vector_load %arg8[%get3A_1940, %get3A_1941, %get3A_1942] {strides = array<i32>} : memref<32x50x32xf32, #tpu.memory_space<vmem>>, vector<1x1x16xf32>,
        %get3A_1944 = vector.shape_cast %get3A_1943 : vector<1x1x16xf32> to vector<16xf32>
        %add3A_1945 = arith.addf %add3A_1931, %get3A_1944 : vector<16xf32>
        %get3A_1946 = arith.constant 26 : i32
        %get3A_1947 = arith.index_cast %scan3A_1584 : i32 to index
        %get3A_1948 = arith.index_cast %get3A_1946 : i32 to index
        %get3A_1949 = arith.constant 0 : index
        %get3A_1950 = tpu.vector_load %arg8[%get3A_1947, %get3A_1948, %get3A_1949] {strides = array<i32>} : memref<32x50x32xf32, #tpu.memory_space<vmem>>, vector<1x1x16xf32>,
        %get3A_1951 = vector.shape_cast %get3A_1950 : vector<1x1x16xf32> to vector<16xf32>
        %add3A_1952 = arith.addf %add3A_1938, %get3A_1951 : vector<16xf32>
        %get3A_1953 = arith.constant 26 : i32
        %get3A_1954 = arith.index_cast %scan3A_1584 : i32 to index
        %get3A_1955 = arith.index_cast %get3A_1953 : i32 to index
        %get3A_1956 = arith.constant 16 : index
        %get3A_1957 = tpu.vector_load %arg8[%get3A_1954, %get3A_1955, %get3A_1956] {strides = array<i32>} : memref<32x50x32xf32, #tpu.memory_space<vmem>>, vector<1x1x16xf32>,
        %get3A_1958 = vector.shape_cast %get3A_1957 : vector<1x1x16xf32> to vector<16xf32>
        %add3A_1959 = arith.addf %add3A_1945, %get3A_1958 : vector<16xf32>
        %get3A_1960 = arith.constant 27 : i32
        %get3A_1961 = arith.index_cast %scan3A_1584 : i32 to index
        %get3A_1962 = arith.index_cast %get3A_1960 : i32 to index
        %get3A_1963 = arith.constant 0 : index
        %get3A_1964 = tpu.vector_load %arg8[%get3A_1961, %get3A_1962, %get3A_1963] {strides = array<i32>} : memref<32x50x32xf32, #tpu.memory_space<vmem>>, vector<1x1x16xf32>,
        %get3A_1965 = vector.shape_cast %get3A_1964 : vector<1x1x16xf32> to vector<16xf32>
        %add3A_1966 = arith.addf %add3A_1952, %get3A_1965 : vector<16xf32>
        %get3A_1967 = arith.constant 27 : i32
        %get3A_1968 = arith.index_cast %scan3A_1584 : i32 to index
        %get3A_1969 = arith.index_cast %get3A_1967 : i32 to index
        %get3A_1970 = arith.constant 16 : index
        %get3A_1971 = tpu.vector_load %arg8[%get3A_1968, %get3A_1969, %get3A_1970] {strides = array<i32>} : memref<32x50x32xf32, #tpu.memory_space<vmem>>, vector<1x1x16xf32>,
        %get3A_1972 = vector.shape_cast %get3A_1971 : vector<1x1x16xf32> to vector<16xf32>
        %add3A_1973 = arith.addf %add3A_1959, %get3A_1972 : vector<16xf32>
        %get3A_1974 = arith.constant 28 : i32
        %get3A_1975 = arith.index_cast %scan3A_1584 : i32 to index
        %get3A_1976 = arith.index_cast %get3A_1974 : i32 to index
        %get3A_1977 = arith.constant 0 : index
        %get3A_1978 = tpu.vector_load %arg8[%get3A_1975, %get3A_1976, %get3A_1977] {strides = array<i32>} : memref<32x50x32xf32, #tpu.memory_space<vmem>>, vector<1x1x16xf32>,
        %get3A_1979 = vector.shape_cast %get3A_1978 : vector<1x1x16xf32> to vector<16xf32>
        %add3A_1980 = arith.addf %add3A_1966, %get3A_1979 : vector<16xf32>
        %get3A_1981 = arith.constant 28 : i32
        %get3A_1982 = arith.index_cast %scan3A_1584 : i32 to index
        %get3A_1983 = arith.index_cast %get3A_1981 : i32 to index
        %get3A_1984 = arith.constant 16 : index
        %get3A_1985 = tpu.vector_load %arg8[%get3A_1982, %get3A_1983, %get3A_1984] {strides = array<i32>} : memref<32x50x32xf32, #tpu.memory_space<vmem>>, vector<1x1x16xf32>,
        %get3A_1986 = vector.shape_cast %get3A_1985 : vector<1x1x16xf32> to vector<16xf32>
        %add3A_1987 = arith.addf %add3A_1973, %get3A_1986 : vector<16xf32>
        %get3A_1988 = arith.constant 29 : i32
        %get3A_1989 = arith.index_cast %scan3A_1584 : i32 to index
        %get3A_1990 = arith.index_cast %get3A_1988 : i32 to index
        %get3A_1991 = arith.constant 0 : index
        %get3A_1992 = tpu.vector_load %arg8[%get3A_1989, %get3A_1990, %get3A_1991] {strides = array<i32>} : memref<32x50x32xf32, #tpu.memory_space<vmem>>, vector<1x1x16xf32>,
        %get3A_1993 = vector.shape_cast %get3A_1992 : vector<1x1x16xf32> to vector<16xf32>
        %add3A_1994 = arith.addf %add3A_1980, %get3A_1993 : vector<16xf32>
        %get3A_1995 = arith.constant 29 : i32
        %get3A_1996 = arith.index_cast %scan3A_1584 : i32 to index
        %get3A_1997 = arith.index_cast %get3A_1995 : i32 to index
        %get3A_1998 = arith.constant 16 : index
        %get3A_1999 = tpu.vector_load %arg8[%get3A_1996, %get3A_1997, %get3A_1998] {strides = array<i32>} : memref<32x50x32xf32, #tpu.memory_space<vmem>>, vector<1x1x16xf32>,
        %get3A_2000 = vector.shape_cast %get3A_1999 : vector<1x1x16xf32> to vector<16xf32>
        %add3A_2001 = arith.addf %add3A_1987, %get3A_2000 : vector<16xf32>
        %get3A_2002 = arith.constant 30 : i32
        %get3A_2003 = arith.index_cast %scan3A_1584 : i32 to index
        %get3A_2004 = arith.index_cast %get3A_2002 : i32 to index
        %get3A_2005 = arith.constant 0 : index
        %get3A_2006 = tpu.vector_load %arg8[%get3A_2003, %get3A_2004, %get3A_2005] {strides = array<i32>} : memref<32x50x32xf32, #tpu.memory_space<vmem>>, vector<1x1x16xf32>,
        %get3A_2007 = vector.shape_cast %get3A_2006 : vector<1x1x16xf32> to vector<16xf32>
        %add3A_2008 = arith.addf %add3A_1994, %get3A_2007 : vector<16xf32>
        %get3A_2009 = arith.constant 30 : i32
        %get3A_2010 = arith.index_cast %scan3A_1584 : i32 to index
        %get3A_2011 = arith.index_cast %get3A_2009 : i32 to index
        %get3A_2012 = arith.constant 16 : index
        %get3A_2013 = tpu.vector_load %arg8[%get3A_2010, %get3A_2011, %get3A_2012] {strides = array<i32>} : memref<32x50x32xf32, #tpu.memory_space<vmem>>, vector<1x1x16xf32>,
        %get3A_2014 = vector.shape_cast %get3A_2013 : vector<1x1x16xf32> to vector<16xf32>
        %add3A_2015 = arith.addf %add3A_2001, %get3A_2014 : vector<16xf32>
        %get3A_2016 = arith.constant 31 : i32
        %get3A_2017 = arith.index_cast %scan3A_1584 : i32 to index
        %get3A_2018 = arith.index_cast %get3A_2016 : i32 to index
        %get3A_2019 = arith.constant 0 : index
        %get3A_2020 = tpu.vector_load %arg8[%get3A_2017, %get3A_2018, %get3A_2019] {strides = array<i32>} : memref<32x50x32xf32, #tpu.memory_space<vmem>>, vector<1x1x16xf32>,
        %get3A_2021 = vector.shape_cast %get3A_2020 : vector<1x1x16xf32> to vector<16xf32>
        %add3A_2022 = arith.addf %add3A_2008, %get3A_2021 : vector<16xf32>
        %get3A_2023 = arith.constant 31 : i32
        %get3A_2024 = arith.index_cast %scan3A_1584 : i32 to index
        %get3A_2025 = arith.index_cast %get3A_2023 : i32 to index
        %get3A_2026 = arith.constant 16 : index
        %get3A_2027 = tpu.vector_load %arg8[%get3A_2024, %get3A_2025, %get3A_2026] {strides = array<i32>} : memref<32x50x32xf32, #tpu.memory_space<vmem>>, vector<1x1x16xf32>,
        %get3A_2028 = vector.shape_cast %get3A_2027 : vector<1x1x16xf32> to vector<16xf32>
        %add3A_2029 = arith.addf %add3A_2015, %get3A_2028 : vector<16xf32>
        %get3A_2030 = arith.constant 32 : i32
        %get3A_2031 = arith.index_cast %scan3A_1584 : i32 to index
        %get3A_2032 = arith.index_cast %get3A_2030 : i32 to index
        %get3A_2033 = arith.constant 0 : index
        %get3A_2034 = tpu.vector_load %arg8[%get3A_2031, %get3A_2032, %get3A_2033] {strides = array<i32>} : memref<32x50x32xf32, #tpu.memory_space<vmem>>, vector<1x1x16xf32>,
        %get3A_2035 = vector.shape_cast %get3A_2034 : vector<1x1x16xf32> to vector<16xf32>
        %add3A_2036 = arith.addf %add3A_2022, %get3A_2035 : vector<16xf32>
        %get3A_2037 = arith.constant 32 : i32
        %get3A_2038 = arith.index_cast %scan3A_1584 : i32 to index
        %get3A_2039 = arith.index_cast %get3A_2037 : i32 to index
        %get3A_2040 = arith.constant 16 : index
        %get3A_2041 = tpu.vector_load %arg8[%get3A_2038, %get3A_2039, %get3A_2040] {strides = array<i32>} : memref<32x50x32xf32, #tpu.memory_space<vmem>>, vector<1x1x16xf32>,
        %get3A_2042 = vector.shape_cast %get3A_2041 : vector<1x1x16xf32> to vector<16xf32>
        %add3A_2043 = arith.addf %add3A_2029, %get3A_2042 : vector<16xf32>
        %get3A_2044 = arith.constant 33 : i32
        %get3A_2045 = arith.index_cast %scan3A_1584 : i32 to index
        %get3A_2046 = arith.index_cast %get3A_2044 : i32 to index
        %get3A_2047 = arith.constant 0 : index
        %get3A_2048 = tpu.vector_load %arg8[%get3A_2045, %get3A_2046, %get3A_2047] {strides = array<i32>} : memref<32x50x32xf32, #tpu.memory_space<vmem>>, vector<1x1x16xf32>,
        %get3A_2049 = vector.shape_cast %get3A_2048 : vector<1x1x16xf32> to vector<16xf32>
        %add3A_2050 = arith.addf %add3A_2036, %get3A_2049 : vector<16xf32>
        %get3A_2051 = arith.constant 33 : i32
        %get3A_2052 = arith.index_cast %scan3A_1584 : i32 to index
        %get3A_2053 = arith.index_cast %get3A_2051 : i32 to index
        %get3A_2054 = arith.constant 16 : index
        %get3A_2055 = tpu.vector_load %arg8[%get3A_2052, %get3A_2053, %get3A_2054] {strides = array<i32>} : memref<32x50x32xf32, #tpu.memory_space<vmem>>, vector<1x1x16xf32>,
        %get3A_2056 = vector.shape_cast %get3A_2055 : vector<1x1x16xf32> to vector<16xf32>
        %add3A_2057 = arith.addf %add3A_2043, %get3A_2056 : vector<16xf32>
        %get3A_2058 = arith.constant 34 : i32
        %get3A_2059 = arith.index_cast %scan3A_1584 : i32 to index
        %get3A_2060 = arith.index_cast %get3A_2058 : i32 to index
        %get3A_2061 = arith.constant 0 : index
        %get3A_2062 = tpu.vector_load %arg8[%get3A_2059, %get3A_2060, %get3A_2061] {strides = array<i32>} : memref<32x50x32xf32, #tpu.memory_space<vmem>>, vector<1x1x16xf32>,
        %get3A_2063 = vector.shape_cast %get3A_2062 : vector<1x1x16xf32> to vector<16xf32>
        %add3A_2064 = arith.addf %add3A_2050, %get3A_2063 : vector<16xf32>
        %get3A_2065 = arith.constant 34 : i32
        %get3A_2066 = arith.index_cast %scan3A_1584 : i32 to index
        %get3A_2067 = arith.index_cast %get3A_2065 : i32 to index
        %get3A_2068 = arith.constant 16 : index
        %get3A_2069 = tpu.vector_load %arg8[%get3A_2066, %get3A_2067, %get3A_2068] {strides = array<i32>} : memref<32x50x32xf32, #tpu.memory_space<vmem>>, vector<1x1x16xf32>,
        %get3A_2070 = vector.shape_cast %get3A_2069 : vector<1x1x16xf32> to vector<16xf32>
        %add3A_2071 = arith.addf %add3A_2057, %get3A_2070 : vector<16xf32>
        %get3A_2072 = arith.constant 35 : i32
        %get3A_2073 = arith.index_cast %scan3A_1584 : i32 to index
        %get3A_2074 = arith.index_cast %get3A_2072 : i32 to index
        %get3A_2075 = arith.constant 0 : index
        %get3A_2076 = tpu.vector_load %arg8[%get3A_2073, %get3A_2074, %get3A_2075] {strides = array<i32>} : memref<32x50x32xf32, #tpu.memory_space<vmem>>, vector<1x1x16xf32>,
        %get3A_2077 = vector.shape_cast %get3A_2076 : vector<1x1x16xf32> to vector<16xf32>
        %add3A_2078 = arith.addf %add3A_2064, %get3A_2077 : vector<16xf32>
        %get3A_2079 = arith.constant 35 : i32
        %get3A_2080 = arith.index_cast %scan3A_1584 : i32 to index
        %get3A_2081 = arith.index_cast %get3A_2079 : i32 to index
        %get3A_2082 = arith.constant 16 : index
        %get3A_2083 = tpu.vector_load %arg8[%get3A_2080, %get3A_2081, %get3A_2082] {strides = array<i32>} : memref<32x50x32xf32, #tpu.memory_space<vmem>>, vector<1x1x16xf32>,
        %get3A_2084 = vector.shape_cast %get3A_2083 : vector<1x1x16xf32> to vector<16xf32>
        %add3A_2085 = arith.addf %add3A_2071, %get3A_2084 : vector<16xf32>
        %get3A_2086 = arith.constant 36 : i32
        %get3A_2087 = arith.index_cast %scan3A_1584 : i32 to index
        %get3A_2088 = arith.index_cast %get3A_2086 : i32 to index
        %get3A_2089 = arith.constant 0 : index
        %get3A_2090 = tpu.vector_load %arg8[%get3A_2087, %get3A_2088, %get3A_2089] {strides = array<i32>} : memref<32x50x32xf32, #tpu.memory_space<vmem>>, vector<1x1x16xf32>,
        %get3A_2091 = vector.shape_cast %get3A_2090 : vector<1x1x16xf32> to vector<16xf32>
        %add3A_2092 = arith.addf %add3A_2078, %get3A_2091 : vector<16xf32>
        %get3A_2093 = arith.constant 36 : i32
        %get3A_2094 = arith.index_cast %scan3A_1584 : i32 to index
        %get3A_2095 = arith.index_cast %get3A_2093 : i32 to index
        %get3A_2096 = arith.constant 16 : index
        %get3A_2097 = tpu.vector_load %arg8[%get3A_2094, %get3A_2095, %get3A_2096] {strides = array<i32>} : memref<32x50x32xf32, #tpu.memory_space<vmem>>, vector<1x1x16xf32>,
        %get3A_2098 = vector.shape_cast %get3A_2097 : vector<1x1x16xf32> to vector<16xf32>
        %add3A_2099 = arith.addf %add3A_2085, %get3A_2098 : vector<16xf32>
        %get3A_2100 = arith.constant 37 : i32
        %get3A_2101 = arith.index_cast %scan3A_1584 : i32 to index
        %get3A_2102 = arith.index_cast %get3A_2100 : i32 to index
        %get3A_2103 = arith.constant 0 : index
        %get3A_2104 = tpu.vector_load %arg8[%get3A_2101, %get3A_2102, %get3A_2103] {strides = array<i32>} : memref<32x50x32xf32, #tpu.memory_space<vmem>>, vector<1x1x16xf32>,
        %get3A_2105 = vector.shape_cast %get3A_2104 : vector<1x1x16xf32> to vector<16xf32>
        %add3A_2106 = arith.addf %add3A_2092, %get3A_2105 : vector<16xf32>
        %get3A_2107 = arith.constant 37 : i32
        %get3A_2108 = arith.index_cast %scan3A_1584 : i32 to index
        %get3A_2109 = arith.index_cast %get3A_2107 : i32 to index
        %get3A_2110 = arith.constant 16 : index
        %get3A_2111 = tpu.vector_load %arg8[%get3A_2108, %get3A_2109, %get3A_2110] {strides = array<i32>} : memref<32x50x32xf32, #tpu.memory_space<vmem>>, vector<1x1x16xf32>,
        %get3A_2112 = vector.shape_cast %get3A_2111 : vector<1x1x16xf32> to vector<16xf32>
        %add3A_2113 = arith.addf %add3A_2099, %get3A_2112 : vector<16xf32>
        %get3A_2114 = arith.constant 38 : i32
        %get3A_2115 = arith.index_cast %scan3A_1584 : i32 to index
        %get3A_2116 = arith.index_cast %get3A_2114 : i32 to index
        %get3A_2117 = arith.constant 0 : index
        %get3A_2118 = tpu.vector_load %arg8[%get3A_2115, %get3A_2116, %get3A_2117] {strides = array<i32>} : memref<32x50x32xf32, #tpu.memory_space<vmem>>, vector<1x1x16xf32>,
        %get3A_2119 = vector.shape_cast %get3A_2118 : vector<1x1x16xf32> to vector<16xf32>
        %add3A_2120 = arith.addf %add3A_2106, %get3A_2119 : vector<16xf32>
        %get3A_2121 = arith.constant 38 : i32
        %get3A_2122 = arith.index_cast %scan3A_1584 : i32 to index
        %get3A_2123 = arith.index_cast %get3A_2121 : i32 to index
        %get3A_2124 = arith.constant 16 : index
        %get3A_2125 = tpu.vector_load %arg8[%get3A_2122, %get3A_2123, %get3A_2124] {strides = array<i32>} : memref<32x50x32xf32, #tpu.memory_space<vmem>>, vector<1x1x16xf32>,
        %get3A_2126 = vector.shape_cast %get3A_2125 : vector<1x1x16xf32> to vector<16xf32>
        %add3A_2127 = arith.addf %add3A_2113, %get3A_2126 : vector<16xf32>
        %get3A_2128 = arith.constant 39 : i32
        %get3A_2129 = arith.index_cast %scan3A_1584 : i32 to index
        %get3A_2130 = arith.index_cast %get3A_2128 : i32 to index
        %get3A_2131 = arith.constant 0 : index
        %get3A_2132 = tpu.vector_load %arg8[%get3A_2129, %get3A_2130, %get3A_2131] {strides = array<i32>} : memref<32x50x32xf32, #tpu.memory_space<vmem>>, vector<1x1x16xf32>,
        %get3A_2133 = vector.shape_cast %get3A_2132 : vector<1x1x16xf32> to vector<16xf32>
        %add3A_2134 = arith.addf %add3A_2120, %get3A_2133 : vector<16xf32>
        %get3A_2135 = arith.constant 39 : i32
        %get3A_2136 = arith.index_cast %scan3A_1584 : i32 to index
        %get3A_2137 = arith.index_cast %get3A_2135 : i32 to index
        %get3A_2138 = arith.constant 16 : index
        %get3A_2139 = tpu.vector_load %arg8[%get3A_2136, %get3A_2137, %get3A_2138] {strides = array<i32>} : memref<32x50x32xf32, #tpu.memory_space<vmem>>, vector<1x1x16xf32>,
        %get3A_2140 = vector.shape_cast %get3A_2139 : vector<1x1x16xf32> to vector<16xf32>
        %add3A_2141 = arith.addf %add3A_2127, %get3A_2140 : vector<16xf32>
        %get3A_2142 = arith.constant 40 : i32
        %get3A_2143 = arith.index_cast %scan3A_1584 : i32 to index
        %get3A_2144 = arith.index_cast %get3A_2142 : i32 to index
        %get3A_2145 = arith.constant 0 : index
        %get3A_2146 = tpu.vector_load %arg8[%get3A_2143, %get3A_2144, %get3A_2145] {strides = array<i32>} : memref<32x50x32xf32, #tpu.memory_space<vmem>>, vector<1x1x16xf32>,
        %get3A_2147 = vector.shape_cast %get3A_2146 : vector<1x1x16xf32> to vector<16xf32>
        %add3A_2148 = arith.addf %add3A_2134, %get3A_2147 : vector<16xf32>
        %get3A_2149 = arith.constant 40 : i32
        %get3A_2150 = arith.index_cast %scan3A_1584 : i32 to index
        %get3A_2151 = arith.index_cast %get3A_2149 : i32 to index
        %get3A_2152 = arith.constant 16 : index
        %get3A_2153 = tpu.vector_load %arg8[%get3A_2150, %get3A_2151, %get3A_2152] {strides = array<i32>} : memref<32x50x32xf32, #tpu.memory_space<vmem>>, vector<1x1x16xf32>,
        %get3A_2154 = vector.shape_cast %get3A_2153 : vector<1x1x16xf32> to vector<16xf32>
        %add3A_2155 = arith.addf %add3A_2141, %get3A_2154 : vector<16xf32>
        %get3A_2156 = arith.constant 41 : i32
        %get3A_2157 = arith.index_cast %scan3A_1584 : i32 to index
        %get3A_2158 = arith.index_cast %get3A_2156 : i32 to index
        %get3A_2159 = arith.constant 0 : index
        %get3A_2160 = tpu.vector_load %arg8[%get3A_2157, %get3A_2158, %get3A_2159] {strides = array<i32>} : memref<32x50x32xf32, #tpu.memory_space<vmem>>, vector<1x1x16xf32>,
        %get3A_2161 = vector.shape_cast %get3A_2160 : vector<1x1x16xf32> to vector<16xf32>
        %add3A_2162 = arith.addf %add3A_2148, %get3A_2161 : vector<16xf32>
        %get3A_2163 = arith.constant 41 : i32
        %get3A_2164 = arith.index_cast %scan3A_1584 : i32 to index
        %get3A_2165 = arith.index_cast %get3A_2163 : i32 to index
        %get3A_2166 = arith.constant 16 : index
        %get3A_2167 = tpu.vector_load %arg8[%get3A_2164, %get3A_2165, %get3A_2166] {strides = array<i32>} : memref<32x50x32xf32, #tpu.memory_space<vmem>>, vector<1x1x16xf32>,
        %get3A_2168 = vector.shape_cast %get3A_2167 : vector<1x1x16xf32> to vector<16xf32>
        %add3A_2169 = arith.addf %add3A_2155, %get3A_2168 : vector<16xf32>
        %get3A_2170 = arith.constant 42 : i32
        %get3A_2171 = arith.index_cast %scan3A_1584 : i32 to index
        %get3A_2172 = arith.index_cast %get3A_2170 : i32 to index
        %get3A_2173 = arith.constant 0 : index
        %get3A_2174 = tpu.vector_load %arg8[%get3A_2171, %get3A_2172, %get3A_2173] {strides = array<i32>} : memref<32x50x32xf32, #tpu.memory_space<vmem>>, vector<1x1x16xf32>,
        %get3A_2175 = vector.shape_cast %get3A_2174 : vector<1x1x16xf32> to vector<16xf32>
        %add3A_2176 = arith.addf %add3A_2162, %get3A_2175 : vector<16xf32>
        %get3A_2177 = arith.constant 42 : i32
        %get3A_2178 = arith.index_cast %scan3A_1584 : i32 to index
        %get3A_2179 = arith.index_cast %get3A_2177 : i32 to index
        %get3A_2180 = arith.constant 16 : index
        %get3A_2181 = tpu.vector_load %arg8[%get3A_2178, %get3A_2179, %get3A_2180] {strides = array<i32>} : memref<32x50x32xf32, #tpu.memory_space<vmem>>, vector<1x1x16xf32>,
        %get3A_2182 = vector.shape_cast %get3A_2181 : vector<1x1x16xf32> to vector<16xf32>
        %add3A_2183 = arith.addf %add3A_2169, %get3A_2182 : vector<16xf32>
        %get3A_2184 = arith.constant 43 : i32
        %get3A_2185 = arith.index_cast %scan3A_1584 : i32 to index
        %get3A_2186 = arith.index_cast %get3A_2184 : i32 to index
        %get3A_2187 = arith.constant 0 : index
        %get3A_2188 = tpu.vector_load %arg8[%get3A_2185, %get3A_2186, %get3A_2187] {strides = array<i32>} : memref<32x50x32xf32, #tpu.memory_space<vmem>>, vector<1x1x16xf32>,
        %get3A_2189 = vector.shape_cast %get3A_2188 : vector<1x1x16xf32> to vector<16xf32>
        %add3A_2190 = arith.addf %add3A_2176, %get3A_2189 : vector<16xf32>
        %get3A_2191 = arith.constant 43 : i32
        %get3A_2192 = arith.index_cast %scan3A_1584 : i32 to index
        %get3A_2193 = arith.index_cast %get3A_2191 : i32 to index
        %get3A_2194 = arith.constant 16 : index
        %get3A_2195 = tpu.vector_load %arg8[%get3A_2192, %get3A_2193, %get3A_2194] {strides = array<i32>} : memref<32x50x32xf32, #tpu.memory_space<vmem>>, vector<1x1x16xf32>,
        %get3A_2196 = vector.shape_cast %get3A_2195 : vector<1x1x16xf32> to vector<16xf32>
        %add3A_2197 = arith.addf %add3A_2183, %get3A_2196 : vector<16xf32>
        %get3A_2198 = arith.constant 44 : i32
        %get3A_2199 = arith.index_cast %scan3A_1584 : i32 to index
        %get3A_2200 = arith.index_cast %get3A_2198 : i32 to index
        %get3A_2201 = arith.constant 0 : index
        %get3A_2202 = tpu.vector_load %arg8[%get3A_2199, %get3A_2200, %get3A_2201] {strides = array<i32>} : memref<32x50x32xf32, #tpu.memory_space<vmem>>, vector<1x1x16xf32>,
        %get3A_2203 = vector.shape_cast %get3A_2202 : vector<1x1x16xf32> to vector<16xf32>
        %add3A_2204 = arith.addf %add3A_2190, %get3A_2203 : vector<16xf32>
        %get3A_2205 = arith.constant 44 : i32
        %get3A_2206 = arith.index_cast %scan3A_1584 : i32 to index
        %get3A_2207 = arith.index_cast %get3A_2205 : i32 to index
        %get3A_2208 = arith.constant 16 : index
        %get3A_2209 = tpu.vector_load %arg8[%get3A_2206, %get3A_2207, %get3A_2208] {strides = array<i32>} : memref<32x50x32xf32, #tpu.memory_space<vmem>>, vector<1x1x16xf32>,
        %get3A_2210 = vector.shape_cast %get3A_2209 : vector<1x1x16xf32> to vector<16xf32>
        %add3A_2211 = arith.addf %add3A_2197, %get3A_2210 : vector<16xf32>
        %get3A_2212 = arith.constant 45 : i32
        %get3A_2213 = arith.index_cast %scan3A_1584 : i32 to index
        %get3A_2214 = arith.index_cast %get3A_2212 : i32 to index
        %get3A_2215 = arith.constant 0 : index
        %get3A_2216 = tpu.vector_load %arg8[%get3A_2213, %get3A_2214, %get3A_2215] {strides = array<i32>} : memref<32x50x32xf32, #tpu.memory_space<vmem>>, vector<1x1x16xf32>,
        %get3A_2217 = vector.shape_cast %get3A_2216 : vector<1x1x16xf32> to vector<16xf32>
        %add3A_2218 = arith.addf %add3A_2204, %get3A_2217 : vector<16xf32>
        %get3A_2219 = arith.constant 45 : i32
        %get3A_2220 = arith.index_cast %scan3A_1584 : i32 to index
        %get3A_2221 = arith.index_cast %get3A_2219 : i32 to index
        %get3A_2222 = arith.constant 16 : index
        %get3A_2223 = tpu.vector_load %arg8[%get3A_2220, %get3A_2221, %get3A_2222] {strides = array<i32>} : memref<32x50x32xf32, #tpu.memory_space<vmem>>, vector<1x1x16xf32>,
        %get3A_2224 = vector.shape_cast %get3A_2223 : vector<1x1x16xf32> to vector<16xf32>
        %add3A_2225 = arith.addf %add3A_2211, %get3A_2224 : vector<16xf32>
        %get3A_2226 = arith.constant 46 : i32
        %get3A_2227 = arith.index_cast %scan3A_1584 : i32 to index
        %get3A_2228 = arith.index_cast %get3A_2226 : i32 to index
        %get3A_2229 = arith.constant 0 : index
        %get3A_2230 = tpu.vector_load %arg8[%get3A_2227, %get3A_2228, %get3A_2229] {strides = array<i32>} : memref<32x50x32xf32, #tpu.memory_space<vmem>>, vector<1x1x16xf32>,
        %get3A_2231 = vector.shape_cast %get3A_2230 : vector<1x1x16xf32> to vector<16xf32>
        %add3A_2232 = arith.addf %add3A_2218, %get3A_2231 : vector<16xf32>
        %get3A_2233 = arith.constant 46 : i32
        %get3A_2234 = arith.index_cast %scan3A_1584 : i32 to index
        %get3A_2235 = arith.index_cast %get3A_2233 : i32 to index
        %get3A_2236 = arith.constant 16 : index
        %get3A_2237 = tpu.vector_load %arg8[%get3A_2234, %get3A_2235, %get3A_2236] {strides = array<i32>} : memref<32x50x32xf32, #tpu.memory_space<vmem>>, vector<1x1x16xf32>,
        %get3A_2238 = vector.shape_cast %get3A_2237 : vector<1x1x16xf32> to vector<16xf32>
        %add3A_2239 = arith.addf %add3A_2225, %get3A_2238 : vector<16xf32>
        %get3A_2240 = arith.constant 47 : i32
        %get3A_2241 = arith.index_cast %scan3A_1584 : i32 to index
        %get3A_2242 = arith.index_cast %get3A_2240 : i32 to index
        %get3A_2243 = arith.constant 0 : index
        %get3A_2244 = tpu.vector_load %arg8[%get3A_2241, %get3A_2242, %get3A_2243] {strides = array<i32>} : memref<32x50x32xf32, #tpu.memory_space<vmem>>, vector<1x1x16xf32>,
        %get3A_2245 = vector.shape_cast %get3A_2244 : vector<1x1x16xf32> to vector<16xf32>
        %add3A_2246 = arith.addf %add3A_2232, %get3A_2245 : vector<16xf32>
        %get3A_2247 = arith.constant 47 : i32
        %get3A_2248 = arith.index_cast %scan3A_1584 : i32 to index
        %get3A_2249 = arith.index_cast %get3A_2247 : i32 to index
        %get3A_2250 = arith.constant 16 : index
        %get3A_2251 = tpu.vector_load %arg8[%get3A_2248, %get3A_2249, %get3A_2250] {strides = array<i32>} : memref<32x50x32xf32, #tpu.memory_space<vmem>>, vector<1x1x16xf32>,
        %get3A_2252 = vector.shape_cast %get3A_2251 : vector<1x1x16xf32> to vector<16xf32>
        %add3A_2253 = arith.addf %add3A_2239, %get3A_2252 : vector<16xf32>
        %get3A_2254 = arith.constant 48 : i32
        %get3A_2255 = arith.index_cast %scan3A_1584 : i32 to index
        %get3A_2256 = arith.index_cast %get3A_2254 : i32 to index
        %get3A_2257 = arith.constant 0 : index
        %get3A_2258 = tpu.vector_load %arg8[%get3A_2255, %get3A_2256, %get3A_2257] {strides = array<i32>} : memref<32x50x32xf32, #tpu.memory_space<vmem>>, vector<1x1x16xf32>,
        %get3A_2259 = vector.shape_cast %get3A_2258 : vector<1x1x16xf32> to vector<16xf32>
        %add3A_2260 = arith.addf %add3A_2246, %get3A_2259 : vector<16xf32>
        %get3A_2261 = arith.constant 48 : i32
        %get3A_2262 = arith.index_cast %scan3A_1584 : i32 to index
        %get3A_2263 = arith.index_cast %get3A_2261 : i32 to index
        %get3A_2264 = arith.constant 16 : index
        %get3A_2265 = tpu.vector_load %arg8[%get3A_2262, %get3A_2263, %get3A_2264] {strides = array<i32>} : memref<32x50x32xf32, #tpu.memory_space<vmem>>, vector<1x1x16xf32>,
        %get3A_2266 = vector.shape_cast %get3A_2265 : vector<1x1x16xf32> to vector<16xf32>
        %add3A_2267 = arith.addf %add3A_2253, %get3A_2266 : vector<16xf32>
        %get3A_2268 = arith.constant 49 : i32
        %get3A_2269 = arith.index_cast %scan3A_1584 : i32 to index
        %get3A_2270 = arith.index_cast %get3A_2268 : i32 to index
        %get3A_2271 = arith.constant 0 : index
        %get3A_2272 = tpu.vector_load %arg8[%get3A_2269, %get3A_2270, %get3A_2271] {strides = array<i32>} : memref<32x50x32xf32, #tpu.memory_space<vmem>>, vector<1x1x16xf32>,
        %get3A_2273 = vector.shape_cast %get3A_2272 : vector<1x1x16xf32> to vector<16xf32>
        %add3A_2274 = arith.addf %add3A_2260, %get3A_2273 : vector<16xf32>
        %get3A_2275 = arith.constant 49 : i32
        %get3A_2276 = arith.index_cast %scan3A_1584 : i32 to index
        %get3A_2277 = arith.index_cast %get3A_2275 : i32 to index
        %get3A_2278 = arith.constant 16 : index
        %get3A_2279 = tpu.vector_load %arg8[%get3A_2276, %get3A_2277, %get3A_2278] {strides = array<i32>} : memref<32x50x32xf32, #tpu.memory_space<vmem>>, vector<1x1x16xf32>,
        %get3A_2280 = vector.shape_cast %get3A_2279 : vector<1x1x16xf32> to vector<16xf32>
        %add3A_2281 = arith.addf %add3A_2267, %get3A_2280 : vector<16xf32>
        %swap3A = arith.index_cast %scan3A_1584 : i32 to index
        %swap3A_2282 = arith.constant 0 : index
        %swap3A_2283 = tpu.vector_load %arg9[%swap3A, %swap3A_2282] {strides = array<i32>} : memref<32x32xf32, #tpu.memory_space<vmem>>, vector<1x16xf32>,
        %swap3A_2284 = vector.shape_cast %swap3A_2283 : vector<1x16xf32> to vector<16xf32>
        %swap3A_2285 = vector.shape_cast %add3A_2274 : vector<16xf32> to vector<1x16xf32>
        tpu.vector_store %arg9[%swap3A, %swap3A_2282], %swap3A_2285 {strides = array<i32>} : memref<32x32xf32, #tpu.memory_space<vmem>>, vector<1x16xf32>,
        %swap3A_2286 = arith.index_cast %scan3A_1584 : i32 to index
        %swap3A_2287 = arith.constant 16 : index
        %swap3A_2288 = tpu.vector_load %arg9[%swap3A_2286, %swap3A_2287] {strides = array<i32>} : memref<32x32xf32, #tpu.memory_space<vmem>>, vector<1x16xf32>,
        %swap3A_2289 = vector.shape_cast %swap3A_2288 : vector<1x16xf32> to vector<16xf32>
        %swap3A_2290 = vector.shape_cast %add3A_2281 : vector<16xf32> to vector<1x16xf32>
        tpu.vector_store %arg9[%swap3A_2286, %swap3A_2287], %swap3A_2290 {strides = array<i32>} : memref<32x32xf32, #tpu.memory_space<vmem>>, vector<1x16xf32>,
      }
      %scan3A_1576 = arith.constant 32 : i32
      "tpu.region"() ({
        %run_scoped3A = tpu.sem_alloc : memref<!tpu.dma_semaphore, #tpu.memory_space<semaphore_mem>>
        %dma_start3A_1584 = arith.constant 0 : i32
        %dma_start3A_1585 = tpu.memref_slice %arg4[%add3A_1570, %dma_start3A_1584] : memref<16384x32xf32, #tpu.memory_space<hbm>> -> memref<32x32xf32, #tpu.memory_space<hbm>>
        %dma_start3A_1586 = arith.constant 0 : i32
        %dma_start3A_1587 = tpu.memref_slice %arg4[%add3A_1570, %dma_start3A_1586] : memref<16384x32xf32, #tpu.memory_space<hbm>> -> memref<32x32xf32, #tpu.memory_space<hbm>>
        tpu.enqueue_dma source(%arg9 : memref<32x32xf32, #tpu.memory_space<vmem>>) target(%dma_start3A_1587 : memref<32x32xf32, #tpu.memory_space<hbm>>) target_semaphore(%run_scoped3A : memref<!tpu.dma_semaphore, #tpu.memory_space<semaphore_mem>>)
        %dma_wait3A_1588 = arith.constant 0 : i32
        %dma_wait3A_1589 = tpu.memref_slice %arg4[%add3A_1570, %dma_wait3A_1588] : memref<16384x32xf32, #tpu.memory_space<hbm>> -> memref<32x32xf32, #tpu.memory_space<hbm>>
        %dma_wait3A_1590 = arith.constant 0 : i32
        %dma_wait3A_1591 = tpu.memref_slice %arg4[%add3A_1570, %dma_wait3A_1590] : memref<16384x32xf32, #tpu.memory_space<hbm>> -> memref<32x32xf32, #tpu.memory_space<hbm>>
        tpu.wait_dma2 semaphore(%run_scoped3A : memref<!tpu.dma_semaphore, #tpu.memory_space<semaphore_mem>>) src(%arg9 : memref<32x32xf32, #tpu.memory_space<vmem>>) dst(%dma_wait3A_1591 : memref<32x32xf32, #tpu.memory_space<hbm>>)
        tpu.yield
      }) : () -> ()
      %add3A_1577 = arith.constant 2 : i32
      %add3A_1578 = arith.addi %add3A_1183, %add3A_1577 : i32
      %le3A_1579 = arith.constant 15 : i32
      %le3A_1580 = arith.cmpi sle, %add3A_1578, %le3A_1579 : i32
      %convert_element_type3A_1581 = arith.extui %le3A_1580 : i1 to i32
      %cond3A_1582 = arith.constant 0 : i32
      %cond3A_1583 = arith.cmpi ne, %convert_element_type3A_1581, %cond3A_1582 : i32
      scf.if %cond3A_1583 {
        %add3A_1584 = arith.constant 2 : i32
        %add3A_1585 = arith.addi %add3A_1183, %add3A_1584 : i32
        %mul3A_1586 = arith.constant 32 : i32
        %mul3A_1587 = arith.muli %add3A_1585, %mul3A_1586 : i32
        %add3A_1588 = arith.addi %mul3A_2, %mul3A_1587 : i32
        "tpu.region"() ({
          %run_scoped3A = tpu.sem_alloc : memref<!tpu.dma_semaphore, #tpu.memory_space<semaphore_mem>>
          %dma_start3A_1973 = arith.constant 0 : i32
          %dma_start3A_1974 = tpu.memref_slice %arg2[%add3A_1588, %dma_start3A_1973] : memref<16384x50xi32, #tpu.memory_space<hbm>> -> memref<32x50xi32, #tpu.memory_space<hbm>>
          %dma_start3A_1975 = arith.constant 0 : i32
          %dma_start3A_1976 = tpu.memref_slice %arg2[%add3A_1588, %dma_start3A_1975] : memref<16384x50xi32, #tpu.memory_space<hbm>> -> memref<32x50xi32, #tpu.memory_space<hbm>>
          tpu.enqueue_dma source(%dma_start3A_1976 : memref<32x50xi32, #tpu.memory_space<hbm>>) target(%arg6 : memref<32x50xi32, #tpu.memory_space<vmem>>) target_semaphore(%run_scoped3A : memref<!tpu.dma_semaphore, #tpu.memory_space<semaphore_mem>>)
          %dma_wait3A_1977 = arith.constant 0 : i32
          %dma_wait3A_1978 = tpu.memref_slice %arg2[%add3A_1588, %dma_wait3A_1977] : memref<16384x50xi32, #tpu.memory_space<hbm>> -> memref<32x50xi32, #tpu.memory_space<hbm>>
          %dma_wait3A_1979 = arith.constant 0 : i32
          %dma_wait3A_1980 = tpu.memref_slice %arg2[%add3A_1588, %dma_wait3A_1979] : memref<16384x50xi32, #tpu.memory_space<hbm>> -> memref<32x50xi32, #tpu.memory_space<hbm>>
          tpu.wait_dma2 semaphore(%run_scoped3A : memref<!tpu.dma_semaphore, #tpu.memory_space<semaphore_mem>>) src(%dma_wait3A_1980 : memref<32x50xi32, #tpu.memory_space<hbm>>) dst(%arg6 : memref<32x50xi32, #tpu.memory_space<vmem>>)
          tpu.yield
        }) : () -> ()
        %dma_start3A_1589 = arith.constant 0 : i32
        %dma_start3A_1590 = arith.constant 0 : i32
        %dma_start3A_1591 = arith.constant 0 : i32
        %dma_start3A_1592 = arith.constant 0 : i32
        %dma_start3A_1593 = tpu.memref_slice %arg8[%dma_start3A_1590, %dma_start3A_1591, %dma_start3A_1592] : memref<32x50x32xf32, #tpu.memory_space<vmem>> -> memref<1x50x32xf32, #tpu.memory_space<vmem>>
        %dma_start3A_1594 = tpu.memref_squeeze %dma_start3A_1593 : memref<1x50x32xf32, #tpu.memory_space<vmem>> -> memref<50x32xf32, #tpu.memory_space<vmem>>
        %dma_start3A_1595 = arith.constant 0 : i32
        %dma_start3A_1596 = tpu.memref_slice %arg6[%dma_start3A_1589, %dma_start3A_1595] : memref<32x50xi32, #tpu.memory_space<vmem>> -> memref<1x50xi32, #tpu.memory_space<vmem>>
        %dma_start3A_1597 = tpu.memref_squeeze %dma_start3A_1596 : memref<1x50xi32, #tpu.memory_space<vmem>> -> memref<50xi32, #tpu.memory_space<vmem>>
        %dma_start3A_1598 = arith.constant 0 : i32
        %dma_start3A_1599 = arith.constant 0 : i32
        %dma_start3A_1600 = tpu.memref_slice %arg3[%dma_start3A_1598, %dma_start3A_1599] : memref<1000000x32xf32, #tpu.memory_space<hbm>> -> memref<1000000x32xf32, #tpu.memory_space<hbm>>
        tpu.enqueue_indirect_dma source(%dma_start3A_1600 : memref<1000000x32xf32, #tpu.memory_space<hbm>>) target(%dma_start3A_1594 : memref<50x32xf32, #tpu.memory_space<vmem>>) offsets(%dma_start3A_1597 : memref<50xi32, #tpu.memory_space<vmem>>) semaphore(%arg11 : memref<!tpu.dma_semaphore, #tpu.memory_space<semaphore_mem>>)
        %dma_start3A_1601 = arith.constant 1 : i32
        %dma_start3A_1602 = arith.constant 1 : i32
        %dma_start3A_1603 = arith.constant 0 : i32
        %dma_start3A_1604 = arith.constant 0 : i32
        %dma_start3A_1605 = tpu.memref_slice %arg8[%dma_start3A_1602, %dma_start3A_1603, %dma_start3A_1604] : memref<32x50x32xf32, #tpu.memory_space<vmem>> -> memref<1x50x32xf32, #tpu.memory_space<vmem>>
        %dma_start3A_1606 = tpu.memref_squeeze %dma_start3A_1605 : memref<1x50x32xf32, #tpu.memory_space<vmem>> -> memref<50x32xf32, #tpu.memory_space<vmem>>
        %dma_start3A_1607 = arith.constant 0 : i32
        %dma_start3A_1608 = tpu.memref_slice %arg6[%dma_start3A_1601, %dma_start3A_1607] : memref<32x50xi32, #tpu.memory_space<vmem>> -> memref<1x50xi32, #tpu.memory_space<vmem>>
        %dma_start3A_1609 = tpu.memref_squeeze %dma_start3A_1608 : memref<1x50xi32, #tpu.memory_space<vmem>> -> memref<50xi32, #tpu.memory_space<vmem>>
        %dma_start3A_1610 = arith.constant 0 : i32
        %dma_start3A_1611 = arith.constant 0 : i32
        %dma_start3A_1612 = tpu.memref_slice %arg3[%dma_start3A_1610, %dma_start3A_1611] : memref<1000000x32xf32, #tpu.memory_space<hbm>> -> memref<1000000x32xf32, #tpu.memory_space<hbm>>
        tpu.enqueue_indirect_dma source(%dma_start3A_1612 : memref<1000000x32xf32, #tpu.memory_space<hbm>>) target(%dma_start3A_1606 : memref<50x32xf32, #tpu.memory_space<vmem>>) offsets(%dma_start3A_1609 : memref<50xi32, #tpu.memory_space<vmem>>) semaphore(%arg11 : memref<!tpu.dma_semaphore, #tpu.memory_space<semaphore_mem>>)
        %dma_start3A_1613 = arith.constant 2 : i32
        %dma_start3A_1614 = arith.constant 2 : i32
        %dma_start3A_1615 = arith.constant 0 : i32
        %dma_start3A_1616 = arith.constant 0 : i32
        %dma_start3A_1617 = tpu.memref_slice %arg8[%dma_start3A_1614, %dma_start3A_1615, %dma_start3A_1616] : memref<32x50x32xf32, #tpu.memory_space<vmem>> -> memref<1x50x32xf32, #tpu.memory_space<vmem>>
        %dma_start3A_1618 = tpu.memref_squeeze %dma_start3A_1617 : memref<1x50x32xf32, #tpu.memory_space<vmem>> -> memref<50x32xf32, #tpu.memory_space<vmem>>
        %dma_start3A_1619 = arith.constant 0 : i32
        %dma_start3A_1620 = tpu.memref_slice %arg6[%dma_start3A_1613, %dma_start3A_1619] : memref<32x50xi32, #tpu.memory_space<vmem>> -> memref<1x50xi32, #tpu.memory_space<vmem>>
        %dma_start3A_1621 = tpu.memref_squeeze %dma_start3A_1620 : memref<1x50xi32, #tpu.memory_space<vmem>> -> memref<50xi32, #tpu.memory_space<vmem>>
        %dma_start3A_1622 = arith.constant 0 : i32
        %dma_start3A_1623 = arith.constant 0 : i32
        %dma_start3A_1624 = tpu.memref_slice %arg3[%dma_start3A_1622, %dma_start3A_1623] : memref<1000000x32xf32, #tpu.memory_space<hbm>> -> memref<1000000x32xf32, #tpu.memory_space<hbm>>
        tpu.enqueue_indirect_dma source(%dma_start3A_1624 : memref<1000000x32xf32, #tpu.memory_space<hbm>>) target(%dma_start3A_1618 : memref<50x32xf32, #tpu.memory_space<vmem>>) offsets(%dma_start3A_1621 : memref<50xi32, #tpu.memory_space<vmem>>) semaphore(%arg11 : memref<!tpu.dma_semaphore, #tpu.memory_space<semaphore_mem>>)
        %dma_start3A_1625 = arith.constant 3 : i32
        %dma_start3A_1626 = arith.constant 3 : i32
        %dma_start3A_1627 = arith.constant 0 : i32
        %dma_start3A_1628 = arith.constant 0 : i32
        %dma_start3A_1629 = tpu.memref_slice %arg8[%dma_start3A_1626, %dma_start3A_1627, %dma_start3A_1628] : memref<32x50x32xf32, #tpu.memory_space<vmem>> -> memref<1x50x32xf32, #tpu.memory_space<vmem>>
        %dma_start3A_1630 = tpu.memref_squeeze %dma_start3A_1629 : memref<1x50x32xf32, #tpu.memory_space<vmem>> -> memref<50x32xf32, #tpu.memory_space<vmem>>
        %dma_start3A_1631 = arith.constant 0 : i32
        %dma_start3A_1632 = tpu.memref_slice %arg6[%dma_start3A_1625, %dma_start3A_1631] : memref<32x50xi32, #tpu.memory_space<vmem>> -> memref<1x50xi32, #tpu.memory_space<vmem>>
        %dma_start3A_1633 = tpu.memref_squeeze %dma_start3A_1632 : memref<1x50xi32, #tpu.memory_space<vmem>> -> memref<50xi32, #tpu.memory_space<vmem>>
        %dma_start3A_1634 = arith.constant 0 : i32
        %dma_start3A_1635 = arith.constant 0 : i32
        %dma_start3A_1636 = tpu.memref_slice %arg3[%dma_start3A_1634, %dma_start3A_1635] : memref<1000000x32xf32, #tpu.memory_space<hbm>> -> memref<1000000x32xf32, #tpu.memory_space<hbm>>
        tpu.enqueue_indirect_dma source(%dma_start3A_1636 : memref<1000000x32xf32, #tpu.memory_space<hbm>>) target(%dma_start3A_1630 : memref<50x32xf32, #tpu.memory_space<vmem>>) offsets(%dma_start3A_1633 : memref<50xi32, #tpu.memory_space<vmem>>) semaphore(%arg11 : memref<!tpu.dma_semaphore, #tpu.memory_space<semaphore_mem>>)
        %dma_start3A_1637 = arith.constant 4 : i32
        %dma_start3A_1638 = arith.constant 4 : i32
        %dma_start3A_1639 = arith.constant 0 : i32
        %dma_start3A_1640 = arith.constant 0 : i32
        %dma_start3A_1641 = tpu.memref_slice %arg8[%dma_start3A_1638, %dma_start3A_1639, %dma_start3A_1640] : memref<32x50x32xf32, #tpu.memory_space<vmem>> -> memref<1x50x32xf32, #tpu.memory_space<vmem>>
        %dma_start3A_1642 = tpu.memref_squeeze %dma_start3A_1641 : memref<1x50x32xf32, #tpu.memory_space<vmem>> -> memref<50x32xf32, #tpu.memory_space<vmem>>
        %dma_start3A_1643 = arith.constant 0 : i32
        %dma_start3A_1644 = tpu.memref_slice %arg6[%dma_start3A_1637, %dma_start3A_1643] : memref<32x50xi32, #tpu.memory_space<vmem>> -> memref<1x50xi32, #tpu.memory_space<vmem>>
        %dma_start3A_1645 = tpu.memref_squeeze %dma_start3A_1644 : memref<1x50xi32, #tpu.memory_space<vmem>> -> memref<50xi32, #tpu.memory_space<vmem>>
        %dma_start3A_1646 = arith.constant 0 : i32
        %dma_start3A_1647 = arith.constant 0 : i32
        %dma_start3A_1648 = tpu.memref_slice %arg3[%dma_start3A_1646, %dma_start3A_1647] : memref<1000000x32xf32, #tpu.memory_space<hbm>> -> memref<1000000x32xf32, #tpu.memory_space<hbm>>
        tpu.enqueue_indirect_dma source(%dma_start3A_1648 : memref<1000000x32xf32, #tpu.memory_space<hbm>>) target(%dma_start3A_1642 : memref<50x32xf32, #tpu.memory_space<vmem>>) offsets(%dma_start3A_1645 : memref<50xi32, #tpu.memory_space<vmem>>) semaphore(%arg11 : memref<!tpu.dma_semaphore, #tpu.memory_space<semaphore_mem>>)
        %dma_start3A_1649 = arith.constant 5 : i32
        %dma_start3A_1650 = arith.constant 5 : i32
        %dma_start3A_1651 = arith.constant 0 : i32
        %dma_start3A_1652 = arith.constant 0 : i32
        %dma_start3A_1653 = tpu.memref_slice %arg8[%dma_start3A_1650, %dma_start3A_1651, %dma_start3A_1652] : memref<32x50x32xf32, #tpu.memory_space<vmem>> -> memref<1x50x32xf32, #tpu.memory_space<vmem>>
        %dma_start3A_1654 = tpu.memref_squeeze %dma_start3A_1653 : memref<1x50x32xf32, #tpu.memory_space<vmem>> -> memref<50x32xf32, #tpu.memory_space<vmem>>
        %dma_start3A_1655 = arith.constant 0 : i32
        %dma_start3A_1656 = tpu.memref_slice %arg6[%dma_start3A_1649, %dma_start3A_1655] : memref<32x50xi32, #tpu.memory_space<vmem>> -> memref<1x50xi32, #tpu.memory_space<vmem>>
        %dma_start3A_1657 = tpu.memref_squeeze %dma_start3A_1656 : memref<1x50xi32, #tpu.memory_space<vmem>> -> memref<50xi32, #tpu.memory_space<vmem>>
        %dma_start3A_1658 = arith.constant 0 : i32
        %dma_start3A_1659 = arith.constant 0 : i32
        %dma_start3A_1660 = tpu.memref_slice %arg3[%dma_start3A_1658, %dma_start3A_1659] : memref<1000000x32xf32, #tpu.memory_space<hbm>> -> memref<1000000x32xf32, #tpu.memory_space<hbm>>
        tpu.enqueue_indirect_dma source(%dma_start3A_1660 : memref<1000000x32xf32, #tpu.memory_space<hbm>>) target(%dma_start3A_1654 : memref<50x32xf32, #tpu.memory_space<vmem>>) offsets(%dma_start3A_1657 : memref<50xi32, #tpu.memory_space<vmem>>) semaphore(%arg11 : memref<!tpu.dma_semaphore, #tpu.memory_space<semaphore_mem>>)
        %dma_start3A_1661 = arith.constant 6 : i32
        %dma_start3A_1662 = arith.constant 6 : i32
        %dma_start3A_1663 = arith.constant 0 : i32
        %dma_start3A_1664 = arith.constant 0 : i32
        %dma_start3A_1665 = tpu.memref_slice %arg8[%dma_start3A_1662, %dma_start3A_1663, %dma_start3A_1664] : memref<32x50x32xf32, #tpu.memory_space<vmem>> -> memref<1x50x32xf32, #tpu.memory_space<vmem>>
        %dma_start3A_1666 = tpu.memref_squeeze %dma_start3A_1665 : memref<1x50x32xf32, #tpu.memory_space<vmem>> -> memref<50x32xf32, #tpu.memory_space<vmem>>
        %dma_start3A_1667 = arith.constant 0 : i32
        %dma_start3A_1668 = tpu.memref_slice %arg6[%dma_start3A_1661, %dma_start3A_1667] : memref<32x50xi32, #tpu.memory_space<vmem>> -> memref<1x50xi32, #tpu.memory_space<vmem>>
        %dma_start3A_1669 = tpu.memref_squeeze %dma_start3A_1668 : memref<1x50xi32, #tpu.memory_space<vmem>> -> memref<50xi32, #tpu.memory_space<vmem>>
        %dma_start3A_1670 = arith.constant 0 : i32
        %dma_start3A_1671 = arith.constant 0 : i32
        %dma_start3A_1672 = tpu.memref_slice %arg3[%dma_start3A_1670, %dma_start3A_1671] : memref<1000000x32xf32, #tpu.memory_space<hbm>> -> memref<1000000x32xf32, #tpu.memory_space<hbm>>
        tpu.enqueue_indirect_dma source(%dma_start3A_1672 : memref<1000000x32xf32, #tpu.memory_space<hbm>>) target(%dma_start3A_1666 : memref<50x32xf32, #tpu.memory_space<vmem>>) offsets(%dma_start3A_1669 : memref<50xi32, #tpu.memory_space<vmem>>) semaphore(%arg11 : memref<!tpu.dma_semaphore, #tpu.memory_space<semaphore_mem>>)
        %dma_start3A_1673 = arith.constant 7 : i32
        %dma_start3A_1674 = arith.constant 7 : i32
        %dma_start3A_1675 = arith.constant 0 : i32
        %dma_start3A_1676 = arith.constant 0 : i32
        %dma_start3A_1677 = tpu.memref_slice %arg8[%dma_start3A_1674, %dma_start3A_1675, %dma_start3A_1676] : memref<32x50x32xf32, #tpu.memory_space<vmem>> -> memref<1x50x32xf32, #tpu.memory_space<vmem>>
        %dma_start3A_1678 = tpu.memref_squeeze %dma_start3A_1677 : memref<1x50x32xf32, #tpu.memory_space<vmem>> -> memref<50x32xf32, #tpu.memory_space<vmem>>
        %dma_start3A_1679 = arith.constant 0 : i32
        %dma_start3A_1680 = tpu.memref_slice %arg6[%dma_start3A_1673, %dma_start3A_1679] : memref<32x50xi32, #tpu.memory_space<vmem>> -> memref<1x50xi32, #tpu.memory_space<vmem>>
        %dma_start3A_1681 = tpu.memref_squeeze %dma_start3A_1680 : memref<1x50xi32, #tpu.memory_space<vmem>> -> memref<50xi32, #tpu.memory_space<vmem>>
        %dma_start3A_1682 = arith.constant 0 : i32
        %dma_start3A_1683 = arith.constant 0 : i32
        %dma_start3A_1684 = tpu.memref_slice %arg3[%dma_start3A_1682, %dma_start3A_1683] : memref<1000000x32xf32, #tpu.memory_space<hbm>> -> memref<1000000x32xf32, #tpu.memory_space<hbm>>
        tpu.enqueue_indirect_dma source(%dma_start3A_1684 : memref<1000000x32xf32, #tpu.memory_space<hbm>>) target(%dma_start3A_1678 : memref<50x32xf32, #tpu.memory_space<vmem>>) offsets(%dma_start3A_1681 : memref<50xi32, #tpu.memory_space<vmem>>) semaphore(%arg11 : memref<!tpu.dma_semaphore, #tpu.memory_space<semaphore_mem>>)
        %dma_start3A_1685 = arith.constant 8 : i32
        %dma_start3A_1686 = arith.constant 8 : i32
        %dma_start3A_1687 = arith.constant 0 : i32
        %dma_start3A_1688 = arith.constant 0 : i32
        %dma_start3A_1689 = tpu.memref_slice %arg8[%dma_start3A_1686, %dma_start3A_1687, %dma_start3A_1688] : memref<32x50x32xf32, #tpu.memory_space<vmem>> -> memref<1x50x32xf32, #tpu.memory_space<vmem>>
        %dma_start3A_1690 = tpu.memref_squeeze %dma_start3A_1689 : memref<1x50x32xf32, #tpu.memory_space<vmem>> -> memref<50x32xf32, #tpu.memory_space<vmem>>
        %dma_start3A_1691 = arith.constant 0 : i32
        %dma_start3A_1692 = tpu.memref_slice %arg6[%dma_start3A_1685, %dma_start3A_1691] : memref<32x50xi32, #tpu.memory_space<vmem>> -> memref<1x50xi32, #tpu.memory_space<vmem>>
        %dma_start3A_1693 = tpu.memref_squeeze %dma_start3A_1692 : memref<1x50xi32, #tpu.memory_space<vmem>> -> memref<50xi32, #tpu.memory_space<vmem>>
        %dma_start3A_1694 = arith.constant 0 : i32
        %dma_start3A_1695 = arith.constant 0 : i32
        %dma_start3A_1696 = tpu.memref_slice %arg3[%dma_start3A_1694, %dma_start3A_1695] : memref<1000000x32xf32, #tpu.memory_space<hbm>> -> memref<1000000x32xf32, #tpu.memory_space<hbm>>
        tpu.enqueue_indirect_dma source(%dma_start3A_1696 : memref<1000000x32xf32, #tpu.memory_space<hbm>>) target(%dma_start3A_1690 : memref<50x32xf32, #tpu.memory_space<vmem>>) offsets(%dma_start3A_1693 : memref<50xi32, #tpu.memory_space<vmem>>) semaphore(%arg11 : memref<!tpu.dma_semaphore, #tpu.memory_space<semaphore_mem>>)
        %dma_start3A_1697 = arith.constant 9 : i32
        %dma_start3A_1698 = arith.constant 9 : i32
        %dma_start3A_1699 = arith.constant 0 : i32
        %dma_start3A_1700 = arith.constant 0 : i32
        %dma_start3A_1701 = tpu.memref_slice %arg8[%dma_start3A_1698, %dma_start3A_1699, %dma_start3A_1700] : memref<32x50x32xf32, #tpu.memory_space<vmem>> -> memref<1x50x32xf32, #tpu.memory_space<vmem>>
        %dma_start3A_1702 = tpu.memref_squeeze %dma_start3A_1701 : memref<1x50x32xf32, #tpu.memory_space<vmem>> -> memref<50x32xf32, #tpu.memory_space<vmem>>
        %dma_start3A_1703 = arith.constant 0 : i32
        %dma_start3A_1704 = tpu.memref_slice %arg6[%dma_start3A_1697, %dma_start3A_1703] : memref<32x50xi32, #tpu.memory_space<vmem>> -> memref<1x50xi32, #tpu.memory_space<vmem>>
        %dma_start3A_1705 = tpu.memref_squeeze %dma_start3A_1704 : memref<1x50xi32, #tpu.memory_space<vmem>> -> memref<50xi32, #tpu.memory_space<vmem>>
        %dma_start3A_1706 = arith.constant 0 : i32
        %dma_start3A_1707 = arith.constant 0 : i32
        %dma_start3A_1708 = tpu.memref_slice %arg3[%dma_start3A_1706, %dma_start3A_1707] : memref<1000000x32xf32, #tpu.memory_space<hbm>> -> memref<1000000x32xf32, #tpu.memory_space<hbm>>
        tpu.enqueue_indirect_dma source(%dma_start3A_1708 : memref<1000000x32xf32, #tpu.memory_space<hbm>>) target(%dma_start3A_1702 : memref<50x32xf32, #tpu.memory_space<vmem>>) offsets(%dma_start3A_1705 : memref<50xi32, #tpu.memory_space<vmem>>) semaphore(%arg11 : memref<!tpu.dma_semaphore, #tpu.memory_space<semaphore_mem>>)
        %dma_start3A_1709 = arith.constant 10 : i32
        %dma_start3A_1710 = arith.constant 10 : i32
        %dma_start3A_1711 = arith.constant 0 : i32
        %dma_start3A_1712 = arith.constant 0 : i32
        %dma_start3A_1713 = tpu.memref_slice %arg8[%dma_start3A_1710, %dma_start3A_1711, %dma_start3A_1712] : memref<32x50x32xf32, #tpu.memory_space<vmem>> -> memref<1x50x32xf32, #tpu.memory_space<vmem>>
        %dma_start3A_1714 = tpu.memref_squeeze %dma_start3A_1713 : memref<1x50x32xf32, #tpu.memory_space<vmem>> -> memref<50x32xf32, #tpu.memory_space<vmem>>
        %dma_start3A_1715 = arith.constant 0 : i32
        %dma_start3A_1716 = tpu.memref_slice %arg6[%dma_start3A_1709, %dma_start3A_1715] : memref<32x50xi32, #tpu.memory_space<vmem>> -> memref<1x50xi32, #tpu.memory_space<vmem>>
        %dma_start3A_1717 = tpu.memref_squeeze %dma_start3A_1716 : memref<1x50xi32, #tpu.memory_space<vmem>> -> memref<50xi32, #tpu.memory_space<vmem>>
        %dma_start3A_1718 = arith.constant 0 : i32
        %dma_start3A_1719 = arith.constant 0 : i32
        %dma_start3A_1720 = tpu.memref_slice %arg3[%dma_start3A_1718, %dma_start3A_1719] : memref<1000000x32xf32, #tpu.memory_space<hbm>> -> memref<1000000x32xf32, #tpu.memory_space<hbm>>
        tpu.enqueue_indirect_dma source(%dma_start3A_1720 : memref<1000000x32xf32, #tpu.memory_space<hbm>>) target(%dma_start3A_1714 : memref<50x32xf32, #tpu.memory_space<vmem>>) offsets(%dma_start3A_1717 : memref<50xi32, #tpu.memory_space<vmem>>) semaphore(%arg11 : memref<!tpu.dma_semaphore, #tpu.memory_space<semaphore_mem>>)
        %dma_start3A_1721 = arith.constant 11 : i32
        %dma_start3A_1722 = arith.constant 11 : i32
        %dma_start3A_1723 = arith.constant 0 : i32
        %dma_start3A_1724 = arith.constant 0 : i32
        %dma_start3A_1725 = tpu.memref_slice %arg8[%dma_start3A_1722, %dma_start3A_1723, %dma_start3A_1724] : memref<32x50x32xf32, #tpu.memory_space<vmem>> -> memref<1x50x32xf32, #tpu.memory_space<vmem>>
        %dma_start3A_1726 = tpu.memref_squeeze %dma_start3A_1725 : memref<1x50x32xf32, #tpu.memory_space<vmem>> -> memref<50x32xf32, #tpu.memory_space<vmem>>
        %dma_start3A_1727 = arith.constant 0 : i32
        %dma_start3A_1728 = tpu.memref_slice %arg6[%dma_start3A_1721, %dma_start3A_1727] : memref<32x50xi32, #tpu.memory_space<vmem>> -> memref<1x50xi32, #tpu.memory_space<vmem>>
        %dma_start3A_1729 = tpu.memref_squeeze %dma_start3A_1728 : memref<1x50xi32, #tpu.memory_space<vmem>> -> memref<50xi32, #tpu.memory_space<vmem>>
        %dma_start3A_1730 = arith.constant 0 : i32
        %dma_start3A_1731 = arith.constant 0 : i32
        %dma_start3A_1732 = tpu.memref_slice %arg3[%dma_start3A_1730, %dma_start3A_1731] : memref<1000000x32xf32, #tpu.memory_space<hbm>> -> memref<1000000x32xf32, #tpu.memory_space<hbm>>
        tpu.enqueue_indirect_dma source(%dma_start3A_1732 : memref<1000000x32xf32, #tpu.memory_space<hbm>>) target(%dma_start3A_1726 : memref<50x32xf32, #tpu.memory_space<vmem>>) offsets(%dma_start3A_1729 : memref<50xi32, #tpu.memory_space<vmem>>) semaphore(%arg11 : memref<!tpu.dma_semaphore, #tpu.memory_space<semaphore_mem>>)
        %dma_start3A_1733 = arith.constant 12 : i32
        %dma_start3A_1734 = arith.constant 12 : i32
        %dma_start3A_1735 = arith.constant 0 : i32
        %dma_start3A_1736 = arith.constant 0 : i32
        %dma_start3A_1737 = tpu.memref_slice %arg8[%dma_start3A_1734, %dma_start3A_1735, %dma_start3A_1736] : memref<32x50x32xf32, #tpu.memory_space<vmem>> -> memref<1x50x32xf32, #tpu.memory_space<vmem>>
        %dma_start3A_1738 = tpu.memref_squeeze %dma_start3A_1737 : memref<1x50x32xf32, #tpu.memory_space<vmem>> -> memref<50x32xf32, #tpu.memory_space<vmem>>
        %dma_start3A_1739 = arith.constant 0 : i32
        %dma_start3A_1740 = tpu.memref_slice %arg6[%dma_start3A_1733, %dma_start3A_1739] : memref<32x50xi32, #tpu.memory_space<vmem>> -> memref<1x50xi32, #tpu.memory_space<vmem>>
        %dma_start3A_1741 = tpu.memref_squeeze %dma_start3A_1740 : memref<1x50xi32, #tpu.memory_space<vmem>> -> memref<50xi32, #tpu.memory_space<vmem>>
        %dma_start3A_1742 = arith.constant 0 : i32
        %dma_start3A_1743 = arith.constant 0 : i32
        %dma_start3A_1744 = tpu.memref_slice %arg3[%dma_start3A_1742, %dma_start3A_1743] : memref<1000000x32xf32, #tpu.memory_space<hbm>> -> memref<1000000x32xf32, #tpu.memory_space<hbm>>
        tpu.enqueue_indirect_dma source(%dma_start3A_1744 : memref<1000000x32xf32, #tpu.memory_space<hbm>>) target(%dma_start3A_1738 : memref<50x32xf32, #tpu.memory_space<vmem>>) offsets(%dma_start3A_1741 : memref<50xi32, #tpu.memory_space<vmem>>) semaphore(%arg11 : memref<!tpu.dma_semaphore, #tpu.memory_space<semaphore_mem>>)
        %dma_start3A_1745 = arith.constant 13 : i32
        %dma_start3A_1746 = arith.constant 13 : i32
        %dma_start3A_1747 = arith.constant 0 : i32
        %dma_start3A_1748 = arith.constant 0 : i32
        %dma_start3A_1749 = tpu.memref_slice %arg8[%dma_start3A_1746, %dma_start3A_1747, %dma_start3A_1748] : memref<32x50x32xf32, #tpu.memory_space<vmem>> -> memref<1x50x32xf32, #tpu.memory_space<vmem>>
        %dma_start3A_1750 = tpu.memref_squeeze %dma_start3A_1749 : memref<1x50x32xf32, #tpu.memory_space<vmem>> -> memref<50x32xf32, #tpu.memory_space<vmem>>
        %dma_start3A_1751 = arith.constant 0 : i32
        %dma_start3A_1752 = tpu.memref_slice %arg6[%dma_start3A_1745, %dma_start3A_1751] : memref<32x50xi32, #tpu.memory_space<vmem>> -> memref<1x50xi32, #tpu.memory_space<vmem>>
        %dma_start3A_1753 = tpu.memref_squeeze %dma_start3A_1752 : memref<1x50xi32, #tpu.memory_space<vmem>> -> memref<50xi32, #tpu.memory_space<vmem>>
        %dma_start3A_1754 = arith.constant 0 : i32
        %dma_start3A_1755 = arith.constant 0 : i32
        %dma_start3A_1756 = tpu.memref_slice %arg3[%dma_start3A_1754, %dma_start3A_1755] : memref<1000000x32xf32, #tpu.memory_space<hbm>> -> memref<1000000x32xf32, #tpu.memory_space<hbm>>
        tpu.enqueue_indirect_dma source(%dma_start3A_1756 : memref<1000000x32xf32, #tpu.memory_space<hbm>>) target(%dma_start3A_1750 : memref<50x32xf32, #tpu.memory_space<vmem>>) offsets(%dma_start3A_1753 : memref<50xi32, #tpu.memory_space<vmem>>) semaphore(%arg11 : memref<!tpu.dma_semaphore, #tpu.memory_space<semaphore_mem>>)
        %dma_start3A_1757 = arith.constant 14 : i32
        %dma_start3A_1758 = arith.constant 14 : i32
        %dma_start3A_1759 = arith.constant 0 : i32
        %dma_start3A_1760 = arith.constant 0 : i32
        %dma_start3A_1761 = tpu.memref_slice %arg8[%dma_start3A_1758, %dma_start3A_1759, %dma_start3A_1760] : memref<32x50x32xf32, #tpu.memory_space<vmem>> -> memref<1x50x32xf32, #tpu.memory_space<vmem>>
        %dma_start3A_1762 = tpu.memref_squeeze %dma_start3A_1761 : memref<1x50x32xf32, #tpu.memory_space<vmem>> -> memref<50x32xf32, #tpu.memory_space<vmem>>
        %dma_start3A_1763 = arith.constant 0 : i32
        %dma_start3A_1764 = tpu.memref_slice %arg6[%dma_start3A_1757, %dma_start3A_1763] : memref<32x50xi32, #tpu.memory_space<vmem>> -> memref<1x50xi32, #tpu.memory_space<vmem>>
        %dma_start3A_1765 = tpu.memref_squeeze %dma_start3A_1764 : memref<1x50xi32, #tpu.memory_space<vmem>> -> memref<50xi32, #tpu.memory_space<vmem>>
        %dma_start3A_1766 = arith.constant 0 : i32
        %dma_start3A_1767 = arith.constant 0 : i32
        %dma_start3A_1768 = tpu.memref_slice %arg3[%dma_start3A_1766, %dma_start3A_1767] : memref<1000000x32xf32, #tpu.memory_space<hbm>> -> memref<1000000x32xf32, #tpu.memory_space<hbm>>
        tpu.enqueue_indirect_dma source(%dma_start3A_1768 : memref<1000000x32xf32, #tpu.memory_space<hbm>>) target(%dma_start3A_1762 : memref<50x32xf32, #tpu.memory_space<vmem>>) offsets(%dma_start3A_1765 : memref<50xi32, #tpu.memory_space<vmem>>) semaphore(%arg11 : memref<!tpu.dma_semaphore, #tpu.memory_space<semaphore_mem>>)
        %dma_start3A_1769 = arith.constant 15 : i32
        %dma_start3A_1770 = arith.constant 15 : i32
        %dma_start3A_1771 = arith.constant 0 : i32
        %dma_start3A_1772 = arith.constant 0 : i32
        %dma_start3A_1773 = tpu.memref_slice %arg8[%dma_start3A_1770, %dma_start3A_1771, %dma_start3A_1772] : memref<32x50x32xf32, #tpu.memory_space<vmem>> -> memref<1x50x32xf32, #tpu.memory_space<vmem>>
        %dma_start3A_1774 = tpu.memref_squeeze %dma_start3A_1773 : memref<1x50x32xf32, #tpu.memory_space<vmem>> -> memref<50x32xf32, #tpu.memory_space<vmem>>
        %dma_start3A_1775 = arith.constant 0 : i32
        %dma_start3A_1776 = tpu.memref_slice %arg6[%dma_start3A_1769, %dma_start3A_1775] : memref<32x50xi32, #tpu.memory_space<vmem>> -> memref<1x50xi32, #tpu.memory_space<vmem>>
        %dma_start3A_1777 = tpu.memref_squeeze %dma_start3A_1776 : memref<1x50xi32, #tpu.memory_space<vmem>> -> memref<50xi32, #tpu.memory_space<vmem>>
        %dma_start3A_1778 = arith.constant 0 : i32
        %dma_start3A_1779 = arith.constant 0 : i32
        %dma_start3A_1780 = tpu.memref_slice %arg3[%dma_start3A_1778, %dma_start3A_1779] : memref<1000000x32xf32, #tpu.memory_space<hbm>> -> memref<1000000x32xf32, #tpu.memory_space<hbm>>
        tpu.enqueue_indirect_dma source(%dma_start3A_1780 : memref<1000000x32xf32, #tpu.memory_space<hbm>>) target(%dma_start3A_1774 : memref<50x32xf32, #tpu.memory_space<vmem>>) offsets(%dma_start3A_1777 : memref<50xi32, #tpu.memory_space<vmem>>) semaphore(%arg11 : memref<!tpu.dma_semaphore, #tpu.memory_space<semaphore_mem>>)
        %dma_start3A_1781 = arith.constant 16 : i32
        %dma_start3A_1782 = arith.constant 16 : i32
        %dma_start3A_1783 = arith.constant 0 : i32
        %dma_start3A_1784 = arith.constant 0 : i32
        %dma_start3A_1785 = tpu.memref_slice %arg8[%dma_start3A_1782, %dma_start3A_1783, %dma_start3A_1784] : memref<32x50x32xf32, #tpu.memory_space<vmem>> -> memref<1x50x32xf32, #tpu.memory_space<vmem>>
        %dma_start3A_1786 = tpu.memref_squeeze %dma_start3A_1785 : memref<1x50x32xf32, #tpu.memory_space<vmem>> -> memref<50x32xf32, #tpu.memory_space<vmem>>
        %dma_start3A_1787 = arith.constant 0 : i32
        %dma_start3A_1788 = tpu.memref_slice %arg6[%dma_start3A_1781, %dma_start3A_1787] : memref<32x50xi32, #tpu.memory_space<vmem>> -> memref<1x50xi32, #tpu.memory_space<vmem>>
        %dma_start3A_1789 = tpu.memref_squeeze %dma_start3A_1788 : memref<1x50xi32, #tpu.memory_space<vmem>> -> memref<50xi32, #tpu.memory_space<vmem>>
        %dma_start3A_1790 = arith.constant 0 : i32
        %dma_start3A_1791 = arith.constant 0 : i32
        %dma_start3A_1792 = tpu.memref_slice %arg3[%dma_start3A_1790, %dma_start3A_1791] : memref<1000000x32xf32, #tpu.memory_space<hbm>> -> memref<1000000x32xf32, #tpu.memory_space<hbm>>
        tpu.enqueue_indirect_dma source(%dma_start3A_1792 : memref<1000000x32xf32, #tpu.memory_space<hbm>>) target(%dma_start3A_1786 : memref<50x32xf32, #tpu.memory_space<vmem>>) offsets(%dma_start3A_1789 : memref<50xi32, #tpu.memory_space<vmem>>) semaphore(%arg11 : memref<!tpu.dma_semaphore, #tpu.memory_space<semaphore_mem>>)
        %dma_start3A_1793 = arith.constant 17 : i32
        %dma_start3A_1794 = arith.constant 17 : i32
        %dma_start3A_1795 = arith.constant 0 : i32
        %dma_start3A_1796 = arith.constant 0 : i32
        %dma_start3A_1797 = tpu.memref_slice %arg8[%dma_start3A_1794, %dma_start3A_1795, %dma_start3A_1796] : memref<32x50x32xf32, #tpu.memory_space<vmem>> -> memref<1x50x32xf32, #tpu.memory_space<vmem>>
        %dma_start3A_1798 = tpu.memref_squeeze %dma_start3A_1797 : memref<1x50x32xf32, #tpu.memory_space<vmem>> -> memref<50x32xf32, #tpu.memory_space<vmem>>
        %dma_start3A_1799 = arith.constant 0 : i32
        %dma_start3A_1800 = tpu.memref_slice %arg6[%dma_start3A_1793, %dma_start3A_1799] : memref<32x50xi32, #tpu.memory_space<vmem>> -> memref<1x50xi32, #tpu.memory_space<vmem>>
        %dma_start3A_1801 = tpu.memref_squeeze %dma_start3A_1800 : memref<1x50xi32, #tpu.memory_space<vmem>> -> memref<50xi32, #tpu.memory_space<vmem>>
        %dma_start3A_1802 = arith.constant 0 : i32
        %dma_start3A_1803 = arith.constant 0 : i32
        %dma_start3A_1804 = tpu.memref_slice %arg3[%dma_start3A_1802, %dma_start3A_1803] : memref<1000000x32xf32, #tpu.memory_space<hbm>> -> memref<1000000x32xf32, #tpu.memory_space<hbm>>
        tpu.enqueue_indirect_dma source(%dma_start3A_1804 : memref<1000000x32xf32, #tpu.memory_space<hbm>>) target(%dma_start3A_1798 : memref<50x32xf32, #tpu.memory_space<vmem>>) offsets(%dma_start3A_1801 : memref<50xi32, #tpu.memory_space<vmem>>) semaphore(%arg11 : memref<!tpu.dma_semaphore, #tpu.memory_space<semaphore_mem>>)
        %dma_start3A_1805 = arith.constant 18 : i32
        %dma_start3A_1806 = arith.constant 18 : i32
        %dma_start3A_1807 = arith.constant 0 : i32
        %dma_start3A_1808 = arith.constant 0 : i32
        %dma_start3A_1809 = tpu.memref_slice %arg8[%dma_start3A_1806, %dma_start3A_1807, %dma_start3A_1808] : memref<32x50x32xf32, #tpu.memory_space<vmem>> -> memref<1x50x32xf32, #tpu.memory_space<vmem>>
        %dma_start3A_1810 = tpu.memref_squeeze %dma_start3A_1809 : memref<1x50x32xf32, #tpu.memory_space<vmem>> -> memref<50x32xf32, #tpu.memory_space<vmem>>
        %dma_start3A_1811 = arith.constant 0 : i32
        %dma_start3A_1812 = tpu.memref_slice %arg6[%dma_start3A_1805, %dma_start3A_1811] : memref<32x50xi32, #tpu.memory_space<vmem>> -> memref<1x50xi32, #tpu.memory_space<vmem>>
        %dma_start3A_1813 = tpu.memref_squeeze %dma_start3A_1812 : memref<1x50xi32, #tpu.memory_space<vmem>> -> memref<50xi32, #tpu.memory_space<vmem>>
        %dma_start3A_1814 = arith.constant 0 : i32
        %dma_start3A_1815 = arith.constant 0 : i32
        %dma_start3A_1816 = tpu.memref_slice %arg3[%dma_start3A_1814, %dma_start3A_1815] : memref<1000000x32xf32, #tpu.memory_space<hbm>> -> memref<1000000x32xf32, #tpu.memory_space<hbm>>
        tpu.enqueue_indirect_dma source(%dma_start3A_1816 : memref<1000000x32xf32, #tpu.memory_space<hbm>>) target(%dma_start3A_1810 : memref<50x32xf32, #tpu.memory_space<vmem>>) offsets(%dma_start3A_1813 : memref<50xi32, #tpu.memory_space<vmem>>) semaphore(%arg11 : memref<!tpu.dma_semaphore, #tpu.memory_space<semaphore_mem>>)
        %dma_start3A_1817 = arith.constant 19 : i32
        %dma_start3A_1818 = arith.constant 19 : i32
        %dma_start3A_1819 = arith.constant 0 : i32
        %dma_start3A_1820 = arith.constant 0 : i32
        %dma_start3A_1821 = tpu.memref_slice %arg8[%dma_start3A_1818, %dma_start3A_1819, %dma_start3A_1820] : memref<32x50x32xf32, #tpu.memory_space<vmem>> -> memref<1x50x32xf32, #tpu.memory_space<vmem>>
        %dma_start3A_1822 = tpu.memref_squeeze %dma_start3A_1821 : memref<1x50x32xf32, #tpu.memory_space<vmem>> -> memref<50x32xf32, #tpu.memory_space<vmem>>
        %dma_start3A_1823 = arith.constant 0 : i32
        %dma_start3A_1824 = tpu.memref_slice %arg6[%dma_start3A_1817, %dma_start3A_1823] : memref<32x50xi32, #tpu.memory_space<vmem>> -> memref<1x50xi32, #tpu.memory_space<vmem>>
        %dma_start3A_1825 = tpu.memref_squeeze %dma_start3A_1824 : memref<1x50xi32, #tpu.memory_space<vmem>> -> memref<50xi32, #tpu.memory_space<vmem>>
        %dma_start3A_1826 = arith.constant 0 : i32
        %dma_start3A_1827 = arith.constant 0 : i32
        %dma_start3A_1828 = tpu.memref_slice %arg3[%dma_start3A_1826, %dma_start3A_1827] : memref<1000000x32xf32, #tpu.memory_space<hbm>> -> memref<1000000x32xf32, #tpu.memory_space<hbm>>
        tpu.enqueue_indirect_dma source(%dma_start3A_1828 : memref<1000000x32xf32, #tpu.memory_space<hbm>>) target(%dma_start3A_1822 : memref<50x32xf32, #tpu.memory_space<vmem>>) offsets(%dma_start3A_1825 : memref<50xi32, #tpu.memory_space<vmem>>) semaphore(%arg11 : memref<!tpu.dma_semaphore, #tpu.memory_space<semaphore_mem>>)
        %dma_start3A_1829 = arith.constant 20 : i32
        %dma_start3A_1830 = arith.constant 20 : i32
        %dma_start3A_1831 = arith.constant 0 : i32
        %dma_start3A_1832 = arith.constant 0 : i32
        %dma_start3A_1833 = tpu.memref_slice %arg8[%dma_start3A_1830, %dma_start3A_1831, %dma_start3A_1832] : memref<32x50x32xf32, #tpu.memory_space<vmem>> -> memref<1x50x32xf32, #tpu.memory_space<vmem>>
        %dma_start3A_1834 = tpu.memref_squeeze %dma_start3A_1833 : memref<1x50x32xf32, #tpu.memory_space<vmem>> -> memref<50x32xf32, #tpu.memory_space<vmem>>
        %dma_start3A_1835 = arith.constant 0 : i32
        %dma_start3A_1836 = tpu.memref_slice %arg6[%dma_start3A_1829, %dma_start3A_1835] : memref<32x50xi32, #tpu.memory_space<vmem>> -> memref<1x50xi32, #tpu.memory_space<vmem>>
        %dma_start3A_1837 = tpu.memref_squeeze %dma_start3A_1836 : memref<1x50xi32, #tpu.memory_space<vmem>> -> memref<50xi32, #tpu.memory_space<vmem>>
        %dma_start3A_1838 = arith.constant 0 : i32
        %dma_start3A_1839 = arith.constant 0 : i32
        %dma_start3A_1840 = tpu.memref_slice %arg3[%dma_start3A_1838, %dma_start3A_1839] : memref<1000000x32xf32, #tpu.memory_space<hbm>> -> memref<1000000x32xf32, #tpu.memory_space<hbm>>
        tpu.enqueue_indirect_dma source(%dma_start3A_1840 : memref<1000000x32xf32, #tpu.memory_space<hbm>>) target(%dma_start3A_1834 : memref<50x32xf32, #tpu.memory_space<vmem>>) offsets(%dma_start3A_1837 : memref<50xi32, #tpu.memory_space<vmem>>) semaphore(%arg11 : memref<!tpu.dma_semaphore, #tpu.memory_space<semaphore_mem>>)
        %dma_start3A_1841 = arith.constant 21 : i32
        %dma_start3A_1842 = arith.constant 21 : i32
        %dma_start3A_1843 = arith.constant 0 : i32
        %dma_start3A_1844 = arith.constant 0 : i32
        %dma_start3A_1845 = tpu.memref_slice %arg8[%dma_start3A_1842, %dma_start3A_1843, %dma_start3A_1844] : memref<32x50x32xf32, #tpu.memory_space<vmem>> -> memref<1x50x32xf32, #tpu.memory_space<vmem>>
        %dma_start3A_1846 = tpu.memref_squeeze %dma_start3A_1845 : memref<1x50x32xf32, #tpu.memory_space<vmem>> -> memref<50x32xf32, #tpu.memory_space<vmem>>
        %dma_start3A_1847 = arith.constant 0 : i32
        %dma_start3A_1848 = tpu.memref_slice %arg6[%dma_start3A_1841, %dma_start3A_1847] : memref<32x50xi32, #tpu.memory_space<vmem>> -> memref<1x50xi32, #tpu.memory_space<vmem>>
        %dma_start3A_1849 = tpu.memref_squeeze %dma_start3A_1848 : memref<1x50xi32, #tpu.memory_space<vmem>> -> memref<50xi32, #tpu.memory_space<vmem>>
        %dma_start3A_1850 = arith.constant 0 : i32
        %dma_start3A_1851 = arith.constant 0 : i32
        %dma_start3A_1852 = tpu.memref_slice %arg3[%dma_start3A_1850, %dma_start3A_1851] : memref<1000000x32xf32, #tpu.memory_space<hbm>> -> memref<1000000x32xf32, #tpu.memory_space<hbm>>
        tpu.enqueue_indirect_dma source(%dma_start3A_1852 : memref<1000000x32xf32, #tpu.memory_space<hbm>>) target(%dma_start3A_1846 : memref<50x32xf32, #tpu.memory_space<vmem>>) offsets(%dma_start3A_1849 : memref<50xi32, #tpu.memory_space<vmem>>) semaphore(%arg11 : memref<!tpu.dma_semaphore, #tpu.memory_space<semaphore_mem>>)
        %dma_start3A_1853 = arith.constant 22 : i32
        %dma_start3A_1854 = arith.constant 22 : i32
        %dma_start3A_1855 = arith.constant 0 : i32
        %dma_start3A_1856 = arith.constant 0 : i32
        %dma_start3A_1857 = tpu.memref_slice %arg8[%dma_start3A_1854, %dma_start3A_1855, %dma_start3A_1856] : memref<32x50x32xf32, #tpu.memory_space<vmem>> -> memref<1x50x32xf32, #tpu.memory_space<vmem>>
        %dma_start3A_1858 = tpu.memref_squeeze %dma_start3A_1857 : memref<1x50x32xf32, #tpu.memory_space<vmem>> -> memref<50x32xf32, #tpu.memory_space<vmem>>
        %dma_start3A_1859 = arith.constant 0 : i32
        %dma_start3A_1860 = tpu.memref_slice %arg6[%dma_start3A_1853, %dma_start3A_1859] : memref<32x50xi32, #tpu.memory_space<vmem>> -> memref<1x50xi32, #tpu.memory_space<vmem>>
        %dma_start3A_1861 = tpu.memref_squeeze %dma_start3A_1860 : memref<1x50xi32, #tpu.memory_space<vmem>> -> memref<50xi32, #tpu.memory_space<vmem>>
        %dma_start3A_1862 = arith.constant 0 : i32
        %dma_start3A_1863 = arith.constant 0 : i32
        %dma_start3A_1864 = tpu.memref_slice %arg3[%dma_start3A_1862, %dma_start3A_1863] : memref<1000000x32xf32, #tpu.memory_space<hbm>> -> memref<1000000x32xf32, #tpu.memory_space<hbm>>
        tpu.enqueue_indirect_dma source(%dma_start3A_1864 : memref<1000000x32xf32, #tpu.memory_space<hbm>>) target(%dma_start3A_1858 : memref<50x32xf32, #tpu.memory_space<vmem>>) offsets(%dma_start3A_1861 : memref<50xi32, #tpu.memory_space<vmem>>) semaphore(%arg11 : memref<!tpu.dma_semaphore, #tpu.memory_space<semaphore_mem>>)
        %dma_start3A_1865 = arith.constant 23 : i32
        %dma_start3A_1866 = arith.constant 23 : i32
        %dma_start3A_1867 = arith.constant 0 : i32
        %dma_start3A_1868 = arith.constant 0 : i32
        %dma_start3A_1869 = tpu.memref_slice %arg8[%dma_start3A_1866, %dma_start3A_1867, %dma_start3A_1868] : memref<32x50x32xf32, #tpu.memory_space<vmem>> -> memref<1x50x32xf32, #tpu.memory_space<vmem>>
        %dma_start3A_1870 = tpu.memref_squeeze %dma_start3A_1869 : memref<1x50x32xf32, #tpu.memory_space<vmem>> -> memref<50x32xf32, #tpu.memory_space<vmem>>
        %dma_start3A_1871 = arith.constant 0 : i32
        %dma_start3A_1872 = tpu.memref_slice %arg6[%dma_start3A_1865, %dma_start3A_1871] : memref<32x50xi32, #tpu.memory_space<vmem>> -> memref<1x50xi32, #tpu.memory_space<vmem>>
        %dma_start3A_1873 = tpu.memref_squeeze %dma_start3A_1872 : memref<1x50xi32, #tpu.memory_space<vmem>> -> memref<50xi32, #tpu.memory_space<vmem>>
        %dma_start3A_1874 = arith.constant 0 : i32
        %dma_start3A_1875 = arith.constant 0 : i32
        %dma_start3A_1876 = tpu.memref_slice %arg3[%dma_start3A_1874, %dma_start3A_1875] : memref<1000000x32xf32, #tpu.memory_space<hbm>> -> memref<1000000x32xf32, #tpu.memory_space<hbm>>
        tpu.enqueue_indirect_dma source(%dma_start3A_1876 : memref<1000000x32xf32, #tpu.memory_space<hbm>>) target(%dma_start3A_1870 : memref<50x32xf32, #tpu.memory_space<vmem>>) offsets(%dma_start3A_1873 : memref<50xi32, #tpu.memory_space<vmem>>) semaphore(%arg11 : memref<!tpu.dma_semaphore, #tpu.memory_space<semaphore_mem>>)
        %dma_start3A_1877 = arith.constant 24 : i32
        %dma_start3A_1878 = arith.constant 24 : i32
        %dma_start3A_1879 = arith.constant 0 : i32
        %dma_start3A_1880 = arith.constant 0 : i32
        %dma_start3A_1881 = tpu.memref_slice %arg8[%dma_start3A_1878, %dma_start3A_1879, %dma_start3A_1880] : memref<32x50x32xf32, #tpu.memory_space<vmem>> -> memref<1x50x32xf32, #tpu.memory_space<vmem>>
        %dma_start3A_1882 = tpu.memref_squeeze %dma_start3A_1881 : memref<1x50x32xf32, #tpu.memory_space<vmem>> -> memref<50x32xf32, #tpu.memory_space<vmem>>
        %dma_start3A_1883 = arith.constant 0 : i32
        %dma_start3A_1884 = tpu.memref_slice %arg6[%dma_start3A_1877, %dma_start3A_1883] : memref<32x50xi32, #tpu.memory_space<vmem>> -> memref<1x50xi32, #tpu.memory_space<vmem>>
        %dma_start3A_1885 = tpu.memref_squeeze %dma_start3A_1884 : memref<1x50xi32, #tpu.memory_space<vmem>> -> memref<50xi32, #tpu.memory_space<vmem>>
        %dma_start3A_1886 = arith.constant 0 : i32
        %dma_start3A_1887 = arith.constant 0 : i32
        %dma_start3A_1888 = tpu.memref_slice %arg3[%dma_start3A_1886, %dma_start3A_1887] : memref<1000000x32xf32, #tpu.memory_space<hbm>> -> memref<1000000x32xf32, #tpu.memory_space<hbm>>
        tpu.enqueue_indirect_dma source(%dma_start3A_1888 : memref<1000000x32xf32, #tpu.memory_space<hbm>>) target(%dma_start3A_1882 : memref<50x32xf32, #tpu.memory_space<vmem>>) offsets(%dma_start3A_1885 : memref<50xi32, #tpu.memory_space<vmem>>) semaphore(%arg11 : memref<!tpu.dma_semaphore, #tpu.memory_space<semaphore_mem>>)
        %dma_start3A_1889 = arith.constant 25 : i32
        %dma_start3A_1890 = arith.constant 25 : i32
        %dma_start3A_1891 = arith.constant 0 : i32
        %dma_start3A_1892 = arith.constant 0 : i32
        %dma_start3A_1893 = tpu.memref_slice %arg8[%dma_start3A_1890, %dma_start3A_1891, %dma_start3A_1892] : memref<32x50x32xf32, #tpu.memory_space<vmem>> -> memref<1x50x32xf32, #tpu.memory_space<vmem>>
        %dma_start3A_1894 = tpu.memref_squeeze %dma_start3A_1893 : memref<1x50x32xf32, #tpu.memory_space<vmem>> -> memref<50x32xf32, #tpu.memory_space<vmem>>
        %dma_start3A_1895 = arith.constant 0 : i32
        %dma_start3A_1896 = tpu.memref_slice %arg6[%dma_start3A_1889, %dma_start3A_1895] : memref<32x50xi32, #tpu.memory_space<vmem>> -> memref<1x50xi32, #tpu.memory_space<vmem>>
        %dma_start3A_1897 = tpu.memref_squeeze %dma_start3A_1896 : memref<1x50xi32, #tpu.memory_space<vmem>> -> memref<50xi32, #tpu.memory_space<vmem>>
        %dma_start3A_1898 = arith.constant 0 : i32
        %dma_start3A_1899 = arith.constant 0 : i32
        %dma_start3A_1900 = tpu.memref_slice %arg3[%dma_start3A_1898, %dma_start3A_1899] : memref<1000000x32xf32, #tpu.memory_space<hbm>> -> memref<1000000x32xf32, #tpu.memory_space<hbm>>
        tpu.enqueue_indirect_dma source(%dma_start3A_1900 : memref<1000000x32xf32, #tpu.memory_space<hbm>>) target(%dma_start3A_1894 : memref<50x32xf32, #tpu.memory_space<vmem>>) offsets(%dma_start3A_1897 : memref<50xi32, #tpu.memory_space<vmem>>) semaphore(%arg11 : memref<!tpu.dma_semaphore, #tpu.memory_space<semaphore_mem>>)
        %dma_start3A_1901 = arith.constant 26 : i32
        %dma_start3A_1902 = arith.constant 26 : i32
        %dma_start3A_1903 = arith.constant 0 : i32
        %dma_start3A_1904 = arith.constant 0 : i32
        %dma_start3A_1905 = tpu.memref_slice %arg8[%dma_start3A_1902, %dma_start3A_1903, %dma_start3A_1904] : memref<32x50x32xf32, #tpu.memory_space<vmem>> -> memref<1x50x32xf32, #tpu.memory_space<vmem>>
        %dma_start3A_1906 = tpu.memref_squeeze %dma_start3A_1905 : memref<1x50x32xf32, #tpu.memory_space<vmem>> -> memref<50x32xf32, #tpu.memory_space<vmem>>
        %dma_start3A_1907 = arith.constant 0 : i32
        %dma_start3A_1908 = tpu.memref_slice %arg6[%dma_start3A_1901, %dma_start3A_1907] : memref<32x50xi32, #tpu.memory_space<vmem>> -> memref<1x50xi32, #tpu.memory_space<vmem>>
        %dma_start3A_1909 = tpu.memref_squeeze %dma_start3A_1908 : memref<1x50xi32, #tpu.memory_space<vmem>> -> memref<50xi32, #tpu.memory_space<vmem>>
        %dma_start3A_1910 = arith.constant 0 : i32
        %dma_start3A_1911 = arith.constant 0 : i32
        %dma_start3A_1912 = tpu.memref_slice %arg3[%dma_start3A_1910, %dma_start3A_1911] : memref<1000000x32xf32, #tpu.memory_space<hbm>> -> memref<1000000x32xf32, #tpu.memory_space<hbm>>
        tpu.enqueue_indirect_dma source(%dma_start3A_1912 : memref<1000000x32xf32, #tpu.memory_space<hbm>>) target(%dma_start3A_1906 : memref<50x32xf32, #tpu.memory_space<vmem>>) offsets(%dma_start3A_1909 : memref<50xi32, #tpu.memory_space<vmem>>) semaphore(%arg11 : memref<!tpu.dma_semaphore, #tpu.memory_space<semaphore_mem>>)
        %dma_start3A_1913 = arith.constant 27 : i32
        %dma_start3A_1914 = arith.constant 27 : i32
        %dma_start3A_1915 = arith.constant 0 : i32
        %dma_start3A_1916 = arith.constant 0 : i32
        %dma_start3A_1917 = tpu.memref_slice %arg8[%dma_start3A_1914, %dma_start3A_1915, %dma_start3A_1916] : memref<32x50x32xf32, #tpu.memory_space<vmem>> -> memref<1x50x32xf32, #tpu.memory_space<vmem>>
        %dma_start3A_1918 = tpu.memref_squeeze %dma_start3A_1917 : memref<1x50x32xf32, #tpu.memory_space<vmem>> -> memref<50x32xf32, #tpu.memory_space<vmem>>
        %dma_start3A_1919 = arith.constant 0 : i32
        %dma_start3A_1920 = tpu.memref_slice %arg6[%dma_start3A_1913, %dma_start3A_1919] : memref<32x50xi32, #tpu.memory_space<vmem>> -> memref<1x50xi32, #tpu.memory_space<vmem>>
        %dma_start3A_1921 = tpu.memref_squeeze %dma_start3A_1920 : memref<1x50xi32, #tpu.memory_space<vmem>> -> memref<50xi32, #tpu.memory_space<vmem>>
        %dma_start3A_1922 = arith.constant 0 : i32
        %dma_start3A_1923 = arith.constant 0 : i32
        %dma_start3A_1924 = tpu.memref_slice %arg3[%dma_start3A_1922, %dma_start3A_1923] : memref<1000000x32xf32, #tpu.memory_space<hbm>> -> memref<1000000x32xf32, #tpu.memory_space<hbm>>
        tpu.enqueue_indirect_dma source(%dma_start3A_1924 : memref<1000000x32xf32, #tpu.memory_space<hbm>>) target(%dma_start3A_1918 : memref<50x32xf32, #tpu.memory_space<vmem>>) offsets(%dma_start3A_1921 : memref<50xi32, #tpu.memory_space<vmem>>) semaphore(%arg11 : memref<!tpu.dma_semaphore, #tpu.memory_space<semaphore_mem>>)
        %dma_start3A_1925 = arith.constant 28 : i32
        %dma_start3A_1926 = arith.constant 28 : i32
        %dma_start3A_1927 = arith.constant 0 : i32
        %dma_start3A_1928 = arith.constant 0 : i32
        %dma_start3A_1929 = tpu.memref_slice %arg8[%dma_start3A_1926, %dma_start3A_1927, %dma_start3A_1928] : memref<32x50x32xf32, #tpu.memory_space<vmem>> -> memref<1x50x32xf32, #tpu.memory_space<vmem>>
        %dma_start3A_1930 = tpu.memref_squeeze %dma_start3A_1929 : memref<1x50x32xf32, #tpu.memory_space<vmem>> -> memref<50x32xf32, #tpu.memory_space<vmem>>
        %dma_start3A_1931 = arith.constant 0 : i32
        %dma_start3A_1932 = tpu.memref_slice %arg6[%dma_start3A_1925, %dma_start3A_1931] : memref<32x50xi32, #tpu.memory_space<vmem>> -> memref<1x50xi32, #tpu.memory_space<vmem>>
        %dma_start3A_1933 = tpu.memref_squeeze %dma_start3A_1932 : memref<1x50xi32, #tpu.memory_space<vmem>> -> memref<50xi32, #tpu.memory_space<vmem>>
        %dma_start3A_1934 = arith.constant 0 : i32
        %dma_start3A_1935 = arith.constant 0 : i32
        %dma_start3A_1936 = tpu.memref_slice %arg3[%dma_start3A_1934, %dma_start3A_1935] : memref<1000000x32xf32, #tpu.memory_space<hbm>> -> memref<1000000x32xf32, #tpu.memory_space<hbm>>
        tpu.enqueue_indirect_dma source(%dma_start3A_1936 : memref<1000000x32xf32, #tpu.memory_space<hbm>>) target(%dma_start3A_1930 : memref<50x32xf32, #tpu.memory_space<vmem>>) offsets(%dma_start3A_1933 : memref<50xi32, #tpu.memory_space<vmem>>) semaphore(%arg11 : memref<!tpu.dma_semaphore, #tpu.memory_space<semaphore_mem>>)
        %dma_start3A_1937 = arith.constant 29 : i32
        %dma_start3A_1938 = arith.constant 29 : i32
        %dma_start3A_1939 = arith.constant 0 : i32
        %dma_start3A_1940 = arith.constant 0 : i32
        %dma_start3A_1941 = tpu.memref_slice %arg8[%dma_start3A_1938, %dma_start3A_1939, %dma_start3A_1940] : memref<32x50x32xf32, #tpu.memory_space<vmem>> -> memref<1x50x32xf32, #tpu.memory_space<vmem>>
        %dma_start3A_1942 = tpu.memref_squeeze %dma_start3A_1941 : memref<1x50x32xf32, #tpu.memory_space<vmem>> -> memref<50x32xf32, #tpu.memory_space<vmem>>
        %dma_start3A_1943 = arith.constant 0 : i32
        %dma_start3A_1944 = tpu.memref_slice %arg6[%dma_start3A_1937, %dma_start3A_1943] : memref<32x50xi32, #tpu.memory_space<vmem>> -> memref<1x50xi32, #tpu.memory_space<vmem>>
        %dma_start3A_1945 = tpu.memref_squeeze %dma_start3A_1944 : memref<1x50xi32, #tpu.memory_space<vmem>> -> memref<50xi32, #tpu.memory_space<vmem>>
        %dma_start3A_1946 = arith.constant 0 : i32
        %dma_start3A_1947 = arith.constant 0 : i32
        %dma_start3A_1948 = tpu.memref_slice %arg3[%dma_start3A_1946, %dma_start3A_1947] : memref<1000000x32xf32, #tpu.memory_space<hbm>> -> memref<1000000x32xf32, #tpu.memory_space<hbm>>
        tpu.enqueue_indirect_dma source(%dma_start3A_1948 : memref<1000000x32xf32, #tpu.memory_space<hbm>>) target(%dma_start3A_1942 : memref<50x32xf32, #tpu.memory_space<vmem>>) offsets(%dma_start3A_1945 : memref<50xi32, #tpu.memory_space<vmem>>) semaphore(%arg11 : memref<!tpu.dma_semaphore, #tpu.memory_space<semaphore_mem>>)
        %dma_start3A_1949 = arith.constant 30 : i32
        %dma_start3A_1950 = arith.constant 30 : i32
        %dma_start3A_1951 = arith.constant 0 : i32
        %dma_start3A_1952 = arith.constant 0 : i32
        %dma_start3A_1953 = tpu.memref_slice %arg8[%dma_start3A_1950, %dma_start3A_1951, %dma_start3A_1952] : memref<32x50x32xf32, #tpu.memory_space<vmem>> -> memref<1x50x32xf32, #tpu.memory_space<vmem>>
        %dma_start3A_1954 = tpu.memref_squeeze %dma_start3A_1953 : memref<1x50x32xf32, #tpu.memory_space<vmem>> -> memref<50x32xf32, #tpu.memory_space<vmem>>
        %dma_start3A_1955 = arith.constant 0 : i32
        %dma_start3A_1956 = tpu.memref_slice %arg6[%dma_start3A_1949, %dma_start3A_1955] : memref<32x50xi32, #tpu.memory_space<vmem>> -> memref<1x50xi32, #tpu.memory_space<vmem>>
        %dma_start3A_1957 = tpu.memref_squeeze %dma_start3A_1956 : memref<1x50xi32, #tpu.memory_space<vmem>> -> memref<50xi32, #tpu.memory_space<vmem>>
        %dma_start3A_1958 = arith.constant 0 : i32
        %dma_start3A_1959 = arith.constant 0 : i32
        %dma_start3A_1960 = tpu.memref_slice %arg3[%dma_start3A_1958, %dma_start3A_1959] : memref<1000000x32xf32, #tpu.memory_space<hbm>> -> memref<1000000x32xf32, #tpu.memory_space<hbm>>
        tpu.enqueue_indirect_dma source(%dma_start3A_1960 : memref<1000000x32xf32, #tpu.memory_space<hbm>>) target(%dma_start3A_1954 : memref<50x32xf32, #tpu.memory_space<vmem>>) offsets(%dma_start3A_1957 : memref<50xi32, #tpu.memory_space<vmem>>) semaphore(%arg11 : memref<!tpu.dma_semaphore, #tpu.memory_space<semaphore_mem>>)
        %dma_start3A_1961 = arith.constant 31 : i32
        %dma_start3A_1962 = arith.constant 31 : i32
        %dma_start3A_1963 = arith.constant 0 : i32
        %dma_start3A_1964 = arith.constant 0 : i32
        %dma_start3A_1965 = tpu.memref_slice %arg8[%dma_start3A_1962, %dma_start3A_1963, %dma_start3A_1964] : memref<32x50x32xf32, #tpu.memory_space<vmem>> -> memref<1x50x32xf32, #tpu.memory_space<vmem>>
        %dma_start3A_1966 = tpu.memref_squeeze %dma_start3A_1965 : memref<1x50x32xf32, #tpu.memory_space<vmem>> -> memref<50x32xf32, #tpu.memory_space<vmem>>
        %dma_start3A_1967 = arith.constant 0 : i32
        %dma_start3A_1968 = tpu.memref_slice %arg6[%dma_start3A_1961, %dma_start3A_1967] : memref<32x50xi32, #tpu.memory_space<vmem>> -> memref<1x50xi32, #tpu.memory_space<vmem>>
        %dma_start3A_1969 = tpu.memref_squeeze %dma_start3A_1968 : memref<1x50xi32, #tpu.memory_space<vmem>> -> memref<50xi32, #tpu.memory_space<vmem>>
        %dma_start3A_1970 = arith.constant 0 : i32
        %dma_start3A_1971 = arith.constant 0 : i32
        %dma_start3A_1972 = tpu.memref_slice %arg3[%dma_start3A_1970, %dma_start3A_1971] : memref<1000000x32xf32, #tpu.memory_space<hbm>> -> memref<1000000x32xf32, #tpu.memory_space<hbm>>
        tpu.enqueue_indirect_dma source(%dma_start3A_1972 : memref<1000000x32xf32, #tpu.memory_space<hbm>>) target(%dma_start3A_1966 : memref<50x32xf32, #tpu.memory_space<vmem>>) offsets(%dma_start3A_1969 : memref<50xi32, #tpu.memory_space<vmem>>) semaphore(%arg11 : memref<!tpu.dma_semaphore, #tpu.memory_space<semaphore_mem>>)
      } else {
      }
    }
    %scan3A_778 = arith.constant 8 : i32
    return
  }
}

module attributes {stable_mosaic.version = 14 : i64} {
  func.func @_tc_body(%arg0: i32, %arg1: memref<2048x50xi32, #tpu.memory_space<vmem>>, %arg2: memref<2048x32xf32, #tpu.memory_space<vmem>>, %arg3: memref<1x32xf32, #tpu.memory_space<vmem>>, %arg4: memref<32x64xf32, #tpu.memory_space<vmem>>, %arg5: memref<64x1xf32, #tpu.memory_space<vmem>>, %arg6: memref<64x1xf32, #tpu.memory_space<vmem>>, %arg7: memref<64x1xf32, #tpu.memory_space<vmem>>, %arg8: memref<64x2048xf32, #tpu.memory_space<vmem>>) attributes {dimension_semantics = [#tpu.dimension_semantics<arbitrary>], iteration_bounds = array<i64: 8>, scalar_prefetch = 0 : i64, scratch_operands = 0 : i64, tpu.core_type = #tpu.core_type<tc>, window_params = [{transform_indices = @transform_0, window_bounds = array<i64: 2048, 50>}, {transform_indices = @transform_1, window_bounds = array<i64: 2048, 32>}, {pipeline_mode = #tpu.pipeline_mode<synchronous>, transform_indices = @transform_2, window_bounds = array<i64: 1, 32>}, {pipeline_mode = #tpu.pipeline_mode<synchronous>, transform_indices = @transform_3, window_bounds = array<i64: 32, 64>}, {pipeline_mode = #tpu.pipeline_mode<synchronous>, transform_indices = @transform_4, window_bounds = array<i64: 64, 1>}, {pipeline_mode = #tpu.pipeline_mode<synchronous>, transform_indices = @transform_5, window_bounds = array<i64: 64, 1>}, {pipeline_mode = #tpu.pipeline_mode<synchronous>, transform_indices = @transform_6, window_bounds = array<i64: 64, 1>}, {transform_indices = @transform_7, window_bounds = array<i64: 64, 2048>}]} {
    %get3A = arith.constant 0 : index
    %get3A_0 = arith.constant 0 : index
    %get3A_1 = vector.load %arg1[%get3A, %get3A_0] : memref<2048x50xi32, #tpu.memory_space<vmem>>, vector<2048x50xi32>
    %ne3A = arith.constant 0 : i32
    %ne3A_2 = vector.broadcast %ne3A : i32 to vector<2048x50xi32>
    %ne3A_3 = arith.cmpi ne, %get3A_1, %ne3A_2 : vector<2048x50xi32>
    %convert_element_type3A = arith.extui %ne3A_3 : vector<2048x50xi1> to vector<2048x50xi32>
    %convert_element_type3A_4 = arith.sitofp %convert_element_type3A : vector<2048x50xi32> to vector<2048x50xf32>
    %reduce_sum3A = arith.constant dense<0.000000e+00> : vector<2048xf32>
    %reduce_sum3A_5 = vector.multi_reduction <add>, %convert_element_type3A_4, %reduce_sum3A [1] : vector<2048x50xf32> to vector<2048xf32>
    %broadcast_in_dim3A = vector.shape_cast %reduce_sum3A_5 : vector<2048xf32> to vector<2048x1xf32>
    %sub3A = arith.constant 5.000000e+01 : f32
    %sub3A_6 = vector.broadcast %sub3A : f32 to vector<2048x1xf32>
    %sub3A_7 = arith.subf %sub3A_6, %broadcast_in_dim3A : vector<2048x1xf32>
    %get3A_8 = arith.constant 0 : index
    %get3A_9 = arith.constant 0 : index
    %get3A_10 = vector.load %arg2[%get3A_8, %get3A_9] : memref<2048x32xf32, #tpu.memory_space<vmem>>, vector<2048x32xf32>
    %get3A_11 = arith.constant 0 : index
    %get3A_12 = arith.constant 0 : index
    %get3A_13 = vector.load %arg3[%get3A_11, %get3A_12] : memref<1x32xf32, #tpu.memory_space<vmem>>, vector<1x32xf32>
    %mul3A = vector.broadcast %sub3A_7 : vector<2048x1xf32> to vector<2048x32xf32>
    %mul3A_14 = vector.broadcast %get3A_13 : vector<1x32xf32> to vector<2048x32xf32>
    %mul3A_15 = arith.mulf %mul3A, %mul3A_14 : vector<2048x32xf32>
    %sub3A_16 = arith.subf %get3A_10, %mul3A_15 : vector<2048x32xf32>
    %div3A = vector.broadcast %broadcast_in_dim3A : vector<2048x1xf32> to vector<2048x32xf32>
    %div3A_17 = arith.divf %sub3A_16, %div3A : vector<2048x32xf32>
    %get3A_18 = arith.constant 0 : index
    %get3A_19 = arith.constant 0 : index
    %get3A_20 = vector.load %arg4[%get3A_18, %get3A_19] : memref<32x64xf32, #tpu.memory_space<vmem>>, vector<32x64xf32>
    %dot_general3A = arith.constant dense<0.000000e+00> : vector<64x2048xf32>
    %dot_general3A_21 = tpu.matmul %get3A_20, %div3A_17, %dot_general3A {dimension_numbers = #tpu.dot_dimension_numbers<[0], [1], [1], [0], [0, 1, 1, 0], [], []>, transpose_lhs_hint = false} : vector<32x64xf32>, vector<2048x32xf32>, vector<64x2048xf32> -> vector<64x2048xf32>
    %get3A_22 = arith.constant 0 : index
    %get3A_23 = arith.constant 0 : index
    %get3A_24 = vector.load %arg5[%get3A_22, %get3A_23] : memref<64x1xf32, #tpu.memory_space<vmem>>, vector<64x1xf32>
    %add3A = vector.broadcast %get3A_24 : vector<64x1xf32> to vector<64x2048xf32>
    %add3A_25 = arith.addf %dot_general3A_21, %add3A : vector<64x2048xf32>
    %reduce_sum3A_26 = arith.constant dense<0.000000e+00> : vector<2048xf32>
    %reduce_sum3A_27 = vector.multi_reduction <add>, %add3A_25, %reduce_sum3A_26 [0] : vector<64x2048xf32> to vector<2048xf32>
    %broadcast_in_dim3A_28 = vector.shape_cast %reduce_sum3A_27 : vector<2048xf32> to vector<1x2048xf32>
    %div3A_29 = arith.constant 6.400000e+01 : f32
    %div3A_30 = vector.broadcast %div3A_29 : f32 to vector<1x2048xf32>
    %div3A_31 = arith.divf %broadcast_in_dim3A_28, %div3A_30 : vector<1x2048xf32>
    %sub3A_32 = vector.broadcast %div3A_31 : vector<1x2048xf32> to vector<64x2048xf32>
    %sub3A_33 = arith.subf %add3A_25, %sub3A_32 : vector<64x2048xf32>
    %integer_pow3A = arith.mulf %sub3A_33, %sub3A_33 : vector<64x2048xf32>
    %reduce_sum3A_34 = arith.constant dense<0.000000e+00> : vector<2048xf32>
    %reduce_sum3A_35 = vector.multi_reduction <add>, %integer_pow3A, %reduce_sum3A_34 [0] : vector<64x2048xf32> to vector<2048xf32>
    %broadcast_in_dim3A_36 = vector.shape_cast %reduce_sum3A_35 : vector<2048xf32> to vector<1x2048xf32>
    %div3A_37 = arith.constant 6.400000e+01 : f32
    %div3A_38 = vector.broadcast %div3A_37 : f32 to vector<1x2048xf32>
    %div3A_39 = arith.divf %broadcast_in_dim3A_36, %div3A_38 : vector<1x2048xf32>
    %sub3A_40 = vector.broadcast %div3A_31 : vector<1x2048xf32> to vector<64x2048xf32>
    %sub3A_41 = arith.subf %add3A_25, %sub3A_40 : vector<64x2048xf32>
    %add3A_42 = arith.constant 1.000000e-03 : f32
    %add3A_43 = vector.broadcast %add3A_42 : f32 to vector<1x2048xf32>
    %add3A_44 = arith.addf %div3A_39, %add3A_43 : vector<1x2048xf32>
    %rsqrt3A = math.rsqrt %add3A_44 : vector<1x2048xf32>
    %mul3A_45 = vector.broadcast %rsqrt3A : vector<1x2048xf32> to vector<64x2048xf32>
    %mul3A_46 = arith.mulf %sub3A_41, %mul3A_45 : vector<64x2048xf32>
    %get3A_47 = arith.constant 0 : index
    %get3A_48 = arith.constant 0 : index
    %get3A_49 = vector.load %arg6[%get3A_47, %get3A_48] : memref<64x1xf32, #tpu.memory_space<vmem>>, vector<64x1xf32>
    %mul3A_50 = vector.broadcast %get3A_49 : vector<64x1xf32> to vector<64x2048xf32>
    %mul3A_51 = arith.mulf %mul3A_46, %mul3A_50 : vector<64x2048xf32>
    %get3A_52 = arith.constant 0 : index
    %get3A_53 = arith.constant 0 : index
    %get3A_54 = vector.load %arg7[%get3A_52, %get3A_53] : memref<64x1xf32, #tpu.memory_space<vmem>>, vector<64x1xf32>
    %add3A_55 = vector.broadcast %get3A_54 : vector<64x1xf32> to vector<64x2048xf32>
    %add3A_56 = arith.addf %mul3A_51, %add3A_55 : vector<64x2048xf32>
    %swap3A = arith.constant 0 : index
    %swap3A_57 = arith.constant 0 : index
    %swap3A_58 = vector.load %arg8[%swap3A, %swap3A_57] : memref<64x2048xf32, #tpu.memory_space<vmem>>, vector<64x2048xf32>
    tpu.vector_store %arg8[%swap3A, %swap3A_57], %add3A_56 {strides = array<i32>} : memref<64x2048xf32, #tpu.memory_space<vmem>>, vector<64x2048xf32>,
    return
  }
  func.func @transform_0(%arg0: i32) -> (i32, i32) {
    %c0_i32 = arith.constant 0 : i32
    %c0_i32_0 = arith.constant 0 : i32
    return %arg0, %c0_i32 : i32, i32
  }
  func.func @transform_1(%arg0: i32) -> (i32, i32) {
    %c0_i32 = arith.constant 0 : i32
    %c0_i32_0 = arith.constant 0 : i32
    return %arg0, %c0_i32 : i32, i32
  }
  func.func @transform_2(%arg0: i32) -> (i32, i32) {
    %c0_i32 = arith.constant 0 : i32
    %c0_i32_0 = arith.constant 0 : i32
    %c0_i32_1 = arith.constant 0 : i32
    return %c0_i32, %c0_i32_0 : i32, i32
  }
  func.func @transform_3(%arg0: i32) -> (i32, i32) {
    %c0_i32 = arith.constant 0 : i32
    %c0_i32_0 = arith.constant 0 : i32
    %c0_i32_1 = arith.constant 0 : i32
    return %c0_i32, %c0_i32_0 : i32, i32
  }
  func.func @transform_4(%arg0: i32) -> (i32, i32) {
    %c0_i32 = arith.constant 0 : i32
    %c0_i32_0 = arith.constant 0 : i32
    %c0_i32_1 = arith.constant 0 : i32
    return %c0_i32, %c0_i32_0 : i32, i32
  }
  func.func @transform_5(%arg0: i32) -> (i32, i32) {
    %c0_i32 = arith.constant 0 : i32
    %c0_i32_0 = arith.constant 0 : i32
    %c0_i32_1 = arith.constant 0 : i32
    return %c0_i32, %c0_i32_0 : i32, i32
  }
  func.func @transform_6(%arg0: i32) -> (i32, i32) {
    %c0_i32 = arith.constant 0 : i32
    %c0_i32_0 = arith.constant 0 : i32
    %c0_i32_1 = arith.constant 0 : i32
    return %c0_i32, %c0_i32_0 : i32, i32
  }
  func.func @transform_7(%arg0: i32) -> (i32, i32) {
    %c0_i32 = arith.constant 0 : i32
    %c0_i32_0 = arith.constant 0 : i32
    return %c0_i32, %arg0 : i32, i32
  }
}

</mosaic_0001>

<sc_bundles>
// kernel: kernel.4.cloned.1.call-start
scs
__scs_entry_jumppad:
0x0: {  	(pc) =	sbr.rel $0x88, $3  }
0x1: {  	(tag) =	ssettag $0x0;
	lr =	simm.s32 $0x1  }
0x2: {  	[smem:$0x3F9B] =	sst lr;
	_ =	strace $0xD0000000  }
0x3: {  	_ = 	snop  }
0x4: {  	_ = 	snop  }
0x5: {  	_ = 	snop  }
0x6: {  	_ = 	snop  }
0x7: {  	_ = 	snop  }
__scs_overlays_trampoline_lowered:
0x8: {  	[smem:$0x3FAA] =	sst s0  }
0x9: {  	[smem:$0x3FAB] =	sst s1  }
0xa: {  	[smem:$0x3FAC] =	sst s2  }
0xb: {  	[smem:$0x3FAD] =	sst s3  }
0xc: {  	[smem:$0x3FAE] =	sst s4  }
0xd: {  	[smem:$0x3FAF] =	sst s5  }
0xe: {  	[smem:$0x3FB0] =	sst s6  }
0xf: {  	[smem:$0x3FB1] =	sst s7  }
0x10: {  	[smem:$0x3FB2] =	sst s8  }
0x11: {  	[smem:$0x3FB3] =	sst s9;
	s0 =	simm.s32 @!p0 $0x0  }
0x12: {  	s1 =	sld [smem:$0x3F99];
	s0 =	simm.s32 @p0 $0x1  }
0x13: {  	[smem:$0x3FB4] =	sst s0;
	s0 =	simm.s32 @!p1 $0x0  }
0x14: {  	s2 =	sld [smem:$0x3F98];
	s0 =	simm.s32 @p1 $0x1  }
0x15: {  	[smem:$0x3FB5] =	sst s0;
	s0 =	simm.s32 @!p2 $0x0  }
0x16: {  	s3 =	sld [smem:$0x3FDB];
	s0 =	simm.s32 @p2 $0x1  }
0x17: {  	s4 =	simm.s32 $0x1BF5;
	[smem:$0x3FB7] =	sst s0  }
0x18: {  	s0 =	sld [smem:$0x3F9A];
	_ =	swait.ge [sflag:s4], $0x0  }
0x19: {  	s7 =	sld [smem:$0x3F9B]  }
0x1a: {  	s8 =	sadd.s32 $0xFFFFE003, lr  }
0x1b: {  	s9 =	sadd.s32 $0xFFFFFEF7, lr;
	s5 =	simm.s32 $0xFFFFFFFF;
	p2 =	slt.u32 s8, $0xFFFFF086  }
0x1c: {  	p1 =	slt.u32 s9, $0xF7A;
	s5 =	simm.s32 @!p2 $0x0  }
0x1d: {  	s5 =	simm.s32 @p1 $0x1;
	p0 =	seq.s32 s7, s2  }
0x1e: {  	s7 =	smul.u32 @!p0 $0xF7A, s2;
	p2 =	seq.s32 @!p0 s5, $0x0  }
0x1f: {  	s9 =	smul.u32 $0xF7A, s1;
	s8 =	simm.s32 @!p0 $0x1BF5;
	p2 =	por !p2, p0  }
0x20: {  	[sflag:s8] =	ssyncset.s32 @!p0 $0xFFFFF086;
	s6 =	sadd.s32 @!p0 s3, s7;
	s7 =	simm.s32 @!p0 $0x108  }
0x21: {  	s3 =	sadd.s32 s3, s9;
	s6 =	sadd.s32 @!p0 $0x88, s6;
	s7 =	simm.s32 @p2 $0x1082  }
0x22: {  	[simem:s7], [sflag:s8] =	dma.local @!p0 [hbm:s6], $0xF7A  }
0x23: {  	s9 =	sor.u32 $0xD0000000, s2;
	s6 =	simm.s32 $0x108;
	_ =	swait.ge @!p0 [sflag:s8], $0x0  }
0x24: {  	s3 =	sadd.s32 $0x88, s3;
	s6 =	simm.s32 @!p1 $0x1082;
	[sflag:s4] =	ssyncset.s32 $0xFFFFF086  }
0x25: {  	[simem:s6], [sflag:s4] =	dma.local [hbm:s3], $0xF7A  }
0x26: {  	[smem:$0x3F9B] =	sst s1;
	(tag) =	ssettag s2;
	_ =	strace s9  }
0x27: {  	s1 =	sld [smem:$0x3FAB]  }
0x28: {  	s2 =	sld [smem:$0x3FAC]  }
0x29: {  	s4 =	sld [smem:$0x3FAE]  }
0x2a: {  	p0 =	seq.s32 s5, $0x0;
	s5 =	sld [smem:$0x3FAF]  }
0x2b: {  	s6 =	sld [smem:$0x3FB0]  }
0x2c: {  	s7 =	sld [smem:$0x3FB1]  }
0x2d: {  	s3 =	simm.s32 $0x108;
	s8 =	sld [smem:$0x3FB2]  }
0x2e: {  	s3 =	simm.s32 @!p0 $0x1082;
	s9 =	sld [smem:$0x3FB3]  }
0x2f: {  	lr =	sadd.s32 s0, s3;
	s0 =	sld [smem:$0x3FAA]  }
0x30: {  	s3 =	sld [smem:$0x3FAD]  }
0x31: {  	[smem:$0x3FB6] =	sst s10  }
0x32: {  	s10 =	sld [smem:$0x3FB4];
	_ =	sdelay $0x3  }
0x33: {  	p0 =	seq.s32 s10, $0x1;
	s10 =	sld [smem:$0x3FB6];
	_ =	sdelay $0x3  }
0x34: {  	[smem:$0x3FB6] =	sst s10  }
0x35: {  	s10 =	sld [smem:$0x3FB5];
	_ =	sdelay $0x3  }
0x36: {  	p1 =	seq.s32 s10, $0x1;
	s10 =	sld [smem:$0x3FB6];
	_ =	sdelay $0x3  }
0x37: {  	[smem:$0x3FB6] =	sst s10  }
0x38: {  	s10 =	sld [smem:$0x3FB7]  }
0x39: {  	_ = 	snop;
	(pc) =	sbr.ind lr, $3  }
0x3a: {  	_ = 	snop  }
0x3b: {  	_ = 	snop  }
0x3c: {  	p2 =	seq.s32 s10, $0x1;
	s10 =	sld [smem:$0x3FB6]  }
0x3d: {  	_ =	shalt  }
0x3e: {  	_ =	shalt  }
0x3f: {  	_ =	shalt  }
0x40: {  	_ =	shalt  }
0x41: {  	_ =	shalt  }
0x42: {  	_ =	shalt  }
0x43: {  	_ =	shalt  }
0x44: {  	_ =	shalt  }
0x45: {  	_ =	shalt  }
0x46: {  	_ =	shalt  }
0x47: {  	_ =	shalt  }
0x48: {  	_ =	shalt  }
0x49: {  	_ =	shalt  }
0x4a: {  	_ =	shalt  }
0x4b: {  	_ =	shalt  }
0x4c: {  	_ =	shalt  }
0x4d: {  	_ =	shalt  }
0x4e: {  	_ =	shalt  }
0x4f: {  	_ =	shalt  }
0x50: {  	_ =	shalt  }
0x51: {  	_ =	shalt  }
0x52: {  	_ =	shalt  }
0x53: {  	_ =	shalt  }
0x54: {  	_ =	shalt  }
0x55: {  	_ =	shalt  }
0x56: {  	_ =	shalt  }
0x57: {  	_ =	shalt  }
0x58: {  	_ =	shalt  }
0x59: {  	_ =	shalt  }
0x5a: {  	_ =	shalt  }
0x5b: {  	_ =	shalt  }
0x5c: {  	_ =	shalt  }
0x5d: {  	_ =	shalt  }
0x5e: {  	_ =	shalt  }
0x5f: {  	_ =	shalt  }
0x60: {  	_ =	shalt  }
0x61: {  	_ =	shalt  }
0x62: {  	_ =	shalt  }
0x63: {  	_ =	shalt  }
0x64: {  	_ =	shalt  }
0x65: {  	_ =	shalt  }
0x66: {  	_ =	shalt  }
0x67: {  	_ =	shalt  }
0x68: {  	_ =	shalt  }
0x69: {  	_ =	shalt  }
0x6a: {  	_ =	shalt  }
0x6b: {  	_ =	shalt  }
0x6c: {  	_ =	shalt  }
0x6d: {  	_ =	shalt  }
0x6e: {  	_ =	shalt  }
0x6f: {  	_ =	shalt  }
0x70: {  	_ =	shalt  }
0x71: {  	_ =	shalt  }
0x72: {  	_ =	shalt  }
0x73: {  	_ =	shalt  }
0x74: {  	_ =	shalt  }
0x75: {  	_ =	shalt  }
0x76: {  	_ =	shalt  }
0x77: {  	_ =	shalt  }
0x78: {  	_ =	shalt  }
0x79: {  	_ =	shalt  }
0x7a: {  	_ =	shalt  }
0x7b: {  	_ =	shalt  }
0x7c: {  	_ =	shalt  }
0x7d: {  	_ =	shalt  }
0x7e: {  	_ =	shalt  }
0x7f: {  	_ =	shalt  }
0x80: {  	_ =	shalt  }
0x81: {  	_ =	shalt  }
0x82: {  	_ =	shalt  }
0x83: {  	_ =	shalt  }
0x84: {  	_ =	shalt  }
0x85: {  	_ =	shalt  }
0x86: {  	_ =	shalt  }
0x87: {  	_ =	shalt  }
.Lfunc_end0:
.L_simem_size_0:
called_computation_lowered:
.L_overlay_start_0:
0x88: {  	s2 =	sld [smem:$0x3FD9]  }
0x89: {  	s3 =	sld [smem:$0x3FFE];
	_ =	sdelay $0x1  }
0x8a: {  	s1 =	srdreg.scid  }
0x8b: {  	s0 =	sand.u32 $0x1, s1  }
0x8c: {  	s17 =	sshll.u32 s0, $0xA;
	s2 =	sadd.s32 s3, s2  }
0x8d: {  	s2 =	sadd.s32 s2, s17  }
0x8e: {  	[smem:$0x3FC2] =	sst s2  }
0x8f: {  	_ = 	snop  }
0x90: {  	s2 =	sld [smem:$0x3FD0];
	(tm) =	ssettm $0x1  }
0x91: {  	s18 =	sld [smem:$0x3FFB];
	_ =	sdelay $0x3  }
0x92: {  	_ =	strace s18  }
0x93: {  	s3 =	sld [smem:$0x3FFC];
	_ =	sdelay $0x3  }
0x94: {  	_ =	strace s3  }
0x95: {  	s3 =	sld [smem:$0x3FFD];
	_ =	sdelay $0x3  }
0x96: {  	_ =	strace s3  }
0x97: {  	_ =	strace $0x8FFFFFFF  }
0x98: {  	s19 =	sld [smem:$0x3FDB];
	_ =	sdelay $0x1  }
0x99: {  	s4 =	simm.s32 $_scs_section_size  }
0x9a: {  	s5 =	simm.s32 $_size__tile_overlayer_lowered;
	s6 =	simm.s32 $_tile_overlayer_lowered  }
0x9b: {  	s22 =	simm.s32 $0x1BFF;
	s21 =	sshll.u32 s6, $0x1;
	s3 =	sadd.s32 s4, s19  }
0x9c: {  	s7 =	simm.s32 $0x0;
	s20 =	sshll.u32 s5, $0x1;
	s5 =	sadd.s32 s21, s3  }
0x9d: {  	[timem:s7], [sflag:s22] =	dma.local [hbm:s5], s20  }
0x9e: {  	_ =	swait.ge [sflag:s22], s20  }
0x9f: {  	s4 =	ssub.s32 $0x0, s20;
	[sflag:s22] =	ssyncset.done $0x0  }
0xa0: {  	[sflag:s22] =	ssyncadd.s32 s4;
	_ =	sdelay $0x1  }
0xa1: {  	s23 =	simm.s32 $0x1B8B  }
0xa2: {  	_ =	swait.ge [sflag:s23], $0x1  }
0xa3: {  	[sflag:s23] =	ssyncset.done $0x0  }
0xa4: {  	s25 =	simm.s32 $0x1B8E;
	s24 =	sld [smem:$0x3FFE];
	[sflag:s23] =	ssyncadd.s32 $0xFFFFFFFF  }
0xa5: {  	s26 =	simm.s32 $execute0_lowered;
	[smem:$0x3FD2] =	sst s25  }
0xa6: {  	s5 =	sshll.u32 s26, $0x1;
	_ =	strace $0x80000046;
	[dreg:$0x1] =	wrdreg $0xFFFFFFFF  }
0xa7: {  	s28 =	simm.s32 $_size_execute0_lowered;
	s3 =	sadd.s32 s3, s5;
	[dreg:$0x0] =	wrdreg $0x0  }
0xa8: {  	s5 =	sshll.u32 s28, $0x1;
	[dreg:$0x2] =	wrdreg s3  }
0xa9: {  	[dreg:$0x3] =	wrdreg s5  }
0xaa: {  	[dreg:$0x4] =	wrdreg $0xC0  }
0xab: {  	_ =	task [dreg:s7], $0x5FFFF  }
0xac: {  	[dreg:$0x1] =	wrdreg $0xFFFFFFFF  }
0xad: {  	[dreg:$0x0] =	wrdreg $0x60  }
0xae: {  	[dreg:$0x2] =	wrdreg s2  }
0xaf: {  	[dreg:$0x3] =	wrdreg s24  }
0xb0: {  	[dreg:$0x4] =	wrdreg $0x9  }
0xb1: {  	_ =	task.clear_ibuf [dreg:s7], $0x5FFFF;
	_ =	strace $0x90000046  }
0xb2: {  	s29 =	simm.s32 $0x9;
	_ =	strace $0x80000048  }
0xb3: {  	_ =	swait.ge [sflag:s29], $0x1  }
0xb4: {  	[sflag:s29] =	ssyncadd.s32 $0xFFFFFFFF  }
0xb5: {  	_ =	strace $0x90000048  }
0xb6: {  	_ =	sfence  }
0xb7: {  	s30 =	sld [smem:$0x0];
	_ =	sdelay $0x2  }
0xb8: {  	s31 =	sshll.u32 s1, $0xD;
	s1 =	sshrl.u32 s1, $0x2  }
0xb9: {  	s3 =	sand.u32 $0x4000, s31;
	s1 =	sadd.s32 s1, s30  }
0xba: {  	s0 =	sor.u32 s3, s0;
	s1 =	sshll.u32 s1, $0x11  }
0xbb: {  	s0 =	sor.u32 s1, s0  }
0xbc: {  	s0 =	sadd.s32 $0x8F2B, s0  }
0xbd: {  	[sflag:s0] =	ssyncadd.remote.s32 $0x1  }
0xbe: {  	_ =	sfence.sel $0xFFFF  }
0xbf: {  	[dreg:$0x0] =	wrdreg $0xFFFFFFFF;
	(pc) =	sbr.abs _section_cstart, $3  }
0xc0: {  	[dreg:$0x1] =	wrdreg $0xFFFFFFFF  }
0xc1: {  	_ =	task.clear_ibuf [dreg:s7], $0x2FFFF;
	_ =	strace $0x9FFFFFFF  }
0xc2: {  	(tm) =	ssettm $0x7FFFFFFF  }
0xc3: {  	_ =	shalt  }
tec
execute0_lowered:
.L_overlay_start_1:
0x0: {  	(tag) =	ssettag $0x1  }
0x1: {  	s2 =	rddreg [dreg:$0x0]  }
0x2: {  	s0 =	rddreg [dreg:$0x1]  }
0x3: {  	s1 =	srdreg.scid;
	s4 =	stileid.u32  }
0x4: {  	s3 =	simm.s32 $0x0;
	s13 =	simm.s32 $0x3;
	s14 =	simm.s32 $0x32  }
0x5: {  	s15 =	simm.s32 $0x700;
	s28 =	simm.s32 $0xCE8;
	s29 =	simm.s32 $0x17EC0  }
0x6: {  	s30 =	simm.s32 $0xD20;
	s31 =	simm.s32 $0x18500;
	s8 =	simm.s32 $0xD90  }
0x7: {  	s12 =	simm.s32 $0x19180;
	s10 =	simm.s32 $0x197C0;
	s16 =	simm.s32 $0x1  }
0x8: {  	s17 =	simm.s32 $0x19E00;
	s18 =	simm.s32 $0x2;
	s20 =	simm.s32 $0x0  }
0x9: {  	s1 =	sand.u32 $0x1, s1;
	s4 =	sshll.u32 s4, $0xA;
	[smem:$0x7FF] =	sst s3  }
0xa: {  	s6 =	sadd.s32 $0x1354400, s0;
	s5 =	sshll.u32 s1, $0x9;
	s1 =	ssub.s32 $0x2, s1  }
0xb: {  	_ =	strace $0x80000047;
	s4 =	sor.u32 s5, s4;
	s24 =	sshrl.u32 s1, $0x1  }
0xc: {  	s5 =	sadd.s32 $0xF83A00, s0;
	s7 =	smul.u32 $0x7, s4;
	s0 =	ssub.s32 s1, s24  }
0xd: {  	s25 =	sshll.u32 s4, $0x2;
	s26 =	sor.u32 $0x40, s4;
	s11 =	sor.u32 $0x60, s4  }
.Ltmp0:
0xe: {  	s24 =	simm.s32 $0x17240;
	s1 =	simm.s32 $0x18B40;
	(pc) =	sbr.rel .LBB2_1-.Ltmp0, $4  }
0xf: {  	s9 =	sadd.s32 s6, s25;
	[dreg:$0x5] =	wrdreg s26;
	s0 =	smax.u32 s0, $0x1  }
0x10: {  	s25 =	simm.s32 $0xCB0;
	s7 =	sadd.s32 s2, s7;
	[dreg:$0x6] =	wrdreg s0  }
0x11: {  	s26 =	simm.s32 $0x17880;
	[dreg:$0x3] =	wrdreg s7;
	s7 =	sadd.s32 $0xE0, s7  }
0x12: {  	s0 =	simm.s32 $0xD58;
	[dreg:$0x4] =	wrdreg s7;
	s7 =	simm.s32 $0xDC8  }
.LBB2_10:
0x13: {  	s20 =	rddreg [dreg:$0x7]  }
0x14: {  	s19 =	rddreg [dreg:$0x6];
	s20 =	sadd.s32 $0x1, s20  }
0x15: {  	p0 =	sne.s32 s20, s19  }
.Ltmp1:
0x16: {  	_ = 	snop;
	(pc) =	sbr.rel @!p0 .LBB2_11-.Ltmp1, $1  }
0x17: {  	_ =	sdelay $0x3  }
.LBB2_1:
0x18: {  	[dreg:$0x7] =	wrdreg s20  }
0x19: {  	s19 =	rddreg [dreg:$0x3]  }
0x1a: {  	[tilespmem:s3], [sflag:$0x3] =	stream.linear.gather [hbm4b:s19+s3], $0x700, $0x38;
	[tilespmem:$0x1A200] =	vst v63  }
0x1b: {  	_ =	swait.ge [sflag:s13], $0x700  }
0x1c: {  	[sflag:s13] =	ssyncset.done $0x0  }
0x1d: {  	s21 =	simm.s32 $0xE00;
	[sflag:s13] =	ssyncadd.s32 $0xFFFFF900  }
0x1e: {  	[tilespmem:s21], [sflag:$0x1] =	stream.indirect.gather [hbm4b:s5+s14], $0x20, s3, s14, $0xb8;
	[tilespmem:$0x1A200] =	vst v63  }
0x1f: {  	s22 =	simm.s32 $0x38;
	s23 =	simm.s32 $0x1440  }
0x20: {  	[tilespmem:s23], [sflag:$0x1] =	stream.indirect.gather [hbm4b:s5+s14], $0x20, s22, s14, $0xb8;
	[tilespmem:$0x1A200] =	vst v63  }
0x21: {  	s20 =	simm.s32 $0x70;
	s21 =	simm.s32 $0x1A80  }
0x22: {  	[tilespmem:s21], [sflag:$0x1] =	stream.indirect.gather [hbm4b:s5+s14], $0x20, s20, s14, $0xb8;
	[tilespmem:$0x1A200] =	vst v63  }
0x23: {  	s22 =	simm.s32 $0xA8;
	s23 =	simm.s32 $0x20C0  }
0x24: {  	[tilespmem:s23], [sflag:$0x1] =	stream.indirect.gather [hbm4b:s5+s14], $0x20, s22, s14, $0xb8;
	[tilespmem:$0x1A200] =	vst v63  }
0x25: {  	s20 =	simm.s32 $0xE0;
	s21 =	simm.s32 $0x2700  }
0x26: {  	[tilespmem:s21], [sflag:$0x1] =	stream.indirect.gather [hbm4b:s5+s14], $0x20, s20, s14, $0xb8;
	[tilespmem:$0x1A200] =	vst v63  }
0x27: {  	s22 =	simm.s32 $0x118;
	s23 =	simm.s32 $0x2D40  }
0x28: {  	[tilespmem:s23], [sflag:$0x1] =	stream.indirect.gather [hbm4b:s5+s14], $0x20, s22, s14, $0xb8;
	[tilespmem:$0x1A200] =	vst v63  }
0x29: {  	s20 =	simm.s32 $0x150;
	s21 =	simm.s32 $0x3380  }
0x2a: {  	[tilespmem:s21], [sflag:$0x1] =	stream.indirect.gather [hbm4b:s5+s14], $0x20, s20, s14, $0xb8;
	[tilespmem:$0x1A200] =	vst v63  }
0x2b: {  	s22 =	simm.s32 $0x188;
	s23 =	simm.s32 $0x39C0  }
0x2c: {  	[tilespmem:s23], [sflag:$0x1] =	stream.indirect.gather [hbm4b:s5+s14], $0x20, s22, s14, $0xb8;
	[tilespmem:$0x1A200] =	vst v63  }
0x2d: {  	s20 =	simm.s32 $0x1C0;
	s21 =	simm.s32 $0x4000  }
0x2e: {  	[tilespmem:s21], [sflag:$0x1] =	stream.indirect.gather [hbm4b:s5+s14], $0x20, s20, s14, $0xb8;
	[tilespmem:$0x1A200] =	vst v63  }
0x2f: {  	s22 =	simm.s32 $0x1F8;
	s23 =	simm.s32 $0x4640  }
0x30: {  	[tilespmem:s23], [sflag:$0x1] =	stream.indirect.gather [hbm4b:s5+s14], $0x20, s22, s14, $0xb8;
	[tilespmem:$0x1A200] =	vst v63  }
0x31: {  	s20 =	simm.s32 $0x230;
	s21 =	simm.s32 $0x4C80  }
0x32: {  	[tilespmem:s21], [sflag:$0x1] =	stream.indirect.gather [hbm4b:s5+s14], $0x20, s20, s14, $0xb8;
	[tilespmem:$0x1A200] =	vst v63  }
0x33: {  	s22 =	simm.s32 $0x268;
	s23 =	simm.s32 $0x52C0  }
0x34: {  	[tilespmem:s23], [sflag:$0x1] =	stream.indirect.gather [hbm4b:s5+s14], $0x20, s22, s14, $0xb8;
	[tilespmem:$0x1A200] =	vst v63  }
0x35: {  	s20 =	simm.s32 $0x2A0;
	s21 =	simm.s32 $0x5900  }
0x36: {  	[tilespmem:s21], [sflag:$0x1] =	stream.indirect.gather [hbm4b:s5+s14], $0x20, s20, s14, $0xb8;
	[tilespmem:$0x1A200] =	vst v63  }
0x37: {  	s22 =	simm.s32 $0x2D8;
	s23 =	simm.s32 $0x5F40  }
0x38: {  	[tilespmem:s23], [sflag:$0x1] =	stream.indirect.gather [hbm4b:s5+s14], $0x20, s22, s14, $0xb8;
	[tilespmem:$0x1A200] =	vst v63  }
0x39: {  	s20 =	simm.s32 $0x310;
	s21 =	simm.s32 $0x6580  }
0x3a: {  	[tilespmem:s21], [sflag:$0x1] =	stream.indirect.gather [hbm4b:s5+s14], $0x20, s20, s14, $0xb8;
	[tilespmem:$0x1A200] =	vst v63  }
0x3b: {  	s22 =	simm.s32 $0x348;
	s23 =	simm.s32 $0x6BC0  }
0x3c: {  	[tilespmem:s23], [sflag:$0x1] =	stream.indirect.gather [hbm4b:s5+s14], $0x20, s22, s14, $0xb8;
	[tilespmem:$0x1A200] =	vst v63  }
0x3d: {  	s20 =	simm.s32 $0x380;
	s21 =	simm.s32 $0x7200  }
0x3e: {  	[tilespmem:s21], [sflag:$0x1] =	stream.indirect.gather [hbm4b:s5+s14], $0x20, s20, s14, $0xb8;
	[tilespmem:$0x1A200] =	vst v63  }
0x3f: {  	s22 =	simm.s32 $0x3B8;
	s23 =	simm.s32 $0x7840  }
0x40: {  	[tilespmem:s23], [sflag:$0x1] =	stream.indirect.gather [hbm4b:s5+s14], $0x20, s22, s14, $0xb8;
	[tilespmem:$0x1A200] =	vst v63  }
0x41: {  	s20 =	simm.s32 $0x3F0;
	s21 =	simm.s32 $0x7E80  }
0x42: {  	[tilespmem:s21], [sflag:$0x1] =	stream.indirect.gather [hbm4b:s5+s14], $0x20, s20, s14, $0xb8;
	[tilespmem:$0x1A200] =	vst v63  }
0x43: {  	s22 =	simm.s32 $0x428;
	s23 =	simm.s32 $0x84C0  }
0x44: {  	[tilespmem:s23], [sflag:$0x1] =	stream.indirect.gather [hbm4b:s5+s14], $0x20, s22, s14, $0xb8;
	[tilespmem:$0x1A200] =	vst v63  }
0x45: {  	s20 =	simm.s32 $0x460;
	s21 =	simm.s32 $0x8B00  }
0x46: {  	[tilespmem:s21], [sflag:$0x1] =	stream.indirect.gather [hbm4b:s5+s14], $0x20, s20, s14, $0xb8;
	[tilespmem:$0x1A200] =	vst v63  }
0x47: {  	s22 =	simm.s32 $0x498;
	s23 =	simm.s32 $0x9140  }
0x48: {  	[tilespmem:s23], [sflag:$0x1] =	stream.indirect.gather [hbm4b:s5+s14], $0x20, s22, s14, $0xb8;
	[tilespmem:$0x1A200] =	vst v63  }
0x49: {  	s20 =	simm.s32 $0x4D0;
	s21 =	simm.s32 $0x9780  }
0x4a: {  	[tilespmem:s21], [sflag:$0x1] =	stream.indirect.gather [hbm4b:s5+s14], $0x20, s20, s14, $0xb8;
	[tilespmem:$0x1A200] =	vst v63  }
0x4b: {  	s22 =	simm.s32 $0x508;
	s23 =	simm.s32 $0x9DC0  }
0x4c: {  	[tilespmem:s23], [sflag:$0x1] =	stream.indirect.gather [hbm4b:s5+s14], $0x20, s22, s14, $0xb8;
	[tilespmem:$0x1A200] =	vst v63  }
0x4d: {  	s20 =	simm.s32 $0x540;
	s21 =	simm.s32 $0xA400  }
0x4e: {  	[tilespmem:s21], [sflag:$0x1] =	stream.indirect.gather [hbm4b:s5+s14], $0x20, s20, s14, $0xb8;
	[tilespmem:$0x1A200] =	vst v63  }
0x4f: {  	s22 =	simm.s32 $0x578;
	s23 =	simm.s32 $0xAA40  }
0x50: {  	[tilespmem:s23], [sflag:$0x1] =	stream.indirect.gather [hbm4b:s5+s14], $0x20, s22, s14, $0xb8;
	[tilespmem:$0x1A200] =	vst v63  }
0x51: {  	s20 =	simm.s32 $0x5B0;
	s21 =	simm.s32 $0xB080  }
0x52: {  	[tilespmem:s21], [sflag:$0x1] =	stream.indirect.gather [hbm4b:s5+s14], $0x20, s20, s14, $0xb8;
	[tilespmem:$0x1A200] =	vst v63  }
0x53: {  	s22 =	simm.s32 $0x5E8;
	s23 =	simm.s32 $0xB6C0  }
0x54: {  	[tilespmem:s23], [sflag:$0x1] =	stream.indirect.gather [hbm4b:s5+s14], $0x20, s22, s14, $0xb8;
	[tilespmem:$0x1A200] =	vst v63  }
0x55: {  	s20 =	simm.s32 $0x620;
	s21 =	simm.s32 $0xBD00  }
0x56: {  	[tilespmem:s21], [sflag:$0x1] =	stream.indirect.gather [hbm4b:s5+s14], $0x20, s20, s14, $0xb8;
	[tilespmem:$0x1A200] =	vst v63  }
0x57: {  	s22 =	simm.s32 $0x658;
	s23 =	simm.s32 $0xC340  }
0x58: {  	[tilespmem:s23], [sflag:$0x1] =	stream.indirect.gather [hbm4b:s5+s14], $0x20, s22, s14, $0xb8;
	[tilespmem:$0x1A200] =	vst v63  }
0x59: {  	s20 =	simm.s32 $0x690;
	s21 =	simm.s32 $0xC980  }
0x5a: {  	[tilespmem:s21], [sflag:$0x1] =	stream.indirect.gather [hbm4b:s5+s14], $0x20, s20, s14, $0xb8;
	[tilespmem:$0x1A200] =	vst v63  }
0x5b: {  	s22 =	simm.s32 $0x6C8;
	s23 =	simm.s32 $0xCFC0  }
0x5c: {  	[tilespmem:s23], [sflag:$0x1] =	stream.indirect.gather [hbm4b:s5+s14], $0x20, s22, s14, $0xb8;
	[tilespmem:$0x1A200] =	vst v63  }
0x5d: {  	s20 =	rddreg [dreg:$0x4]  }
0x5e: {  	[tilespmem:s15], [sflag:$0x3] =	stream.linear.gather [hbm4b:s20+s3], $0x700, $0x38;
	[tilespmem:$0x1A200] =	vst v63  }
0x5f: {  	_ =	swait.ge [sflag:s13], $0x700  }
0x60: {  	[sflag:s13] =	ssyncset.done $0x0  }
0x61: {  	s21 =	simm.s32 $0xD600;
	[sflag:s13] =	ssyncadd.s32 $0xFFFFF900  }
0x62: {  	[tilespmem:s21], [sflag:$0x2] =	stream.indirect.gather [hbm4b:s5+s14], $0x20, s15, s14, $0xb8;
	[tilespmem:$0x1A200] =	vst v63  }
0x63: {  	s22 =	simm.s32 $0x738;
	s23 =	simm.s32 $0xDC40  }
0x64: {  	[tilespmem:s23], [sflag:$0x2] =	stream.indirect.gather [hbm4b:s5+s14], $0x20, s22, s14, $0xb8;
	[tilespmem:$0x1A200] =	vst v63  }
0x65: {  	s20 =	simm.s32 $0x770;
	s21 =	simm.s32 $0xE280  }
0x66: {  	[tilespmem:s21], [sflag:$0x2] =	stream.indirect.gather [hbm4b:s5+s14], $0x20, s20, s14, $0xb8;
	[tilespmem:$0x1A200] =	vst v63  }
0x67: {  	s22 =	simm.s32 $0x7A8;
	s23 =	simm.s32 $0xE8C0  }
0x68: {  	[tilespmem:s23], [sflag:$0x2] =	stream.indirect.gather [hbm4b:s5+s14], $0x20, s22, s14, $0xb8;
	[tilespmem:$0x1A200] =	vst v63  }
0x69: {  	s20 =	simm.s32 $0x7E0;
	s21 =	simm.s32 $0xEF00  }
0x6a: {  	[tilespmem:s21], [sflag:$0x2] =	stream.indirect.gather [hbm4b:s5+s14], $0x20, s20, s14, $0xb8;
	[tilespmem:$0x1A200] =	vst v63  }
0x6b: {  	s22 =	simm.s32 $0x818;
	s23 =	simm.s32 $0xF540  }
0x6c: {  	[tilespmem:s23], [sflag:$0x2] =	stream.indirect.gather [hbm4b:s5+s14], $0x20, s22, s14, $0xb8;
	[tilespmem:$0x1A200] =	vst v63  }
0x6d: {  	s20 =	simm.s32 $0x850;
	s21 =	simm.s32 $0xFB80  }
0x6e: {  	[tilespmem:s21], [sflag:$0x2] =	stream.indirect.gather [hbm4b:s5+s14], $0x20, s20, s14, $0xb8;
	[tilespmem:$0x1A200] =	vst v63  }
0x6f: {  	s22 =	simm.s32 $0x888;
	s23 =	simm.s32 $0x101C0  }
0x70: {  	[tilespmem:s23], [sflag:$0x2] =	stream.indirect.gather [hbm4b:s5+s14], $0x20, s22, s14, $0xb8;
	[tilespmem:$0x1A200] =	vst v63  }
0x71: {  	s20 =	simm.s32 $0x8C0;
	s21 =	simm.s32 $0x10800  }
0x72: {  	[tilespmem:s21], [sflag:$0x2] =	stream.indirect.gather [hbm4b:s5+s14], $0x20, s20, s14, $0xb8;
	[tilespmem:$0x1A200] =	vst v63  }
0x73: {  	s22 =	simm.s32 $0x8F8;
	s23 =	simm.s32 $0x10E40  }
0x74: {  	[tilespmem:s23], [sflag:$0x2] =	stream.indirect.gather [hbm4b:s5+s14], $0x20, s22, s14, $0xb8;
	[tilespmem:$0x1A200] =	vst v63  }
0x75: {  	s20 =	simm.s32 $0x930;
	s21 =	simm.s32 $0x11480  }
0x76: {  	[tilespmem:s21], [sflag:$0x2] =	stream.indirect.gather [hbm4b:s5+s14], $0x20, s20, s14, $0xb8;
	[tilespmem:$0x1A200] =	vst v63  }
0x77: {  	s22 =	simm.s32 $0x968;
	s23 =	simm.s32 $0x11AC0  }
0x78: {  	[tilespmem:s23], [sflag:$0x2] =	stream.indirect.gather [hbm4b:s5+s14], $0x20, s22, s14, $0xb8;
	[tilespmem:$0x1A200] =	vst v63  }
0x79: {  	s20 =	simm.s32 $0x9A0;
	s21 =	simm.s32 $0x12100  }
0x7a: {  	[tilespmem:s21], [sflag:$0x2] =	stream.indirect.gather [hbm4b:s5+s14], $0x20, s20, s14, $0xb8;
	[tilespmem:$0x1A200] =	vst v63  }
0x7b: {  	s22 =	simm.s32 $0x9D8;
	s23 =	simm.s32 $0x12740  }
0x7c: {  	[tilespmem:s23], [sflag:$0x2] =	stream.indirect.gather [hbm4b:s5+s14], $0x20, s22, s14, $0xb8;
	[tilespmem:$0x1A200] =	vst v63  }
0x7d: {  	s20 =	simm.s32 $0xA10;
	s21 =	simm.s32 $0x12D80  }
0x7e: {  	[tilespmem:s21], [sflag:$0x2] =	stream.indirect.gather [hbm4b:s5+s14], $0x20, s20, s14, $0xb8;
	[tilespmem:$0x1A200] =	vst v63  }
0x7f: {  	s22 =	simm.s32 $0xA48;
	s23 =	simm.s32 $0x133C0  }
0x80: {  	[tilespmem:s23], [sflag:$0x2] =	stream.indirect.gather [hbm4b:s5+s14], $0x20, s22, s14, $0xb8;
	[tilespmem:$0x1A200] =	vst v63  }
0x81: {  	s20 =	simm.s32 $0xA80;
	s21 =	simm.s32 $0x13A00  }
0x82: {  	[tilespmem:s21], [sflag:$0x2] =	stream.indirect.gather [hbm4b:s5+s14], $0x20, s20, s14, $0xb8;
	[tilespmem:$0x1A200] =	vst v63  }
0x83: {  	s22 =	simm.s32 $0xAB8;
	s23 =	simm.s32 $0x14040  }
0x84: {  	[tilespmem:s23], [sflag:$0x2] =	stream.indirect.gather [hbm4b:s5+s14], $0x20, s22, s14, $0xb8;
	[tilespmem:$0x1A200] =	vst v63  }
0x85: {  	s20 =	simm.s32 $0xAF0;
	s21 =	simm.s32 $0x14680  }
0x86: {  	[tilespmem:s21], [sflag:$0x2] =	stream.indirect.gather [hbm4b:s5+s14], $0x20, s20, s14, $0xb8;
	[tilespmem:$0x1A200] =	vst v63  }
0x87: {  	s22 =	simm.s32 $0xB28;
	s23 =	simm.s32 $0x14CC0  }
0x88: {  	[tilespmem:s23], [sflag:$0x2] =	stream.indirect.gather [hbm4b:s5+s14], $0x20, s22, s14, $0xb8;
	[tilespmem:$0x1A200] =	vst v63  }
0x89: {  	s20 =	simm.s32 $0xB60;
	s21 =	simm.s32 $0x15300  }
0x8a: {  	[tilespmem:s21], [sflag:$0x2] =	stream.indirect.gather [hbm4b:s5+s14], $0x20, s20, s14, $0xb8;
	[tilespmem:$0x1A200] =	vst v63  }
0x8b: {  	s22 =	simm.s32 $0xB98;
	s23 =	simm.s32 $0x15940  }
0x8c: {  	[tilespmem:s23], [sflag:$0x2] =	stream.indirect.gather [hbm4b:s5+s14], $0x20, s22, s14, $0xb8;
	[tilespmem:$0x1A200] =	vst v63  }
0x8d: {  	s20 =	simm.s32 $0xBD0;
	s21 =	simm.s32 $0x15F80  }
0x8e: {  	[tilespmem:s21], [sflag:$0x2] =	stream.indirect.gather [hbm4b:s5+s14], $0x20, s20, s14, $0xb8;
	[tilespmem:$0x1A200] =	vst v63  }
0x8f: {  	s22 =	simm.s32 $0xC08;
	s23 =	simm.s32 $0x165C0  }
0x90: {  	[tilespmem:s23], [sflag:$0x2] =	stream.indirect.gather [hbm4b:s5+s14], $0x20, s22, s14, $0xb8;
	[tilespmem:$0x1A200] =	vst v63  }
0x91: {  	s21 =	simm.s32 $0xC40;
	s22 =	simm.s32 $0x16C00  }
0x92: {  	[tilespmem:s22], [sflag:$0x2] =	stream.indirect.gather [hbm4b:s5+s14], $0x20, s21, s14, $0xb8;
	[tilespmem:$0x1A200] =	vst v63  }
0x93: {  	s23 =	simm.s32 $0xC78  }
0x94: {  	[tilespmem:s24], [sflag:$0x2] =	stream.indirect.gather [hbm4b:s5+s14], $0x20, s23, s14, $0xb8;
	[tilespmem:$0x1A200] =	vst v63  }
0x95: {  	_ = 	snop  }
0x96: {  	[tilespmem:s26], [sflag:$0x2] =	stream.indirect.gather [hbm4b:s5+s14], $0x20, s25, s14, $0xb8;
	[tilespmem:$0x1A200] =	vst v63  }
0x97: {  	_ = 	snop  }
0x98: {  	[tilespmem:s29], [sflag:$0x2] =	stream.indirect.gather [hbm4b:s5+s14], $0x20, s28, s14, $0xb8;
	[tilespmem:$0x1A200] =	vst v63  }
0x99: {  	_ = 	snop  }
0x9a: {  	[tilespmem:s31], [sflag:$0x2] =	stream.indirect.gather [hbm4b:s5+s14], $0x20, s30, s14, $0xb8;
	[tilespmem:$0x1A200] =	vst v63  }
0x9b: {  	_ = 	snop  }
0x9c: {  	[tilespmem:s1], [sflag:$0x2] =	stream.indirect.gather [hbm4b:s5+s14], $0x20, s0, s14, $0xb8;
	[tilespmem:$0x1A200] =	vst v63  }
0x9d: {  	_ = 	snop  }
0x9e: {  	[tilespmem:s12], [sflag:$0x2] =	stream.indirect.gather [hbm4b:s5+s14], $0x20, s8, s14, $0xb8;
	[tilespmem:$0x1A200] =	vst v63  }
0x9f: {  	s19 =	simm.s32 $0x0  }
0xa0: {  	[tilespmem:s10], [sflag:$0x2] =	stream.indirect.gather [hbm4b:s5+s14], $0x20, s7, s14, $0xb8;
	[tilespmem:$0x1A200] =	vst v63  }
.LBB2_2:
0xa1: {  	_ =	swait.ge [sflag:s16], $0x640  }
0xa2: {  	[sflag:s16] =	ssyncset.done $0x0  }
0xa3: {  	[sflag:s16] =	ssyncadd.s32 $0xFFFFF9C0  }
0xa4: {  	_ =	swait.ge [sflag:s16], $0x640  }
0xa5: {  	[sflag:s16] =	ssyncset.done $0x0  }
0xa6: {  	[sflag:s16] =	ssyncadd.s32 $0xFFFFF9C0  }
0xa7: {  	_ =	swait.ge [sflag:s16], $0x640  }
0xa8: {  	[sflag:s16] =	ssyncset.done $0x0  }
0xa9: {  	[sflag:s16] =	ssyncadd.s32 $0xFFFFF9C0  }
0xaa: {  	_ =	swait.ge [sflag:s16], $0x640  }
0xab: {  	[sflag:s16] =	ssyncset.done $0x0  }
0xac: {  	[sflag:s16] =	ssyncadd.s32 $0xFFFFF9C0  }
0xad: {  	_ =	swait.ge [sflag:s16], $0x640  }
0xae: {  	[sflag:s16] =	ssyncset.done $0x0  }
0xaf: {  	[sflag:s16] =	ssyncadd.s32 $0xFFFFF9C0  }
0xb0: {  	_ =	swait.ge [sflag:s16], $0x640  }
0xb1: {  	[sflag:s16] =	ssyncset.done $0x0  }
0xb2: {  	[sflag:s16] =	ssyncadd.s32 $0xFFFFF9C0  }
0xb3: {  	_ =	swait.ge [sflag:s16], $0x640  }
0xb4: {  	[sflag:s16] =	ssyncset.done $0x0  }
0xb5: {  	[sflag:s16] =	ssyncadd.s32 $0xFFFFF9C0  }
0xb6: {  	_ =	swait.ge [sflag:s16], $0x640  }
0xb7: {  	[sflag:s16] =	ssyncset.done $0x0  }
0xb8: {  	[sflag:s16] =	ssyncadd.s32 $0xFFFFF9C0  }
0xb9: {  	_ =	swait.ge [sflag:s16], $0x640  }
0xba: {  	[sflag:s16] =	ssyncset.done $0x0  }
0xbb: {  	[sflag:s16] =	ssyncadd.s32 $0xFFFFF9C0  }
0xbc: {  	_ =	swait.ge [sflag:s16], $0x640  }
0xbd: {  	[sflag:s16] =	ssyncset.done $0x0  }
0xbe: {  	[sflag:s16] =	ssyncadd.s32 $0xFFFFF9C0  }
0xbf: {  	_ =	swait.ge [sflag:s16], $0x640  }
0xc0: {  	[sflag:s16] =	ssyncset.done $0x0  }
0xc1: {  	[sflag:s16] =	ssyncadd.s32 $0xFFFFF9C0  }
0xc2: {  	_ =	swait.ge [sflag:s16], $0x640  }
0xc3: {  	[sflag:s16] =	ssyncset.done $0x0  }
0xc4: {  	[sflag:s16] =	ssyncadd.s32 $0xFFFFF9C0  }
0xc5: {  	_ =	swait.ge [sflag:s16], $0x640  }
0xc6: {  	[sflag:s16] =	ssyncset.done $0x0  }
0xc7: {  	[sflag:s16] =	ssyncadd.s32 $0xFFFFF9C0  }
0xc8: {  	_ =	swait.ge [sflag:s16], $0x640  }
0xc9: {  	[sflag:s16] =	ssyncset.done $0x0  }
0xca: {  	[sflag:s16] =	ssyncadd.s32 $0xFFFFF9C0  }
0xcb: {  	_ =	swait.ge [sflag:s16], $0x640  }
0xcc: {  	[sflag:s16] =	ssyncset.done $0x0  }
0xcd: {  	[sflag:s16] =	ssyncadd.s32 $0xFFFFF9C0  }
0xce: {  	_ =	swait.ge [sflag:s16], $0x640  }
0xcf: {  	[sflag:s16] =	ssyncset.done $0x0  }
0xd0: {  	[sflag:s16] =	ssyncadd.s32 $0xFFFFF9C0  }
0xd1: {  	_ =	swait.ge [sflag:s16], $0x640  }
0xd2: {  	[sflag:s16] =	ssyncset.done $0x0  }
0xd3: {  	[sflag:s16] =	ssyncadd.s32 $0xFFFFF9C0  }
0xd4: {  	_ =	swait.ge [sflag:s16], $0x640  }
0xd5: {  	[sflag:s16] =	ssyncset.done $0x0  }
0xd6: {  	[sflag:s16] =	ssyncadd.s32 $0xFFFFF9C0  }
0xd7: {  	_ =	swait.ge [sflag:s16], $0x640  }
0xd8: {  	[sflag:s16] =	ssyncset.done $0x0  }
0xd9: {  	[sflag:s16] =	ssyncadd.s32 $0xFFFFF9C0  }
0xda: {  	_ =	swait.ge [sflag:s16], $0x640  }
0xdb: {  	[sflag:s16] =	ssyncset.done $0x0  }
0xdc: {  	[sflag:s16] =	ssyncadd.s32 $0xFFFFF9C0  }
0xdd: {  	_ =	swait.ge [sflag:s16], $0x640  }
0xde: {  	[sflag:s16] =	ssyncset.done $0x0  }
0xdf: {  	[sflag:s16] =	ssyncadd.s32 $0xFFFFF9C0  }
0xe0: {  	_ =	swait.ge [sflag:s16], $0x640  }
0xe1: {  	[sflag:s16] =	ssyncset.done $0x0  }
0xe2: {  	[sflag:s16] =	ssyncadd.s32 $0xFFFFF9C0  }
0xe3: {  	_ =	swait.ge [sflag:s16], $0x640  }
0xe4: {  	[sflag:s16] =	ssyncset.done $0x0  }
0xe5: {  	[sflag:s16] =	ssyncadd.s32 $0xFFFFF9C0  }
0xe6: {  	_ =	swait.ge [sflag:s16], $0x640  }
0xe7: {  	[sflag:s16] =	ssyncset.done $0x0  }
0xe8: {  	[sflag:s16] =	ssyncadd.s32 $0xFFFFF9C0  }
0xe9: {  	_ =	swait.ge [sflag:s16], $0x640  }
0xea: {  	[sflag:s16] =	ssyncset.done $0x0  }
0xeb: {  	[sflag:s16] =	ssyncadd.s32 $0xFFFFF9C0  }
0xec: {  	_ =	swait.ge [sflag:s16], $0x640  }
0xed: {  	[sflag:s16] =	ssyncset.done $0x0  }
0xee: {  	[sflag:s16] =	ssyncadd.s32 $0xFFFFF9C0  }
0xef: {  	_ =	swait.ge [sflag:s16], $0x640  }
0xf0: {  	[sflag:s16] =	ssyncset.done $0x0  }
0xf1: {  	[sflag:s16] =	ssyncadd.s32 $0xFFFFF9C0  }
0xf2: {  	_ =	swait.ge [sflag:s16], $0x640  }
0xf3: {  	[sflag:s16] =	ssyncset.done $0x0  }
0xf4: {  	[sflag:s16] =	ssyncadd.s32 $0xFFFFF9C0  }
0xf5: {  	_ =	swait.ge [sflag:s16], $0x640  }
0xf6: {  	[sflag:s16] =	ssyncset.done $0x0  }
0xf7: {  	[sflag:s16] =	ssyncadd.s32 $0xFFFFF9C0  }
0xf8: {  	_ =	swait.ge [sflag:s16], $0x640  }
0xf9: {  	[sflag:s16] =	ssyncset.done $0x0  }
0xfa: {  	[sflag:s16] =	ssyncadd.s32 $0xFFFFF9C0  }
0xfb: {  	_ =	swait.ge [sflag:s16], $0x640  }
0xfc: {  	[sflag:s16] =	ssyncset.done $0x0  }
0xfd: {  	[sflag:s16] =	ssyncadd.s32 $0xFFFFF9C0  }
0xfe: {  	_ =	swait.ge [sflag:s16], $0x640  }
0xff: {  	[sflag:s16] =	ssyncset.done $0x0  }
0x100: {  	s20 =	simm.s32 $0x1120;
	[sflag:s16] =	ssyncadd.s32 $0xFFFFF9C0  }
0x101: {  	v0 =	vld [tilespmem:s20+$0xFFFFFD00]  }
0x102: {  	v1 =	vld [tilespmem:s20+$0xFFFFFD10]  }
0x103: {  	v2 =	vld [tilespmem:s20+$0xFFFFFCE0]  }
0x104: {  	v3 =	vld [tilespmem:s20+$0xFFFFFCF0]  }
0x105: {  	v4 =	vld [tilespmem:s20+$0xFFFFFD20]  }
0x106: {  	v5 =	vld [tilespmem:s20+$0xFFFFFD30]  }
0x107: {  	v6 =	vld [tilespmem:s20+$0xFFFFFD40]  }
0x108: {  	v7 =	vld [tilespmem:s20+$0xFFFFFD60];
	v0 =	vadd.f32 v0, v2  }
0x109: {  	v2 =	vld [tilespmem:s20+$0xFFFFFD50]  }
0x10a: {  	v59 =	vld [tilespmem:s20+$0xFFFFFD80];
	v1 =	vadd.f32 v1, v3;
	v0 =	vadd.f32 v4, v0  }
0x10b: {  	v3 =	vld [tilespmem:s20+$0xFFFFFD70]  }
0x10c: {  	v60 =	vld [tilespmem:s20+$0xFFFFFD90];
	v1 =	vadd.f32 v5, v1;
	v0 =	vadd.f32 v6, v0  }
0x10d: {  	v61 =	vld [tilespmem:s20+$0xFFFFFDA0]  }
0x10e: {  	v62 =	vld [tilespmem:s20+$0xFFFFFDC0];
	v1 =	vadd.f32 v2, v1;
	v0 =	vadd.f32 v7, v0  }
0x10f: {  	v2 =	vld [tilespmem:s20+$0xFFFFFDB0]  }
0x110: {  	v63 =	vld [tilespmem:s20+$0xFFFFFDE0];
	v1 =	vadd.f32 v3, v1;
	v0 =	vadd.f32 v59, v0  }
0x111: {  	v3 =	vld [tilespmem:s20+$0xFFFFFDD0]  }
0x112: {  	v9 =	vld [tilespmem:s20+$0xFFFFFDF0];
	v1 =	vadd.f32 v60, v1;
	v0 =	vadd.f32 v61, v0  }
0x113: {  	v10 =	vld [tilespmem:s20+$0xFFFFFE00]  }
0x114: {  	v11 =	vld [tilespmem:s20+$0xFFFFFE20];
	v1 =	vadd.f32 v2, v1;
	v0 =	vadd.f32 v62, v0  }
0x115: {  	v2 =	vld [tilespmem:s20+$0xFFFFFE10]  }
0x116: {  	v12 =	vld [tilespmem:s20+$0xFFFFFE40];
	v1 =	vadd.f32 v3, v1;
	v0 =	vadd.f32 v63, v0  }
0x117: {  	v3 =	vld [tilespmem:s20+$0xFFFFFE30]  }
0x118: {  	v13 =	vld [tilespmem:s20+$0xFFFFFE50];
	v1 =	vadd.f32 v9, v1;
	v0 =	vadd.f32 v10, v0  }
0x119: {  	v14 =	vld [tilespmem:s20+$0xFFFFFE60]  }
0x11a: {  	v15 =	vld [tilespmem:s20+$0xFFFFFE80];
	v1 =	vadd.f32 v2, v1;
	v0 =	vadd.f32 v11, v0  }
0x11b: {  	v2 =	vld [tilespmem:s20+$0xFFFFFE70]  }
0x11c: {  	v16 =	vld [tilespmem:s20+$0xFFFFFEA0];
	v1 =	vadd.f32 v3, v1;
	v0 =	vadd.f32 v12, v0  }
0x11d: {  	v3 =	vld [tilespmem:s20+$0xFFFFFE90]  }
0x11e: {  	v17 =	vld [tilespmem:s20+$0xFFFFFEB0];
	v1 =	vadd.f32 v13, v1;
	v0 =	vadd.f32 v14, v0  }
0x11f: {  	v18 =	vld [tilespmem:s20+$0xFFFFFEC0]  }
0x120: {  	v19 =	vld [tilespmem:s20+$0xFFFFFEE0];
	v1 =	vadd.f32 v2, v1;
	v0 =	vadd.f32 v15, v0  }
0x121: {  	v2 =	vld [tilespmem:s20+$0xFFFFFED0]  }
0x122: {  	v20 =	vld [tilespmem:s20+$0xFFFFFF00];
	v1 =	vadd.f32 v3, v1;
	v0 =	vadd.f32 v16, v0  }
0x123: {  	v3 =	vld [tilespmem:s20+$0xFFFFFEF0]  }
0x124: {  	v21 =	vld [tilespmem:s20+$0xFFFFFF10];
	v1 =	vadd.f32 v17, v1;
	v0 =	vadd.f32 v18, v0  }
0x125: {  	v22 =	vld [tilespmem:s20+$0xFFFFFF20]  }
0x126: {  	v23 =	vld [tilespmem:s20+$0xFFFFFF40];
	v1 =	vadd.f32 v2, v1;
	v0 =	vadd.f32 v19, v0  }
0x127: {  	v2 =	vld [tilespmem:s20+$0xFFFFFF30]  }
0x128: {  	v24 =	vld [tilespmem:s20+$0xFFFFFF60];
	v1 =	vadd.f32 v3, v1;
	v0 =	vadd.f32 v20, v0  }
0x129: {  	v3 =	vld [tilespmem:s20+$0xFFFFFF50]  }
0x12a: {  	v25 =	vld [tilespmem:s20+$0xFFFFFF70];
	v1 =	vadd.f32 v21, v1;
	v0 =	vadd.f32 v22, v0  }
0x12b: {  	v26 =	vld [tilespmem:s20+$0xFFFFFF80]  }
0x12c: {  	v27 =	vld [tilespmem:s20+$0xFFFFFFA0];
	v1 =	vadd.f32 v2, v1;
	v0 =	vadd.f32 v23, v0  }
0x12d: {  	v2 =	vld [tilespmem:s20+$0xFFFFFF90]  }
0x12e: {  	v28 =	vld [tilespmem:s20+$0xFFFFFFC0];
	v1 =	vadd.f32 v3, v1;
	v0 =	vadd.f32 v24, v0  }
0x12f: {  	v3 =	vld [tilespmem:s20+$0xFFFFFFB0]  }
0x130: {  	v29 =	vld [tilespmem:s20+$0xFFFFFFD0];
	v1 =	vadd.f32 v25, v1;
	v0 =	vadd.f32 v26, v0  }
0x131: {  	v30 =	vld [tilespmem:s20+$0xFFFFFFE0]  }
0x132: {  	v31 =	vld [tilespmem:s20+$0x0];
	v1 =	vadd.f32 v2, v1;
	v0 =	vadd.f32 v27, v0  }
0x133: {  	v2 =	vld [tilespmem:s20+$0xFFFFFFF0]  }
0x134: {  	v32 =	vld [tilespmem:s20+$0x20];
	v1 =	vadd.f32 v3, v1;
	v0 =	vadd.f32 v28, v0  }
0x135: {  	v3 =	vld [tilespmem:s20+$0x10]  }
0x136: {  	v33 =	vld [tilespmem:s20+$0x30];
	v1 =	vadd.f32 v29, v1;
	v0 =	vadd.f32 v30, v0  }
0x137: {  	v34 =	vld [tilespmem:s20+$0x40]  }
0x138: {  	v35 =	vld [tilespmem:s20+$0x60];
	v1 =	vadd.f32 v2, v1;
	v0 =	vadd.f32 v31, v0  }
0x139: {  	v2 =	vld [tilespmem:s20+$0x50]  }
0x13a: {  	v36 =	vld [tilespmem:s20+$0x80];
	v1 =	vadd.f32 v3, v1;
	v0 =	vadd.f32 v32, v0  }
0x13b: {  	v3 =	vld [tilespmem:s20+$0x70]  }
0x13c: {  	v37 =	vld [tilespmem:s20+$0x90];
	v1 =	vadd.f32 v33, v1;
	v0 =	vadd.f32 v34, v0  }
0x13d: {  	v38 =	vld [tilespmem:s20+$0xA0]  }
0x13e: {  	v39 =	vld [tilespmem:s20+$0xC0];
	v1 =	vadd.f32 v2, v1;
	v0 =	vadd.f32 v35, v0  }
0x13f: {  	v2 =	vld [tilespmem:s20+$0xB0]  }
0x140: {  	v40 =	vld [tilespmem:s20+$0xE0];
	v1 =	vadd.f32 v3, v1;
	v0 =	vadd.f32 v36, v0  }
0x141: {  	v3 =	vld [tilespmem:s20+$0xD0]  }
0x142: {  	v41 =	vld [tilespmem:s20+$0xF0];
	v1 =	vadd.f32 v37, v1;
	v0 =	vadd.f32 v38, v0  }
0x143: {  	v42 =	vld [tilespmem:s20+$0x100]  }
0x144: {  	v43 =	vld [tilespmem:s20+$0x120];
	v1 =	vadd.f32 v2, v1;
	v0 =	vadd.f32 v39, v0  }
0x145: {  	v2 =	vld [tilespmem:s20+$0x110]  }
0x146: {  	v44 =	vld [tilespmem:s20+$0x140];
	v1 =	vadd.f32 v3, v1;
	v0 =	vadd.f32 v40, v0  }
0x147: {  	v3 =	vld [tilespmem:s20+$0x130]  }
0x148: {  	v45 =	vld [tilespmem:s20+$0x150];
	v1 =	vadd.f32 v41, v1;
	v0 =	vadd.f32 v42, v0  }
0x149: {  	v46 =	vld [tilespmem:s20+$0x160]  }
0x14a: {  	v47 =	vld [tilespmem:s20+$0x180];
	v1 =	vadd.f32 v2, v1;
	v0 =	vadd.f32 v43, v0  }
0x14b: {  	v2 =	vld [tilespmem:s20+$0x170]  }
0x14c: {  	v48 =	vld [tilespmem:s20+$0x1A0];
	v1 =	vadd.f32 v3, v1;
	v0 =	vadd.f32 v44, v0  }
0x14d: {  	v3 =	vld [tilespmem:s20+$0x190]  }
0x14e: {  	v49 =	vld [tilespmem:s20+$0x1B0];
	v1 =	vadd.f32 v45, v1;
	v0 =	vadd.f32 v46, v0  }
0x14f: {  	v50 =	vld [tilespmem:s20+$0x1C0]  }
0x150: {  	v51 =	vld [tilespmem:s20+$0x1E0];
	v1 =	vadd.f32 v2, v1;
	v0 =	vadd.f32 v47, v0  }
0x151: {  	v2 =	vld [tilespmem:s20+$0x1D0]  }
0x152: {  	v52 =	vld [tilespmem:s20+$0x200];
	v1 =	vadd.f32 v3, v1;
	v0 =	vadd.f32 v48, v0  }
0x153: {  	v3 =	vld [tilespmem:s20+$0x1F0]  }
0x154: {  	v53 =	vld [tilespmem:s20+$0x210];
	v1 =	vadd.f32 v49, v1;
	v0 =	vadd.f32 v50, v0  }
0x155: {  	v54 =	vld [tilespmem:s20+$0x220]  }
0x156: {  	v55 =	vld [tilespmem:s20+$0x240];
	v1 =	vadd.f32 v2, v1;
	v0 =	vadd.f32 v51, v0  }
0x157: {  	v2 =	vld [tilespmem:s20+$0x230]  }
0x158: {  	v56 =	vld [tilespmem:s20+$0x260];
	v1 =	vadd.f32 v3, v1;
	v0 =	vadd.f32 v52, v0  }
0x159: {  	v3 =	vld [tilespmem:s20+$0x250]  }
0x15a: {  	v57 =	vld [tilespmem:s20+$0x270];
	v1 =	vadd.f32 v53, v1;
	v0 =	vadd.f32 v54, v0  }
0x15b: {  	v58 =	vld [tilespmem:s20+$0x280]  }
0x15c: {  	v59 =	vld [tilespmem:s20+$0x2A0];
	v1 =	vadd.f32 v2, v1;
	v0 =	vadd.f32 v55, v0  }
0x15d: {  	v2 =	vld [tilespmem:s20+$0x290]  }
0x15e: {  	v60 =	vld [tilespmem:s20+$0x2C0];
	v1 =	vadd.f32 v3, v1;
	v0 =	vadd.f32 v56, v0  }
0x15f: {  	v3 =	vld [tilespmem:s20+$0x2B0]  }
0x160: {  	v61 =	vld [tilespmem:s20+$0x2D0];
	v1 =	vadd.f32 v57, v1;
	v0 =	vadd.f32 v58, v0  }
0x161: {  	v62 =	vld [tilespmem:s20+$0x2E0]  }
0x162: {  	v63 =	vld [tilespmem:s20+$0x300];
	v1 =	vadd.f32 v2, v1;
	v0 =	vadd.f32 v59, v0  }
0x163: {  	v2 =	vld [tilespmem:s20+$0x2F0]  }
0x164: {  	v1 =	vadd.f32 v3, v1;
	v0 =	vadd.f32 v60, v0  }
0x165: {  	v3 =	vld [tilespmem:s20+$0x310]  }
0x166: {  	v1 =	vadd.f32 v61, v1;
	v0 =	vadd.f32 v62, v0;
	_ =	sdelay $0x1  }
0x167: {  	v1 =	vadd.f32 v2, v1;
	v2 =	vadd.f32 v63, v0  }
0x168: {  	s22 =	simm.s32 $0x0  }
0x169: {  	s21 =	simm.s32 $0x80;
	v0 =	vadd.f32 v3, v1;
	[tilespmem:s22+$0x19E00] =	vst v2  }
.LBB2_3:
0x16a: {  	p0 =	sne.s32 s21, $0xF80  }
0x16b: {  	[tilespmem:s22+$0x19E10] =	vst v0;
	s20 =	sadd.s32 $0x640, s20;
	s22 =	smov.u32 s21;
	s21 =	sadd.s32 $0x80, s21  }
0x16c: {  	v0 =	vld [tilespmem:s20+$0xFFFFFD00]  }
0x16d: {  	v1 =	vld [tilespmem:s20+$0xFFFFFD10]  }
0x16e: {  	v2 =	vld [tilespmem:s20+$0xFFFFFCE0]  }
0x16f: {  	v3 =	vld [tilespmem:s20+$0xFFFFFCF0]  }
0x170: {  	v4 =	vld [tilespmem:s20+$0xFFFFFD20]  }
0x171: {  	v5 =	vld [tilespmem:s20+$0xFFFFFD30]  }
0x172: {  	v6 =	vld [tilespmem:s20+$0xFFFFFD40]  }
0x173: {  	v0 =	vadd.f32 v0, v2;
	v2 =	vld [tilespmem:s20+$0xFFFFFD50]  }
0x174: {  	v1 =	vadd.f32 v1, v3;
	v3 =	vld [tilespmem:s20+$0xFFFFFD60]  }
0x175: {  	v0 =	vadd.f32 v4, v0;
	v4 =	vld [tilespmem:s20+$0xFFFFFD70]  }
0x176: {  	v1 =	vadd.f32 v5, v1;
	v5 =	vld [tilespmem:s20+$0xFFFFFD80]  }
0x177: {  	v0 =	vadd.f32 v6, v0;
	v6 =	vld [tilespmem:s20+$0xFFFFFD90]  }
0x178: {  	v1 =	vadd.f32 v2, v1;
	v2 =	vld [tilespmem:s20+$0xFFFFFDA0]  }
0x179: {  	v0 =	vadd.f32 v3, v0;
	v3 =	vld [tilespmem:s20+$0xFFFFFDB0]  }
0x17a: {  	v1 =	vadd.f32 v4, v1;
	v4 =	vld [tilespmem:s20+$0xFFFFFDC0]  }
0x17b: {  	v0 =	vadd.f32 v5, v0;
	v5 =	vld [tilespmem:s20+$0xFFFFFDD0]  }
0x17c: {  	v1 =	vadd.f32 v6, v1;
	v6 =	vld [tilespmem:s20+$0xFFFFFDE0]  }
0x17d: {  	v0 =	vadd.f32 v2, v0;
	v2 =	vld [tilespmem:s20+$0xFFFFFDF0]  }
0x17e: {  	v1 =	vadd.f32 v3, v1;
	v3 =	vld [tilespmem:s20+$0xFFFFFE00]  }
0x17f: {  	v0 =	vadd.f32 v4, v0;
	v4 =	vld [tilespmem:s20+$0xFFFFFE10]  }
0x180: {  	v1 =	vadd.f32 v5, v1;
	v5 =	vld [tilespmem:s20+$0xFFFFFE20]  }
0x181: {  	v0 =	vadd.f32 v6, v0;
	v6 =	vld [tilespmem:s20+$0xFFFFFE30]  }
0x182: {  	v1 =	vadd.f32 v2, v1;
	v2 =	vld [tilespmem:s20+$0xFFFFFE40]  }
0x183: {  	v0 =	vadd.f32 v3, v0;
	v3 =	vld [tilespmem:s20+$0xFFFFFE50]  }
0x184: {  	v1 =	vadd.f32 v4, v1;
	v4 =	vld [tilespmem:s20+$0xFFFFFE60]  }
0x185: {  	v0 =	vadd.f32 v5, v0;
	v5 =	vld [tilespmem:s20+$0xFFFFFE70]  }
0x186: {  	v1 =	vadd.f32 v6, v1;
	v6 =	vld [tilespmem:s20+$0xFFFFFE80]  }
0x187: {  	v0 =	vadd.f32 v2, v0;
	v2 =	vld [tilespmem:s20+$0xFFFFFE90]  }
0x188: {  	v1 =	vadd.f32 v3, v1;
	v3 =	vld [tilespmem:s20+$0xFFFFFEA0]  }
0x189: {  	v0 =	vadd.f32 v4, v0;
	v4 =	vld [tilespmem:s20+$0xFFFFFEB0]  }
0x18a: {  	v1 =	vadd.f32 v5, v1;
	v5 =	vld [tilespmem:s20+$0xFFFFFEC0]  }
0x18b: {  	v0 =	vadd.f32 v6, v0;
	v6 =	vld [tilespmem:s20+$0xFFFFFED0]  }
0x18c: {  	v1 =	vadd.f32 v2, v1;
	v2 =	vld [tilespmem:s20+$0xFFFFFEE0]  }
0x18d: {  	v0 =	vadd.f32 v3, v0;
	v3 =	vld [tilespmem:s20+$0xFFFFFEF0]  }
0x18e: {  	v1 =	vadd.f32 v4, v1;
	v4 =	vld [tilespmem:s20+$0xFFFFFF00]  }
0x18f: {  	v0 =	vadd.f32 v5, v0;
	v5 =	vld [tilespmem:s20+$0xFFFFFF10]  }
0x190: {  	v1 =	vadd.f32 v6, v1;
	v6 =	vld [tilespmem:s20+$0xFFFFFF20]  }
0x191: {  	v0 =	vadd.f32 v2, v0;
	v2 =	vld [tilespmem:s20+$0xFFFFFF30]  }
0x192: {  	v1 =	vadd.f32 v3, v1;
	v3 =	vld [tilespmem:s20+$0xFFFFFF40]  }
0x193: {  	v0 =	vadd.f32 v4, v0;
	v4 =	vld [tilespmem:s20+$0xFFFFFF50]  }
0x194: {  	v1 =	vadd.f32 v5, v1;
	v5 =	vld [tilespmem:s20+$0xFFFFFF60]  }
0x195: {  	v0 =	vadd.f32 v6, v0;
	v6 =	vld [tilespmem:s20+$0xFFFFFF70]  }
0x196: {  	v1 =	vadd.f32 v2, v1;
	v2 =	vld [tilespmem:s20+$0xFFFFFF80]  }
0x197: {  	v0 =	vadd.f32 v3, v0;
	v3 =	vld [tilespmem:s20+$0xFFFFFF90]  }
0x198: {  	v1 =	vadd.f32 v4, v1;
	v4 =	vld [tilespmem:s20+$0xFFFFFFA0]  }
0x199: {  	v0 =	vadd.f32 v5, v0;
	v5 =	vld [tilespmem:s20+$0xFFFFFFB0]  }
0x19a: {  	v1 =	vadd.f32 v6, v1;
	v6 =	vld [tilespmem:s20+$0xFFFFFFC0]  }
0x19b: {  	v0 =	vadd.f32 v2, v0;
	v2 =	vld [tilespmem:s20+$0xFFFFFFD0]  }
0x19c: {  	v1 =	vadd.f32 v3, v1;
	v3 =	vld [tilespmem:s20+$0xFFFFFFE0]  }
0x19d: {  	v0 =	vadd.f32 v4, v0;
	v4 =	vld [tilespmem:s20+$0xFFFFFFF0]  }
0x19e: {  	v1 =	vadd.f32 v5, v1;
	v5 =	vld [tilespmem:s20+$0x0]  }
0x19f: {  	v0 =	vadd.f32 v6, v0;
	v6 =	vld [tilespmem:s20+$0x10]  }
0x1a0: {  	v1 =	vadd.f32 v2, v1;
	v2 =	vld [tilespmem:s20+$0x20]  }
0x1a1: {  	v0 =	vadd.f32 v3, v0;
	v3 =	vld [tilespmem:s20+$0x30]  }
0x1a2: {  	v1 =	vadd.f32 v4, v1;
	v4 =	vld [tilespmem:s20+$0x40]  }
0x1a3: {  	v0 =	vadd.f32 v5, v0;
	v5 =	vld [tilespmem:s20+$0x50]  }
0x1a4: {  	v1 =	vadd.f32 v6, v1;
	v6 =	vld [tilespmem:s20+$0x60]  }
0x1a5: {  	v0 =	vadd.f32 v2, v0;
	v2 =	vld [tilespmem:s20+$0x70]  }
0x1a6: {  	v1 =	vadd.f32 v3, v1;
	v3 =	vld [tilespmem:s20+$0x80]  }
0x1a7: {  	v0 =	vadd.f32 v4, v0;
	v4 =	vld [tilespmem:s20+$0x90]  }
0x1a8: {  	v1 =	vadd.f32 v5, v1;
	v5 =	vld [tilespmem:s20+$0xA0]  }
0x1a9: {  	v0 =	vadd.f32 v6, v0;
	v6 =	vld [tilespmem:s20+$0xB0]  }
0x1aa: {  	v1 =	vadd.f32 v2, v1;
	v2 =	vld [tilespmem:s20+$0xC0]  }
0x1ab: {  	v0 =	vadd.f32 v3, v0;
	v3 =	vld [tilespmem:s20+$0xD0]  }
0x1ac: {  	v1 =	vadd.f32 v4, v1;
	v4 =	vld [tilespmem:s20+$0xE0]  }
0x1ad: {  	v0 =	vadd.f32 v5, v0;
	v5 =	vld [tilespmem:s20+$0xF0]  }
0x1ae: {  	v1 =	vadd.f32 v6, v1;
	v6 =	vld [tilespmem:s20+$0x100]  }
0x1af: {  	v0 =	vadd.f32 v2, v0;
	v2 =	vld [tilespmem:s20+$0x110]  }
0x1b0: {  	v1 =	vadd.f32 v3, v1;
	v3 =	vld [tilespmem:s20+$0x120]  }
0x1b1: {  	v0 =	vadd.f32 v4, v0;
	v4 =	vld [tilespmem:s20+$0x130]  }
0x1b2: {  	v1 =	vadd.f32 v5, v1;
	v5 =	vld [tilespmem:s20+$0x140]  }
0x1b3: {  	v0 =	vadd.f32 v6, v0;
	v6 =	vld [tilespmem:s20+$0x150]  }
0x1b4: {  	v1 =	vadd.f32 v2, v1;
	v2 =	vld [tilespmem:s20+$0x160]  }
0x1b5: {  	v0 =	vadd.f32 v3, v0;
	v3 =	vld [tilespmem:s20+$0x170]  }
0x1b6: {  	v1 =	vadd.f32 v4, v1;
	v4 =	vld [tilespmem:s20+$0x180]  }
0x1b7: {  	v0 =	vadd.f32 v5, v0;
	v5 =	vld [tilespmem:s20+$0x190]  }
0x1b8: {  	v1 =	vadd.f32 v6, v1;
	v6 =	vld [tilespmem:s20+$0x1A0]  }
0x1b9: {  	v0 =	vadd.f32 v2, v0;
	v2 =	vld [tilespmem:s20+$0x1B0]  }
0x1ba: {  	v1 =	vadd.f32 v3, v1;
	v3 =	vld [tilespmem:s20+$0x1C0]  }
0x1bb: {  	v0 =	vadd.f32 v4, v0;
	v4 =	vld [tilespmem:s20+$0x1D0]  }
0x1bc: {  	v1 =	vadd.f32 v5, v1;
	v5 =	vld [tilespmem:s20+$0x1E0]  }
0x1bd: {  	v0 =	vadd.f32 v6, v0;
	v6 =	vld [tilespmem:s20+$0x1F0]  }
0x1be: {  	v1 =	vadd.f32 v2, v1;
	v2 =	vld [tilespmem:s20+$0x200]  }
0x1bf: {  	v0 =	vadd.f32 v3, v0;
	v3 =	vld [tilespmem:s20+$0x210]  }
0x1c0: {  	v1 =	vadd.f32 v4, v1;
	v4 =	vld [tilespmem:s20+$0x220]  }
0x1c1: {  	v0 =	vadd.f32 v5, v0;
	v5 =	vld [tilespmem:s20+$0x230]  }
0x1c2: {  	v1 =	vadd.f32 v6, v1;
	v6 =	vld [tilespmem:s20+$0x240]  }
0x1c3: {  	v0 =	vadd.f32 v2, v0;
	v2 =	vld [tilespmem:s20+$0x250]  }
0x1c4: {  	v1 =	vadd.f32 v3, v1;
	v3 =	vld [tilespmem:s20+$0x260]  }
0x1c5: {  	v0 =	vadd.f32 v4, v0;
	v4 =	vld [tilespmem:s20+$0x270]  }
0x1c6: {  	v1 =	vadd.f32 v5, v1;
	v5 =	vld [tilespmem:s20+$0x280]  }
0x1c7: {  	v0 =	vadd.f32 v6, v0;
	v6 =	vld [tilespmem:s20+$0x290]  }
0x1c8: {  	v1 =	vadd.f32 v2, v1;
	v2 =	vld [tilespmem:s20+$0x2A0]  }
0x1c9: {  	v0 =	vadd.f32 v3, v0;
	v3 =	vld [tilespmem:s20+$0x2B0]  }
0x1ca: {  	v1 =	vadd.f32 v4, v1;
	v4 =	vld [tilespmem:s20+$0x2C0]  }
0x1cb: {  	v0 =	vadd.f32 v5, v0;
	v5 =	vld [tilespmem:s20+$0x2D0]  }
0x1cc: {  	v1 =	vadd.f32 v6, v1;
	v6 =	vld [tilespmem:s20+$0x2E0]  }
0x1cd: {  	v0 =	vadd.f32 v2, v0;
	v2 =	vld [tilespmem:s20+$0x2F0]  }
0x1ce: {  	v1 =	vadd.f32 v3, v1;
	v3 =	vld [tilespmem:s20+$0x300]  }
0x1cf: {  	v0 =	vadd.f32 v4, v0;
	v4 =	vld [tilespmem:s20+$0x310]  }
0x1d0: {  	v1 =	vadd.f32 v5, v1  }
.Ltmp2:
0x1d1: {  	v0 =	vadd.f32 v6, v0;
	(pc) =	sbr.rel @p0 .LBB2_3-.Ltmp2, $4  }
0x1d2: {  	v1 =	vadd.f32 v2, v1  }
0x1d3: {  	v2 =	vadd.f32 v3, v0  }
0x1d4: {  	s22 =	sshra.s32 s22, $0x2;
	v0 =	vadd.f32 v4, v1  }
0x1d5: {  	[tilespmem:s22+$0x19E00] =	vst v2  }
0x1d6: {  	s20 =	sshll.u32 s19, $0x8;
	p0 =	seq.s32 s19, $0x7  }
.Ltmp3:
0x1d7: {  	[tilespmem:s22+$0x19E10] =	vst v0;
	s20 =	sadd.s32 s20, s9;
	(pc) =	sbr.rel @p0 .LBB2_6-.Ltmp3, $4  }
0x1d8: {  	[hbm4b:s20+s3] =	stream.linear.scatter [tilespmem:s17], [sflag:$0x3], $0x400, $0x38;
	[tilespmem:$0x1A200] =	vst v63  }
0x1d9: {  	_ =	swait.ge [sflag:s13], $0x400  }
0x1da: {  	[sflag:s13] =	ssyncset.done $0x0  }
0x1db: {  	s20 =	sshll.u32 s19, $0x6;
	[sflag:s13] =	ssyncadd.s32 $0xFFFFFC00  }
0x1dc: {  	s21 =	rddreg [dreg:$0x5]  }
0x1dd: {  	s21 =	sadd.s32 s20, s21  }
0x1de: {  	s21 =	smul.u32 $0x7, s21;
	_ =	sdelay $0x1  }
0x1df: {  	s21 =	sadd.s32 s2, s21  }
0x1e0: {  	[tilespmem:s3], [sflag:$0x3] =	stream.linear.gather [hbm4b:s21+s3], $0x700, $0x38;
	[tilespmem:$0x1A200] =	vst v63  }
0x1e1: {  	_ =	swait.ge [sflag:s13], $0x700  }
0x1e2: {  	[sflag:s13] =	ssyncset.done $0x0  }
0x1e3: {  	s22 =	simm.s32 $0xE00;
	[sflag:s13] =	ssyncadd.s32 $0xFFFFF900  }
0x1e4: {  	[tilespmem:s22], [sflag:$0x1] =	stream.indirect.gather [hbm4b:s5+s14], $0x20, s3, s14, $0xb8;
	[tilespmem:$0x1A200] =	vst v63  }
0x1e5: {  	s23 =	simm.s32 $0x38;
	s22 =	simm.s32 $0x1440  }
0x1e6: {  	[tilespmem:s22], [sflag:$0x1] =	stream.indirect.gather [hbm4b:s5+s14], $0x20, s23, s14, $0xb8;
	[tilespmem:$0x1A200] =	vst v63  }
0x1e7: {  	s22 =	simm.s32 $0x70;
	s23 =	simm.s32 $0x1A80  }
0x1e8: {  	[tilespmem:s23], [sflag:$0x1] =	stream.indirect.gather [hbm4b:s5+s14], $0x20, s22, s14, $0xb8;
	[tilespmem:$0x1A200] =	vst v63  }
0x1e9: {  	s22 =	simm.s32 $0xA8;
	s23 =	simm.s32 $0x20C0  }
0x1ea: {  	[tilespmem:s23], [sflag:$0x1] =	stream.indirect.gather [hbm4b:s5+s14], $0x20, s22, s14, $0xb8;
	[tilespmem:$0x1A200] =	vst v63  }
0x1eb: {  	s22 =	simm.s32 $0xE0;
	s23 =	simm.s32 $0x2700  }
0x1ec: {  	[tilespmem:s23], [sflag:$0x1] =	stream.indirect.gather [hbm4b:s5+s14], $0x20, s22, s14, $0xb8;
	[tilespmem:$0x1A200] =	vst v63  }
0x1ed: {  	s22 =	simm.s32 $0x118;
	s23 =	simm.s32 $0x2D40  }
0x1ee: {  	[tilespmem:s23], [sflag:$0x1] =	stream.indirect.gather [hbm4b:s5+s14], $0x20, s22, s14, $0xb8;
	[tilespmem:$0x1A200] =	vst v63  }
0x1ef: {  	s22 =	simm.s32 $0x150;
	s23 =	simm.s32 $0x3380  }
0x1f0: {  	[tilespmem:s23], [sflag:$0x1] =	stream.indirect.gather [hbm4b:s5+s14], $0x20, s22, s14, $0xb8;
	[tilespmem:$0x1A200] =	vst v63  }
0x1f1: {  	s22 =	simm.s32 $0x188;
	s23 =	simm.s32 $0x39C0  }
0x1f2: {  	[tilespmem:s23], [sflag:$0x1] =	stream.indirect.gather [hbm4b:s5+s14], $0x20, s22, s14, $0xb8;
	[tilespmem:$0x1A200] =	vst v63  }
0x1f3: {  	s22 =	simm.s32 $0x1C0;
	s23 =	simm.s32 $0x4000  }
0x1f4: {  	[tilespmem:s23], [sflag:$0x1] =	stream.indirect.gather [hbm4b:s5+s14], $0x20, s22, s14, $0xb8;
	[tilespmem:$0x1A200] =	vst v63  }
0x1f5: {  	s22 =	simm.s32 $0x1F8;
	s23 =	simm.s32 $0x4640  }
0x1f6: {  	[tilespmem:s23], [sflag:$0x1] =	stream.indirect.gather [hbm4b:s5+s14], $0x20, s22, s14, $0xb8;
	[tilespmem:$0x1A200] =	vst v63  }
0x1f7: {  	s22 =	simm.s32 $0x230;
	s23 =	simm.s32 $0x4C80  }
0x1f8: {  	[tilespmem:s23], [sflag:$0x1] =	stream.indirect.gather [hbm4b:s5+s14], $0x20, s22, s14, $0xb8;
	[tilespmem:$0x1A200] =	vst v63  }
0x1f9: {  	s22 =	simm.s32 $0x268;
	s23 =	simm.s32 $0x52C0  }
0x1fa: {  	[tilespmem:s23], [sflag:$0x1] =	stream.indirect.gather [hbm4b:s5+s14], $0x20, s22, s14, $0xb8;
	[tilespmem:$0x1A200] =	vst v63  }
0x1fb: {  	s22 =	simm.s32 $0x2A0;
	s23 =	simm.s32 $0x5900  }
0x1fc: {  	[tilespmem:s23], [sflag:$0x1] =	stream.indirect.gather [hbm4b:s5+s14], $0x20, s22, s14, $0xb8;
	[tilespmem:$0x1A200] =	vst v63  }
0x1fd: {  	s22 =	simm.s32 $0x2D8;
	s23 =	simm.s32 $0x5F40  }
0x1fe: {  	[tilespmem:s23], [sflag:$0x1] =	stream.indirect.gather [hbm4b:s5+s14], $0x20, s22, s14, $0xb8;
	[tilespmem:$0x1A200] =	vst v63  }
0x1ff: {  	s22 =	simm.s32 $0x310;
	s23 =	simm.s32 $0x6580  }
0x200: {  	[tilespmem:s23], [sflag:$0x1] =	stream.indirect.gather [hbm4b:s5+s14], $0x20, s22, s14, $0xb8;
	[tilespmem:$0x1A200] =	vst v63  }
0x201: {  	s22 =	simm.s32 $0x348;
	s23 =	simm.s32 $0x6BC0  }
0x202: {  	[tilespmem:s23], [sflag:$0x1] =	stream.indirect.gather [hbm4b:s5+s14], $0x20, s22, s14, $0xb8;
	[tilespmem:$0x1A200] =	vst v63  }
0x203: {  	s22 =	simm.s32 $0x380;
	s23 =	simm.s32 $0x7200  }
0x204: {  	[tilespmem:s23], [sflag:$0x1] =	stream.indirect.gather [hbm4b:s5+s14], $0x20, s22, s14, $0xb8;
	[tilespmem:$0x1A200] =	vst v63  }
0x205: {  	s22 =	simm.s32 $0x3B8;
	s23 =	simm.s32 $0x7840  }
0x206: {  	[tilespmem:s23], [sflag:$0x1] =	stream.indirect.gather [hbm4b:s5+s14], $0x20, s22, s14, $0xb8;
	[tilespmem:$0x1A200] =	vst v63  }
0x207: {  	s22 =	simm.s32 $0x3F0;
	s23 =	simm.s32 $0x7E80  }
0x208: {  	[tilespmem:s23], [sflag:$0x1] =	stream.indirect.gather [hbm4b:s5+s14], $0x20, s22, s14, $0xb8;
	[tilespmem:$0x1A200] =	vst v63  }
0x209: {  	s22 =	simm.s32 $0x428;
	s23 =	simm.s32 $0x84C0  }
0x20a: {  	[tilespmem:s23], [sflag:$0x1] =	stream.indirect.gather [hbm4b:s5+s14], $0x20, s22, s14, $0xb8;
	[tilespmem:$0x1A200] =	vst v63  }
0x20b: {  	s22 =	simm.s32 $0x460;
	s23 =	simm.s32 $0x8B00  }
0x20c: {  	[tilespmem:s23], [sflag:$0x1] =	stream.indirect.gather [hbm4b:s5+s14], $0x20, s22, s14, $0xb8;
	[tilespmem:$0x1A200] =	vst v63  }
0x20d: {  	s22 =	simm.s32 $0x498;
	s23 =	simm.s32 $0x9140  }
0x20e: {  	[tilespmem:s23], [sflag:$0x1] =	stream.indirect.gather [hbm4b:s5+s14], $0x20, s22, s14, $0xb8;
	[tilespmem:$0x1A200] =	vst v63  }
0x20f: {  	s22 =	simm.s32 $0x4D0;
	s23 =	simm.s32 $0x9780  }
0x210: {  	[tilespmem:s23], [sflag:$0x1] =	stream.indirect.gather [hbm4b:s5+s14], $0x20, s22, s14, $0xb8;
	[tilespmem:$0x1A200] =	vst v63  }
0x211: {  	s22 =	simm.s32 $0x508;
	s23 =	simm.s32 $0x9DC0  }
0x212: {  	[tilespmem:s23], [sflag:$0x1] =	stream.indirect.gather [hbm4b:s5+s14], $0x20, s22, s14, $0xb8;
	[tilespmem:$0x1A200] =	vst v63  }
0x213: {  	s22 =	simm.s32 $0x540;
	s23 =	simm.s32 $0xA400  }
0x214: {  	[tilespmem:s23], [sflag:$0x1] =	stream.indirect.gather [hbm4b:s5+s14], $0x20, s22, s14, $0xb8;
	[tilespmem:$0x1A200] =	vst v63  }
0x215: {  	s22 =	simm.s32 $0x578;
	s23 =	simm.s32 $0xAA40  }
0x216: {  	[tilespmem:s23], [sflag:$0x1] =	stream.indirect.gather [hbm4b:s5+s14], $0x20, s22, s14, $0xb8;
	[tilespmem:$0x1A200] =	vst v63  }
0x217: {  	s22 =	simm.s32 $0x5B0;
	s23 =	simm.s32 $0xB080  }
0x218: {  	[tilespmem:s23], [sflag:$0x1] =	stream.indirect.gather [hbm4b:s5+s14], $0x20, s22, s14, $0xb8;
	[tilespmem:$0x1A200] =	vst v63  }
0x219: {  	s22 =	simm.s32 $0x5E8;
	s23 =	simm.s32 $0xB6C0  }
0x21a: {  	[tilespmem:s23], [sflag:$0x1] =	stream.indirect.gather [hbm4b:s5+s14], $0x20, s22, s14, $0xb8;
	[tilespmem:$0x1A200] =	vst v63  }
0x21b: {  	s22 =	simm.s32 $0x620;
	s23 =	simm.s32 $0xBD00  }
0x21c: {  	[tilespmem:s23], [sflag:$0x1] =	stream.indirect.gather [hbm4b:s5+s14], $0x20, s22, s14, $0xb8;
	[tilespmem:$0x1A200] =	vst v63  }
0x21d: {  	s22 =	simm.s32 $0x658;
	s23 =	simm.s32 $0xC340  }
0x21e: {  	[tilespmem:s23], [sflag:$0x1] =	stream.indirect.gather [hbm4b:s5+s14], $0x20, s22, s14, $0xb8;
	[tilespmem:$0x1A200] =	vst v63  }
0x21f: {  	s22 =	simm.s32 $0x690;
	s23 =	simm.s32 $0xC980  }
0x220: {  	[tilespmem:s23], [sflag:$0x1] =	stream.indirect.gather [hbm4b:s5+s14], $0x20, s22, s14, $0xb8;
	[tilespmem:$0x1A200] =	vst v63  }
0x221: {  	s22 =	simm.s32 $0x6C8;
	s23 =	simm.s32 $0xCFC0  }
0x222: {  	[tilespmem:s23], [sflag:$0x1] =	stream.indirect.gather [hbm4b:s5+s14], $0x20, s22, s14, $0xb8;
	[tilespmem:$0x1A200] =	vst v63  }
.LBB2_6:
0x223: {  	_ =	swait.ge [sflag:s18], $0x640  }
0x224: {  	[sflag:s18] =	ssyncset.done $0x0  }
0x225: {  	[sflag:s18] =	ssyncadd.s32 $0xFFFFF9C0  }
0x226: {  	_ =	swait.ge [sflag:s18], $0x640  }
0x227: {  	[sflag:s18] =	ssyncset.done $0x0  }
0x228: {  	[sflag:s18] =	ssyncadd.s32 $0xFFFFF9C0  }
0x229: {  	_ =	swait.ge [sflag:s18], $0x640  }
0x22a: {  	[sflag:s18] =	ssyncset.done $0x0  }
0x22b: {  	[sflag:s18] =	ssyncadd.s32 $0xFFFFF9C0  }
0x22c: {  	_ =	swait.ge [sflag:s18], $0x640  }
0x22d: {  	[sflag:s18] =	ssyncset.done $0x0  }
0x22e: {  	[sflag:s18] =	ssyncadd.s32 $0xFFFFF9C0  }
0x22f: {  	_ =	swait.ge [sflag:s18], $0x640  }
0x230: {  	[sflag:s18] =	ssyncset.done $0x0  }
0x231: {  	[sflag:s18] =	ssyncadd.s32 $0xFFFFF9C0  }
0x232: {  	_ =	swait.ge [sflag:s18], $0x640  }
0x233: {  	[sflag:s18] =	ssyncset.done $0x0  }
0x234: {  	[sflag:s18] =	ssyncadd.s32 $0xFFFFF9C0  }
0x235: {  	_ =	swait.ge [sflag:s18], $0x640  }
0x236: {  	[sflag:s18] =	ssyncset.done $0x0  }
0x237: {  	[sflag:s18] =	ssyncadd.s32 $0xFFFFF9C0  }
0x238: {  	_ =	swait.ge [sflag:s18], $0x640  }
0x239: {  	[sflag:s18] =	ssyncset.done $0x0  }
0x23a: {  	[sflag:s18] =	ssyncadd.s32 $0xFFFFF9C0  }
0x23b: {  	_ =	swait.ge [sflag:s18], $0x640  }
0x23c: {  	[sflag:s18] =	ssyncset.done $0x0  }
0x23d: {  	[sflag:s18] =	ssyncadd.s32 $0xFFFFF9C0  }
0x23e: {  	_ =	swait.ge [sflag:s18], $0x640  }
0x23f: {  	[sflag:s18] =	ssyncset.done $0x0  }
0x240: {  	[sflag:s18] =	ssyncadd.s32 $0xFFFFF9C0  }
0x241: {  	_ =	swait.ge [sflag:s18], $0x640  }
0x242: {  	[sflag:s18] =	ssyncset.done $0x0  }
0x243: {  	[sflag:s18] =	ssyncadd.s32 $0xFFFFF9C0  }
0x244: {  	_ =	swait.ge [sflag:s18], $0x640  }
0x245: {  	[sflag:s18] =	ssyncset.done $0x0  }
0x246: {  	[sflag:s18] =	ssyncadd.s32 $0xFFFFF9C0  }
0x247: {  	_ =	swait.ge [sflag:s18], $0x640  }
0x248: {  	[sflag:s18] =	ssyncset.done $0x0  }
0x249: {  	[sflag:s18] =	ssyncadd.s32 $0xFFFFF9C0  }
0x24a: {  	_ =	swait.ge [sflag:s18], $0x640  }
0x24b: {  	[sflag:s18] =	ssyncset.done $0x0  }
0x24c: {  	[sflag:s18] =	ssyncadd.s32 $0xFFFFF9C0  }
0x24d: {  	_ =	swait.ge [sflag:s18], $0x640  }
0x24e: {  	[sflag:s18] =	ssyncset.done $0x0  }
0x24f: {  	[sflag:s18] =	ssyncadd.s32 $0xFFFFF9C0  }
0x250: {  	_ =	swait.ge [sflag:s18], $0x640  }
0x251: {  	[sflag:s18] =	ssyncset.done $0x0  }
0x252: {  	[sflag:s18] =	ssyncadd.s32 $0xFFFFF9C0  }
0x253: {  	_ =	swait.ge [sflag:s18], $0x640  }
0x254: {  	[sflag:s18] =	ssyncset.done $0x0  }
0x255: {  	[sflag:s18] =	ssyncadd.s32 $0xFFFFF9C0  }
0x256: {  	_ =	swait.ge [sflag:s18], $0x640  }
0x257: {  	[sflag:s18] =	ssyncset.done $0x0  }
0x258: {  	[sflag:s18] =	ssyncadd.s32 $0xFFFFF9C0  }
0x259: {  	_ =	swait.ge [sflag:s18], $0x640  }
0x25a: {  	[sflag:s18] =	ssyncset.done $0x0  }
0x25b: {  	[sflag:s18] =	ssyncadd.s32 $0xFFFFF9C0  }
0x25c: {  	_ =	swait.ge [sflag:s18], $0x640  }
0x25d: {  	[sflag:s18] =	ssyncset.done $0x0  }
0x25e: {  	[sflag:s18] =	ssyncadd.s32 $0xFFFFF9C0  }
0x25f: {  	_ =	swait.ge [sflag:s18], $0x640  }
0x260: {  	[sflag:s18] =	ssyncset.done $0x0  }
0x261: {  	[sflag:s18] =	ssyncadd.s32 $0xFFFFF9C0  }
0x262: {  	_ =	swait.ge [sflag:s18], $0x640  }
0x263: {  	[sflag:s18] =	ssyncset.done $0x0  }
0x264: {  	[sflag:s18] =	ssyncadd.s32 $0xFFFFF9C0  }
0x265: {  	_ =	swait.ge [sflag:s18], $0x640  }
0x266: {  	[sflag:s18] =	ssyncset.done $0x0  }
0x267: {  	[sflag:s18] =	ssyncadd.s32 $0xFFFFF9C0  }
0x268: {  	_ =	swait.ge [sflag:s18], $0x640  }
0x269: {  	[sflag:s18] =	ssyncset.done $0x0  }
0x26a: {  	[sflag:s18] =	ssyncadd.s32 $0xFFFFF9C0  }
0x26b: {  	_ =	swait.ge [sflag:s18], $0x640  }
0x26c: {  	[sflag:s18] =	ssyncset.done $0x0  }
0x26d: {  	[sflag:s18] =	ssyncadd.s32 $0xFFFFF9C0  }
0x26e: {  	_ =	swait.ge [sflag:s18], $0x640  }
0x26f: {  	[sflag:s18] =	ssyncset.done $0x0  }
0x270: {  	[sflag:s18] =	ssyncadd.s32 $0xFFFFF9C0  }
0x271: {  	_ =	swait.ge [sflag:s18], $0x640  }
0x272: {  	[sflag:s18] =	ssyncset.done $0x0  }
0x273: {  	[sflag:s18] =	ssyncadd.s32 $0xFFFFF9C0  }
0x274: {  	_ =	swait.ge [sflag:s18], $0x640  }
0x275: {  	[sflag:s18] =	ssyncset.done $0x0  }
0x276: {  	[sflag:s18] =	ssyncadd.s32 $0xFFFFF9C0  }
0x277: {  	_ =	swait.ge [sflag:s18], $0x640  }
0x278: {  	[sflag:s18] =	ssyncset.done $0x0  }
0x279: {  	[sflag:s18] =	ssyncadd.s32 $0xFFFFF9C0  }
0x27a: {  	_ =	swait.ge [sflag:s18], $0x640  }
0x27b: {  	[sflag:s18] =	ssyncset.done $0x0  }
0x27c: {  	[sflag:s18] =	ssyncadd.s32 $0xFFFFF9C0  }
0x27d: {  	_ =	swait.ge [sflag:s18], $0x640  }
0x27e: {  	[sflag:s18] =	ssyncset.done $0x0  }
0x27f: {  	[sflag:s18] =	ssyncadd.s32 $0xFFFFF9C0  }
0x280: {  	_ =	swait.ge [sflag:s18], $0x640  }
0x281: {  	[sflag:s18] =	ssyncset.done $0x0  }
0x282: {  	s21 =	simm.s32 $0xD920;
	[sflag:s18] =	ssyncadd.s32 $0xFFFFF9C0  }
0x283: {  	v0 =	vld [tilespmem:s21+$0xFFFFFD00]  }
0x284: {  	v1 =	vld [tilespmem:s21+$0xFFFFFD10]  }
0x285: {  	v2 =	vld [tilespmem:s21+$0xFFFFFCE0]  }
0x286: {  	v3 =	vld [tilespmem:s21+$0xFFFFFCF0]  }
0x287: {  	v4 =	vld [tilespmem:s21+$0xFFFFFD20]  }
0x288: {  	v5 =	vld [tilespmem:s21+$0xFFFFFD30]  }
0x289: {  	v6 =	vld [tilespmem:s21+$0xFFFFFD40]  }
0x28a: {  	v7 =	vld [tilespmem:s21+$0xFFFFFD60];
	v0 =	vadd.f32 v0, v2  }
0x28b: {  	v2 =	vld [tilespmem:s21+$0xFFFFFD50]  }
0x28c: {  	v59 =	vld [tilespmem:s21+$0xFFFFFD80];
	v1 =	vadd.f32 v1, v3;
	v0 =	vadd.f32 v4, v0  }
0x28d: {  	v3 =	vld [tilespmem:s21+$0xFFFFFD70]  }
0x28e: {  	v60 =	vld [tilespmem:s21+$0xFFFFFD90];
	v1 =	vadd.f32 v5, v1;
	v0 =	vadd.f32 v6, v0  }
0x28f: {  	v61 =	vld [tilespmem:s21+$0xFFFFFDA0]  }
0x290: {  	v62 =	vld [tilespmem:s21+$0xFFFFFDC0];
	v1 =	vadd.f32 v2, v1;
	v0 =	vadd.f32 v7, v0  }
0x291: {  	v2 =	vld [tilespmem:s21+$0xFFFFFDB0]  }
0x292: {  	v63 =	vld [tilespmem:s21+$0xFFFFFDE0];
	v1 =	vadd.f32 v3, v1;
	v0 =	vadd.f32 v59, v0  }
0x293: {  	v3 =	vld [tilespmem:s21+$0xFFFFFDD0]  }
0x294: {  	v9 =	vld [tilespmem:s21+$0xFFFFFDF0];
	v1 =	vadd.f32 v60, v1;
	v0 =	vadd.f32 v61, v0  }
0x295: {  	v10 =	vld [tilespmem:s21+$0xFFFFFE00]  }
0x296: {  	v11 =	vld [tilespmem:s21+$0xFFFFFE20];
	v1 =	vadd.f32 v2, v1;
	v0 =	vadd.f32 v62, v0  }
0x297: {  	v2 =	vld [tilespmem:s21+$0xFFFFFE10]  }
0x298: {  	v12 =	vld [tilespmem:s21+$0xFFFFFE40];
	v1 =	vadd.f32 v3, v1;
	v0 =	vadd.f32 v63, v0  }
0x299: {  	v3 =	vld [tilespmem:s21+$0xFFFFFE30]  }
0x29a: {  	v13 =	vld [tilespmem:s21+$0xFFFFFE50];
	v1 =	vadd.f32 v9, v1;
	v0 =	vadd.f32 v10, v0  }
0x29b: {  	v14 =	vld [tilespmem:s21+$0xFFFFFE60]  }
0x29c: {  	v15 =	vld [tilespmem:s21+$0xFFFFFE80];
	v1 =	vadd.f32 v2, v1;
	v0 =	vadd.f32 v11, v0  }
0x29d: {  	v2 =	vld [tilespmem:s21+$0xFFFFFE70]  }
0x29e: {  	v16 =	vld [tilespmem:s21+$0xFFFFFEA0];
	v1 =	vadd.f32 v3, v1;
	v0 =	vadd.f32 v12, v0  }
0x29f: {  	v3 =	vld [tilespmem:s21+$0xFFFFFE90]  }
0x2a0: {  	v17 =	vld [tilespmem:s21+$0xFFFFFEB0];
	v1 =	vadd.f32 v13, v1;
	v0 =	vadd.f32 v14, v0  }
0x2a1: {  	v18 =	vld [tilespmem:s21+$0xFFFFFEC0]  }
0x2a2: {  	v19 =	vld [tilespmem:s21+$0xFFFFFEE0];
	v1 =	vadd.f32 v2, v1;
	v0 =	vadd.f32 v15, v0  }
0x2a3: {  	v2 =	vld [tilespmem:s21+$0xFFFFFED0]  }
0x2a4: {  	v20 =	vld [tilespmem:s21+$0xFFFFFF00];
	v1 =	vadd.f32 v3, v1;
	v0 =	vadd.f32 v16, v0  }
0x2a5: {  	v3 =	vld [tilespmem:s21+$0xFFFFFEF0]  }
0x2a6: {  	v21 =	vld [tilespmem:s21+$0xFFFFFF10];
	v1 =	vadd.f32 v17, v1;
	v0 =	vadd.f32 v18, v0  }
0x2a7: {  	v22 =	vld [tilespmem:s21+$0xFFFFFF20]  }
0x2a8: {  	v23 =	vld [tilespmem:s21+$0xFFFFFF40];
	v1 =	vadd.f32 v2, v1;
	v0 =	vadd.f32 v19, v0  }
0x2a9: {  	v2 =	vld [tilespmem:s21+$0xFFFFFF30]  }
0x2aa: {  	v24 =	vld [tilespmem:s21+$0xFFFFFF60];
	v1 =	vadd.f32 v3, v1;
	v0 =	vadd.f32 v20, v0  }
0x2ab: {  	v3 =	vld [tilespmem:s21+$0xFFFFFF50]  }
0x2ac: {  	v25 =	vld [tilespmem:s21+$0xFFFFFF70];
	v1 =	vadd.f32 v21, v1;
	v0 =	vadd.f32 v22, v0  }
0x2ad: {  	v26 =	vld [tilespmem:s21+$0xFFFFFF80]  }
0x2ae: {  	v27 =	vld [tilespmem:s21+$0xFFFFFFA0];
	v1 =	vadd.f32 v2, v1;
	v0 =	vadd.f32 v23, v0  }
0x2af: {  	v2 =	vld [tilespmem:s21+$0xFFFFFF90]  }
0x2b0: {  	v28 =	vld [tilespmem:s21+$0xFFFFFFC0];
	v1 =	vadd.f32 v3, v1;
	v0 =	vadd.f32 v24, v0  }
0x2b1: {  	v3 =	vld [tilespmem:s21+$0xFFFFFFB0]  }
0x2b2: {  	v29 =	vld [tilespmem:s21+$0xFFFFFFD0];
	v1 =	vadd.f32 v25, v1;
	v0 =	vadd.f32 v26, v0  }
0x2b3: {  	v30 =	vld [tilespmem:s21+$0xFFFFFFE0]  }
0x2b4: {  	v31 =	vld [tilespmem:s21+$0x0];
	v1 =	vadd.f32 v2, v1;
	v0 =	vadd.f32 v27, v0  }
0x2b5: {  	v2 =	vld [tilespmem:s21+$0xFFFFFFF0]  }
0x2b6: {  	v32 =	vld [tilespmem:s21+$0x20];
	v1 =	vadd.f32 v3, v1;
	v0 =	vadd.f32 v28, v0  }
0x2b7: {  	v3 =	vld [tilespmem:s21+$0x10]  }
0x2b8: {  	v33 =	vld [tilespmem:s21+$0x30];
	v1 =	vadd.f32 v29, v1;
	v0 =	vadd.f32 v30, v0  }
0x2b9: {  	v34 =	vld [tilespmem:s21+$0x40]  }
0x2ba: {  	v35 =	vld [tilespmem:s21+$0x60];
	v1 =	vadd.f32 v2, v1;
	v0 =	vadd.f32 v31, v0  }
0x2bb: {  	v2 =	vld [tilespmem:s21+$0x50]  }
0x2bc: {  	v36 =	vld [tilespmem:s21+$0x80];
	v1 =	vadd.f32 v3, v1;
	v0 =	vadd.f32 v32, v0  }
0x2bd: {  	v3 =	vld [tilespmem:s21+$0x70]  }
0x2be: {  	v37 =	vld [tilespmem:s21+$0x90];
	v1 =	vadd.f32 v33, v1;
	v0 =	vadd.f32 v34, v0  }
0x2bf: {  	v38 =	vld [tilespmem:s21+$0xA0]  }
0x2c0: {  	v39 =	vld [tilespmem:s21+$0xC0];
	v1 =	vadd.f32 v2, v1;
	v0 =	vadd.f32 v35, v0  }
0x2c1: {  	v2 =	vld [tilespmem:s21+$0xB0]  }
0x2c2: {  	v40 =	vld [tilespmem:s21+$0xE0];
	v1 =	vadd.f32 v3, v1;
	v0 =	vadd.f32 v36, v0  }
0x2c3: {  	v3 =	vld [tilespmem:s21+$0xD0]  }
0x2c4: {  	v41 =	vld [tilespmem:s21+$0xF0];
	v1 =	vadd.f32 v37, v1;
	v0 =	vadd.f32 v38, v0  }
0x2c5: {  	v42 =	vld [tilespmem:s21+$0x100]  }
0x2c6: {  	v43 =	vld [tilespmem:s21+$0x120];
	v1 =	vadd.f32 v2, v1;
	v0 =	vadd.f32 v39, v0  }
0x2c7: {  	v2 =	vld [tilespmem:s21+$0x110]  }
0x2c8: {  	v44 =	vld [tilespmem:s21+$0x140];
	v1 =	vadd.f32 v3, v1;
	v0 =	vadd.f32 v40, v0  }
0x2c9: {  	v3 =	vld [tilespmem:s21+$0x130]  }
0x2ca: {  	v45 =	vld [tilespmem:s21+$0x150];
	v1 =	vadd.f32 v41, v1;
	v0 =	vadd.f32 v42, v0  }
0x2cb: {  	v46 =	vld [tilespmem:s21+$0x160]  }
0x2cc: {  	v47 =	vld [tilespmem:s21+$0x180];
	v1 =	vadd.f32 v2, v1;
	v0 =	vadd.f32 v43, v0  }
0x2cd: {  	v2 =	vld [tilespmem:s21+$0x170]  }
0x2ce: {  	v48 =	vld [tilespmem:s21+$0x1A0];
	v1 =	vadd.f32 v3, v1;
	v0 =	vadd.f32 v44, v0  }
0x2cf: {  	v3 =	vld [tilespmem:s21+$0x190]  }
0x2d0: {  	v49 =	vld [tilespmem:s21+$0x1B0];
	v1 =	vadd.f32 v45, v1;
	v0 =	vadd.f32 v46, v0  }
0x2d1: {  	v50 =	vld [tilespmem:s21+$0x1C0]  }
0x2d2: {  	v51 =	vld [tilespmem:s21+$0x1E0];
	v1 =	vadd.f32 v2, v1;
	v0 =	vadd.f32 v47, v0  }
0x2d3: {  	v2 =	vld [tilespmem:s21+$0x1D0]  }
0x2d4: {  	v52 =	vld [tilespmem:s21+$0x200];
	v1 =	vadd.f32 v3, v1;
	v0 =	vadd.f32 v48, v0  }
0x2d5: {  	v3 =	vld [tilespmem:s21+$0x1F0]  }
0x2d6: {  	v53 =	vld [tilespmem:s21+$0x210];
	v1 =	vadd.f32 v49, v1;
	v0 =	vadd.f32 v50, v0  }
0x2d7: {  	v54 =	vld [tilespmem:s21+$0x220]  }
0x2d8: {  	v55 =	vld [tilespmem:s21+$0x240];
	v1 =	vadd.f32 v2, v1;
	v0 =	vadd.f32 v51, v0  }
0x2d9: {  	v2 =	vld [tilespmem:s21+$0x230]  }
0x2da: {  	v56 =	vld [tilespmem:s21+$0x260];
	v1 =	vadd.f32 v3, v1;
	v0 =	vadd.f32 v52, v0  }
0x2db: {  	v3 =	vld [tilespmem:s21+$0x250]  }
0x2dc: {  	v57 =	vld [tilespmem:s21+$0x270];
	v1 =	vadd.f32 v53, v1;
	v0 =	vadd.f32 v54, v0  }
0x2dd: {  	v58 =	vld [tilespmem:s21+$0x280]  }
0x2de: {  	v59 =	vld [tilespmem:s21+$0x2A0];
	v1 =	vadd.f32 v2, v1;
	v0 =	vadd.f32 v55, v0  }
0x2df: {  	v2 =	vld [tilespmem:s21+$0x290]  }
0x2e0: {  	v60 =	vld [tilespmem:s21+$0x2C0];
	v1 =	vadd.f32 v3, v1;
	v0 =	vadd.f32 v56, v0  }
0x2e1: {  	v3 =	vld [tilespmem:s21+$0x2B0]  }
0x2e2: {  	v61 =	vld [tilespmem:s21+$0x2D0];
	v1 =	vadd.f32 v57, v1;
	v0 =	vadd.f32 v58, v0  }
0x2e3: {  	v62 =	vld [tilespmem:s21+$0x2E0]  }
0x2e4: {  	v63 =	vld [tilespmem:s21+$0x300];
	v1 =	vadd.f32 v2, v1;
	v0 =	vadd.f32 v59, v0  }
0x2e5: {  	v2 =	vld [tilespmem:s21+$0x2F0]  }
0x2e6: {  	v1 =	vadd.f32 v3, v1;
	v0 =	vadd.f32 v60, v0  }
0x2e7: {  	v3 =	vld [tilespmem:s21+$0x310]  }
0x2e8: {  	v1 =	vadd.f32 v61, v1;
	v0 =	vadd.f32 v62, v0;
	_ =	sdelay $0x1  }
0x2e9: {  	v1 =	vadd.f32 v2, v1;
	v2 =	vadd.f32 v63, v0  }
0x2ea: {  	s23 =	simm.s32 $0x0  }
0x2eb: {  	s22 =	simm.s32 $0x80;
	v0 =	vadd.f32 v3, v1;
	[tilespmem:s23+$0x19E00] =	vst v2  }
.LBB2_7:
0x2ec: {  	p1 =	sne.s32 s22, $0xF80  }
0x2ed: {  	[tilespmem:s23+$0x19E10] =	vst v0;
	s21 =	sadd.s32 $0x640, s21;
	s23 =	smov.u32 s22;
	s22 =	sadd.s32 $0x80, s22  }
0x2ee: {  	v0 =	vld [tilespmem:s21+$0xFFFFFD00]  }
0x2ef: {  	v1 =	vld [tilespmem:s21+$0xFFFFFD10]  }
0x2f0: {  	v2 =	vld [tilespmem:s21+$0xFFFFFCE0]  }
0x2f1: {  	v3 =	vld [tilespmem:s21+$0xFFFFFCF0]  }
0x2f2: {  	v4 =	vld [tilespmem:s21+$0xFFFFFD20]  }
0x2f3: {  	v5 =	vld [tilespmem:s21+$0xFFFFFD30]  }
0x2f4: {  	v6 =	vld [tilespmem:s21+$0xFFFFFD40]  }
0x2f5: {  	v0 =	vadd.f32 v0, v2;
	v2 =	vld [tilespmem:s21+$0xFFFFFD50]  }
0x2f6: {  	v1 =	vadd.f32 v1, v3;
	v3 =	vld [tilespmem:s21+$0xFFFFFD60]  }
0x2f7: {  	v0 =	vadd.f32 v4, v0;
	v4 =	vld [tilespmem:s21+$0xFFFFFD70]  }
0x2f8: {  	v1 =	vadd.f32 v5, v1;
	v5 =	vld [tilespmem:s21+$0xFFFFFD80]  }
0x2f9: {  	v0 =	vadd.f32 v6, v0;
	v6 =	vld [tilespmem:s21+$0xFFFFFD90]  }
0x2fa: {  	v1 =	vadd.f32 v2, v1;
	v2 =	vld [tilespmem:s21+$0xFFFFFDA0]  }
0x2fb: {  	v0 =	vadd.f32 v3, v0;
	v3 =	vld [tilespmem:s21+$0xFFFFFDB0]  }
0x2fc: {  	v1 =	vadd.f32 v4, v1;
	v4 =	vld [tilespmem:s21+$0xFFFFFDC0]  }
0x2fd: {  	v0 =	vadd.f32 v5, v0;
	v5 =	vld [tilespmem:s21+$0xFFFFFDD0]  }
0x2fe: {  	v1 =	vadd.f32 v6, v1;
	v6 =	vld [tilespmem:s21+$0xFFFFFDE0]  }
0x2ff: {  	v0 =	vadd.f32 v2, v0;
	v2 =	vld [tilespmem:s21+$0xFFFFFDF0]  }
0x300: {  	v1 =	vadd.f32 v3, v1;
	v3 =	vld [tilespmem:s21+$0xFFFFFE00]  }
0x301: {  	v0 =	vadd.f32 v4, v0;
	v4 =	vld [tilespmem:s21+$0xFFFFFE10]  }
0x302: {  	v1 =	vadd.f32 v5, v1;
	v5 =	vld [tilespmem:s21+$0xFFFFFE20]  }
0x303: {  	v0 =	vadd.f32 v6, v0;
	v6 =	vld [tilespmem:s21+$0xFFFFFE30]  }
0x304: {  	v1 =	vadd.f32 v2, v1;
	v2 =	vld [tilespmem:s21+$0xFFFFFE40]  }
0x305: {  	v0 =	vadd.f32 v3, v0;
	v3 =	vld [tilespmem:s21+$0xFFFFFE50]  }
0x306: {  	v1 =	vadd.f32 v4, v1;
	v4 =	vld [tilespmem:s21+$0xFFFFFE60]  }
0x307: {  	v0 =	vadd.f32 v5, v0;
	v5 =	vld [tilespmem:s21+$0xFFFFFE70]  }
0x308: {  	v1 =	vadd.f32 v6, v1;
	v6 =	vld [tilespmem:s21+$0xFFFFFE80]  }
0x309: {  	v0 =	vadd.f32 v2, v0;
	v2 =	vld [tilespmem:s21+$0xFFFFFE90]  }
0x30a: {  	v1 =	vadd.f32 v3, v1;
	v3 =	vld [tilespmem:s21+$0xFFFFFEA0]  }
0x30b: {  	v0 =	vadd.f32 v4, v0;
	v4 =	vld [tilespmem:s21+$0xFFFFFEB0]  }
0x30c: {  	v1 =	vadd.f32 v5, v1;
	v5 =	vld [tilespmem:s21+$0xFFFFFEC0]  }
0x30d: {  	v0 =	vadd.f32 v6, v0;
	v6 =	vld [tilespmem:s21+$0xFFFFFED0]  }
0x30e: {  	v1 =	vadd.f32 v2, v1;
	v2 =	vld [tilespmem:s21+$0xFFFFFEE0]  }
0x30f: {  	v0 =	vadd.f32 v3, v0;
	v3 =	vld [tilespmem:s21+$0xFFFFFEF0]  }
0x310: {  	v1 =	vadd.f32 v4, v1;
	v4 =	vld [tilespmem:s21+$0xFFFFFF00]  }
0x311: {  	v0 =	vadd.f32 v5, v0;
	v5 =	vld [tilespmem:s21+$0xFFFFFF10]  }
0x312: {  	v1 =	vadd.f32 v6, v1;
	v6 =	vld [tilespmem:s21+$0xFFFFFF20]  }
0x313: {  	v0 =	vadd.f32 v2, v0;
	v2 =	vld [tilespmem:s21+$0xFFFFFF30]  }
0x314: {  	v1 =	vadd.f32 v3, v1;
	v3 =	vld [tilespmem:s21+$0xFFFFFF40]  }
0x315: {  	v0 =	vadd.f32 v4, v0;
	v4 =	vld [tilespmem:s21+$0xFFFFFF50]  }
0x316: {  	v1 =	vadd.f32 v5, v1;
	v5 =	vld [tilespmem:s21+$0xFFFFFF60]  }
0x317: {  	v0 =	vadd.f32 v6, v0;
	v6 =	vld [tilespmem:s21+$0xFFFFFF70]  }
0x318: {  	v1 =	vadd.f32 v2, v1;
	v2 =	vld [tilespmem:s21+$0xFFFFFF80]  }
0x319: {  	v0 =	vadd.f32 v3, v0;
	v3 =	vld [tilespmem:s21+$0xFFFFFF90]  }
0x31a: {  	v1 =	vadd.f32 v4, v1;
	v4 =	vld [tilespmem:s21+$0xFFFFFFA0]  }
0x31b: {  	v0 =	vadd.f32 v5, v0;
	v5 =	vld [tilespmem:s21+$0xFFFFFFB0]  }
0x31c: {  	v1 =	vadd.f32 v6, v1;
	v6 =	vld [tilespmem:s21+$0xFFFFFFC0]  }
0x31d: {  	v0 =	vadd.f32 v2, v0;
	v2 =	vld [tilespmem:s21+$0xFFFFFFD0]  }
0x31e: {  	v1 =	vadd.f32 v3, v1;
	v3 =	vld [tilespmem:s21+$0xFFFFFFE0]  }
0x31f: {  	v0 =	vadd.f32 v4, v0;
	v4 =	vld [tilespmem:s21+$0xFFFFFFF0]  }
0x320: {  	v1 =	vadd.f32 v5, v1;
	v5 =	vld [tilespmem:s21+$0x0]  }
0x321: {  	v0 =	vadd.f32 v6, v0;
	v6 =	vld [tilespmem:s21+$0x10]  }
0x322: {  	v1 =	vadd.f32 v2, v1;
	v2 =	vld [tilespmem:s21+$0x20]  }
0x323: {  	v0 =	vadd.f32 v3, v0;
	v3 =	vld [tilespmem:s21+$0x30]  }
0x324: {  	v1 =	vadd.f32 v4, v1;
	v4 =	vld [tilespmem:s21+$0x40]  }
0x325: {  	v0 =	vadd.f32 v5, v0;
	v5 =	vld [tilespmem:s21+$0x50]  }
0x326: {  	v1 =	vadd.f32 v6, v1;
	v6 =	vld [tilespmem:s21+$0x60]  }
0x327: {  	v0 =	vadd.f32 v2, v0;
	v2 =	vld [tilespmem:s21+$0x70]  }
0x328: {  	v1 =	vadd.f32 v3, v1;
	v3 =	vld [tilespmem:s21+$0x80]  }
0x329: {  	v0 =	vadd.f32 v4, v0;
	v4 =	vld [tilespmem:s21+$0x90]  }
0x32a: {  	v1 =	vadd.f32 v5, v1;
	v5 =	vld [tilespmem:s21+$0xA0]  }
0x32b: {  	v0 =	vadd.f32 v6, v0;
	v6 =	vld [tilespmem:s21+$0xB0]  }
0x32c: {  	v1 =	vadd.f32 v2, v1;
	v2 =	vld [tilespmem:s21+$0xC0]  }
0x32d: {  	v0 =	vadd.f32 v3, v0;
	v3 =	vld [tilespmem:s21+$0xD0]  }
0x32e: {  	v1 =	vadd.f32 v4, v1;
	v4 =	vld [tilespmem:s21+$0xE0]  }
0x32f: {  	v0 =	vadd.f32 v5, v0;
	v5 =	vld [tilespmem:s21+$0xF0]  }
0x330: {  	v1 =	vadd.f32 v6, v1;
	v6 =	vld [tilespmem:s21+$0x100]  }
0x331: {  	v0 =	vadd.f32 v2, v0;
	v2 =	vld [tilespmem:s21+$0x110]  }
0x332: {  	v1 =	vadd.f32 v3, v1;
	v3 =	vld [tilespmem:s21+$0x120]  }
0x333: {  	v0 =	vadd.f32 v4, v0;
	v4 =	vld [tilespmem:s21+$0x130]  }
0x334: {  	v1 =	vadd.f32 v5, v1;
	v5 =	vld [tilespmem:s21+$0x140]  }
0x335: {  	v0 =	vadd.f32 v6, v0;
	v6 =	vld [tilespmem:s21+$0x150]  }
0x336: {  	v1 =	vadd.f32 v2, v1;
	v2 =	vld [tilespmem:s21+$0x160]  }
0x337: {  	v0 =	vadd.f32 v3, v0;
	v3 =	vld [tilespmem:s21+$0x170]  }
0x338: {  	v1 =	vadd.f32 v4, v1;
	v4 =	vld [tilespmem:s21+$0x180]  }
0x339: {  	v0 =	vadd.f32 v5, v0;
	v5 =	vld [tilespmem:s21+$0x190]  }
0x33a: {  	v1 =	vadd.f32 v6, v1;
	v6 =	vld [tilespmem:s21+$0x1A0]  }
0x33b: {  	v0 =	vadd.f32 v2, v0;
	v2 =	vld [tilespmem:s21+$0x1B0]  }
0x33c: {  	v1 =	vadd.f32 v3, v1;
	v3 =	vld [tilespmem:s21+$0x1C0]  }
0x33d: {  	v0 =	vadd.f32 v4, v0;
	v4 =	vld [tilespmem:s21+$0x1D0]  }
0x33e: {  	v1 =	vadd.f32 v5, v1;
	v5 =	vld [tilespmem:s21+$0x1E0]  }
0x33f: {  	v0 =	vadd.f32 v6, v0;
	v6 =	vld [tilespmem:s21+$0x1F0]  }
0x340: {  	v1 =	vadd.f32 v2, v1;
	v2 =	vld [tilespmem:s21+$0x200]  }
0x341: {  	v0 =	vadd.f32 v3, v0;
	v3 =	vld [tilespmem:s21+$0x210]  }
0x342: {  	v1 =	vadd.f32 v4, v1;
	v4 =	vld [tilespmem:s21+$0x220]  }
0x343: {  	v0 =	vadd.f32 v5, v0;
	v5 =	vld [tilespmem:s21+$0x230]  }
0x344: {  	v1 =	vadd.f32 v6, v1;
	v6 =	vld [tilespmem:s21+$0x240]  }
0x345: {  	v0 =	vadd.f32 v2, v0;
	v2 =	vld [tilespmem:s21+$0x250]  }
0x346: {  	v1 =	vadd.f32 v3, v1;
	v3 =	vld [tilespmem:s21+$0x260]  }
0x347: {  	v0 =	vadd.f32 v4, v0;
	v4 =	vld [tilespmem:s21+$0x270]  }
0x348: {  	v1 =	vadd.f32 v5, v1;
	v5 =	vld [tilespmem:s21+$0x280]  }
0x349: {  	v0 =	vadd.f32 v6, v0;
	v6 =	vld [tilespmem:s21+$0x290]  }
0x34a: {  	v1 =	vadd.f32 v2, v1;
	v2 =	vld [tilespmem:s21+$0x2A0]  }
0x34b: {  	v0 =	vadd.f32 v3, v0;
	v3 =	vld [tilespmem:s21+$0x2B0]  }
0x34c: {  	v1 =	vadd.f32 v4, v1;
	v4 =	vld [tilespmem:s21+$0x2C0]  }
0x34d: {  	v0 =	vadd.f32 v5, v0;
	v5 =	vld [tilespmem:s21+$0x2D0]  }
0x34e: {  	v1 =	vadd.f32 v6, v1;
	v6 =	vld [tilespmem:s21+$0x2E0]  }
0x34f: {  	v0 =	vadd.f32 v2, v0;
	v2 =	vld [tilespmem:s21+$0x2F0]  }
0x350: {  	v1 =	vadd.f32 v3, v1;
	v3 =	vld [tilespmem:s21+$0x300]  }
0x351: {  	v0 =	vadd.f32 v4, v0;
	v4 =	vld [tilespmem:s21+$0x310]  }
0x352: {  	v1 =	vadd.f32 v5, v1  }
.Ltmp4:
0x353: {  	v0 =	vadd.f32 v6, v0;
	(pc) =	sbr.rel @p1 .LBB2_7-.Ltmp4, $4  }
0x354: {  	v1 =	vadd.f32 v2, v1  }
0x355: {  	v2 =	vadd.f32 v3, v0  }
0x356: {  	s23 =	sshra.s32 s23, $0x2;
	v0 =	vadd.f32 v4, v1  }
0x357: {  	[tilespmem:s23+$0x19E00] =	vst v2  }
0x358: {  	s21 =	sadd.s32 s20, s4  }
0x359: {  	s21 =	sshll.u32 s21, $0x2  }
0x35a: {  	s21 =	sadd.s32 s6, s21  }
.Ltmp5:
0x35b: {  	[tilespmem:s23+$0x19E10] =	vst v0;
	s21 =	sadd.s32 $0x80, s21;
	(pc) =	sbr.rel @p0 .LBB2_10-.Ltmp5, $4  }
0x35c: {  	[hbm4b:s21+s3] =	stream.linear.scatter [tilespmem:s17], [sflag:$0x3], $0x400, $0x38;
	[tilespmem:$0x1A200] =	vst v63  }
0x35d: {  	_ =	swait.ge [sflag:s13], $0x400  }
0x35e: {  	[sflag:s13] =	ssyncset.done $0x0  }
0x35f: {  	[sflag:s13] =	ssyncadd.s32 $0xFFFFFC00  }
0x360: {  	s20 =	sadd.s32 s20, s11  }
0x361: {  	s20 =	smul.u32 $0x7, s20;
	_ =	sdelay $0x1  }
0x362: {  	s20 =	sadd.s32 s2, s20  }
0x363: {  	[tilespmem:s15], [sflag:$0x3] =	stream.linear.gather [hbm4b:s20+s3], $0x700, $0x38;
	[tilespmem:$0x1A200] =	vst v63  }
0x364: {  	_ =	swait.ge [sflag:s13], $0x700  }
0x365: {  	[sflag:s13] =	ssyncset.done $0x0  }
0x366: {  	s22 =	simm.s32 $0xD600;
	[sflag:s13] =	ssyncadd.s32 $0xFFFFF900  }
0x367: {  	[tilespmem:s22], [sflag:$0x2] =	stream.indirect.gather [hbm4b:s5+s14], $0x20, s15, s14, $0xb8;
	[tilespmem:$0x1A200] =	vst v63  }
0x368: {  	s23 =	simm.s32 $0x738;
	s21 =	simm.s32 $0xDC40  }
0x369: {  	[tilespmem:s21], [sflag:$0x2] =	stream.indirect.gather [hbm4b:s5+s14], $0x20, s23, s14, $0xb8;
	[tilespmem:$0x1A200] =	vst v63  }
0x36a: {  	s22 =	simm.s32 $0x770;
	s23 =	simm.s32 $0xE280  }
0x36b: {  	[tilespmem:s23], [sflag:$0x2] =	stream.indirect.gather [hbm4b:s5+s14], $0x20, s22, s14, $0xb8;
	[tilespmem:$0x1A200] =	vst v63  }
0x36c: {  	s22 =	simm.s32 $0x7A8;
	s23 =	simm.s32 $0xE8C0  }
0x36d: {  	[tilespmem:s23], [sflag:$0x2] =	stream.indirect.gather [hbm4b:s5+s14], $0x20, s22, s14, $0xb8;
	[tilespmem:$0x1A200] =	vst v63  }
0x36e: {  	s22 =	simm.s32 $0x7E0;
	s23 =	simm.s32 $0xEF00  }
0x36f: {  	[tilespmem:s23], [sflag:$0x2] =	stream.indirect.gather [hbm4b:s5+s14], $0x20, s22, s14, $0xb8;
	[tilespmem:$0x1A200] =	vst v63  }
0x370: {  	s22 =	simm.s32 $0x818;
	s23 =	simm.s32 $0xF540  }
0x371: {  	[tilespmem:s23], [sflag:$0x2] =	stream.indirect.gather [hbm4b:s5+s14], $0x20, s22, s14, $0xb8;
	[tilespmem:$0x1A200] =	vst v63  }
0x372: {  	s22 =	simm.s32 $0x850;
	s23 =	simm.s32 $0xFB80  }
0x373: {  	[tilespmem:s23], [sflag:$0x2] =	stream.indirect.gather [hbm4b:s5+s14], $0x20, s22, s14, $0xb8;
	[tilespmem:$0x1A200] =	vst v63  }
0x374: {  	s22 =	simm.s32 $0x888;
	s23 =	simm.s32 $0x101C0  }
0x375: {  	[tilespmem:s23], [sflag:$0x2] =	stream.indirect.gather [hbm4b:s5+s14], $0x20, s22, s14, $0xb8;
	[tilespmem:$0x1A200] =	vst v63  }
0x376: {  	s22 =	simm.s32 $0x8C0;
	s23 =	simm.s32 $0x10800  }
0x377: {  	[tilespmem:s23], [sflag:$0x2] =	stream.indirect.gather [hbm4b:s5+s14], $0x20, s22, s14, $0xb8;
	[tilespmem:$0x1A200] =	vst v63  }
0x378: {  	s22 =	simm.s32 $0x8F8;
	s23 =	simm.s32 $0x10E40  }
0x379: {  	[tilespmem:s23], [sflag:$0x2] =	stream.indirect.gather [hbm4b:s5+s14], $0x20, s22, s14, $0xb8;
	[tilespmem:$0x1A200] =	vst v63  }
0x37a: {  	s22 =	simm.s32 $0x930;
	s23 =	simm.s32 $0x11480  }
0x37b: {  	[tilespmem:s23], [sflag:$0x2] =	stream.indirect.gather [hbm4b:s5+s14], $0x20, s22, s14, $0xb8;
	[tilespmem:$0x1A200] =	vst v63  }
0x37c: {  	s22 =	simm.s32 $0x968;
	s23 =	simm.s32 $0x11AC0  }
0x37d: {  	[tilespmem:s23], [sflag:$0x2] =	stream.indirect.gather [hbm4b:s5+s14], $0x20, s22, s14, $0xb8;
	[tilespmem:$0x1A200] =	vst v63  }
0x37e: {  	s22 =	simm.s32 $0x9A0;
	s23 =	simm.s32 $0x12100  }
0x37f: {  	[tilespmem:s23], [sflag:$0x2] =	stream.indirect.gather [hbm4b:s5+s14], $0x20, s22, s14, $0xb8;
	[tilespmem:$0x1A200] =	vst v63  }
0x380: {  	s22 =	simm.s32 $0x9D8;
	s23 =	simm.s32 $0x12740  }
0x381: {  	[tilespmem:s23], [sflag:$0x2] =	stream.indirect.gather [hbm4b:s5+s14], $0x20, s22, s14, $0xb8;
	[tilespmem:$0x1A200] =	vst v63  }
0x382: {  	s22 =	simm.s32 $0xA10;
	s23 =	simm.s32 $0x12D80  }
0x383: {  	[tilespmem:s23], [sflag:$0x2] =	stream.indirect.gather [hbm4b:s5+s14], $0x20, s22, s14, $0xb8;
	[tilespmem:$0x1A200] =	vst v63  }
0x384: {  	s22 =	simm.s32 $0xA48;
	s23 =	simm.s32 $0x133C0  }
0x385: {  	[tilespmem:s23], [sflag:$0x2] =	stream.indirect.gather [hbm4b:s5+s14], $0x20, s22, s14, $0xb8;
	[tilespmem:$0x1A200] =	vst v63  }
0x386: {  	s22 =	simm.s32 $0xA80;
	s23 =	simm.s32 $0x13A00  }
0x387: {  	[tilespmem:s23], [sflag:$0x2] =	stream.indirect.gather [hbm4b:s5+s14], $0x20, s22, s14, $0xb8;
	[tilespmem:$0x1A200] =	vst v63  }
0x388: {  	s22 =	simm.s32 $0xAB8;
	s23 =	simm.s32 $0x14040  }
0x389: {  	[tilespmem:s23], [sflag:$0x2] =	stream.indirect.gather [hbm4b:s5+s14], $0x20, s22, s14, $0xb8;
	[tilespmem:$0x1A200] =	vst v63  }
0x38a: {  	s22 =	simm.s32 $0xAF0;
	s23 =	simm.s32 $0x14680  }
0x38b: {  	[tilespmem:s23], [sflag:$0x2] =	stream.indirect.gather [hbm4b:s5+s14], $0x20, s22, s14, $0xb8;
	[tilespmem:$0x1A200] =	vst v63  }
0x38c: {  	s22 =	simm.s32 $0xB28;
	s23 =	simm.s32 $0x14CC0  }
0x38d: {  	[tilespmem:s23], [sflag:$0x2] =	stream.indirect.gather [hbm4b:s5+s14], $0x20, s22, s14, $0xb8;
	[tilespmem:$0x1A200] =	vst v63  }
0x38e: {  	s22 =	simm.s32 $0xB60;
	s23 =	simm.s32 $0x15300  }
0x38f: {  	[tilespmem:s23], [sflag:$0x2] =	stream.indirect.gather [hbm4b:s5+s14], $0x20, s22, s14, $0xb8;
	[tilespmem:$0x1A200] =	vst v63  }
0x390: {  	s22 =	simm.s32 $0xB98;
	s23 =	simm.s32 $0x15940  }
0x391: {  	[tilespmem:s23], [sflag:$0x2] =	stream.indirect.gather [hbm4b:s5+s14], $0x20, s22, s14, $0xb8;
	[tilespmem:$0x1A200] =	vst v63  }
0x392: {  	s22 =	simm.s32 $0xBD0;
	s23 =	simm.s32 $0x15F80  }
0x393: {  	[tilespmem:s23], [sflag:$0x2] =	stream.indirect.gather [hbm4b:s5+s14], $0x20, s22, s14, $0xb8;
	[tilespmem:$0x1A200] =	vst v63  }
0x394: {  	s22 =	simm.s32 $0xC08;
	s23 =	simm.s32 $0x165C0  }
0x395: {  	[tilespmem:s23], [sflag:$0x2] =	stream.indirect.gather [hbm4b:s5+s14], $0x20, s22, s14, $0xb8;
	[tilespmem:$0x1A200] =	vst v63  }
0x396: {  	s21 =	simm.s32 $0xC40;
	s22 =	simm.s32 $0x16C00  }
0x397: {  	[tilespmem:s22], [sflag:$0x2] =	stream.indirect.gather [hbm4b:s5+s14], $0x20, s21, s14, $0xb8;
	[tilespmem:$0x1A200] =	vst v63  }
0x398: {  	s23 =	simm.s32 $0xC78  }
0x399: {  	[tilespmem:s24], [sflag:$0x2] =	stream.indirect.gather [hbm4b:s5+s14], $0x20, s23, s14, $0xb8;
	[tilespmem:$0x1A200] =	vst v63  }
0x39a: {  	_ = 	snop  }
0x39b: {  	[tilespmem:s26], [sflag:$0x2] =	stream.indirect.gather [hbm4b:s5+s14], $0x20, s25, s14, $0xb8;
	[tilespmem:$0x1A200] =	vst v63  }
0x39c: {  	_ = 	snop  }
0x39d: {  	[tilespmem:s29], [sflag:$0x2] =	stream.indirect.gather [hbm4b:s5+s14], $0x20, s28, s14, $0xb8;
	[tilespmem:$0x1A200] =	vst v63  }
0x39e: {  	_ = 	snop  }
0x39f: {  	[tilespmem:s31], [sflag:$0x2] =	stream.indirect.gather [hbm4b:s5+s14], $0x20, s30, s14, $0xb8;
	[tilespmem:$0x1A200] =	vst v63  }
0x3a0: {  	_ = 	snop  }
0x3a1: {  	[tilespmem:s1], [sflag:$0x2] =	stream.indirect.gather [hbm4b:s5+s14], $0x20, s0, s14, $0xb8;
	[tilespmem:$0x1A200] =	vst v63  }
.Ltmp6:
0x3a2: {  	_ = 	snop;
	(pc) =	sbr.rel .LBB2_2-.Ltmp6, $4  }
0x3a3: {  	_ = 	snop  }
0x3a4: {  	[tilespmem:s12], [sflag:$0x2] =	stream.indirect.gather [hbm4b:s5+s14], $0x20, s8, s14, $0xb8;
	[tilespmem:$0x1A200] =	vst v63  }
0x3a5: {  	s19 =	sadd.s32 $0x1, s19  }
0x3a6: {  	[tilespmem:s10], [sflag:$0x2] =	stream.indirect.gather [hbm4b:s5+s14], $0x20, s7, s14, $0xb8;
	[tilespmem:$0x1A200] =	vst v63  }
.LBB2_11:
0x3a7: {  	_ =	sfence.sel $0x180000  }
0x3a8: {  	[bflag:$0x0] =	sbarrier.arrive $0xFFFF  }
0x3a9: {  	_ =	strace $0x90000047  }
0x3aa: {  	s0 =	stileid.u32;
	[bflag:$0x2] =	sbarrier.arrive $0xFFFF  }
0x3ab: {  	p0 =	sne.s32 s0, $0x0;
	s0 =	rddreg [dreg:$0x2]  }
0x3ac: {  	s0 =	sadd.s32 @!p0 $0x100000, s0  }
0x3ad: {  	[sflag:s0] =	ssyncadd.tile.s32 @!p0 $0x1;
	_ =	shalt  }
.Lfunc_end2:
_tile_overlayer_lowered:
.L_overlay_start_2:
0x3ae: {  	(tag) =	ssettag $0x2  }
0x3af: {  	s0 =	rddreg [dreg:$0x0];
	s2 =	stileid.u32  }
0x3b0: {  	s1 =	rddreg [dreg:$0x1];
	p0 =	sne.s32 s2, $0x0  }
0x3b1: {  	s3 =	rddreg [dreg:$0x2];
	[bflag:$0x3] =	sbarrier.arrive $0xFFFF;
	s2 =	simm.s32 @!p0 $0x1C03  }
0x3b2: {  	[timem:s3], [sflag:s2] =	dma.local @!p0 [hbm:s0], s1  }
0x3b3: {  	s0 =	simm.s32 @!p0 $0x3  }
0x3b4: {  	_ =	swait.ge @!p0 [sflag:s0], s1  }
0x3b5: {  	s1 =	ssub.s32 @!p0 $0x0, s1;
	[sflag:s0] =	ssyncset.done @!p0 $0x0  }
0x3b6: {  	[sflag:s0] =	ssyncadd.s32 @!p0 s1  }
0x3b7: {  	[bflag:$0x3] =	sbarrier.arrive $0xFFFF  }
0x3b8: {  	_ =	shalt  }

</sc_bundles>
